<compile_context>
chip_gen: v7x
topology: tpu7x:2x2x1
jax: 0.10.2.dev20260603
libtpu: 0.0.44.dev20260713+nightly
codegen_flags: <defaults>
</compile_context>

<pallas_src>
import jax
import jax.numpy as jnp
from jax import lax
from jax.experimental import pallas as pl
from jax.experimental.pallas import tpu as pltpu
from jax.experimental.pallas import tpu_sc as plsc

N = 10000
E = 320000
D = 128
NC = 2
NS = 16
CH = 128
PCH = 32
IB = 8
NBLK = 10
CHUNKS = IB * NBLK
E_PAD = CHUNKS * NC * NS * CH
N_PAD = 10240
ZR = N_PAD // NS
DR = N_PAD // D
TBLK = 1024


def _sc_body(emb_hbm, src_hbm, dst_hbm, acc_out, prm_out,
             acc, deg, hist, sidx, didx, gbuf, pstage, dbuf, iota,
             gsem, gsem2, isem):
    c = lax.axis_index("c")
    s = lax.axis_index("s")
    r0 = s * ZR

    zf = jnp.zeros((16,), jnp.float32)

    def zrow(r, carry):
        for k in range(D // 16):
            gbuf[r, pl.ds(k * 16, 16)] = zf
        return carry

    lax.fori_loop(0, CH, zrow, 0)

    def zh(i, carry):
        for k in range(D // 16):
            hist[i, pl.ds(k * 16, 16)] = zf
        return carry

    lax.fori_loop(0, DR, zh, 0)

    for b in range(ZR // CH):
        pltpu.sync_copy(gbuf, acc.at[pl.ds(r0 + b * CH, CH), :])

    @pl.when(s == 0)
    def _():
        pltpu.sync_copy(gbuf.at[pl.ds(0, DR), :], deg)

    it16 = lax.iota(jnp.int32, 16)
    for k in range(DR // 16):
        iota[0, pl.ds(k * 16, 16)] = it16 + 16 * k

    plsc.subcore_barrier()

    ones16 = jnp.ones((16,), jnp.float32)

    def hgroup(idxvec):
        plsc.addupdate_scatter(
            hist,
            [lax.shift_right_logical(idxvec, 7),
             lax.bitwise_and(idxvec, D - 1)],
            ones16)

    pltpu.sync_copy(src_hbm.at[c, s, pl.ds(0, IB), :], sidx.at[0])
    pltpu.sync_copy(dst_hbm.at[c, s, pl.ds(0, IB), :], didx.at[0])

    def blk(b, carry):
        cur = b & 1
        nxt = 1 - cur
        bn = jnp.minimum(b + 1, NBLK - 1)
        ld0 = pltpu.async_copy(src_hbm.at[c, s, pl.ds(bn * IB, IB), :],
                               sidx.at[nxt], isem[0])
        ld1 = pltpu.async_copy(dst_hbm.at[c, s, pl.ds(bn * IB, IB), :],
                               didx.at[nxt], isem[1])
        for j in range(IB):
            g0 = pltpu.async_copy(emb_hbm.at[sidx.at[cur, j, pl.ds(0, 64)]],
                                  gbuf.at[pl.ds(0, 64)], gsem)
            g1 = pltpu.async_copy(emb_hbm.at[sidx.at[cur, j, pl.ds(64, 64)]],
                                  gbuf.at[pl.ds(64, 64)], gsem2)
            for k in range(CH // 16):
                hgroup(didx[cur, j, pl.ds(k * 16, 16)])
            g0.wait()
            g1.wait()
            pltpu.sync_copy(gbuf, acc.at[didx.at[cur, j]], add=True)
        ld0.wait()
        ld1.wait()
        return carry

    lax.fori_loop(0, NBLK, blk, 0)

    pltpu.sync_copy(hist, deg.at[iota.at[0]], add=True)

    plsc.subcore_barrier()

    for b in range(ZR // CH):
        pltpu.sync_copy(acc.at[pl.ds(r0 + b * CH, CH), :], gbuf)
        pltpu.sync_copy(gbuf, acc_out.at[c, pl.ds(r0 + b * CH, CH), :])

    pltpu.sync_copy(deg.at[pl.ds(s * (ZR // D), ZR // D), :], dbuf)

    for bb in range(ZR // PCH):
        def prow(j, carry, bb=bb):
            row = bb * PCH + j
            dl = plsc.load_gather(
                dbuf, [jnp.full((16,), row // D, jnp.int32),
                       jnp.full((16,), row % D, jnp.int32)])
            for k in range(D // 16):
                pstage[j, pl.ds(k * 16, 16)] = dl
            return carry

        lax.fori_loop(0, PCH, prow, 0)
        pltpu.sync_copy(pstage, prm_out.at[c, pl.ds(r0 + bb * PCH, PCH), :])


_sc_call = pl.kernel(
    _sc_body,
    out_type=(
        jax.ShapeDtypeStruct((NC, N_PAD, D), jnp.float32),
        jax.ShapeDtypeStruct((NC, N_PAD, D), jnp.float32),
    ),
    mesh=plsc.VectorSubcoreMesh(core_axis_name="c", subcore_axis_name="s"),
    compiler_params=pltpu.CompilerParams(needs_layout_passes=False),
    scratch_types=[
        pltpu.VMEM_SHARED((N_PAD, D), jnp.float32),
        pltpu.VMEM_SHARED((DR, D), jnp.float32),
        pltpu.VMEM((DR, D), jnp.float32),
        pltpu.VMEM((2, IB, CH), jnp.int32),
        pltpu.VMEM((2, IB, CH), jnp.int32),
        pltpu.VMEM((CH, D), jnp.float32),
        pltpu.VMEM((PCH, D), jnp.float32),
        pltpu.VMEM((ZR // D, D), jnp.float32),
        pltpu.VMEM((1, DR), jnp.int32),
        pltpu.SemaphoreType.DMA,
        pltpu.SemaphoreType.DMA,
        (pltpu.SemaphoreType.DMA, pltpu.SemaphoreType.DMA),
    ],
)


def _tc_body(acc_ref, prm_ref, w_ref, out_ref):
    out_ref[:, :D] = acc_ref[0] + acc_ref[1]
    out_ref[:, D:] = (prm_ref[0] + prm_ref[1]) * w_ref[...]


_tc_call = pl.pallas_call(
    _tc_body,
    grid=(N_PAD // TBLK,),
    in_specs=[
        pl.BlockSpec((NC, TBLK, D), lambda i: (0, i, 0)),
        pl.BlockSpec((NC, TBLK, D), lambda i: (0, i, 0)),
        pl.BlockSpec((1, D), lambda i: (0, 0)),
    ],
    out_specs=pl.BlockSpec((TBLK, 2 * D), lambda i: (i, 0)),
    out_shape=jax.ShapeDtypeStruct((N_PAD, 2 * D), jnp.float32),
)


@jax.jit
def kernel(graph_embedding, edge_index, weight):
    src = edge_index[0].astype(jnp.int32)
    dst = edge_index[1].astype(jnp.int32)
    pad = E_PAD - E
    src = jnp.concatenate([src, jnp.zeros((pad,), jnp.int32)])
    dst = jnp.concatenate([dst, jnp.full((pad,), N, jnp.int32)])
    srcg = src.reshape(NC, NS, CHUNKS, CH)
    dstg = dst.reshape(NC, NS, CHUNKS, CH)
    acc_parts, prm_parts = _sc_call(graph_embedding, srcg, dstg)
    return _tc_call(acc_parts, prm_parts, weight)[:N]

# --- scband reference (transcript-rebuilt; emitter-appended) ---
"""Pipeline reference for scband-node-prompt-layer-feature-cat-21534966022314 (READ-ONLY COPY).

The authoritative reference and input builder live on the scoring server;
editing this copy changes nothing except your own understanding.
"""

import jax, jax.numpy as jnp
import numpy as np

N_NODES = 10000
N_EDGES = 320000
D_FEAT = 128
PROMPT_DIM = 128


def setup_inputs(seed: int = 0) -> dict:
    key = jax.random.key(seed)
    k1, k2, k3 = jax.random.split(key, 3)
    graph_embedding = jax.random.normal(k1, (N_NODES, D_FEAT), dtype=jnp.float32)
    edge_index = jax.random.randint(k2, (2, N_EDGES), 0, N_NODES, dtype=jnp.int64)
    # xavier_uniform for weight of shape (1, prompt_dim): gain=1, fan_in=prompt_dim, fan_out=1
    a = float(np.sqrt(6.0 / (1 + PROMPT_DIM)))
    weight = jax.random.uniform(k3, (1, PROMPT_DIM), minval=-a, maxval=a, dtype=jnp.float32)
    return {"graph_embedding": graph_embedding, "edge_index": edge_index, "weight": weight}


def reference(graph_embedding, edge_index, weight):
    # concat prompt weight (broadcast over nodes) onto node features
    n = graph_embedding.shape[0]
    prompt = jnp.broadcast_to(weight, (n, weight.shape[1]))
    emb = jnp.concatenate([graph_embedding, prompt], axis=1)
    # update_all(copy_u, sum): gather from src nodes, scatter-add into dst nodes
    src = edge_index[0]
    dst = edge_index[1]
    msgs = jnp.take(emb, src, axis=0)
    res = jax.ops.segment_sum(msgs, dst, num_segments=n)
    return res

if __name__ == "__main__":
    import jax
    _d = setup_inputs()
    print(jax.jit(kernel)(*tuple(_d.values())))

</pallas_src>

<mosaic_0001>
#map = affine_map<(d0, d1) -> (0, 0)>
#map1 = affine_map<(d0, d1) -> (0, 0, 0, 0)>
#map2 = affine_map<(d0, d1) -> (0, 0, 0)>
module attributes {stable_mosaic.version = 14 : i64} {
  func.func @_sc_body(%arg0: i32, %arg1: i32, %arg2: memref<10000x128xf32, #tpu.memory_space<hbm>>, %arg3: memref<2x16x80x128xi32, #tpu.memory_space<hbm>>, %arg4: memref<2x16x80x128xi32, #tpu.memory_space<hbm>>, %arg5: memref<2x10240x128xf32, #tpu.memory_space<hbm>>, %arg6: memref<2x10240x128xf32, #tpu.memory_space<hbm>>, %arg7: memref<10240x128xf32, #tpu.memory_space<vmem_shared>>, %arg8: memref<80x128xf32, #tpu.memory_space<vmem_shared>>, %arg9: memref<80x128xf32, #tpu.memory_space<vmem>>, %arg10: memref<2x8x128xi32, #tpu.memory_space<vmem>>, %arg11: memref<2x8x128xi32, #tpu.memory_space<vmem>>, %arg12: memref<128x128xf32, #tpu.memory_space<vmem>>, %arg13: memref<32x128xf32, #tpu.memory_space<vmem>>, %arg14: memref<5x128xf32, #tpu.memory_space<vmem>>, %arg15: memref<1x80xi32, #tpu.memory_space<vmem>>, %arg16: memref<!tpu.dma_semaphore, #tpu.memory_space<semaphore_mem>>, %arg17: memref<!tpu.dma_semaphore, #tpu.memory_space<semaphore_mem>>, %arg18: memref<!tpu.dma_semaphore, #tpu.memory_space<semaphore_mem>>, %arg19: memref<!tpu.dma_semaphore, #tpu.memory_space<semaphore_mem>>) attributes {dimension_semantics = [#tpu.dimension_semantics<core_parallel>, #tpu.dimension_semantics<subcore_parallel>], iteration_bounds = array<i64: 2, 16>, scalar_prefetch = 0 : i64, scratch_operands = 13 : i64, tpu.core_type = #tpu.core_type<sc_vector_subcore>, window_params = [{transform_indices = #map}, {transform_indices = #map1}, {transform_indices = #map1}, {transform_indices = #map2}, {transform_indices = #map2}]} {
    %mul3A = arith.constant 640 : i32
    %mul3A_0 = arith.muli %arg1, %mul3A : i32
    %broadcast_in_dim3A = arith.constant 0.000000e+00 : f32
    %broadcast_in_dim3A_1 = vector.broadcast %broadcast_in_dim3A : f32 to vector<16xf32>
    %scan3A = arith.constant 0 : i32
    %scan3A_2 = arith.constant 0 : i32
    %scan3A_3 = arith.constant 128 : i32
    %scan3A_4 = arith.addi %scan3A_2, %scan3A_3 : i32
    %scan3A_5 = arith.constant 1 : i32
    scf.for %scan3A_251 = %scan3A_2 to %scan3A_4 step %scan3A_5  : i32 {
      %swap3A_252 = arith.index_cast %scan3A_251 : i32 to index
      %swap3A_253 = arith.constant 0 : index
      %swap3A_254 = tpu.vector_load %arg12[%swap3A_252, %swap3A_253] {strides = array<i32>} : memref<128x128xf32, #tpu.memory_space<vmem>>, vector<16xf32>,
      tpu.vector_store %arg12[%swap3A_252, %swap3A_253], %broadcast_in_dim3A_1 {strides = array<i32>} : memref<128x128xf32, #tpu.memory_space<vmem>>, vector<16xf32>,
      %swap3A_255 = arith.index_cast %scan3A_251 : i32 to index
      %swap3A_256 = arith.constant 16 : index
      %swap3A_257 = tpu.vector_load %arg12[%swap3A_255, %swap3A_256] {strides = array<i32>} : memref<128x128xf32, #tpu.memory_space<vmem>>, vector<16xf32>,
      tpu.vector_store %arg12[%swap3A_255, %swap3A_256], %broadcast_in_dim3A_1 {strides = array<i32>} : memref<128x128xf32, #tpu.memory_space<vmem>>, vector<16xf32>,
      %swap3A_258 = arith.index_cast %scan3A_251 : i32 to index
      %swap3A_259 = arith.constant 32 : index
      %swap3A_260 = tpu.vector_load %arg12[%swap3A_258, %swap3A_259] {strides = array<i32>} : memref<128x128xf32, #tpu.memory_space<vmem>>, vector<16xf32>,
      tpu.vector_store %arg12[%swap3A_258, %swap3A_259], %broadcast_in_dim3A_1 {strides = array<i32>} : memref<128x128xf32, #tpu.memory_space<vmem>>, vector<16xf32>,
      %swap3A_261 = arith.index_cast %scan3A_251 : i32 to index
      %swap3A_262 = arith.constant 48 : index
      %swap3A_263 = tpu.vector_load %arg12[%swap3A_261, %swap3A_262] {strides = array<i32>} : memref<128x128xf32, #tpu.memory_space<vmem>>, vector<16xf32>,
      tpu.vector_store %arg12[%swap3A_261, %swap3A_262], %broadcast_in_dim3A_1 {strides = array<i32>} : memref<128x128xf32, #tpu.memory_space<vmem>>, vector<16xf32>,
      %swap3A_264 = arith.index_cast %scan3A_251 : i32 to index
      %swap3A_265 = arith.constant 64 : index
      %swap3A_266 = tpu.vector_load %arg12[%swap3A_264, %swap3A_265] {strides = array<i32>} : memref<128x128xf32, #tpu.memory_space<vmem>>, vector<16xf32>,
      tpu.vector_store %arg12[%swap3A_264, %swap3A_265], %broadcast_in_dim3A_1 {strides = array<i32>} : memref<128x128xf32, #tpu.memory_space<vmem>>, vector<16xf32>,
      %swap3A_267 = arith.index_cast %scan3A_251 : i32 to index
      %swap3A_268 = arith.constant 80 : index
      %swap3A_269 = tpu.vector_load %arg12[%swap3A_267, %swap3A_268] {strides = array<i32>} : memref<128x128xf32, #tpu.memory_space<vmem>>, vector<16xf32>,
      tpu.vector_store %arg12[%swap3A_267, %swap3A_268], %broadcast_in_dim3A_1 {strides = array<i32>} : memref<128x128xf32, #tpu.memory_space<vmem>>, vector<16xf32>,
      %swap3A_270 = arith.index_cast %scan3A_251 : i32 to index
      %swap3A_271 = arith.constant 96 : index
      %swap3A_272 = tpu.vector_load %arg12[%swap3A_270, %swap3A_271] {strides = array<i32>} : memref<128x128xf32, #tpu.memory_space<vmem>>, vector<16xf32>,
      tpu.vector_store %arg12[%swap3A_270, %swap3A_271], %broadcast_in_dim3A_1 {strides = array<i32>} : memref<128x128xf32, #tpu.memory_space<vmem>>, vector<16xf32>,
      %swap3A_273 = arith.index_cast %scan3A_251 : i32 to index
      %swap3A_274 = arith.constant 112 : index
      %swap3A_275 = tpu.vector_load %arg12[%swap3A_273, %swap3A_274] {strides = array<i32>} : memref<128x128xf32, #tpu.memory_space<vmem>>, vector<16xf32>,
      tpu.vector_store %arg12[%swap3A_273, %swap3A_274], %broadcast_in_dim3A_1 {strides = array<i32>} : memref<128x128xf32, #tpu.memory_space<vmem>>, vector<16xf32>,
    }
    %scan3A_6 = arith.constant 128 : i32
    %scan3A_7 = arith.constant 0 : i32
    %scan3A_8 = arith.constant 0 : i32
    %scan3A_9 = arith.constant 80 : i32
    %scan3A_10 = arith.addi %scan3A_8, %scan3A_9 : i32
    %scan3A_11 = arith.constant 1 : i32
    scf.for %scan3A_251 = %scan3A_8 to %scan3A_10 step %scan3A_11  : i32 {
      %swap3A_252 = arith.index_cast %scan3A_251 : i32 to index
      %swap3A_253 = arith.constant 0 : index
      %swap3A_254 = tpu.vector_load %arg9[%swap3A_252, %swap3A_253] {strides = array<i32>} : memref<80x128xf32, #tpu.memory_space<vmem>>, vector<16xf32>,
      tpu.vector_store %arg9[%swap3A_252, %swap3A_253], %broadcast_in_dim3A_1 {strides = array<i32>} : memref<80x128xf32, #tpu.memory_space<vmem>>, vector<16xf32>,
      %swap3A_255 = arith.index_cast %scan3A_251 : i32 to index
      %swap3A_256 = arith.constant 16 : index
      %swap3A_257 = tpu.vector_load %arg9[%swap3A_255, %swap3A_256] {strides = array<i32>} : memref<80x128xf32, #tpu.memory_space<vmem>>, vector<16xf32>,
      tpu.vector_store %arg9[%swap3A_255, %swap3A_256], %broadcast_in_dim3A_1 {strides = array<i32>} : memref<80x128xf32, #tpu.memory_space<vmem>>, vector<16xf32>,
      %swap3A_258 = arith.index_cast %scan3A_251 : i32 to index
      %swap3A_259 = arith.constant 32 : index
      %swap3A_260 = tpu.vector_load %arg9[%swap3A_258, %swap3A_259] {strides = array<i32>} : memref<80x128xf32, #tpu.memory_space<vmem>>, vector<16xf32>,
      tpu.vector_store %arg9[%swap3A_258, %swap3A_259], %broadcast_in_dim3A_1 {strides = array<i32>} : memref<80x128xf32, #tpu.memory_space<vmem>>, vector<16xf32>,
      %swap3A_261 = arith.index_cast %scan3A_251 : i32 to index
      %swap3A_262 = arith.constant 48 : index
      %swap3A_263 = tpu.vector_load %arg9[%swap3A_261, %swap3A_262] {strides = array<i32>} : memref<80x128xf32, #tpu.memory_space<vmem>>, vector<16xf32>,
      tpu.vector_store %arg9[%swap3A_261, %swap3A_262], %broadcast_in_dim3A_1 {strides = array<i32>} : memref<80x128xf32, #tpu.memory_space<vmem>>, vector<16xf32>,
      %swap3A_264 = arith.index_cast %scan3A_251 : i32 to index
      %swap3A_265 = arith.constant 64 : index
      %swap3A_266 = tpu.vector_load %arg9[%swap3A_264, %swap3A_265] {strides = array<i32>} : memref<80x128xf32, #tpu.memory_space<vmem>>, vector<16xf32>,
      tpu.vector_store %arg9[%swap3A_264, %swap3A_265], %broadcast_in_dim3A_1 {strides = array<i32>} : memref<80x128xf32, #tpu.memory_space<vmem>>, vector<16xf32>,
      %swap3A_267 = arith.index_cast %scan3A_251 : i32 to index
      %swap3A_268 = arith.constant 80 : index
      %swap3A_269 = tpu.vector_load %arg9[%swap3A_267, %swap3A_268] {strides = array<i32>} : memref<80x128xf32, #tpu.memory_space<vmem>>, vector<16xf32>,
      tpu.vector_store %arg9[%swap3A_267, %swap3A_268], %broadcast_in_dim3A_1 {strides = array<i32>} : memref<80x128xf32, #tpu.memory_space<vmem>>, vector<16xf32>,
      %swap3A_270 = arith.index_cast %scan3A_251 : i32 to index
      %swap3A_271 = arith.constant 96 : index
      %swap3A_272 = tpu.vector_load %arg9[%swap3A_270, %swap3A_271] {strides = array<i32>} : memref<80x128xf32, #tpu.memory_space<vmem>>, vector<16xf32>,
      tpu.vector_store %arg9[%swap3A_270, %swap3A_271], %broadcast_in_dim3A_1 {strides = array<i32>} : memref<80x128xf32, #tpu.memory_space<vmem>>, vector<16xf32>,
      %swap3A_273 = arith.index_cast %scan3A_251 : i32 to index
      %swap3A_274 = arith.constant 112 : index
      %swap3A_275 = tpu.vector_load %arg9[%swap3A_273, %swap3A_274] {strides = array<i32>} : memref<80x128xf32, #tpu.memory_space<vmem>>, vector<16xf32>,
      tpu.vector_store %arg9[%swap3A_273, %swap3A_274], %broadcast_in_dim3A_1 {strides = array<i32>} : memref<80x128xf32, #tpu.memory_space<vmem>>, vector<16xf32>,
    }
    %scan3A_12 = arith.constant 80 : i32
    %add3A = arith.constant 0 : i32
    %add3A_13 = arith.addi %mul3A_0, %add3A : i32
    "tpu.region"() ({
      %run_scoped3A_251 = tpu.sem_alloc : memref<!tpu.dma_semaphore, #tpu.memory_space<semaphore_mem>>
      %dma_start3A = arith.constant 0 : i32
      %dma_start3A_252 = tpu.memref_slice %arg7[%add3A_13, %dma_start3A] : memref<10240x128xf32, #tpu.memory_space<vmem_shared>> -> memref<128x128xf32, #tpu.memory_space<vmem_shared>>
      %dma_start3A_253 = arith.constant 0 : i32
      %dma_start3A_254 = tpu.memref_slice %arg7[%add3A_13, %dma_start3A_253] : memref<10240x128xf32, #tpu.memory_space<vmem_shared>> -> memref<128x128xf32, #tpu.memory_space<vmem_shared>>
      tpu.enqueue_dma source(%arg12 : memref<128x128xf32, #tpu.memory_space<vmem>>) target(%dma_start3A_254 : memref<128x128xf32, #tpu.memory_space<vmem_shared>>) target_semaphore(%run_scoped3A_251 : memref<!tpu.dma_semaphore, #tpu.memory_space<semaphore_mem>>)
      %dma_wait3A = arith.constant 0 : i32
      %dma_wait3A_255 = tpu.memref_slice %arg7[%add3A_13, %dma_wait3A] : memref<10240x128xf32, #tpu.memory_space<vmem_shared>> -> memref<128x128xf32, #tpu.memory_space<vmem_shared>>
      %dma_wait3A_256 = arith.constant 0 : i32
      %dma_wait3A_257 = tpu.memref_slice %arg7[%add3A_13, %dma_wait3A_256] : memref<10240x128xf32, #tpu.memory_space<vmem_shared>> -> memref<128x128xf32, #tpu.memory_space<vmem_shared>>
      tpu.wait_dma2 semaphore(%run_scoped3A_251 : memref<!tpu.dma_semaphore, #tpu.memory_space<semaphore_mem>>) src(%arg12 : memref<128x128xf32, #tpu.memory_space<vmem>>) dst(%dma_wait3A_257 : memref<128x128xf32, #tpu.memory_space<vmem_shared>>)
      tpu.yield
    }) : () -> ()
    %add3A_14 = arith.constant 128 : i32
    %add3A_15 = arith.addi %mul3A_0, %add3A_14 : i32
    "tpu.region"() ({
      %run_scoped3A_251 = tpu.sem_alloc : memref<!tpu.dma_semaphore, #tpu.memory_space<semaphore_mem>>
      %dma_start3A = arith.constant 0 : i32
      %dma_start3A_252 = tpu.memref_slice %arg7[%add3A_15, %dma_start3A] : memref<10240x128xf32, #tpu.memory_space<vmem_shared>> -> memref<128x128xf32, #tpu.memory_space<vmem_shared>>
      %dma_start3A_253 = arith.constant 0 : i32
      %dma_start3A_254 = tpu.memref_slice %arg7[%add3A_15, %dma_start3A_253] : memref<10240x128xf32, #tpu.memory_space<vmem_shared>> -> memref<128x128xf32, #tpu.memory_space<vmem_shared>>
      tpu.enqueue_dma source(%arg12 : memref<128x128xf32, #tpu.memory_space<vmem>>) target(%dma_start3A_254 : memref<128x128xf32, #tpu.memory_space<vmem_shared>>) target_semaphore(%run_scoped3A_251 : memref<!tpu.dma_semaphore, #tpu.memory_space<semaphore_mem>>)
      %dma_wait3A = arith.constant 0 : i32
      %dma_wait3A_255 = tpu.memref_slice %arg7[%add3A_15, %dma_wait3A] : memref<10240x128xf32, #tpu.memory_space<vmem_shared>> -> memref<128x128xf32, #tpu.memory_space<vmem_shared>>
      %dma_wait3A_256 = arith.constant 0 : i32
      %dma_wait3A_257 = tpu.memref_slice %arg7[%add3A_15, %dma_wait3A_256] : memref<10240x128xf32, #tpu.memory_space<vmem_shared>> -> memref<128x128xf32, #tpu.memory_space<vmem_shared>>
      tpu.wait_dma2 semaphore(%run_scoped3A_251 : memref<!tpu.dma_semaphore, #tpu.memory_space<semaphore_mem>>) src(%arg12 : memref<128x128xf32, #tpu.memory_space<vmem>>) dst(%dma_wait3A_257 : memref<128x128xf32, #tpu.memory_space<vmem_shared>>)
      tpu.yield
    }) : () -> ()
    %add3A_16 = arith.constant 256 : i32
    %add3A_17 = arith.addi %mul3A_0, %add3A_16 : i32
    "tpu.region"() ({
      %run_scoped3A_251 = tpu.sem_alloc : memref<!tpu.dma_semaphore, #tpu.memory_space<semaphore_mem>>
      %dma_start3A = arith.constant 0 : i32
      %dma_start3A_252 = tpu.memref_slice %arg7[%add3A_17, %dma_start3A] : memref<10240x128xf32, #tpu.memory_space<vmem_shared>> -> memref<128x128xf32, #tpu.memory_space<vmem_shared>>
      %dma_start3A_253 = arith.constant 0 : i32
      %dma_start3A_254 = tpu.memref_slice %arg7[%add3A_17, %dma_start3A_253] : memref<10240x128xf32, #tpu.memory_space<vmem_shared>> -> memref<128x128xf32, #tpu.memory_space<vmem_shared>>
      tpu.enqueue_dma source(%arg12 : memref<128x128xf32, #tpu.memory_space<vmem>>) target(%dma_start3A_254 : memref<128x128xf32, #tpu.memory_space<vmem_shared>>) target_semaphore(%run_scoped3A_251 : memref<!tpu.dma_semaphore, #tpu.memory_space<semaphore_mem>>)
      %dma_wait3A = arith.constant 0 : i32
      %dma_wait3A_255 = tpu.memref_slice %arg7[%add3A_17, %dma_wait3A] : memref<10240x128xf32, #tpu.memory_space<vmem_shared>> -> memref<128x128xf32, #tpu.memory_space<vmem_shared>>
      %dma_wait3A_256 = arith.constant 0 : i32
      %dma_wait3A_257 = tpu.memref_slice %arg7[%add3A_17, %dma_wait3A_256] : memref<10240x128xf32, #tpu.memory_space<vmem_shared>> -> memref<128x128xf32, #tpu.memory_space<vmem_shared>>
      tpu.wait_dma2 semaphore(%run_scoped3A_251 : memref<!tpu.dma_semaphore, #tpu.memory_space<semaphore_mem>>) src(%arg12 : memref<128x128xf32, #tpu.memory_space<vmem>>) dst(%dma_wait3A_257 : memref<128x128xf32, #tpu.memory_space<vmem_shared>>)
      tpu.yield
    }) : () -> ()
    %add3A_18 = arith.constant 384 : i32
    %add3A_19 = arith.addi %mul3A_0, %add3A_18 : i32
    "tpu.region"() ({
      %run_scoped3A_251 = tpu.sem_alloc : memref<!tpu.dma_semaphore, #tpu.memory_space<semaphore_mem>>
      %dma_start3A = arith.constant 0 : i32
      %dma_start3A_252 = tpu.memref_slice %arg7[%add3A_19, %dma_start3A] : memref<10240x128xf32, #tpu.memory_space<vmem_shared>> -> memref<128x128xf32, #tpu.memory_space<vmem_shared>>
      %dma_start3A_253 = arith.constant 0 : i32
      %dma_start3A_254 = tpu.memref_slice %arg7[%add3A_19, %dma_start3A_253] : memref<10240x128xf32, #tpu.memory_space<vmem_shared>> -> memref<128x128xf32, #tpu.memory_space<vmem_shared>>
      tpu.enqueue_dma source(%arg12 : memref<128x128xf32, #tpu.memory_space<vmem>>) target(%dma_start3A_254 : memref<128x128xf32, #tpu.memory_space<vmem_shared>>) target_semaphore(%run_scoped3A_251 : memref<!tpu.dma_semaphore, #tpu.memory_space<semaphore_mem>>)
      %dma_wait3A = arith.constant 0 : i32
      %dma_wait3A_255 = tpu.memref_slice %arg7[%add3A_19, %dma_wait3A] : memref<10240x128xf32, #tpu.memory_space<vmem_shared>> -> memref<128x128xf32, #tpu.memory_space<vmem_shared>>
      %dma_wait3A_256 = arith.constant 0 : i32
      %dma_wait3A_257 = tpu.memref_slice %arg7[%add3A_19, %dma_wait3A_256] : memref<10240x128xf32, #tpu.memory_space<vmem_shared>> -> memref<128x128xf32, #tpu.memory_space<vmem_shared>>
      tpu.wait_dma2 semaphore(%run_scoped3A_251 : memref<!tpu.dma_semaphore, #tpu.memory_space<semaphore_mem>>) src(%arg12 : memref<128x128xf32, #tpu.memory_space<vmem>>) dst(%dma_wait3A_257 : memref<128x128xf32, #tpu.memory_space<vmem_shared>>)
      tpu.yield
    }) : () -> ()
    %add3A_20 = arith.constant 512 : i32
    %add3A_21 = arith.addi %mul3A_0, %add3A_20 : i32
    "tpu.region"() ({
      %run_scoped3A_251 = tpu.sem_alloc : memref<!tpu.dma_semaphore, #tpu.memory_space<semaphore_mem>>
      %dma_start3A = arith.constant 0 : i32
      %dma_start3A_252 = tpu.memref_slice %arg7[%add3A_21, %dma_start3A] : memref<10240x128xf32, #tpu.memory_space<vmem_shared>> -> memref<128x128xf32, #tpu.memory_space<vmem_shared>>
      %dma_start3A_253 = arith.constant 0 : i32
      %dma_start3A_254 = tpu.memref_slice %arg7[%add3A_21, %dma_start3A_253] : memref<10240x128xf32, #tpu.memory_space<vmem_shared>> -> memref<128x128xf32, #tpu.memory_space<vmem_shared>>
      tpu.enqueue_dma source(%arg12 : memref<128x128xf32, #tpu.memory_space<vmem>>) target(%dma_start3A_254 : memref<128x128xf32, #tpu.memory_space<vmem_shared>>) target_semaphore(%run_scoped3A_251 : memref<!tpu.dma_semaphore, #tpu.memory_space<semaphore_mem>>)
      %dma_wait3A = arith.constant 0 : i32
      %dma_wait3A_255 = tpu.memref_slice %arg7[%add3A_21, %dma_wait3A] : memref<10240x128xf32, #tpu.memory_space<vmem_shared>> -> memref<128x128xf32, #tpu.memory_space<vmem_shared>>
      %dma_wait3A_256 = arith.constant 0 : i32
      %dma_wait3A_257 = tpu.memref_slice %arg7[%add3A_21, %dma_wait3A_256] : memref<10240x128xf32, #tpu.memory_space<vmem_shared>> -> memref<128x128xf32, #tpu.memory_space<vmem_shared>>
      tpu.wait_dma2 semaphore(%run_scoped3A_251 : memref<!tpu.dma_semaphore, #tpu.memory_space<semaphore_mem>>) src(%arg12 : memref<128x128xf32, #tpu.memory_space<vmem>>) dst(%dma_wait3A_257 : memref<128x128xf32, #tpu.memory_space<vmem_shared>>)
      tpu.yield
    }) : () -> ()
    %eq3A = arith.constant 0 : i32
    %eq3A_22 = arith.cmpi eq, %arg1, %eq3A : i32
    %convert_element_type3A = arith.extui %eq3A_22 : i1 to i32
    %cond3A = arith.constant 0 : i32
    %cond3A_23 = arith.cmpi ne, %convert_element_type3A, %cond3A : i32
    scf.if %cond3A_23 {
      "tpu.region"() ({
        %run_scoped3A_251 = tpu.sem_alloc : memref<!tpu.dma_semaphore, #tpu.memory_space<semaphore_mem>>
        %dma_start3A = arith.constant 0 : i32
        %dma_start3A_252 = arith.constant 0 : i32
        %dma_start3A_253 = tpu.memref_slice %arg12[%dma_start3A, %dma_start3A_252] : memref<128x128xf32, #tpu.memory_space<vmem>> -> memref<80x128xf32, #tpu.memory_space<vmem>>
        %dma_start3A_254 = arith.constant 0 : i32
        %dma_start3A_255 = arith.constant 0 : i32
        %dma_start3A_256 = tpu.memref_slice %arg12[%dma_start3A_254, %dma_start3A_255] : memref<128x128xf32, #tpu.memory_space<vmem>> -> memref<80x128xf32, #tpu.memory_space<vmem>>
        tpu.enqueue_dma source(%dma_start3A_256 : memref<80x128xf32, #tpu.memory_space<vmem>>) target(%arg8 : memref<80x128xf32, #tpu.memory_space<vmem_shared>>) target_semaphore(%run_scoped3A_251 : memref<!tpu.dma_semaphore, #tpu.memory_space<semaphore_mem>>)
        %dma_wait3A = arith.constant 0 : i32
        %dma_wait3A_257 = arith.constant 0 : i32
        %dma_wait3A_258 = tpu.memref_slice %arg12[%dma_wait3A, %dma_wait3A_257] : memref<128x128xf32, #tpu.memory_space<vmem>> -> memref<80x128xf32, #tpu.memory_space<vmem>>
        %dma_wait3A_259 = arith.constant 0 : i32
        %dma_wait3A_260 = arith.constant 0 : i32
        %dma_wait3A_261 = tpu.memref_slice %arg12[%dma_wait3A_259, %dma_wait3A_260] : memref<128x128xf32, #tpu.memory_space<vmem>> -> memref<80x128xf32, #tpu.memory_space<vmem>>
        tpu.wait_dma2 semaphore(%run_scoped3A_251 : memref<!tpu.dma_semaphore, #tpu.memory_space<semaphore_mem>>) src(%dma_wait3A_261 : memref<80x128xf32, #tpu.memory_space<vmem>>) dst(%arg8 : memref<80x128xf32, #tpu.memory_space<vmem_shared>>)
        tpu.yield
      }) : () -> ()
    } else {
    }
    %iota3A = tpu.iota {dimensions = array<i32: 0>} : vector<16xi32>
    %add3A_24 = arith.constant 0 : i32
    %add3A_25 = vector.broadcast %add3A_24 : i32 to vector<16xi32>
    %add3A_26 = arith.addi %iota3A, %add3A_25 : vector<16xi32>
    %swap3A = arith.constant 0 : i32
    %swap3A_27 = arith.index_cast %swap3A : i32 to index
    %swap3A_28 = arith.constant 0 : index
    %swap3A_29 = tpu.vector_load %arg15[%swap3A_27, %swap3A_28] {strides = array<i32>} : memref<1x80xi32, #tpu.memory_space<vmem>>, vector<16xi32>,
    tpu.vector_store %arg15[%swap3A_27, %swap3A_28], %add3A_26 {strides = array<i32>} : memref<1x80xi32, #tpu.memory_space<vmem>>, vector<16xi32>,
    %add3A_30 = arith.constant 16 : i32
    %add3A_31 = vector.broadcast %add3A_30 : i32 to vector<16xi32>
    %add3A_32 = arith.addi %iota3A, %add3A_31 : vector<16xi32>
    %swap3A_33 = arith.constant 0 : i32
    %swap3A_34 = arith.index_cast %swap3A_33 : i32 to index
    %swap3A_35 = arith.constant 16 : index
    %swap3A_36 = tpu.vector_load %arg15[%swap3A_34, %swap3A_35] {strides = array<i32>} : memref<1x80xi32, #tpu.memory_space<vmem>>, vector<16xi32>,
    tpu.vector_store %arg15[%swap3A_34, %swap3A_35], %add3A_32 {strides = array<i32>} : memref<1x80xi32, #tpu.memory_space<vmem>>, vector<16xi32>,
    %add3A_37 = arith.constant 32 : i32
    %add3A_38 = vector.broadcast %add3A_37 : i32 to vector<16xi32>
    %add3A_39 = arith.addi %iota3A, %add3A_38 : vector<16xi32>
    %swap3A_40 = arith.constant 0 : i32
    %swap3A_41 = arith.index_cast %swap3A_40 : i32 to index
    %swap3A_42 = arith.constant 32 : index
    %swap3A_43 = tpu.vector_load %arg15[%swap3A_41, %swap3A_42] {strides = array<i32>} : memref<1x80xi32, #tpu.memory_space<vmem>>, vector<16xi32>,
    tpu.vector_store %arg15[%swap3A_41, %swap3A_42], %add3A_39 {strides = array<i32>} : memref<1x80xi32, #tpu.memory_space<vmem>>, vector<16xi32>,
    %add3A_44 = arith.constant 48 : i32
    %add3A_45 = vector.broadcast %add3A_44 : i32 to vector<16xi32>
    %add3A_46 = arith.addi %iota3A, %add3A_45 : vector<16xi32>
    %swap3A_47 = arith.constant 0 : i32
    %swap3A_48 = arith.index_cast %swap3A_47 : i32 to index
    %swap3A_49 = arith.constant 48 : index
    %swap3A_50 = tpu.vector_load %arg15[%swap3A_48, %swap3A_49] {strides = array<i32>} : memref<1x80xi32, #tpu.memory_space<vmem>>, vector<16xi32>,
    tpu.vector_store %arg15[%swap3A_48, %swap3A_49], %add3A_46 {strides = array<i32>} : memref<1x80xi32, #tpu.memory_space<vmem>>, vector<16xi32>,
    %add3A_51 = arith.constant 64 : i32
    %add3A_52 = vector.broadcast %add3A_51 : i32 to vector<16xi32>
    %add3A_53 = arith.addi %iota3A, %add3A_52 : vector<16xi32>
    %swap3A_54 = arith.constant 0 : i32
    %swap3A_55 = arith.index_cast %swap3A_54 : i32 to index
    %swap3A_56 = arith.constant 64 : index
    %swap3A_57 = tpu.vector_load %arg15[%swap3A_55, %swap3A_56] {strides = array<i32>} : memref<1x80xi32, #tpu.memory_space<vmem>>, vector<16xi32>,
    tpu.vector_store %arg15[%swap3A_55, %swap3A_56], %add3A_53 {strides = array<i32>} : memref<1x80xi32, #tpu.memory_space<vmem>>, vector<16xi32>,
    %barrier3A = arith.constant 0 : index
    tpu.barrier barrier_id(%barrier3A)
    %broadcast_in_dim3A_58 = arith.constant 1.000000e+00 : f32
    %broadcast_in_dim3A_59 = vector.broadcast %broadcast_in_dim3A_58 : f32 to vector<16xf32>
    %run_scoped3A = arith.constant 0 : i32
    "tpu.region"() ({
      %run_scoped3A_251 = tpu.sem_alloc : memref<!tpu.dma_semaphore, #tpu.memory_space<semaphore_mem>>
      %dma_start3A = arith.constant 0 : i32
      %dma_start3A_252 = arith.constant 0 : i32
      %dma_start3A_253 = tpu.memref_slice %arg10[%run_scoped3A, %dma_start3A, %dma_start3A_252] : memref<2x8x128xi32, #tpu.memory_space<vmem>> -> memref<1x8x128xi32, #tpu.memory_space<vmem>>
      %dma_start3A_254 = tpu.memref_squeeze %dma_start3A_253 : memref<1x8x128xi32, #tpu.memory_space<vmem>> -> memref<8x128xi32, #tpu.memory_space<vmem>>
      %dma_start3A_255 = arith.constant 0 : i32
      %dma_start3A_256 = arith.constant 0 : i32
      %dma_start3A_257 = tpu.memref_slice %arg3[%arg0, %arg1, %dma_start3A_255, %dma_start3A_256] : memref<2x16x80x128xi32, #tpu.memory_space<hbm>> -> memref<1x1x8x128xi32, #tpu.memory_space<hbm>>
      %dma_start3A_258 = tpu.memref_squeeze %dma_start3A_257 : memref<1x1x8x128xi32, #tpu.memory_space<hbm>> -> memref<8x128xi32, #tpu.memory_space<hbm>>
      %dma_start3A_259 = arith.constant 0 : i32
      %dma_start3A_260 = arith.constant 0 : i32
      %dma_start3A_261 = tpu.memref_slice %arg10[%run_scoped3A, %dma_start3A_259, %dma_start3A_260] : memref<2x8x128xi32, #tpu.memory_space<vmem>> -> memref<1x8x128xi32, #tpu.memory_space<vmem>>
      %dma_start3A_262 = tpu.memref_squeeze %dma_start3A_261 : memref<1x8x128xi32, #tpu.memory_space<vmem>> -> memref<8x128xi32, #tpu.memory_space<vmem>>
      %dma_start3A_263 = arith.constant 0 : i32
      %dma_start3A_264 = arith.constant 0 : i32
      %dma_start3A_265 = tpu.memref_slice %arg3[%arg0, %arg1, %dma_start3A_263, %dma_start3A_264] : memref<2x16x80x128xi32, #tpu.memory_space<hbm>> -> memref<1x1x8x128xi32, #tpu.memory_space<hbm>>
      %dma_start3A_266 = tpu.memref_squeeze %dma_start3A_265 : memref<1x1x8x128xi32, #tpu.memory_space<hbm>> -> memref<8x128xi32, #tpu.memory_space<hbm>>
      tpu.enqueue_dma source(%dma_start3A_266 : memref<8x128xi32, #tpu.memory_space<hbm>>) target(%dma_start3A_262 : memref<8x128xi32, #tpu.memory_space<vmem>>) target_semaphore(%run_scoped3A_251 : memref<!tpu.dma_semaphore, #tpu.memory_space<semaphore_mem>>)
      %dma_wait3A = arith.constant 0 : i32
      %dma_wait3A_267 = arith.constant 0 : i32
      %dma_wait3A_268 = tpu.memref_slice %arg10[%run_scoped3A, %dma_wait3A, %dma_wait3A_267] : memref<2x8x128xi32, #tpu.memory_space<vmem>> -> memref<1x8x128xi32, #tpu.memory_space<vmem>>
      %dma_wait3A_269 = tpu.memref_squeeze %dma_wait3A_268 : memref<1x8x128xi32, #tpu.memory_space<vmem>> -> memref<8x128xi32, #tpu.memory_space<vmem>>
      %dma_wait3A_270 = arith.constant 0 : i32
      %dma_wait3A_271 = arith.constant 0 : i32
      %dma_wait3A_272 = tpu.memref_slice %arg3[%arg0, %arg1, %dma_wait3A_270, %dma_wait3A_271] : memref<2x16x80x128xi32, #tpu.memory_space<hbm>> -> memref<1x1x8x128xi32, #tpu.memory_space<hbm>>
      %dma_wait3A_273 = tpu.memref_squeeze %dma_wait3A_272 : memref<1x1x8x128xi32, #tpu.memory_space<hbm>> -> memref<8x128xi32, #tpu.memory_space<hbm>>
      %dma_wait3A_274 = arith.constant 0 : i32
      %dma_wait3A_275 = arith.constant 0 : i32
      %dma_wait3A_276 = tpu.memref_slice %arg10[%run_scoped3A, %dma_wait3A_274, %dma_wait3A_275] : memref<2x8x128xi32, #tpu.memory_space<vmem>> -> memref<1x8x128xi32, #tpu.memory_space<vmem>>
      %dma_wait3A_277 = tpu.memref_squeeze %dma_wait3A_276 : memref<1x8x128xi32, #tpu.memory_space<vmem>> -> memref<8x128xi32, #tpu.memory_space<vmem>>
      %dma_wait3A_278 = arith.constant 0 : i32
      %dma_wait3A_279 = arith.constant 0 : i32
      %dma_wait3A_280 = tpu.memref_slice %arg3[%arg0, %arg1, %dma_wait3A_278, %dma_wait3A_279] : memref<2x16x80x128xi32, #tpu.memory_space<hbm>> -> memref<1x1x8x128xi32, #tpu.memory_space<hbm>>
      %dma_wait3A_281 = tpu.memref_squeeze %dma_wait3A_280 : memref<1x1x8x128xi32, #tpu.memory_space<hbm>> -> memref<8x128xi32, #tpu.memory_space<hbm>>
      tpu.wait_dma2 semaphore(%run_scoped3A_251 : memref<!tpu.dma_semaphore, #tpu.memory_space<semaphore_mem>>) src(%dma_wait3A_281 : memref<8x128xi32, #tpu.memory_space<hbm>>) dst(%dma_wait3A_277 : memref<8x128xi32, #tpu.memory_space<vmem>>)
      tpu.yield
    }) : () -> ()
    %run_scoped3A_60 = arith.constant 0 : i32
    "tpu.region"() ({
      %run_scoped3A_251 = tpu.sem_alloc : memref<!tpu.dma_semaphore, #tpu.memory_space<semaphore_mem>>
      %dma_start3A = arith.constant 0 : i32
      %dma_start3A_252 = arith.constant 0 : i32
      %dma_start3A_253 = tpu.memref_slice %arg11[%run_scoped3A_60, %dma_start3A, %dma_start3A_252] : memref<2x8x128xi32, #tpu.memory_space<vmem>> -> memref<1x8x128xi32, #tpu.memory_space<vmem>>
      %dma_start3A_254 = tpu.memref_squeeze %dma_start3A_253 : memref<1x8x128xi32, #tpu.memory_space<vmem>> -> memref<8x128xi32, #tpu.memory_space<vmem>>
      %dma_start3A_255 = arith.constant 0 : i32
      %dma_start3A_256 = arith.constant 0 : i32
      %dma_start3A_257 = tpu.memref_slice %arg4[%arg0, %arg1, %dma_start3A_255, %dma_start3A_256] : memref<2x16x80x128xi32, #tpu.memory_space<hbm>> -> memref<1x1x8x128xi32, #tpu.memory_space<hbm>>
      %dma_start3A_258 = tpu.memref_squeeze %dma_start3A_257 : memref<1x1x8x128xi32, #tpu.memory_space<hbm>> -> memref<8x128xi32, #tpu.memory_space<hbm>>
      %dma_start3A_259 = arith.constant 0 : i32
      %dma_start3A_260 = arith.constant 0 : i32
      %dma_start3A_261 = tpu.memref_slice %arg11[%run_scoped3A_60, %dma_start3A_259, %dma_start3A_260] : memref<2x8x128xi32, #tpu.memory_space<vmem>> -> memref<1x8x128xi32, #tpu.memory_space<vmem>>
      %dma_start3A_262 = tpu.memref_squeeze %dma_start3A_261 : memref<1x8x128xi32, #tpu.memory_space<vmem>> -> memref<8x128xi32, #tpu.memory_space<vmem>>
      %dma_start3A_263 = arith.constant 0 : i32
      %dma_start3A_264 = arith.constant 0 : i32
      %dma_start3A_265 = tpu.memref_slice %arg4[%arg0, %arg1, %dma_start3A_263, %dma_start3A_264] : memref<2x16x80x128xi32, #tpu.memory_space<hbm>> -> memref<1x1x8x128xi32, #tpu.memory_space<hbm>>
      %dma_start3A_266 = tpu.memref_squeeze %dma_start3A_265 : memref<1x1x8x128xi32, #tpu.memory_space<hbm>> -> memref<8x128xi32, #tpu.memory_space<hbm>>
      tpu.enqueue_dma source(%dma_start3A_266 : memref<8x128xi32, #tpu.memory_space<hbm>>) target(%dma_start3A_262 : memref<8x128xi32, #tpu.memory_space<vmem>>) target_semaphore(%run_scoped3A_251 : memref<!tpu.dma_semaphore, #tpu.memory_space<semaphore_mem>>)
      %dma_wait3A = arith.constant 0 : i32
      %dma_wait3A_267 = arith.constant 0 : i32
      %dma_wait3A_268 = tpu.memref_slice %arg11[%run_scoped3A_60, %dma_wait3A, %dma_wait3A_267] : memref<2x8x128xi32, #tpu.memory_space<vmem>> -> memref<1x8x128xi32, #tpu.memory_space<vmem>>
      %dma_wait3A_269 = tpu.memref_squeeze %dma_wait3A_268 : memref<1x8x128xi32, #tpu.memory_space<vmem>> -> memref<8x128xi32, #tpu.memory_space<vmem>>
      %dma_wait3A_270 = arith.constant 0 : i32
      %dma_wait3A_271 = arith.constant 0 : i32
      %dma_wait3A_272 = tpu.memref_slice %arg4[%arg0, %arg1, %dma_wait3A_270, %dma_wait3A_271] : memref<2x16x80x128xi32, #tpu.memory_space<hbm>> -> memref<1x1x8x128xi32, #tpu.memory_space<hbm>>
      %dma_wait3A_273 = tpu.memref_squeeze %dma_wait3A_272 : memref<1x1x8x128xi32, #tpu.memory_space<hbm>> -> memref<8x128xi32, #tpu.memory_space<hbm>>
      %dma_wait3A_274 = arith.constant 0 : i32
      %dma_wait3A_275 = arith.constant 0 : i32
      %dma_wait3A_276 = tpu.memref_slice %arg11[%run_scoped3A_60, %dma_wait3A_274, %dma_wait3A_275] : memref<2x8x128xi32, #tpu.memory_space<vmem>> -> memref<1x8x128xi32, #tpu.memory_space<vmem>>
      %dma_wait3A_277 = tpu.memref_squeeze %dma_wait3A_276 : memref<1x8x128xi32, #tpu.memory_space<vmem>> -> memref<8x128xi32, #tpu.memory_space<vmem>>
      %dma_wait3A_278 = arith.constant 0 : i32
      %dma_wait3A_279 = arith.constant 0 : i32
      %dma_wait3A_280 = tpu.memref_slice %arg4[%arg0, %arg1, %dma_wait3A_278, %dma_wait3A_279] : memref<2x16x80x128xi32, #tpu.memory_space<hbm>> -> memref<1x1x8x128xi32, #tpu.memory_space<hbm>>
      %dma_wait3A_281 = tpu.memref_squeeze %dma_wait3A_280 : memref<1x1x8x128xi32, #tpu.memory_space<hbm>> -> memref<8x128xi32, #tpu.memory_space<hbm>>
      tpu.wait_dma2 semaphore(%run_scoped3A_251 : memref<!tpu.dma_semaphore, #tpu.memory_space<semaphore_mem>>) src(%dma_wait3A_281 : memref<8x128xi32, #tpu.memory_space<hbm>>) dst(%dma_wait3A_277 : memref<8x128xi32, #tpu.memory_space<vmem>>)
      tpu.yield
    }) : () -> ()
    %scan3A_61 = arith.constant 0 : i32
    %scan3A_62 = arith.constant 0 : i32
    %scan3A_63 = arith.constant 10 : i32
    %scan3A_64 = arith.addi %scan3A_62, %scan3A_63 : i32
    %scan3A_65 = arith.constant 1 : i32
    scf.for %scan3A_251 = %scan3A_62 to %scan3A_64 step %scan3A_65  : i32 {
      %and3A = arith.constant 1 : i32
      %and3A_252 = arith.andi %scan3A_251, %and3A : i32
      %sub3A = arith.constant 1 : i32
      %sub3A_253 = arith.subi %sub3A, %and3A_252 : i32
      %add3A_254 = arith.constant 1 : i32
      %add3A_255 = arith.addi %scan3A_251, %add3A_254 : i32
      %min3A = arith.constant 9 : i32
      %min3A_256 = arith.minsi %add3A_255, %min3A : i32
      %mul3A_257 = arith.constant 8 : i32
      %mul3A_258 = arith.muli %min3A_256, %mul3A_257 : i32
      %dma_start3A = arith.constant 0 : i32
      %dma_start3A_259 = arith.constant 0 : i32
      %dma_start3A_260 = tpu.memref_slice %arg10[%sub3A_253, %dma_start3A, %dma_start3A_259] : memref<2x8x128xi32, #tpu.memory_space<vmem>> -> memref<1x8x128xi32, #tpu.memory_space<vmem>>
      %dma_start3A_261 = tpu.memref_squeeze %dma_start3A_260 : memref<1x8x128xi32, #tpu.memory_space<vmem>> -> memref<8x128xi32, #tpu.memory_space<vmem>>
      %dma_start3A_262 = arith.constant 0 : i32
      %dma_start3A_263 = tpu.memref_slice %arg3[%arg0, %arg1, %mul3A_258, %dma_start3A_262] : memref<2x16x80x128xi32, #tpu.memory_space<hbm>> -> memref<1x1x8x128xi32, #tpu.memory_space<hbm>>
      %dma_start3A_264 = tpu.memref_squeeze %dma_start3A_263 : memref<1x1x8x128xi32, #tpu.memory_space<hbm>> -> memref<8x128xi32, #tpu.memory_space<hbm>>
      %dma_start3A_265 = arith.constant 0 : i32
      %dma_start3A_266 = arith.constant 0 : i32
      %dma_start3A_267 = tpu.memref_slice %arg10[%sub3A_253, %dma_start3A_265, %dma_start3A_266] : memref<2x8x128xi32, #tpu.memory_space<vmem>> -> memref<1x8x128xi32, #tpu.memory_space<vmem>>
      %dma_start3A_268 = tpu.memref_squeeze %dma_start3A_267 : memref<1x8x128xi32, #tpu.memory_space<vmem>> -> memref<8x128xi32, #tpu.memory_space<vmem>>
      %dma_start3A_269 = arith.constant 0 : i32
      %dma_start3A_270 = tpu.memref_slice %arg3[%arg0, %arg1, %mul3A_258, %dma_start3A_269] : memref<2x16x80x128xi32, #tpu.memory_space<hbm>> -> memref<1x1x8x128xi32, #tpu.memory_space<hbm>>
      %dma_start3A_271 = tpu.memref_squeeze %dma_start3A_270 : memref<1x1x8x128xi32, #tpu.memory_space<hbm>> -> memref<8x128xi32, #tpu.memory_space<hbm>>
      tpu.enqueue_dma source(%dma_start3A_271 : memref<8x128xi32, #tpu.memory_space<hbm>>) target(%dma_start3A_268 : memref<8x128xi32, #tpu.memory_space<vmem>>) target_semaphore(%arg18 : memref<!tpu.dma_semaphore, #tpu.memory_space<semaphore_mem>>)
      %mul3A_272 = arith.constant 8 : i32
      %mul3A_273 = arith.muli %min3A_256, %mul3A_272 : i32
      %dma_start3A_274 = arith.constant 0 : i32
      %dma_start3A_275 = arith.constant 0 : i32
      %dma_start3A_276 = tpu.memref_slice %arg11[%sub3A_253, %dma_start3A_274, %dma_start3A_275] : memref<2x8x128xi32, #tpu.memory_space<vmem>> -> memref<1x8x128xi32, #tpu.memory_space<vmem>>
      %dma_start3A_277 = tpu.memref_squeeze %dma_start3A_276 : memref<1x8x128xi32, #tpu.memory_space<vmem>> -> memref<8x128xi32, #tpu.memory_space<vmem>>
      %dma_start3A_278 = arith.constant 0 : i32
      %dma_start3A_279 = tpu.memref_slice %arg4[%arg0, %arg1, %mul3A_273, %dma_start3A_278] : memref<2x16x80x128xi32, #tpu.memory_space<hbm>> -> memref<1x1x8x128xi32, #tpu.memory_space<hbm>>
      %dma_start3A_280 = tpu.memref_squeeze %dma_start3A_279 : memref<1x1x8x128xi32, #tpu.memory_space<hbm>> -> memref<8x128xi32, #tpu.memory_space<hbm>>
      %dma_start3A_281 = arith.constant 0 : i32
      %dma_start3A_282 = arith.constant 0 : i32
      %dma_start3A_283 = tpu.memref_slice %arg11[%sub3A_253, %dma_start3A_281, %dma_start3A_282] : memref<2x8x128xi32, #tpu.memory_space<vmem>> -> memref<1x8x128xi32, #tpu.memory_space<vmem>>
      %dma_start3A_284 = tpu.memref_squeeze %dma_start3A_283 : memref<1x8x128xi32, #tpu.memory_space<vmem>> -> memref<8x128xi32, #tpu.memory_space<vmem>>
      %dma_start3A_285 = arith.constant 0 : i32
      %dma_start3A_286 = tpu.memref_slice %arg4[%arg0, %arg1, %mul3A_273, %dma_start3A_285] : memref<2x16x80x128xi32, #tpu.memory_space<hbm>> -> memref<1x1x8x128xi32, #tpu.memory_space<hbm>>
      %dma_start3A_287 = tpu.memref_squeeze %dma_start3A_286 : memref<1x1x8x128xi32, #tpu.memory_space<hbm>> -> memref<8x128xi32, #tpu.memory_space<hbm>>
      tpu.enqueue_dma source(%dma_start3A_287 : memref<8x128xi32, #tpu.memory_space<hbm>>) target(%dma_start3A_284 : memref<8x128xi32, #tpu.memory_space<vmem>>) target_semaphore(%arg19 : memref<!tpu.dma_semaphore, #tpu.memory_space<semaphore_mem>>)
      %dma_start3A_288 = arith.constant 0 : i32
      %dma_start3A_289 = arith.constant 0 : i32
      %dma_start3A_290 = arith.constant 0 : i32
      %dma_start3A_291 = tpu.memref_slice %arg12[%dma_start3A_289, %dma_start3A_290] : memref<128x128xf32, #tpu.memory_space<vmem>> -> memref<64x128xf32, #tpu.memory_space<vmem>>
      %dma_start3A_292 = arith.constant 0 : i32
      %dma_start3A_293 = tpu.memref_slice %arg10[%and3A_252, %dma_start3A_288, %dma_start3A_292] : memref<2x8x128xi32, #tpu.memory_space<vmem>> -> memref<1x1x64xi32, #tpu.memory_space<vmem>>
      %dma_start3A_294 = tpu.memref_squeeze %dma_start3A_293 : memref<1x1x64xi32, #tpu.memory_space<vmem>> -> memref<64xi32, #tpu.memory_space<vmem>>
      %dma_start3A_295 = arith.constant 0 : i32
      %dma_start3A_296 = arith.constant 0 : i32
      %dma_start3A_297 = tpu.memref_slice %arg2[%dma_start3A_295, %dma_start3A_296] : memref<10000x128xf32, #tpu.memory_space<hbm>> -> memref<10000x128xf32, #tpu.memory_space<hbm>>
      tpu.enqueue_indirect_dma source(%dma_start3A_297 : memref<10000x128xf32, #tpu.memory_space<hbm>>) target(%dma_start3A_291 : memref<64x128xf32, #tpu.memory_space<vmem>>) offsets(%dma_start3A_294 : memref<64xi32, #tpu.memory_space<vmem>>) semaphore(%arg16 : memref<!tpu.dma_semaphore, #tpu.memory_space<semaphore_mem>>)
      %dma_start3A_298 = arith.constant 0 : i32
      %dma_start3A_299 = arith.constant 64 : i32
      %dma_start3A_300 = arith.constant 0 : i32
      %dma_start3A_301 = tpu.memref_slice %arg12[%dma_start3A_299, %dma_start3A_300] : memref<128x128xf32, #tpu.memory_space<vmem>> -> memref<64x128xf32, #tpu.memory_space<vmem>>
      %dma_start3A_302 = arith.constant 64 : i32
      %dma_start3A_303 = tpu.memref_slice %arg10[%and3A_252, %dma_start3A_298, %dma_start3A_302] : memref<2x8x128xi32, #tpu.memory_space<vmem>> -> memref<1x1x64xi32, #tpu.memory_space<vmem>>
      %dma_start3A_304 = tpu.memref_squeeze %dma_start3A_303 : memref<1x1x64xi32, #tpu.memory_space<vmem>> -> memref<64xi32, #tpu.memory_space<vmem>>
      %dma_start3A_305 = arith.constant 0 : i32
      %dma_start3A_306 = arith.constant 0 : i32
      %dma_start3A_307 = tpu.memref_slice %arg2[%dma_start3A_305, %dma_start3A_306] : memref<10000x128xf32, #tpu.memory_space<hbm>> -> memref<10000x128xf32, #tpu.memory_space<hbm>>
      tpu.enqueue_indirect_dma source(%dma_start3A_307 : memref<10000x128xf32, #tpu.memory_space<hbm>>) target(%dma_start3A_301 : memref<64x128xf32, #tpu.memory_space<vmem>>) offsets(%dma_start3A_304 : memref<64xi32, #tpu.memory_space<vmem>>) semaphore(%arg17 : memref<!tpu.dma_semaphore, #tpu.memory_space<semaphore_mem>>)
      %get3A = arith.constant 0 : i32
      %get3A_308 = arith.index_cast %and3A_252 : i32 to index
      %get3A_309 = arith.index_cast %get3A : i32 to index
      %get3A_310 = arith.constant 0 : index
      %get3A_311 = tpu.vector_load %arg11[%get3A_308, %get3A_309, %get3A_310] {strides = array<i32>} : memref<2x8x128xi32, #tpu.memory_space<vmem>>, vector<16xi32>,
      %shift_right_logical3A = arith.constant 7 : i32
      %shift_right_logical3A_312 = vector.broadcast %shift_right_logical3A : i32 to vector<16xi32>
      %shift_right_logical3A_313 = arith.shrui %get3A_311, %shift_right_logical3A_312 : vector<16xi32>
      %and3A_314 = arith.constant 127 : i32
      %and3A_315 = vector.broadcast %and3A_314 : i32 to vector<16xi32>
      %and3A_316 = arith.andi %get3A_311, %and3A_315 : vector<16xi32>
      tpu.vector_store_idx %arg9[%shift_right_logical3A_313, %and3A_316], %broadcast_in_dim3A_59 {add = true} : memref<80x128xf32, #tpu.memory_space<vmem>>[vector<16xi32>, vector<16xi32>], vector<16xf32>,
      %get3A_317 = arith.constant 0 : i32
      %get3A_318 = arith.index_cast %and3A_252 : i32 to index
      %get3A_319 = arith.index_cast %get3A_317 : i32 to index
      %get3A_320 = arith.constant 16 : index
      %get3A_321 = tpu.vector_load %arg11[%get3A_318, %get3A_319, %get3A_320] {strides = array<i32>} : memref<2x8x128xi32, #tpu.memory_space<vmem>>, vector<16xi32>,
      %shift_right_logical3A_322 = arith.constant 7 : i32
      %shift_right_logical3A_323 = vector.broadcast %shift_right_logical3A_322 : i32 to vector<16xi32>
      %shift_right_logical3A_324 = arith.shrui %get3A_321, %shift_right_logical3A_323 : vector<16xi32>
      %and3A_325 = arith.constant 127 : i32
      %and3A_326 = vector.broadcast %and3A_325 : i32 to vector<16xi32>
      %and3A_327 = arith.andi %get3A_321, %and3A_326 : vector<16xi32>
      tpu.vector_store_idx %arg9[%shift_right_logical3A_324, %and3A_327], %broadcast_in_dim3A_59 {add = true} : memref<80x128xf32, #tpu.memory_space<vmem>>[vector<16xi32>, vector<16xi32>], vector<16xf32>,
      %get3A_328 = arith.constant 0 : i32
      %get3A_329 = arith.index_cast %and3A_252 : i32 to index
      %get3A_330 = arith.index_cast %get3A_328 : i32 to index
      %get3A_331 = arith.constant 32 : index
      %get3A_332 = tpu.vector_load %arg11[%get3A_329, %get3A_330, %get3A_331] {strides = array<i32>} : memref<2x8x128xi32, #tpu.memory_space<vmem>>, vector<16xi32>,
      %shift_right_logical3A_333 = arith.constant 7 : i32
      %shift_right_logical3A_334 = vector.broadcast %shift_right_logical3A_333 : i32 to vector<16xi32>
      %shift_right_logical3A_335 = arith.shrui %get3A_332, %shift_right_logical3A_334 : vector<16xi32>
      %and3A_336 = arith.constant 127 : i32
      %and3A_337 = vector.broadcast %and3A_336 : i32 to vector<16xi32>
      %and3A_338 = arith.andi %get3A_332, %and3A_337 : vector<16xi32>
      tpu.vector_store_idx %arg9[%shift_right_logical3A_335, %and3A_338], %broadcast_in_dim3A_59 {add = true} : memref<80x128xf32, #tpu.memory_space<vmem>>[vector<16xi32>, vector<16xi32>], vector<16xf32>,
      %get3A_339 = arith.constant 0 : i32
      %get3A_340 = arith.index_cast %and3A_252 : i32 to index
      %get3A_341 = arith.index_cast %get3A_339 : i32 to index
      %get3A_342 = arith.constant 48 : index
      %get3A_343 = tpu.vector_load %arg11[%get3A_340, %get3A_341, %get3A_342] {strides = array<i32>} : memref<2x8x128xi32, #tpu.memory_space<vmem>>, vector<16xi32>,
      %shift_right_logical3A_344 = arith.constant 7 : i32
      %shift_right_logical3A_345 = vector.broadcast %shift_right_logical3A_344 : i32 to vector<16xi32>
      %shift_right_logical3A_346 = arith.shrui %get3A_343, %shift_right_logical3A_345 : vector<16xi32>
      %and3A_347 = arith.constant 127 : i32
      %and3A_348 = vector.broadcast %and3A_347 : i32 to vector<16xi32>
      %and3A_349 = arith.andi %get3A_343, %and3A_348 : vector<16xi32>
      tpu.vector_store_idx %arg9[%shift_right_logical3A_346, %and3A_349], %broadcast_in_dim3A_59 {add = true} : memref<80x128xf32, #tpu.memory_space<vmem>>[vector<16xi32>, vector<16xi32>], vector<16xf32>,
      %get3A_350 = arith.constant 0 : i32
      %get3A_351 = arith.index_cast %and3A_252 : i32 to index
      %get3A_352 = arith.index_cast %get3A_350 : i32 to index
      %get3A_353 = arith.constant 64 : index
      %get3A_354 = tpu.vector_load %arg11[%get3A_351, %get3A_352, %get3A_353] {strides = array<i32>} : memref<2x8x128xi32, #tpu.memory_space<vmem>>, vector<16xi32>,
      %shift_right_logical3A_355 = arith.constant 7 : i32
      %shift_right_logical3A_356 = vector.broadcast %shift_right_logical3A_355 : i32 to vector<16xi32>
      %shift_right_logical3A_357 = arith.shrui %get3A_354, %shift_right_logical3A_356 : vector<16xi32>
      %and3A_358 = arith.constant 127 : i32
      %and3A_359 = vector.broadcast %and3A_358 : i32 to vector<16xi32>
      %and3A_360 = arith.andi %get3A_354, %and3A_359 : vector<16xi32>
      tpu.vector_store_idx %arg9[%shift_right_logical3A_357, %and3A_360], %broadcast_in_dim3A_59 {add = true} : memref<80x128xf32, #tpu.memory_space<vmem>>[vector<16xi32>, vector<16xi32>], vector<16xf32>,
      %get3A_361 = arith.constant 0 : i32
      %get3A_362 = arith.index_cast %and3A_252 : i32 to index
      %get3A_363 = arith.index_cast %get3A_361 : i32 to index
      %get3A_364 = arith.constant 80 : index
      %get3A_365 = tpu.vector_load %arg11[%get3A_362, %get3A_363, %get3A_364] {strides = array<i32>} : memref<2x8x128xi32, #tpu.memory_space<vmem>>, vector<16xi32>,
      %shift_right_logical3A_366 = arith.constant 7 : i32
      %shift_right_logical3A_367 = vector.broadcast %shift_right_logical3A_366 : i32 to vector<16xi32>
      %shift_right_logical3A_368 = arith.shrui %get3A_365, %shift_right_logical3A_367 : vector<16xi32>
      %and3A_369 = arith.constant 127 : i32
      %and3A_370 = vector.broadcast %and3A_369 : i32 to vector<16xi32>
      %and3A_371 = arith.andi %get3A_365, %and3A_370 : vector<16xi32>
      tpu.vector_store_idx %arg9[%shift_right_logical3A_368, %and3A_371], %broadcast_in_dim3A_59 {add = true} : memref<80x128xf32, #tpu.memory_space<vmem>>[vector<16xi32>, vector<16xi32>], vector<16xf32>,
      %get3A_372 = arith.constant 0 : i32
      %get3A_373 = arith.index_cast %and3A_252 : i32 to index
      %get3A_374 = arith.index_cast %get3A_372 : i32 to index
      %get3A_375 = arith.constant 96 : index
      %get3A_376 = tpu.vector_load %arg11[%get3A_373, %get3A_374, %get3A_375] {strides = array<i32>} : memref<2x8x128xi32, #tpu.memory_space<vmem>>, vector<16xi32>,
      %shift_right_logical3A_377 = arith.constant 7 : i32
      %shift_right_logical3A_378 = vector.broadcast %shift_right_logical3A_377 : i32 to vector<16xi32>
      %shift_right_logical3A_379 = arith.shrui %get3A_376, %shift_right_logical3A_378 : vector<16xi32>
      %and3A_380 = arith.constant 127 : i32
      %and3A_381 = vector.broadcast %and3A_380 : i32 to vector<16xi32>
      %and3A_382 = arith.andi %get3A_376, %and3A_381 : vector<16xi32>
      tpu.vector_store_idx %arg9[%shift_right_logical3A_379, %and3A_382], %broadcast_in_dim3A_59 {add = true} : memref<80x128xf32, #tpu.memory_space<vmem>>[vector<16xi32>, vector<16xi32>], vector<16xf32>,
      %get3A_383 = arith.constant 0 : i32
      %get3A_384 = arith.index_cast %and3A_252 : i32 to index
      %get3A_385 = arith.index_cast %get3A_383 : i32 to index
      %get3A_386 = arith.constant 112 : index
      %get3A_387 = tpu.vector_load %arg11[%get3A_384, %get3A_385, %get3A_386] {strides = array<i32>} : memref<2x8x128xi32, #tpu.memory_space<vmem>>, vector<16xi32>,
      %shift_right_logical3A_388 = arith.constant 7 : i32
      %shift_right_logical3A_389 = vector.broadcast %shift_right_logical3A_388 : i32 to vector<16xi32>
      %shift_right_logical3A_390 = arith.shrui %get3A_387, %shift_right_logical3A_389 : vector<16xi32>
      %and3A_391 = arith.constant 127 : i32
      %and3A_392 = vector.broadcast %and3A_391 : i32 to vector<16xi32>
      %and3A_393 = arith.andi %get3A_387, %and3A_392 : vector<16xi32>
      tpu.vector_store_idx %arg9[%shift_right_logical3A_390, %and3A_393], %broadcast_in_dim3A_59 {add = true} : memref<80x128xf32, #tpu.memory_space<vmem>>[vector<16xi32>, vector<16xi32>], vector<16xf32>,
      %dma_wait3A = arith.constant 0 : i32
      %dma_wait3A_394 = arith.constant 0 : i32
      %dma_wait3A_395 = arith.constant 0 : i32
      %dma_wait3A_396 = tpu.memref_slice %arg12[%dma_wait3A_394, %dma_wait3A_395] : memref<128x128xf32, #tpu.memory_space<vmem>> -> memref<64x128xf32, #tpu.memory_space<vmem>>
      %dma_wait3A_397 = arith.constant 0 : i32
      %dma_wait3A_398 = tpu.memref_slice %arg10[%and3A_252, %dma_wait3A, %dma_wait3A_397] : memref<2x8x128xi32, #tpu.memory_space<vmem>> -> memref<1x1x64xi32, #tpu.memory_space<vmem>>
      %dma_wait3A_399 = tpu.memref_squeeze %dma_wait3A_398 : memref<1x1x64xi32, #tpu.memory_space<vmem>> -> memref<64xi32, #tpu.memory_space<vmem>>
      %dma_wait3A_400 = arith.constant 0 : i32
      %dma_wait3A_401 = arith.constant 0 : i32
      %dma_wait3A_402 = tpu.memref_slice %arg2[%dma_wait3A_400, %dma_wait3A_401] : memref<10000x128xf32, #tpu.memory_space<hbm>> -> memref<10000x128xf32, #tpu.memory_space<hbm>>
      tpu.wait_indirect_dma semaphore(%arg16 : memref<!tpu.dma_semaphore, #tpu.memory_space<semaphore_mem>>) src(%dma_wait3A_402 : memref<10000x128xf32, #tpu.memory_space<hbm>>) dst(%dma_wait3A_396 : memref<64x128xf32, #tpu.memory_space<vmem>>)
      %dma_wait3A_403 = arith.constant 0 : i32
      %dma_wait3A_404 = arith.constant 64 : i32
      %dma_wait3A_405 = arith.constant 0 : i32
      %dma_wait3A_406 = tpu.memref_slice %arg12[%dma_wait3A_404, %dma_wait3A_405] : memref<128x128xf32, #tpu.memory_space<vmem>> -> memref<64x128xf32, #tpu.memory_space<vmem>>
      %dma_wait3A_407 = arith.constant 64 : i32
      %dma_wait3A_408 = tpu.memref_slice %arg10[%and3A_252, %dma_wait3A_403, %dma_wait3A_407] : memref<2x8x128xi32, #tpu.memory_space<vmem>> -> memref<1x1x64xi32, #tpu.memory_space<vmem>>
      %dma_wait3A_409 = tpu.memref_squeeze %dma_wait3A_408 : memref<1x1x64xi32, #tpu.memory_space<vmem>> -> memref<64xi32, #tpu.memory_space<vmem>>
      %dma_wait3A_410 = arith.constant 0 : i32
      %dma_wait3A_411 = arith.constant 0 : i32
      %dma_wait3A_412 = tpu.memref_slice %arg2[%dma_wait3A_410, %dma_wait3A_411] : memref<10000x128xf32, #tpu.memory_space<hbm>> -> memref<10000x128xf32, #tpu.memory_space<hbm>>
      tpu.wait_indirect_dma semaphore(%arg17 : memref<!tpu.dma_semaphore, #tpu.memory_space<semaphore_mem>>) src(%dma_wait3A_412 : memref<10000x128xf32, #tpu.memory_space<hbm>>) dst(%dma_wait3A_406 : memref<64x128xf32, #tpu.memory_space<vmem>>)
      %run_scoped3A_413 = arith.constant 0 : i32
      "tpu.region"() ({
        %run_scoped3A_1345 = tpu.sem_alloc : memref<!tpu.dma_semaphore, #tpu.memory_space<semaphore_mem>>
        %dma_start3A_1346 = arith.constant 0 : i32
        %dma_start3A_1347 = tpu.memref_slice %arg11[%and3A_252, %run_scoped3A_413, %dma_start3A_1346] : memref<2x8x128xi32, #tpu.memory_space<vmem>> -> memref<1x1x128xi32, #tpu.memory_space<vmem>>
        %dma_start3A_1348 = tpu.memref_squeeze %dma_start3A_1347 : memref<1x1x128xi32, #tpu.memory_space<vmem>> -> memref<128xi32, #tpu.memory_space<vmem>>
        %dma_start3A_1349 = arith.constant 0 : i32
        %dma_start3A_1350 = arith.constant 0 : i32
        %dma_start3A_1351 = tpu.memref_slice %arg7[%dma_start3A_1349, %dma_start3A_1350] : memref<10240x128xf32, #tpu.memory_space<vmem_shared>> -> memref<10240x128xf32, #tpu.memory_space<vmem_shared>>
        tpu.enqueue_indirect_dma source(%arg12 : memref<128x128xf32, #tpu.memory_space<vmem>>) target(%dma_start3A_1351 : memref<10240x128xf32, #tpu.memory_space<vmem_shared>>) offsets(%dma_start3A_1348 : memref<128xi32, #tpu.memory_space<vmem>>) semaphore(%run_scoped3A_1345 : memref<!tpu.dma_semaphore, #tpu.memory_space<semaphore_mem>>) {add = true}
        %dma_wait3A_1352 = arith.constant 0 : i32
        %dma_wait3A_1353 = tpu.memref_slice %arg11[%and3A_252, %run_scoped3A_413, %dma_wait3A_1352] : memref<2x8x128xi32, #tpu.memory_space<vmem>> -> memref<1x1x128xi32, #tpu.memory_space<vmem>>
        %dma_wait3A_1354 = tpu.memref_squeeze %dma_wait3A_1353 : memref<1x1x128xi32, #tpu.memory_space<vmem>> -> memref<128xi32, #tpu.memory_space<vmem>>
        %dma_wait3A_1355 = arith.constant 0 : i32
        %dma_wait3A_1356 = arith.constant 0 : i32
        %dma_wait3A_1357 = tpu.memref_slice %arg7[%dma_wait3A_1355, %dma_wait3A_1356] : memref<10240x128xf32, #tpu.memory_space<vmem_shared>> -> memref<10240x128xf32, #tpu.memory_space<vmem_shared>>
        tpu.wait_indirect_dma semaphore(%run_scoped3A_1345 : memref<!tpu.dma_semaphore, #tpu.memory_space<semaphore_mem>>) src(%arg12 : memref<128x128xf32, #tpu.memory_space<vmem>>) dst(%dma_wait3A_1357 : memref<10240x128xf32, #tpu.memory_space<vmem_shared>>)
        tpu.yield
      }) : () -> ()
      %dma_start3A_414 = arith.constant 1 : i32
      %dma_start3A_415 = arith.constant 0 : i32
      %dma_start3A_416 = arith.constant 0 : i32
      %dma_start3A_417 = tpu.memref_slice %arg12[%dma_start3A_415, %dma_start3A_416] : memref<128x128xf32, #tpu.memory_space<vmem>> -> memref<64x128xf32, #tpu.memory_space<vmem>>
      %dma_start3A_418 = arith.constant 0 : i32
      %dma_start3A_419 = tpu.memref_slice %arg10[%and3A_252, %dma_start3A_414, %dma_start3A_418] : memref<2x8x128xi32, #tpu.memory_space<vmem>> -> memref<1x1x64xi32, #tpu.memory_space<vmem>>
      %dma_start3A_420 = tpu.memref_squeeze %dma_start3A_419 : memref<1x1x64xi32, #tpu.memory_space<vmem>> -> memref<64xi32, #tpu.memory_space<vmem>>
      %dma_start3A_421 = arith.constant 0 : i32
      %dma_start3A_422 = arith.constant 0 : i32
      %dma_start3A_423 = tpu.memref_slice %arg2[%dma_start3A_421, %dma_start3A_422] : memref<10000x128xf32, #tpu.memory_space<hbm>> -> memref<10000x128xf32, #tpu.memory_space<hbm>>
      tpu.enqueue_indirect_dma source(%dma_start3A_423 : memref<10000x128xf32, #tpu.memory_space<hbm>>) target(%dma_start3A_417 : memref<64x128xf32, #tpu.memory_space<vmem>>) offsets(%dma_start3A_420 : memref<64xi32, #tpu.memory_space<vmem>>) semaphore(%arg16 : memref<!tpu.dma_semaphore, #tpu.memory_space<semaphore_mem>>)
      %dma_start3A_424 = arith.constant 1 : i32
      %dma_start3A_425 = arith.constant 64 : i32
      %dma_start3A_426 = arith.constant 0 : i32
      %dma_start3A_427 = tpu.memref_slice %arg12[%dma_start3A_425, %dma_start3A_426] : memref<128x128xf32, #tpu.memory_space<vmem>> -> memref<64x128xf32, #tpu.memory_space<vmem>>
      %dma_start3A_428 = arith.constant 64 : i32
      %dma_start3A_429 = tpu.memref_slice %arg10[%and3A_252, %dma_start3A_424, %dma_start3A_428] : memref<2x8x128xi32, #tpu.memory_space<vmem>> -> memref<1x1x64xi32, #tpu.memory_space<vmem>>
      %dma_start3A_430 = tpu.memref_squeeze %dma_start3A_429 : memref<1x1x64xi32, #tpu.memory_space<vmem>> -> memref<64xi32, #tpu.memory_space<vmem>>
      %dma_start3A_431 = arith.constant 0 : i32
      %dma_start3A_432 = arith.constant 0 : i32
      %dma_start3A_433 = tpu.memref_slice %arg2[%dma_start3A_431, %dma_start3A_432] : memref<10000x128xf32, #tpu.memory_space<hbm>> -> memref<10000x128xf32, #tpu.memory_space<hbm>>
      tpu.enqueue_indirect_dma source(%dma_start3A_433 : memref<10000x128xf32, #tpu.memory_space<hbm>>) target(%dma_start3A_427 : memref<64x128xf32, #tpu.memory_space<vmem>>) offsets(%dma_start3A_430 : memref<64xi32, #tpu.memory_space<vmem>>) semaphore(%arg17 : memref<!tpu.dma_semaphore, #tpu.memory_space<semaphore_mem>>)
      %get3A_434 = arith.constant 1 : i32
      %get3A_435 = arith.index_cast %and3A_252 : i32 to index
      %get3A_436 = arith.index_cast %get3A_434 : i32 to index
      %get3A_437 = arith.constant 0 : index
      %get3A_438 = tpu.vector_load %arg11[%get3A_435, %get3A_436, %get3A_437] {strides = array<i32>} : memref<2x8x128xi32, #tpu.memory_space<vmem>>, vector<16xi32>,
      %shift_right_logical3A_439 = arith.constant 7 : i32
      %shift_right_logical3A_440 = vector.broadcast %shift_right_logical3A_439 : i32 to vector<16xi32>
      %shift_right_logical3A_441 = arith.shrui %get3A_438, %shift_right_logical3A_440 : vector<16xi32>
      %and3A_442 = arith.constant 127 : i32
      %and3A_443 = vector.broadcast %and3A_442 : i32 to vector<16xi32>
      %and3A_444 = arith.andi %get3A_438, %and3A_443 : vector<16xi32>
      tpu.vector_store_idx %arg9[%shift_right_logical3A_441, %and3A_444], %broadcast_in_dim3A_59 {add = true} : memref<80x128xf32, #tpu.memory_space<vmem>>[vector<16xi32>, vector<16xi32>], vector<16xf32>,
      %get3A_445 = arith.constant 1 : i32
      %get3A_446 = arith.index_cast %and3A_252 : i32 to index
      %get3A_447 = arith.index_cast %get3A_445 : i32 to index
      %get3A_448 = arith.constant 16 : index
      %get3A_449 = tpu.vector_load %arg11[%get3A_446, %get3A_447, %get3A_448] {strides = array<i32>} : memref<2x8x128xi32, #tpu.memory_space<vmem>>, vector<16xi32>,
      %shift_right_logical3A_450 = arith.constant 7 : i32
      %shift_right_logical3A_451 = vector.broadcast %shift_right_logical3A_450 : i32 to vector<16xi32>
      %shift_right_logical3A_452 = arith.shrui %get3A_449, %shift_right_logical3A_451 : vector<16xi32>
      %and3A_453 = arith.constant 127 : i32
      %and3A_454 = vector.broadcast %and3A_453 : i32 to vector<16xi32>
      %and3A_455 = arith.andi %get3A_449, %and3A_454 : vector<16xi32>
      tpu.vector_store_idx %arg9[%shift_right_logical3A_452, %and3A_455], %broadcast_in_dim3A_59 {add = true} : memref<80x128xf32, #tpu.memory_space<vmem>>[vector<16xi32>, vector<16xi32>], vector<16xf32>,
      %get3A_456 = arith.constant 1 : i32
      %get3A_457 = arith.index_cast %and3A_252 : i32 to index
      %get3A_458 = arith.index_cast %get3A_456 : i32 to index
      %get3A_459 = arith.constant 32 : index
      %get3A_460 = tpu.vector_load %arg11[%get3A_457, %get3A_458, %get3A_459] {strides = array<i32>} : memref<2x8x128xi32, #tpu.memory_space<vmem>>, vector<16xi32>,
      %shift_right_logical3A_461 = arith.constant 7 : i32
      %shift_right_logical3A_462 = vector.broadcast %shift_right_logical3A_461 : i32 to vector<16xi32>
      %shift_right_logical3A_463 = arith.shrui %get3A_460, %shift_right_logical3A_462 : vector<16xi32>
      %and3A_464 = arith.constant 127 : i32
      %and3A_465 = vector.broadcast %and3A_464 : i32 to vector<16xi32>
      %and3A_466 = arith.andi %get3A_460, %and3A_465 : vector<16xi32>
      tpu.vector_store_idx %arg9[%shift_right_logical3A_463, %and3A_466], %broadcast_in_dim3A_59 {add = true} : memref<80x128xf32, #tpu.memory_space<vmem>>[vector<16xi32>, vector<16xi32>], vector<16xf32>,
      %get3A_467 = arith.constant 1 : i32
      %get3A_468 = arith.index_cast %and3A_252 : i32 to index
      %get3A_469 = arith.index_cast %get3A_467 : i32 to index
      %get3A_470 = arith.constant 48 : index
      %get3A_471 = tpu.vector_load %arg11[%get3A_468, %get3A_469, %get3A_470] {strides = array<i32>} : memref<2x8x128xi32, #tpu.memory_space<vmem>>, vector<16xi32>,
      %shift_right_logical3A_472 = arith.constant 7 : i32
      %shift_right_logical3A_473 = vector.broadcast %shift_right_logical3A_472 : i32 to vector<16xi32>
      %shift_right_logical3A_474 = arith.shrui %get3A_471, %shift_right_logical3A_473 : vector<16xi32>
      %and3A_475 = arith.constant 127 : i32
      %and3A_476 = vector.broadcast %and3A_475 : i32 to vector<16xi32>
      %and3A_477 = arith.andi %get3A_471, %and3A_476 : vector<16xi32>
      tpu.vector_store_idx %arg9[%shift_right_logical3A_474, %and3A_477], %broadcast_in_dim3A_59 {add = true} : memref<80x128xf32, #tpu.memory_space<vmem>>[vector<16xi32>, vector<16xi32>], vector<16xf32>,
      %get3A_478 = arith.constant 1 : i32
      %get3A_479 = arith.index_cast %and3A_252 : i32 to index
      %get3A_480 = arith.index_cast %get3A_478 : i32 to index
      %get3A_481 = arith.constant 64 : index
      %get3A_482 = tpu.vector_load %arg11[%get3A_479, %get3A_480, %get3A_481] {strides = array<i32>} : memref<2x8x128xi32, #tpu.memory_space<vmem>>, vector<16xi32>,
      %shift_right_logical3A_483 = arith.constant 7 : i32
      %shift_right_logical3A_484 = vector.broadcast %shift_right_logical3A_483 : i32 to vector<16xi32>
      %shift_right_logical3A_485 = arith.shrui %get3A_482, %shift_right_logical3A_484 : vector<16xi32>
      %and3A_486 = arith.constant 127 : i32
      %and3A_487 = vector.broadcast %and3A_486 : i32 to vector<16xi32>
      %and3A_488 = arith.andi %get3A_482, %and3A_487 : vector<16xi32>
      tpu.vector_store_idx %arg9[%shift_right_logical3A_485, %and3A_488], %broadcast_in_dim3A_59 {add = true} : memref<80x128xf32, #tpu.memory_space<vmem>>[vector<16xi32>, vector<16xi32>], vector<16xf32>,
      %get3A_489 = arith.constant 1 : i32
      %get3A_490 = arith.index_cast %and3A_252 : i32 to index
      %get3A_491 = arith.index_cast %get3A_489 : i32 to index
      %get3A_492 = arith.constant 80 : index
      %get3A_493 = tpu.vector_load %arg11[%get3A_490, %get3A_491, %get3A_492] {strides = array<i32>} : memref<2x8x128xi32, #tpu.memory_space<vmem>>, vector<16xi32>,
      %shift_right_logical3A_494 = arith.constant 7 : i32
      %shift_right_logical3A_495 = vector.broadcast %shift_right_logical3A_494 : i32 to vector<16xi32>
      %shift_right_logical3A_496 = arith.shrui %get3A_493, %shift_right_logical3A_495 : vector<16xi32>
      %and3A_497 = arith.constant 127 : i32
      %and3A_498 = vector.broadcast %and3A_497 : i32 to vector<16xi32>
      %and3A_499 = arith.andi %get3A_493, %and3A_498 : vector<16xi32>
      tpu.vector_store_idx %arg9[%shift_right_logical3A_496, %and3A_499], %broadcast_in_dim3A_59 {add = true} : memref<80x128xf32, #tpu.memory_space<vmem>>[vector<16xi32>, vector<16xi32>], vector<16xf32>,
      %get3A_500 = arith.constant 1 : i32
      %get3A_501 = arith.index_cast %and3A_252 : i32 to index
      %get3A_502 = arith.index_cast %get3A_500 : i32 to index
      %get3A_503 = arith.constant 96 : index
      %get3A_504 = tpu.vector_load %arg11[%get3A_501, %get3A_502, %get3A_503] {strides = array<i32>} : memref<2x8x128xi32, #tpu.memory_space<vmem>>, vector<16xi32>,
      %shift_right_logical3A_505 = arith.constant 7 : i32
      %shift_right_logical3A_506 = vector.broadcast %shift_right_logical3A_505 : i32 to vector<16xi32>
      %shift_right_logical3A_507 = arith.shrui %get3A_504, %shift_right_logical3A_506 : vector<16xi32>
      %and3A_508 = arith.constant 127 : i32
      %and3A_509 = vector.broadcast %and3A_508 : i32 to vector<16xi32>
      %and3A_510 = arith.andi %get3A_504, %and3A_509 : vector<16xi32>
      tpu.vector_store_idx %arg9[%shift_right_logical3A_507, %and3A_510], %broadcast_in_dim3A_59 {add = true} : memref<80x128xf32, #tpu.memory_space<vmem>>[vector<16xi32>, vector<16xi32>], vector<16xf32>,
      %get3A_511 = arith.constant 1 : i32
      %get3A_512 = arith.index_cast %and3A_252 : i32 to index
      %get3A_513 = arith.index_cast %get3A_511 : i32 to index
      %get3A_514 = arith.constant 112 : index
      %get3A_515 = tpu.vector_load %arg11[%get3A_512, %get3A_513, %get3A_514] {strides = array<i32>} : memref<2x8x128xi32, #tpu.memory_space<vmem>>, vector<16xi32>,
      %shift_right_logical3A_516 = arith.constant 7 : i32
      %shift_right_logical3A_517 = vector.broadcast %shift_right_logical3A_516 : i32 to vector<16xi32>
      %shift_right_logical3A_518 = arith.shrui %get3A_515, %shift_right_logical3A_517 : vector<16xi32>
      %and3A_519 = arith.constant 127 : i32
      %and3A_520 = vector.broadcast %and3A_519 : i32 to vector<16xi32>
      %and3A_521 = arith.andi %get3A_515, %and3A_520 : vector<16xi32>
      tpu.vector_store_idx %arg9[%shift_right_logical3A_518, %and3A_521], %broadcast_in_dim3A_59 {add = true} : memref<80x128xf32, #tpu.memory_space<vmem>>[vector<16xi32>, vector<16xi32>], vector<16xf32>,
      %dma_wait3A_522 = arith.constant 1 : i32
      %dma_wait3A_523 = arith.constant 0 : i32
      %dma_wait3A_524 = arith.constant 0 : i32
      %dma_wait3A_525 = tpu.memref_slice %arg12[%dma_wait3A_523, %dma_wait3A_524] : memref<128x128xf32, #tpu.memory_space<vmem>> -> memref<64x128xf32, #tpu.memory_space<vmem>>
      %dma_wait3A_526 = arith.constant 0 : i32
      %dma_wait3A_527 = tpu.memref_slice %arg10[%and3A_252, %dma_wait3A_522, %dma_wait3A_526] : memref<2x8x128xi32, #tpu.memory_space<vmem>> -> memref<1x1x64xi32, #tpu.memory_space<vmem>>
      %dma_wait3A_528 = tpu.memref_squeeze %dma_wait3A_527 : memref<1x1x64xi32, #tpu.memory_space<vmem>> -> memref<64xi32, #tpu.memory_space<vmem>>
      %dma_wait3A_529 = arith.constant 0 : i32
      %dma_wait3A_530 = arith.constant 0 : i32
      %dma_wait3A_531 = tpu.memref_slice %arg2[%dma_wait3A_529, %dma_wait3A_530] : memref<10000x128xf32, #tpu.memory_space<hbm>> -> memref<10000x128xf32, #tpu.memory_space<hbm>>
      tpu.wait_indirect_dma semaphore(%arg16 : memref<!tpu.dma_semaphore, #tpu.memory_space<semaphore_mem>>) src(%dma_wait3A_531 : memref<10000x128xf32, #tpu.memory_space<hbm>>) dst(%dma_wait3A_525 : memref<64x128xf32, #tpu.memory_space<vmem>>)
      %dma_wait3A_532 = arith.constant 1 : i32
      %dma_wait3A_533 = arith.constant 64 : i32
      %dma_wait3A_534 = arith.constant 0 : i32
      %dma_wait3A_535 = tpu.memref_slice %arg12[%dma_wait3A_533, %dma_wait3A_534] : memref<128x128xf32, #tpu.memory_space<vmem>> -> memref<64x128xf32, #tpu.memory_space<vmem>>
      %dma_wait3A_536 = arith.constant 64 : i32
      %dma_wait3A_537 = tpu.memref_slice %arg10[%and3A_252, %dma_wait3A_532, %dma_wait3A_536] : memref<2x8x128xi32, #tpu.memory_space<vmem>> -> memref<1x1x64xi32, #tpu.memory_space<vmem>>
      %dma_wait3A_538 = tpu.memref_squeeze %dma_wait3A_537 : memref<1x1x64xi32, #tpu.memory_space<vmem>> -> memref<64xi32, #tpu.memory_space<vmem>>
      %dma_wait3A_539 = arith.constant 0 : i32
      %dma_wait3A_540 = arith.constant 0 : i32
      %dma_wait3A_541 = tpu.memref_slice %arg2[%dma_wait3A_539, %dma_wait3A_540] : memref<10000x128xf32, #tpu.memory_space<hbm>> -> memref<10000x128xf32, #tpu.memory_space<hbm>>
      tpu.wait_indirect_dma semaphore(%arg17 : memref<!tpu.dma_semaphore, #tpu.memory_space<semaphore_mem>>) src(%dma_wait3A_541 : memref<10000x128xf32, #tpu.memory_space<hbm>>) dst(%dma_wait3A_535 : memref<64x128xf32, #tpu.memory_space<vmem>>)
      %run_scoped3A_542 = arith.constant 1 : i32
      "tpu.region"() ({
        %run_scoped3A_1345 = tpu.sem_alloc : memref<!tpu.dma_semaphore, #tpu.memory_space<semaphore_mem>>
        %dma_start3A_1346 = arith.constant 0 : i32
        %dma_start3A_1347 = tpu.memref_slice %arg11[%and3A_252, %run_scoped3A_542, %dma_start3A_1346] : memref<2x8x128xi32, #tpu.memory_space<vmem>> -> memref<1x1x128xi32, #tpu.memory_space<vmem>>
        %dma_start3A_1348 = tpu.memref_squeeze %dma_start3A_1347 : memref<1x1x128xi32, #tpu.memory_space<vmem>> -> memref<128xi32, #tpu.memory_space<vmem>>
        %dma_start3A_1349 = arith.constant 0 : i32
        %dma_start3A_1350 = arith.constant 0 : i32
        %dma_start3A_1351 = tpu.memref_slice %arg7[%dma_start3A_1349, %dma_start3A_1350] : memref<10240x128xf32, #tpu.memory_space<vmem_shared>> -> memref<10240x128xf32, #tpu.memory_space<vmem_shared>>
        tpu.enqueue_indirect_dma source(%arg12 : memref<128x128xf32, #tpu.memory_space<vmem>>) target(%dma_start3A_1351 : memref<10240x128xf32, #tpu.memory_space<vmem_shared>>) offsets(%dma_start3A_1348 : memref<128xi32, #tpu.memory_space<vmem>>) semaphore(%run_scoped3A_1345 : memref<!tpu.dma_semaphore, #tpu.memory_space<semaphore_mem>>) {add = true}
        %dma_wait3A_1352 = arith.constant 0 : i32
        %dma_wait3A_1353 = tpu.memref_slice %arg11[%and3A_252, %run_scoped3A_542, %dma_wait3A_1352] : memref<2x8x128xi32, #tpu.memory_space<vmem>> -> memref<1x1x128xi32, #tpu.memory_space<vmem>>
        %dma_wait3A_1354 = tpu.memref_squeeze %dma_wait3A_1353 : memref<1x1x128xi32, #tpu.memory_space<vmem>> -> memref<128xi32, #tpu.memory_space<vmem>>
        %dma_wait3A_1355 = arith.constant 0 : i32
        %dma_wait3A_1356 = arith.constant 0 : i32
        %dma_wait3A_1357 = tpu.memref_slice %arg7[%dma_wait3A_1355, %dma_wait3A_1356] : memref<10240x128xf32, #tpu.memory_space<vmem_shared>> -> memref<10240x128xf32, #tpu.memory_space<vmem_shared>>
        tpu.wait_indirect_dma semaphore(%run_scoped3A_1345 : memref<!tpu.dma_semaphore, #tpu.memory_space<semaphore_mem>>) src(%arg12 : memref<128x128xf32, #tpu.memory_space<vmem>>) dst(%dma_wait3A_1357 : memref<10240x128xf32, #tpu.memory_space<vmem_shared>>)
        tpu.yield
      }) : () -> ()
      %dma_start3A_543 = arith.constant 2 : i32
      %dma_start3A_544 = arith.constant 0 : i32
      %dma_start3A_545 = arith.constant 0 : i32
      %dma_start3A_546 = tpu.memref_slice %arg12[%dma_start3A_544, %dma_start3A_545] : memref<128x128xf32, #tpu.memory_space<vmem>> -> memref<64x128xf32, #tpu.memory_space<vmem>>
      %dma_start3A_547 = arith.constant 0 : i32
      %dma_start3A_548 = tpu.memref_slice %arg10[%and3A_252, %dma_start3A_543, %dma_start3A_547] : memref<2x8x128xi32, #tpu.memory_space<vmem>> -> memref<1x1x64xi32, #tpu.memory_space<vmem>>
      %dma_start3A_549 = tpu.memref_squeeze %dma_start3A_548 : memref<1x1x64xi32, #tpu.memory_space<vmem>> -> memref<64xi32, #tpu.memory_space<vmem>>
      %dma_start3A_550 = arith.constant 0 : i32
      %dma_start3A_551 = arith.constant 0 : i32
      %dma_start3A_552 = tpu.memref_slice %arg2[%dma_start3A_550, %dma_start3A_551] : memref<10000x128xf32, #tpu.memory_space<hbm>> -> memref<10000x128xf32, #tpu.memory_space<hbm>>
      tpu.enqueue_indirect_dma source(%dma_start3A_552 : memref<10000x128xf32, #tpu.memory_space<hbm>>) target(%dma_start3A_546 : memref<64x128xf32, #tpu.memory_space<vmem>>) offsets(%dma_start3A_549 : memref<64xi32, #tpu.memory_space<vmem>>) semaphore(%arg16 : memref<!tpu.dma_semaphore, #tpu.memory_space<semaphore_mem>>)
      %dma_start3A_553 = arith.constant 2 : i32
      %dma_start3A_554 = arith.constant 64 : i32
      %dma_start3A_555 = arith.constant 0 : i32
      %dma_start3A_556 = tpu.memref_slice %arg12[%dma_start3A_554, %dma_start3A_555] : memref<128x128xf32, #tpu.memory_space<vmem>> -> memref<64x128xf32, #tpu.memory_space<vmem>>
      %dma_start3A_557 = arith.constant 64 : i32
      %dma_start3A_558 = tpu.memref_slice %arg10[%and3A_252, %dma_start3A_553, %dma_start3A_557] : memref<2x8x128xi32, #tpu.memory_space<vmem>> -> memref<1x1x64xi32, #tpu.memory_space<vmem>>
      %dma_start3A_559 = tpu.memref_squeeze %dma_start3A_558 : memref<1x1x64xi32, #tpu.memory_space<vmem>> -> memref<64xi32, #tpu.memory_space<vmem>>
      %dma_start3A_560 = arith.constant 0 : i32
      %dma_start3A_561 = arith.constant 0 : i32
      %dma_start3A_562 = tpu.memref_slice %arg2[%dma_start3A_560, %dma_start3A_561] : memref<10000x128xf32, #tpu.memory_space<hbm>> -> memref<10000x128xf32, #tpu.memory_space<hbm>>
      tpu.enqueue_indirect_dma source(%dma_start3A_562 : memref<10000x128xf32, #tpu.memory_space<hbm>>) target(%dma_start3A_556 : memref<64x128xf32, #tpu.memory_space<vmem>>) offsets(%dma_start3A_559 : memref<64xi32, #tpu.memory_space<vmem>>) semaphore(%arg17 : memref<!tpu.dma_semaphore, #tpu.memory_space<semaphore_mem>>)
      %get3A_563 = arith.constant 2 : i32
      %get3A_564 = arith.index_cast %and3A_252 : i32 to index
      %get3A_565 = arith.index_cast %get3A_563 : i32 to index
      %get3A_566 = arith.constant 0 : index
      %get3A_567 = tpu.vector_load %arg11[%get3A_564, %get3A_565, %get3A_566] {strides = array<i32>} : memref<2x8x128xi32, #tpu.memory_space<vmem>>, vector<16xi32>,
      %shift_right_logical3A_568 = arith.constant 7 : i32
      %shift_right_logical3A_569 = vector.broadcast %shift_right_logical3A_568 : i32 to vector<16xi32>
      %shift_right_logical3A_570 = arith.shrui %get3A_567, %shift_right_logical3A_569 : vector<16xi32>
      %and3A_571 = arith.constant 127 : i32
      %and3A_572 = vector.broadcast %and3A_571 : i32 to vector<16xi32>
      %and3A_573 = arith.andi %get3A_567, %and3A_572 : vector<16xi32>
      tpu.vector_store_idx %arg9[%shift_right_logical3A_570, %and3A_573], %broadcast_in_dim3A_59 {add = true} : memref<80x128xf32, #tpu.memory_space<vmem>>[vector<16xi32>, vector<16xi32>], vector<16xf32>,
      %get3A_574 = arith.constant 2 : i32
      %get3A_575 = arith.index_cast %and3A_252 : i32 to index
      %get3A_576 = arith.index_cast %get3A_574 : i32 to index
      %get3A_577 = arith.constant 16 : index
      %get3A_578 = tpu.vector_load %arg11[%get3A_575, %get3A_576, %get3A_577] {strides = array<i32>} : memref<2x8x128xi32, #tpu.memory_space<vmem>>, vector<16xi32>,
      %shift_right_logical3A_579 = arith.constant 7 : i32
      %shift_right_logical3A_580 = vector.broadcast %shift_right_logical3A_579 : i32 to vector<16xi32>
      %shift_right_logical3A_581 = arith.shrui %get3A_578, %shift_right_logical3A_580 : vector<16xi32>
      %and3A_582 = arith.constant 127 : i32
      %and3A_583 = vector.broadcast %and3A_582 : i32 to vector<16xi32>
      %and3A_584 = arith.andi %get3A_578, %and3A_583 : vector<16xi32>
      tpu.vector_store_idx %arg9[%shift_right_logical3A_581, %and3A_584], %broadcast_in_dim3A_59 {add = true} : memref<80x128xf32, #tpu.memory_space<vmem>>[vector<16xi32>, vector<16xi32>], vector<16xf32>,
      %get3A_585 = arith.constant 2 : i32
      %get3A_586 = arith.index_cast %and3A_252 : i32 to index
      %get3A_587 = arith.index_cast %get3A_585 : i32 to index
      %get3A_588 = arith.constant 32 : index
      %get3A_589 = tpu.vector_load %arg11[%get3A_586, %get3A_587, %get3A_588] {strides = array<i32>} : memref<2x8x128xi32, #tpu.memory_space<vmem>>, vector<16xi32>,
      %shift_right_logical3A_590 = arith.constant 7 : i32
      %shift_right_logical3A_591 = vector.broadcast %shift_right_logical3A_590 : i32 to vector<16xi32>
      %shift_right_logical3A_592 = arith.shrui %get3A_589, %shift_right_logical3A_591 : vector<16xi32>
      %and3A_593 = arith.constant 127 : i32
      %and3A_594 = vector.broadcast %and3A_593 : i32 to vector<16xi32>
      %and3A_595 = arith.andi %get3A_589, %and3A_594 : vector<16xi32>
      tpu.vector_store_idx %arg9[%shift_right_logical3A_592, %and3A_595], %broadcast_in_dim3A_59 {add = true} : memref<80x128xf32, #tpu.memory_space<vmem>>[vector<16xi32>, vector<16xi32>], vector<16xf32>,
      %get3A_596 = arith.constant 2 : i32
      %get3A_597 = arith.index_cast %and3A_252 : i32 to index
      %get3A_598 = arith.index_cast %get3A_596 : i32 to index
      %get3A_599 = arith.constant 48 : index
      %get3A_600 = tpu.vector_load %arg11[%get3A_597, %get3A_598, %get3A_599] {strides = array<i32>} : memref<2x8x128xi32, #tpu.memory_space<vmem>>, vector<16xi32>,
      %shift_right_logical3A_601 = arith.constant 7 : i32
      %shift_right_logical3A_602 = vector.broadcast %shift_right_logical3A_601 : i32 to vector<16xi32>
      %shift_right_logical3A_603 = arith.shrui %get3A_600, %shift_right_logical3A_602 : vector<16xi32>
      %and3A_604 = arith.constant 127 : i32
      %and3A_605 = vector.broadcast %and3A_604 : i32 to vector<16xi32>
      %and3A_606 = arith.andi %get3A_600, %and3A_605 : vector<16xi32>
      tpu.vector_store_idx %arg9[%shift_right_logical3A_603, %and3A_606], %broadcast_in_dim3A_59 {add = true} : memref<80x128xf32, #tpu.memory_space<vmem>>[vector<16xi32>, vector<16xi32>], vector<16xf32>,
      %get3A_607 = arith.constant 2 : i32
      %get3A_608 = arith.index_cast %and3A_252 : i32 to index
      %get3A_609 = arith.index_cast %get3A_607 : i32 to index
      %get3A_610 = arith.constant 64 : index
      %get3A_611 = tpu.vector_load %arg11[%get3A_608, %get3A_609, %get3A_610] {strides = array<i32>} : memref<2x8x128xi32, #tpu.memory_space<vmem>>, vector<16xi32>,
      %shift_right_logical3A_612 = arith.constant 7 : i32
      %shift_right_logical3A_613 = vector.broadcast %shift_right_logical3A_612 : i32 to vector<16xi32>
      %shift_right_logical3A_614 = arith.shrui %get3A_611, %shift_right_logical3A_613 : vector<16xi32>
      %and3A_615 = arith.constant 127 : i32
      %and3A_616 = vector.broadcast %and3A_615 : i32 to vector<16xi32>
      %and3A_617 = arith.andi %get3A_611, %and3A_616 : vector<16xi32>
      tpu.vector_store_idx %arg9[%shift_right_logical3A_614, %and3A_617], %broadcast_in_dim3A_59 {add = true} : memref<80x128xf32, #tpu.memory_space<vmem>>[vector<16xi32>, vector<16xi32>], vector<16xf32>,
      %get3A_618 = arith.constant 2 : i32
      %get3A_619 = arith.index_cast %and3A_252 : i32 to index
      %get3A_620 = arith.index_cast %get3A_618 : i32 to index
      %get3A_621 = arith.constant 80 : index
      %get3A_622 = tpu.vector_load %arg11[%get3A_619, %get3A_620, %get3A_621] {strides = array<i32>} : memref<2x8x128xi32, #tpu.memory_space<vmem>>, vector<16xi32>,
      %shift_right_logical3A_623 = arith.constant 7 : i32
      %shift_right_logical3A_624 = vector.broadcast %shift_right_logical3A_623 : i32 to vector<16xi32>
      %shift_right_logical3A_625 = arith.shrui %get3A_622, %shift_right_logical3A_624 : vector<16xi32>
      %and3A_626 = arith.constant 127 : i32
      %and3A_627 = vector.broadcast %and3A_626 : i32 to vector<16xi32>
      %and3A_628 = arith.andi %get3A_622, %and3A_627 : vector<16xi32>
      tpu.vector_store_idx %arg9[%shift_right_logical3A_625, %and3A_628], %broadcast_in_dim3A_59 {add = true} : memref<80x128xf32, #tpu.memory_space<vmem>>[vector<16xi32>, vector<16xi32>], vector<16xf32>,
      %get3A_629 = arith.constant 2 : i32
      %get3A_630 = arith.index_cast %and3A_252 : i32 to index
      %get3A_631 = arith.index_cast %get3A_629 : i32 to index
      %get3A_632 = arith.constant 96 : index
      %get3A_633 = tpu.vector_load %arg11[%get3A_630, %get3A_631, %get3A_632] {strides = array<i32>} : memref<2x8x128xi32, #tpu.memory_space<vmem>>, vector<16xi32>,
      %shift_right_logical3A_634 = arith.constant 7 : i32
      %shift_right_logical3A_635 = vector.broadcast %shift_right_logical3A_634 : i32 to vector<16xi32>
      %shift_right_logical3A_636 = arith.shrui %get3A_633, %shift_right_logical3A_635 : vector<16xi32>
      %and3A_637 = arith.constant 127 : i32
      %and3A_638 = vector.broadcast %and3A_637 : i32 to vector<16xi32>
      %and3A_639 = arith.andi %get3A_633, %and3A_638 : vector<16xi32>
      tpu.vector_store_idx %arg9[%shift_right_logical3A_636, %and3A_639], %broadcast_in_dim3A_59 {add = true} : memref<80x128xf32, #tpu.memory_space<vmem>>[vector<16xi32>, vector<16xi32>], vector<16xf32>,
      %get3A_640 = arith.constant 2 : i32
      %get3A_641 = arith.index_cast %and3A_252 : i32 to index
      %get3A_642 = arith.index_cast %get3A_640 : i32 to index
      %get3A_643 = arith.constant 112 : index
      %get3A_644 = tpu.vector_load %arg11[%get3A_641, %get3A_642, %get3A_643] {strides = array<i32>} : memref<2x8x128xi32, #tpu.memory_space<vmem>>, vector<16xi32>,
      %shift_right_logical3A_645 = arith.constant 7 : i32
      %shift_right_logical3A_646 = vector.broadcast %shift_right_logical3A_645 : i32 to vector<16xi32>
      %shift_right_logical3A_647 = arith.shrui %get3A_644, %shift_right_logical3A_646 : vector<16xi32>
      %and3A_648 = arith.constant 127 : i32
      %and3A_649 = vector.broadcast %and3A_648 : i32 to vector<16xi32>
      %and3A_650 = arith.andi %get3A_644, %and3A_649 : vector<16xi32>
      tpu.vector_store_idx %arg9[%shift_right_logical3A_647, %and3A_650], %broadcast_in_dim3A_59 {add = true} : memref<80x128xf32, #tpu.memory_space<vmem>>[vector<16xi32>, vector<16xi32>], vector<16xf32>,
      %dma_wait3A_651 = arith.constant 2 : i32
      %dma_wait3A_652 = arith.constant 0 : i32
      %dma_wait3A_653 = arith.constant 0 : i32
      %dma_wait3A_654 = tpu.memref_slice %arg12[%dma_wait3A_652, %dma_wait3A_653] : memref<128x128xf32, #tpu.memory_space<vmem>> -> memref<64x128xf32, #tpu.memory_space<vmem>>
      %dma_wait3A_655 = arith.constant 0 : i32
      %dma_wait3A_656 = tpu.memref_slice %arg10[%and3A_252, %dma_wait3A_651, %dma_wait3A_655] : memref<2x8x128xi32, #tpu.memory_space<vmem>> -> memref<1x1x64xi32, #tpu.memory_space<vmem>>
      %dma_wait3A_657 = tpu.memref_squeeze %dma_wait3A_656 : memref<1x1x64xi32, #tpu.memory_space<vmem>> -> memref<64xi32, #tpu.memory_space<vmem>>
      %dma_wait3A_658 = arith.constant 0 : i32
      %dma_wait3A_659 = arith.constant 0 : i32
      %dma_wait3A_660 = tpu.memref_slice %arg2[%dma_wait3A_658, %dma_wait3A_659] : memref<10000x128xf32, #tpu.memory_space<hbm>> -> memref<10000x128xf32, #tpu.memory_space<hbm>>
      tpu.wait_indirect_dma semaphore(%arg16 : memref<!tpu.dma_semaphore, #tpu.memory_space<semaphore_mem>>) src(%dma_wait3A_660 : memref<10000x128xf32, #tpu.memory_space<hbm>>) dst(%dma_wait3A_654 : memref<64x128xf32, #tpu.memory_space<vmem>>)
      %dma_wait3A_661 = arith.constant 2 : i32
      %dma_wait3A_662 = arith.constant 64 : i32
      %dma_wait3A_663 = arith.constant 0 : i32
      %dma_wait3A_664 = tpu.memref_slice %arg12[%dma_wait3A_662, %dma_wait3A_663] : memref<128x128xf32, #tpu.memory_space<vmem>> -> memref<64x128xf32, #tpu.memory_space<vmem>>
      %dma_wait3A_665 = arith.constant 64 : i32
      %dma_wait3A_666 = tpu.memref_slice %arg10[%and3A_252, %dma_wait3A_661, %dma_wait3A_665] : memref<2x8x128xi32, #tpu.memory_space<vmem>> -> memref<1x1x64xi32, #tpu.memory_space<vmem>>
      %dma_wait3A_667 = tpu.memref_squeeze %dma_wait3A_666 : memref<1x1x64xi32, #tpu.memory_space<vmem>> -> memref<64xi32, #tpu.memory_space<vmem>>
      %dma_wait3A_668 = arith.constant 0 : i32
      %dma_wait3A_669 = arith.constant 0 : i32
      %dma_wait3A_670 = tpu.memref_slice %arg2[%dma_wait3A_668, %dma_wait3A_669] : memref<10000x128xf32, #tpu.memory_space<hbm>> -> memref<10000x128xf32, #tpu.memory_space<hbm>>
      tpu.wait_indirect_dma semaphore(%arg17 : memref<!tpu.dma_semaphore, #tpu.memory_space<semaphore_mem>>) src(%dma_wait3A_670 : memref<10000x128xf32, #tpu.memory_space<hbm>>) dst(%dma_wait3A_664 : memref<64x128xf32, #tpu.memory_space<vmem>>)
      %run_scoped3A_671 = arith.constant 2 : i32
      "tpu.region"() ({
        %run_scoped3A_1345 = tpu.sem_alloc : memref<!tpu.dma_semaphore, #tpu.memory_space<semaphore_mem>>
        %dma_start3A_1346 = arith.constant 0 : i32
        %dma_start3A_1347 = tpu.memref_slice %arg11[%and3A_252, %run_scoped3A_671, %dma_start3A_1346] : memref<2x8x128xi32, #tpu.memory_space<vmem>> -> memref<1x1x128xi32, #tpu.memory_space<vmem>>
        %dma_start3A_1348 = tpu.memref_squeeze %dma_start3A_1347 : memref<1x1x128xi32, #tpu.memory_space<vmem>> -> memref<128xi32, #tpu.memory_space<vmem>>
        %dma_start3A_1349 = arith.constant 0 : i32
        %dma_start3A_1350 = arith.constant 0 : i32
        %dma_start3A_1351 = tpu.memref_slice %arg7[%dma_start3A_1349, %dma_start3A_1350] : memref<10240x128xf32, #tpu.memory_space<vmem_shared>> -> memref<10240x128xf32, #tpu.memory_space<vmem_shared>>
        tpu.enqueue_indirect_dma source(%arg12 : memref<128x128xf32, #tpu.memory_space<vmem>>) target(%dma_start3A_1351 : memref<10240x128xf32, #tpu.memory_space<vmem_shared>>) offsets(%dma_start3A_1348 : memref<128xi32, #tpu.memory_space<vmem>>) semaphore(%run_scoped3A_1345 : memref<!tpu.dma_semaphore, #tpu.memory_space<semaphore_mem>>) {add = true}
        %dma_wait3A_1352 = arith.constant 0 : i32
        %dma_wait3A_1353 = tpu.memref_slice %arg11[%and3A_252, %run_scoped3A_671, %dma_wait3A_1352] : memref<2x8x128xi32, #tpu.memory_space<vmem>> -> memref<1x1x128xi32, #tpu.memory_space<vmem>>
        %dma_wait3A_1354 = tpu.memref_squeeze %dma_wait3A_1353 : memref<1x1x128xi32, #tpu.memory_space<vmem>> -> memref<128xi32, #tpu.memory_space<vmem>>
        %dma_wait3A_1355 = arith.constant 0 : i32
        %dma_wait3A_1356 = arith.constant 0 : i32
        %dma_wait3A_1357 = tpu.memref_slice %arg7[%dma_wait3A_1355, %dma_wait3A_1356] : memref<10240x128xf32, #tpu.memory_space<vmem_shared>> -> memref<10240x128xf32, #tpu.memory_space<vmem_shared>>
        tpu.wait_indirect_dma semaphore(%run_scoped3A_1345 : memref<!tpu.dma_semaphore, #tpu.memory_space<semaphore_mem>>) src(%arg12 : memref<128x128xf32, #tpu.memory_space<vmem>>) dst(%dma_wait3A_1357 : memref<10240x128xf32, #tpu.memory_space<vmem_shared>>)
        tpu.yield
      }) : () -> ()
      %dma_start3A_672 = arith.constant 3 : i32
      %dma_start3A_673 = arith.constant 0 : i32
      %dma_start3A_674 = arith.constant 0 : i32
      %dma_start3A_675 = tpu.memref_slice %arg12[%dma_start3A_673, %dma_start3A_674] : memref<128x128xf32, #tpu.memory_space<vmem>> -> memref<64x128xf32, #tpu.memory_space<vmem>>
      %dma_start3A_676 = arith.constant 0 : i32
      %dma_start3A_677 = tpu.memref_slice %arg10[%and3A_252, %dma_start3A_672, %dma_start3A_676] : memref<2x8x128xi32, #tpu.memory_space<vmem>> -> memref<1x1x64xi32, #tpu.memory_space<vmem>>
      %dma_start3A_678 = tpu.memref_squeeze %dma_start3A_677 : memref<1x1x64xi32, #tpu.memory_space<vmem>> -> memref<64xi32, #tpu.memory_space<vmem>>
      %dma_start3A_679 = arith.constant 0 : i32
      %dma_start3A_680 = arith.constant 0 : i32
      %dma_start3A_681 = tpu.memref_slice %arg2[%dma_start3A_679, %dma_start3A_680] : memref<10000x128xf32, #tpu.memory_space<hbm>> -> memref<10000x128xf32, #tpu.memory_space<hbm>>
      tpu.enqueue_indirect_dma source(%dma_start3A_681 : memref<10000x128xf32, #tpu.memory_space<hbm>>) target(%dma_start3A_675 : memref<64x128xf32, #tpu.memory_space<vmem>>) offsets(%dma_start3A_678 : memref<64xi32, #tpu.memory_space<vmem>>) semaphore(%arg16 : memref<!tpu.dma_semaphore, #tpu.memory_space<semaphore_mem>>)
      %dma_start3A_682 = arith.constant 3 : i32
      %dma_start3A_683 = arith.constant 64 : i32
      %dma_start3A_684 = arith.constant 0 : i32
      %dma_start3A_685 = tpu.memref_slice %arg12[%dma_start3A_683, %dma_start3A_684] : memref<128x128xf32, #tpu.memory_space<vmem>> -> memref<64x128xf32, #tpu.memory_space<vmem>>
      %dma_start3A_686 = arith.constant 64 : i32
      %dma_start3A_687 = tpu.memref_slice %arg10[%and3A_252, %dma_start3A_682, %dma_start3A_686] : memref<2x8x128xi32, #tpu.memory_space<vmem>> -> memref<1x1x64xi32, #tpu.memory_space<vmem>>
      %dma_start3A_688 = tpu.memref_squeeze %dma_start3A_687 : memref<1x1x64xi32, #tpu.memory_space<vmem>> -> memref<64xi32, #tpu.memory_space<vmem>>
      %dma_start3A_689 = arith.constant 0 : i32
      %dma_start3A_690 = arith.constant 0 : i32
      %dma_start3A_691 = tpu.memref_slice %arg2[%dma_start3A_689, %dma_start3A_690] : memref<10000x128xf32, #tpu.memory_space<hbm>> -> memref<10000x128xf32, #tpu.memory_space<hbm>>
      tpu.enqueue_indirect_dma source(%dma_start3A_691 : memref<10000x128xf32, #tpu.memory_space<hbm>>) target(%dma_start3A_685 : memref<64x128xf32, #tpu.memory_space<vmem>>) offsets(%dma_start3A_688 : memref<64xi32, #tpu.memory_space<vmem>>) semaphore(%arg17 : memref<!tpu.dma_semaphore, #tpu.memory_space<semaphore_mem>>)
      %get3A_692 = arith.constant 3 : i32
      %get3A_693 = arith.index_cast %and3A_252 : i32 to index
      %get3A_694 = arith.index_cast %get3A_692 : i32 to index
      %get3A_695 = arith.constant 0 : index
      %get3A_696 = tpu.vector_load %arg11[%get3A_693, %get3A_694, %get3A_695] {strides = array<i32>} : memref<2x8x128xi32, #tpu.memory_space<vmem>>, vector<16xi32>,
      %shift_right_logical3A_697 = arith.constant 7 : i32
      %shift_right_logical3A_698 = vector.broadcast %shift_right_logical3A_697 : i32 to vector<16xi32>
      %shift_right_logical3A_699 = arith.shrui %get3A_696, %shift_right_logical3A_698 : vector<16xi32>
      %and3A_700 = arith.constant 127 : i32
      %and3A_701 = vector.broadcast %and3A_700 : i32 to vector<16xi32>
      %and3A_702 = arith.andi %get3A_696, %and3A_701 : vector<16xi32>
      tpu.vector_store_idx %arg9[%shift_right_logical3A_699, %and3A_702], %broadcast_in_dim3A_59 {add = true} : memref<80x128xf32, #tpu.memory_space<vmem>>[vector<16xi32>, vector<16xi32>], vector<16xf32>,
      %get3A_703 = arith.constant 3 : i32
      %get3A_704 = arith.index_cast %and3A_252 : i32 to index
      %get3A_705 = arith.index_cast %get3A_703 : i32 to index
      %get3A_706 = arith.constant 16 : index
      %get3A_707 = tpu.vector_load %arg11[%get3A_704, %get3A_705, %get3A_706] {strides = array<i32>} : memref<2x8x128xi32, #tpu.memory_space<vmem>>, vector<16xi32>,
      %shift_right_logical3A_708 = arith.constant 7 : i32
      %shift_right_logical3A_709 = vector.broadcast %shift_right_logical3A_708 : i32 to vector<16xi32>
      %shift_right_logical3A_710 = arith.shrui %get3A_707, %shift_right_logical3A_709 : vector<16xi32>
      %and3A_711 = arith.constant 127 : i32
      %and3A_712 = vector.broadcast %and3A_711 : i32 to vector<16xi32>
      %and3A_713 = arith.andi %get3A_707, %and3A_712 : vector<16xi32>
      tpu.vector_store_idx %arg9[%shift_right_logical3A_710, %and3A_713], %broadcast_in_dim3A_59 {add = true} : memref<80x128xf32, #tpu.memory_space<vmem>>[vector<16xi32>, vector<16xi32>], vector<16xf32>,
      %get3A_714 = arith.constant 3 : i32
      %get3A_715 = arith.index_cast %and3A_252 : i32 to index
      %get3A_716 = arith.index_cast %get3A_714 : i32 to index
      %get3A_717 = arith.constant 32 : index
      %get3A_718 = tpu.vector_load %arg11[%get3A_715, %get3A_716, %get3A_717] {strides = array<i32>} : memref<2x8x128xi32, #tpu.memory_space<vmem>>, vector<16xi32>,
      %shift_right_logical3A_719 = arith.constant 7 : i32
      %shift_right_logical3A_720 = vector.broadcast %shift_right_logical3A_719 : i32 to vector<16xi32>
      %shift_right_logical3A_721 = arith.shrui %get3A_718, %shift_right_logical3A_720 : vector<16xi32>
      %and3A_722 = arith.constant 127 : i32
      %and3A_723 = vector.broadcast %and3A_722 : i32 to vector<16xi32>
      %and3A_724 = arith.andi %get3A_718, %and3A_723 : vector<16xi32>
      tpu.vector_store_idx %arg9[%shift_right_logical3A_721, %and3A_724], %broadcast_in_dim3A_59 {add = true} : memref<80x128xf32, #tpu.memory_space<vmem>>[vector<16xi32>, vector<16xi32>], vector<16xf32>,
      %get3A_725 = arith.constant 3 : i32
      %get3A_726 = arith.index_cast %and3A_252 : i32 to index
      %get3A_727 = arith.index_cast %get3A_725 : i32 to index
      %get3A_728 = arith.constant 48 : index
      %get3A_729 = tpu.vector_load %arg11[%get3A_726, %get3A_727, %get3A_728] {strides = array<i32>} : memref<2x8x128xi32, #tpu.memory_space<vmem>>, vector<16xi32>,
      %shift_right_logical3A_730 = arith.constant 7 : i32
      %shift_right_logical3A_731 = vector.broadcast %shift_right_logical3A_730 : i32 to vector<16xi32>
      %shift_right_logical3A_732 = arith.shrui %get3A_729, %shift_right_logical3A_731 : vector<16xi32>
      %and3A_733 = arith.constant 127 : i32
      %and3A_734 = vector.broadcast %and3A_733 : i32 to vector<16xi32>
      %and3A_735 = arith.andi %get3A_729, %and3A_734 : vector<16xi32>
      tpu.vector_store_idx %arg9[%shift_right_logical3A_732, %and3A_735], %broadcast_in_dim3A_59 {add = true} : memref<80x128xf32, #tpu.memory_space<vmem>>[vector<16xi32>, vector<16xi32>], vector<16xf32>,
      %get3A_736 = arith.constant 3 : i32
      %get3A_737 = arith.index_cast %and3A_252 : i32 to index
      %get3A_738 = arith.index_cast %get3A_736 : i32 to index
      %get3A_739 = arith.constant 64 : index
      %get3A_740 = tpu.vector_load %arg11[%get3A_737, %get3A_738, %get3A_739] {strides = array<i32>} : memref<2x8x128xi32, #tpu.memory_space<vmem>>, vector<16xi32>,
      %shift_right_logical3A_741 = arith.constant 7 : i32
      %shift_right_logical3A_742 = vector.broadcast %shift_right_logical3A_741 : i32 to vector<16xi32>
      %shift_right_logical3A_743 = arith.shrui %get3A_740, %shift_right_logical3A_742 : vector<16xi32>
      %and3A_744 = arith.constant 127 : i32
      %and3A_745 = vector.broadcast %and3A_744 : i32 to vector<16xi32>
      %and3A_746 = arith.andi %get3A_740, %and3A_745 : vector<16xi32>
      tpu.vector_store_idx %arg9[%shift_right_logical3A_743, %and3A_746], %broadcast_in_dim3A_59 {add = true} : memref<80x128xf32, #tpu.memory_space<vmem>>[vector<16xi32>, vector<16xi32>], vector<16xf32>,
      %get3A_747 = arith.constant 3 : i32
      %get3A_748 = arith.index_cast %and3A_252 : i32 to index
      %get3A_749 = arith.index_cast %get3A_747 : i32 to index
      %get3A_750 = arith.constant 80 : index
      %get3A_751 = tpu.vector_load %arg11[%get3A_748, %get3A_749, %get3A_750] {strides = array<i32>} : memref<2x8x128xi32, #tpu.memory_space<vmem>>, vector<16xi32>,
      %shift_right_logical3A_752 = arith.constant 7 : i32
      %shift_right_logical3A_753 = vector.broadcast %shift_right_logical3A_752 : i32 to vector<16xi32>
      %shift_right_logical3A_754 = arith.shrui %get3A_751, %shift_right_logical3A_753 : vector<16xi32>
      %and3A_755 = arith.constant 127 : i32
      %and3A_756 = vector.broadcast %and3A_755 : i32 to vector<16xi32>
      %and3A_757 = arith.andi %get3A_751, %and3A_756 : vector<16xi32>
      tpu.vector_store_idx %arg9[%shift_right_logical3A_754, %and3A_757], %broadcast_in_dim3A_59 {add = true} : memref<80x128xf32, #tpu.memory_space<vmem>>[vector<16xi32>, vector<16xi32>], vector<16xf32>,
      %get3A_758 = arith.constant 3 : i32
      %get3A_759 = arith.index_cast %and3A_252 : i32 to index
      %get3A_760 = arith.index_cast %get3A_758 : i32 to index
      %get3A_761 = arith.constant 96 : index
      %get3A_762 = tpu.vector_load %arg11[%get3A_759, %get3A_760, %get3A_761] {strides = array<i32>} : memref<2x8x128xi32, #tpu.memory_space<vmem>>, vector<16xi32>,
      %shift_right_logical3A_763 = arith.constant 7 : i32
      %shift_right_logical3A_764 = vector.broadcast %shift_right_logical3A_763 : i32 to vector<16xi32>
      %shift_right_logical3A_765 = arith.shrui %get3A_762, %shift_right_logical3A_764 : vector<16xi32>
      %and3A_766 = arith.constant 127 : i32
      %and3A_767 = vector.broadcast %and3A_766 : i32 to vector<16xi32>
      %and3A_768 = arith.andi %get3A_762, %and3A_767 : vector<16xi32>
      tpu.vector_store_idx %arg9[%shift_right_logical3A_765, %and3A_768], %broadcast_in_dim3A_59 {add = true} : memref<80x128xf32, #tpu.memory_space<vmem>>[vector<16xi32>, vector<16xi32>], vector<16xf32>,
      %get3A_769 = arith.constant 3 : i32
      %get3A_770 = arith.index_cast %and3A_252 : i32 to index
      %get3A_771 = arith.index_cast %get3A_769 : i32 to index
      %get3A_772 = arith.constant 112 : index
      %get3A_773 = tpu.vector_load %arg11[%get3A_770, %get3A_771, %get3A_772] {strides = array<i32>} : memref<2x8x128xi32, #tpu.memory_space<vmem>>, vector<16xi32>,
      %shift_right_logical3A_774 = arith.constant 7 : i32
      %shift_right_logical3A_775 = vector.broadcast %shift_right_logical3A_774 : i32 to vector<16xi32>
      %shift_right_logical3A_776 = arith.shrui %get3A_773, %shift_right_logical3A_775 : vector<16xi32>
      %and3A_777 = arith.constant 127 : i32
      %and3A_778 = vector.broadcast %and3A_777 : i32 to vector<16xi32>
      %and3A_779 = arith.andi %get3A_773, %and3A_778 : vector<16xi32>
      tpu.vector_store_idx %arg9[%shift_right_logical3A_776, %and3A_779], %broadcast_in_dim3A_59 {add = true} : memref<80x128xf32, #tpu.memory_space<vmem>>[vector<16xi32>, vector<16xi32>], vector<16xf32>,
      %dma_wait3A_780 = arith.constant 3 : i32
      %dma_wait3A_781 = arith.constant 0 : i32
      %dma_wait3A_782 = arith.constant 0 : i32
      %dma_wait3A_783 = tpu.memref_slice %arg12[%dma_wait3A_781, %dma_wait3A_782] : memref<128x128xf32, #tpu.memory_space<vmem>> -> memref<64x128xf32, #tpu.memory_space<vmem>>
      %dma_wait3A_784 = arith.constant 0 : i32
      %dma_wait3A_785 = tpu.memref_slice %arg10[%and3A_252, %dma_wait3A_780, %dma_wait3A_784] : memref<2x8x128xi32, #tpu.memory_space<vmem>> -> memref<1x1x64xi32, #tpu.memory_space<vmem>>
      %dma_wait3A_786 = tpu.memref_squeeze %dma_wait3A_785 : memref<1x1x64xi32, #tpu.memory_space<vmem>> -> memref<64xi32, #tpu.memory_space<vmem>>
      %dma_wait3A_787 = arith.constant 0 : i32
      %dma_wait3A_788 = arith.constant 0 : i32
      %dma_wait3A_789 = tpu.memref_slice %arg2[%dma_wait3A_787, %dma_wait3A_788] : memref<10000x128xf32, #tpu.memory_space<hbm>> -> memref<10000x128xf32, #tpu.memory_space<hbm>>
      tpu.wait_indirect_dma semaphore(%arg16 : memref<!tpu.dma_semaphore, #tpu.memory_space<semaphore_mem>>) src(%dma_wait3A_789 : memref<10000x128xf32, #tpu.memory_space<hbm>>) dst(%dma_wait3A_783 : memref<64x128xf32, #tpu.memory_space<vmem>>)
      %dma_wait3A_790 = arith.constant 3 : i32
      %dma_wait3A_791 = arith.constant 64 : i32
      %dma_wait3A_792 = arith.constant 0 : i32
      %dma_wait3A_793 = tpu.memref_slice %arg12[%dma_wait3A_791, %dma_wait3A_792] : memref<128x128xf32, #tpu.memory_space<vmem>> -> memref<64x128xf32, #tpu.memory_space<vmem>>
      %dma_wait3A_794 = arith.constant 64 : i32
      %dma_wait3A_795 = tpu.memref_slice %arg10[%and3A_252, %dma_wait3A_790, %dma_wait3A_794] : memref<2x8x128xi32, #tpu.memory_space<vmem>> -> memref<1x1x64xi32, #tpu.memory_space<vmem>>
      %dma_wait3A_796 = tpu.memref_squeeze %dma_wait3A_795 : memref<1x1x64xi32, #tpu.memory_space<vmem>> -> memref<64xi32, #tpu.memory_space<vmem>>
      %dma_wait3A_797 = arith.constant 0 : i32
      %dma_wait3A_798 = arith.constant 0 : i32
      %dma_wait3A_799 = tpu.memref_slice %arg2[%dma_wait3A_797, %dma_wait3A_798] : memref<10000x128xf32, #tpu.memory_space<hbm>> -> memref<10000x128xf32, #tpu.memory_space<hbm>>
      tpu.wait_indirect_dma semaphore(%arg17 : memref<!tpu.dma_semaphore, #tpu.memory_space<semaphore_mem>>) src(%dma_wait3A_799 : memref<10000x128xf32, #tpu.memory_space<hbm>>) dst(%dma_wait3A_793 : memref<64x128xf32, #tpu.memory_space<vmem>>)
      %run_scoped3A_800 = arith.constant 3 : i32
      "tpu.region"() ({
        %run_scoped3A_1345 = tpu.sem_alloc : memref<!tpu.dma_semaphore, #tpu.memory_space<semaphore_mem>>
        %dma_start3A_1346 = arith.constant 0 : i32
        %dma_start3A_1347 = tpu.memref_slice %arg11[%and3A_252, %run_scoped3A_800, %dma_start3A_1346] : memref<2x8x128xi32, #tpu.memory_space<vmem>> -> memref<1x1x128xi32, #tpu.memory_space<vmem>>
        %dma_start3A_1348 = tpu.memref_squeeze %dma_start3A_1347 : memref<1x1x128xi32, #tpu.memory_space<vmem>> -> memref<128xi32, #tpu.memory_space<vmem>>
        %dma_start3A_1349 = arith.constant 0 : i32
        %dma_start3A_1350 = arith.constant 0 : i32
        %dma_start3A_1351 = tpu.memref_slice %arg7[%dma_start3A_1349, %dma_start3A_1350] : memref<10240x128xf32, #tpu.memory_space<vmem_shared>> -> memref<10240x128xf32, #tpu.memory_space<vmem_shared>>
        tpu.enqueue_indirect_dma source(%arg12 : memref<128x128xf32, #tpu.memory_space<vmem>>) target(%dma_start3A_1351 : memref<10240x128xf32, #tpu.memory_space<vmem_shared>>) offsets(%dma_start3A_1348 : memref<128xi32, #tpu.memory_space<vmem>>) semaphore(%run_scoped3A_1345 : memref<!tpu.dma_semaphore, #tpu.memory_space<semaphore_mem>>) {add = true}
        %dma_wait3A_1352 = arith.constant 0 : i32
        %dma_wait3A_1353 = tpu.memref_slice %arg11[%and3A_252, %run_scoped3A_800, %dma_wait3A_1352] : memref<2x8x128xi32, #tpu.memory_space<vmem>> -> memref<1x1x128xi32, #tpu.memory_space<vmem>>
        %dma_wait3A_1354 = tpu.memref_squeeze %dma_wait3A_1353 : memref<1x1x128xi32, #tpu.memory_space<vmem>> -> memref<128xi32, #tpu.memory_space<vmem>>
        %dma_wait3A_1355 = arith.constant 0 : i32
        %dma_wait3A_1356 = arith.constant 0 : i32
        %dma_wait3A_1357 = tpu.memref_slice %arg7[%dma_wait3A_1355, %dma_wait3A_1356] : memref<10240x128xf32, #tpu.memory_space<vmem_shared>> -> memref<10240x128xf32, #tpu.memory_space<vmem_shared>>
        tpu.wait_indirect_dma semaphore(%run_scoped3A_1345 : memref<!tpu.dma_semaphore, #tpu.memory_space<semaphore_mem>>) src(%arg12 : memref<128x128xf32, #tpu.memory_space<vmem>>) dst(%dma_wait3A_1357 : memref<10240x128xf32, #tpu.memory_space<vmem_shared>>)
        tpu.yield
      }) : () -> ()
      %dma_start3A_801 = arith.constant 4 : i32
      %dma_start3A_802 = arith.constant 0 : i32
      %dma_start3A_803 = arith.constant 0 : i32
      %dma_start3A_804 = tpu.memref_slice %arg12[%dma_start3A_802, %dma_start3A_803] : memref<128x128xf32, #tpu.memory_space<vmem>> -> memref<64x128xf32, #tpu.memory_space<vmem>>
      %dma_start3A_805 = arith.constant 0 : i32
      %dma_start3A_806 = tpu.memref_slice %arg10[%and3A_252, %dma_start3A_801, %dma_start3A_805] : memref<2x8x128xi32, #tpu.memory_space<vmem>> -> memref<1x1x64xi32, #tpu.memory_space<vmem>>
      %dma_start3A_807 = tpu.memref_squeeze %dma_start3A_806 : memref<1x1x64xi32, #tpu.memory_space<vmem>> -> memref<64xi32, #tpu.memory_space<vmem>>
      %dma_start3A_808 = arith.constant 0 : i32
      %dma_start3A_809 = arith.constant 0 : i32
      %dma_start3A_810 = tpu.memref_slice %arg2[%dma_start3A_808, %dma_start3A_809] : memref<10000x128xf32, #tpu.memory_space<hbm>> -> memref<10000x128xf32, #tpu.memory_space<hbm>>
      tpu.enqueue_indirect_dma source(%dma_start3A_810 : memref<10000x128xf32, #tpu.memory_space<hbm>>) target(%dma_start3A_804 : memref<64x128xf32, #tpu.memory_space<vmem>>) offsets(%dma_start3A_807 : memref<64xi32, #tpu.memory_space<vmem>>) semaphore(%arg16 : memref<!tpu.dma_semaphore, #tpu.memory_space<semaphore_mem>>)
      %dma_start3A_811 = arith.constant 4 : i32
      %dma_start3A_812 = arith.constant 64 : i32
      %dma_start3A_813 = arith.constant 0 : i32
      %dma_start3A_814 = tpu.memref_slice %arg12[%dma_start3A_812, %dma_start3A_813] : memref<128x128xf32, #tpu.memory_space<vmem>> -> memref<64x128xf32, #tpu.memory_space<vmem>>
      %dma_start3A_815 = arith.constant 64 : i32
      %dma_start3A_816 = tpu.memref_slice %arg10[%and3A_252, %dma_start3A_811, %dma_start3A_815] : memref<2x8x128xi32, #tpu.memory_space<vmem>> -> memref<1x1x64xi32, #tpu.memory_space<vmem>>
      %dma_start3A_817 = tpu.memref_squeeze %dma_start3A_816 : memref<1x1x64xi32, #tpu.memory_space<vmem>> -> memref<64xi32, #tpu.memory_space<vmem>>
      %dma_start3A_818 = arith.constant 0 : i32
      %dma_start3A_819 = arith.constant 0 : i32
      %dma_start3A_820 = tpu.memref_slice %arg2[%dma_start3A_818, %dma_start3A_819] : memref<10000x128xf32, #tpu.memory_space<hbm>> -> memref<10000x128xf32, #tpu.memory_space<hbm>>
      tpu.enqueue_indirect_dma source(%dma_start3A_820 : memref<10000x128xf32, #tpu.memory_space<hbm>>) target(%dma_start3A_814 : memref<64x128xf32, #tpu.memory_space<vmem>>) offsets(%dma_start3A_817 : memref<64xi32, #tpu.memory_space<vmem>>) semaphore(%arg17 : memref<!tpu.dma_semaphore, #tpu.memory_space<semaphore_mem>>)
      %get3A_821 = arith.constant 4 : i32
      %get3A_822 = arith.index_cast %and3A_252 : i32 to index
      %get3A_823 = arith.index_cast %get3A_821 : i32 to index
      %get3A_824 = arith.constant 0 : index
      %get3A_825 = tpu.vector_load %arg11[%get3A_822, %get3A_823, %get3A_824] {strides = array<i32>} : memref<2x8x128xi32, #tpu.memory_space<vmem>>, vector<16xi32>,
      %shift_right_logical3A_826 = arith.constant 7 : i32
      %shift_right_logical3A_827 = vector.broadcast %shift_right_logical3A_826 : i32 to vector<16xi32>
      %shift_right_logical3A_828 = arith.shrui %get3A_825, %shift_right_logical3A_827 : vector<16xi32>
      %and3A_829 = arith.constant 127 : i32
      %and3A_830 = vector.broadcast %and3A_829 : i32 to vector<16xi32>
      %and3A_831 = arith.andi %get3A_825, %and3A_830 : vector<16xi32>
      tpu.vector_store_idx %arg9[%shift_right_logical3A_828, %and3A_831], %broadcast_in_dim3A_59 {add = true} : memref<80x128xf32, #tpu.memory_space<vmem>>[vector<16xi32>, vector<16xi32>], vector<16xf32>,
      %get3A_832 = arith.constant 4 : i32
      %get3A_833 = arith.index_cast %and3A_252 : i32 to index
      %get3A_834 = arith.index_cast %get3A_832 : i32 to index
      %get3A_835 = arith.constant 16 : index
      %get3A_836 = tpu.vector_load %arg11[%get3A_833, %get3A_834, %get3A_835] {strides = array<i32>} : memref<2x8x128xi32, #tpu.memory_space<vmem>>, vector<16xi32>,
      %shift_right_logical3A_837 = arith.constant 7 : i32
      %shift_right_logical3A_838 = vector.broadcast %shift_right_logical3A_837 : i32 to vector<16xi32>
      %shift_right_logical3A_839 = arith.shrui %get3A_836, %shift_right_logical3A_838 : vector<16xi32>
      %and3A_840 = arith.constant 127 : i32
      %and3A_841 = vector.broadcast %and3A_840 : i32 to vector<16xi32>
      %and3A_842 = arith.andi %get3A_836, %and3A_841 : vector<16xi32>
      tpu.vector_store_idx %arg9[%shift_right_logical3A_839, %and3A_842], %broadcast_in_dim3A_59 {add = true} : memref<80x128xf32, #tpu.memory_space<vmem>>[vector<16xi32>, vector<16xi32>], vector<16xf32>,
      %get3A_843 = arith.constant 4 : i32
      %get3A_844 = arith.index_cast %and3A_252 : i32 to index
      %get3A_845 = arith.index_cast %get3A_843 : i32 to index
      %get3A_846 = arith.constant 32 : index
      %get3A_847 = tpu.vector_load %arg11[%get3A_844, %get3A_845, %get3A_846] {strides = array<i32>} : memref<2x8x128xi32, #tpu.memory_space<vmem>>, vector<16xi32>,
      %shift_right_logical3A_848 = arith.constant 7 : i32
      %shift_right_logical3A_849 = vector.broadcast %shift_right_logical3A_848 : i32 to vector<16xi32>
      %shift_right_logical3A_850 = arith.shrui %get3A_847, %shift_right_logical3A_849 : vector<16xi32>
      %and3A_851 = arith.constant 127 : i32
      %and3A_852 = vector.broadcast %and3A_851 : i32 to vector<16xi32>
      %and3A_853 = arith.andi %get3A_847, %and3A_852 : vector<16xi32>
      tpu.vector_store_idx %arg9[%shift_right_logical3A_850, %and3A_853], %broadcast_in_dim3A_59 {add = true} : memref<80x128xf32, #tpu.memory_space<vmem>>[vector<16xi32>, vector<16xi32>], vector<16xf32>,
      %get3A_854 = arith.constant 4 : i32
      %get3A_855 = arith.index_cast %and3A_252 : i32 to index
      %get3A_856 = arith.index_cast %get3A_854 : i32 to index
      %get3A_857 = arith.constant 48 : index
      %get3A_858 = tpu.vector_load %arg11[%get3A_855, %get3A_856, %get3A_857] {strides = array<i32>} : memref<2x8x128xi32, #tpu.memory_space<vmem>>, vector<16xi32>,
      %shift_right_logical3A_859 = arith.constant 7 : i32
      %shift_right_logical3A_860 = vector.broadcast %shift_right_logical3A_859 : i32 to vector<16xi32>
      %shift_right_logical3A_861 = arith.shrui %get3A_858, %shift_right_logical3A_860 : vector<16xi32>
      %and3A_862 = arith.constant 127 : i32
      %and3A_863 = vector.broadcast %and3A_862 : i32 to vector<16xi32>
      %and3A_864 = arith.andi %get3A_858, %and3A_863 : vector<16xi32>
      tpu.vector_store_idx %arg9[%shift_right_logical3A_861, %and3A_864], %broadcast_in_dim3A_59 {add = true} : memref<80x128xf32, #tpu.memory_space<vmem>>[vector<16xi32>, vector<16xi32>], vector<16xf32>,
      %get3A_865 = arith.constant 4 : i32
      %get3A_866 = arith.index_cast %and3A_252 : i32 to index
      %get3A_867 = arith.index_cast %get3A_865 : i32 to index
      %get3A_868 = arith.constant 64 : index
      %get3A_869 = tpu.vector_load %arg11[%get3A_866, %get3A_867, %get3A_868] {strides = array<i32>} : memref<2x8x128xi32, #tpu.memory_space<vmem>>, vector<16xi32>,
      %shift_right_logical3A_870 = arith.constant 7 : i32
      %shift_right_logical3A_871 = vector.broadcast %shift_right_logical3A_870 : i32 to vector<16xi32>
      %shift_right_logical3A_872 = arith.shrui %get3A_869, %shift_right_logical3A_871 : vector<16xi32>
      %and3A_873 = arith.constant 127 : i32
      %and3A_874 = vector.broadcast %and3A_873 : i32 to vector<16xi32>
      %and3A_875 = arith.andi %get3A_869, %and3A_874 : vector<16xi32>
      tpu.vector_store_idx %arg9[%shift_right_logical3A_872, %and3A_875], %broadcast_in_dim3A_59 {add = true} : memref<80x128xf32, #tpu.memory_space<vmem>>[vector<16xi32>, vector<16xi32>], vector<16xf32>,
      %get3A_876 = arith.constant 4 : i32
      %get3A_877 = arith.index_cast %and3A_252 : i32 to index
      %get3A_878 = arith.index_cast %get3A_876 : i32 to index
      %get3A_879 = arith.constant 80 : index
      %get3A_880 = tpu.vector_load %arg11[%get3A_877, %get3A_878, %get3A_879] {strides = array<i32>} : memref<2x8x128xi32, #tpu.memory_space<vmem>>, vector<16xi32>,
      %shift_right_logical3A_881 = arith.constant 7 : i32
      %shift_right_logical3A_882 = vector.broadcast %shift_right_logical3A_881 : i32 to vector<16xi32>
      %shift_right_logical3A_883 = arith.shrui %get3A_880, %shift_right_logical3A_882 : vector<16xi32>
      %and3A_884 = arith.constant 127 : i32
      %and3A_885 = vector.broadcast %and3A_884 : i32 to vector<16xi32>
      %and3A_886 = arith.andi %get3A_880, %and3A_885 : vector<16xi32>
      tpu.vector_store_idx %arg9[%shift_right_logical3A_883, %and3A_886], %broadcast_in_dim3A_59 {add = true} : memref<80x128xf32, #tpu.memory_space<vmem>>[vector<16xi32>, vector<16xi32>], vector<16xf32>,
      %get3A_887 = arith.constant 4 : i32
      %get3A_888 = arith.index_cast %and3A_252 : i32 to index
      %get3A_889 = arith.index_cast %get3A_887 : i32 to index
      %get3A_890 = arith.constant 96 : index
      %get3A_891 = tpu.vector_load %arg11[%get3A_888, %get3A_889, %get3A_890] {strides = array<i32>} : memref<2x8x128xi32, #tpu.memory_space<vmem>>, vector<16xi32>,
      %shift_right_logical3A_892 = arith.constant 7 : i32
      %shift_right_logical3A_893 = vector.broadcast %shift_right_logical3A_892 : i32 to vector<16xi32>
      %shift_right_logical3A_894 = arith.shrui %get3A_891, %shift_right_logical3A_893 : vector<16xi32>
      %and3A_895 = arith.constant 127 : i32
      %and3A_896 = vector.broadcast %and3A_895 : i32 to vector<16xi32>
      %and3A_897 = arith.andi %get3A_891, %and3A_896 : vector<16xi32>
      tpu.vector_store_idx %arg9[%shift_right_logical3A_894, %and3A_897], %broadcast_in_dim3A_59 {add = true} : memref<80x128xf32, #tpu.memory_space<vmem>>[vector<16xi32>, vector<16xi32>], vector<16xf32>,
      %get3A_898 = arith.constant 4 : i32
      %get3A_899 = arith.index_cast %and3A_252 : i32 to index
      %get3A_900 = arith.index_cast %get3A_898 : i32 to index
      %get3A_901 = arith.constant 112 : index
      %get3A_902 = tpu.vector_load %arg11[%get3A_899, %get3A_900, %get3A_901] {strides = array<i32>} : memref<2x8x128xi32, #tpu.memory_space<vmem>>, vector<16xi32>,
      %shift_right_logical3A_903 = arith.constant 7 : i32
      %shift_right_logical3A_904 = vector.broadcast %shift_right_logical3A_903 : i32 to vector<16xi32>
      %shift_right_logical3A_905 = arith.shrui %get3A_902, %shift_right_logical3A_904 : vector<16xi32>
      %and3A_906 = arith.constant 127 : i32
      %and3A_907 = vector.broadcast %and3A_906 : i32 to vector<16xi32>
      %and3A_908 = arith.andi %get3A_902, %and3A_907 : vector<16xi32>
      tpu.vector_store_idx %arg9[%shift_right_logical3A_905, %and3A_908], %broadcast_in_dim3A_59 {add = true} : memref<80x128xf32, #tpu.memory_space<vmem>>[vector<16xi32>, vector<16xi32>], vector<16xf32>,
      %dma_wait3A_909 = arith.constant 4 : i32
      %dma_wait3A_910 = arith.constant 0 : i32
      %dma_wait3A_911 = arith.constant 0 : i32
      %dma_wait3A_912 = tpu.memref_slice %arg12[%dma_wait3A_910, %dma_wait3A_911] : memref<128x128xf32, #tpu.memory_space<vmem>> -> memref<64x128xf32, #tpu.memory_space<vmem>>
      %dma_wait3A_913 = arith.constant 0 : i32
      %dma_wait3A_914 = tpu.memref_slice %arg10[%and3A_252, %dma_wait3A_909, %dma_wait3A_913] : memref<2x8x128xi32, #tpu.memory_space<vmem>> -> memref<1x1x64xi32, #tpu.memory_space<vmem>>
      %dma_wait3A_915 = tpu.memref_squeeze %dma_wait3A_914 : memref<1x1x64xi32, #tpu.memory_space<vmem>> -> memref<64xi32, #tpu.memory_space<vmem>>
      %dma_wait3A_916 = arith.constant 0 : i32
      %dma_wait3A_917 = arith.constant 0 : i32
      %dma_wait3A_918 = tpu.memref_slice %arg2[%dma_wait3A_916, %dma_wait3A_917] : memref<10000x128xf32, #tpu.memory_space<hbm>> -> memref<10000x128xf32, #tpu.memory_space<hbm>>
      tpu.wait_indirect_dma semaphore(%arg16 : memref<!tpu.dma_semaphore, #tpu.memory_space<semaphore_mem>>) src(%dma_wait3A_918 : memref<10000x128xf32, #tpu.memory_space<hbm>>) dst(%dma_wait3A_912 : memref<64x128xf32, #tpu.memory_space<vmem>>)
      %dma_wait3A_919 = arith.constant 4 : i32
      %dma_wait3A_920 = arith.constant 64 : i32
      %dma_wait3A_921 = arith.constant 0 : i32
      %dma_wait3A_922 = tpu.memref_slice %arg12[%dma_wait3A_920, %dma_wait3A_921] : memref<128x128xf32, #tpu.memory_space<vmem>> -> memref<64x128xf32, #tpu.memory_space<vmem>>
      %dma_wait3A_923 = arith.constant 64 : i32
      %dma_wait3A_924 = tpu.memref_slice %arg10[%and3A_252, %dma_wait3A_919, %dma_wait3A_923] : memref<2x8x128xi32, #tpu.memory_space<vmem>> -> memref<1x1x64xi32, #tpu.memory_space<vmem>>
      %dma_wait3A_925 = tpu.memref_squeeze %dma_wait3A_924 : memref<1x1x64xi32, #tpu.memory_space<vmem>> -> memref<64xi32, #tpu.memory_space<vmem>>
      %dma_wait3A_926 = arith.constant 0 : i32
      %dma_wait3A_927 = arith.constant 0 : i32
      %dma_wait3A_928 = tpu.memref_slice %arg2[%dma_wait3A_926, %dma_wait3A_927] : memref<10000x128xf32, #tpu.memory_space<hbm>> -> memref<10000x128xf32, #tpu.memory_space<hbm>>
      tpu.wait_indirect_dma semaphore(%arg17 : memref<!tpu.dma_semaphore, #tpu.memory_space<semaphore_mem>>) src(%dma_wait3A_928 : memref<10000x128xf32, #tpu.memory_space<hbm>>) dst(%dma_wait3A_922 : memref<64x128xf32, #tpu.memory_space<vmem>>)
      %run_scoped3A_929 = arith.constant 4 : i32
      "tpu.region"() ({
        %run_scoped3A_1345 = tpu.sem_alloc : memref<!tpu.dma_semaphore, #tpu.memory_space<semaphore_mem>>
        %dma_start3A_1346 = arith.constant 0 : i32
        %dma_start3A_1347 = tpu.memref_slice %arg11[%and3A_252, %run_scoped3A_929, %dma_start3A_1346] : memref<2x8x128xi32, #tpu.memory_space<vmem>> -> memref<1x1x128xi32, #tpu.memory_space<vmem>>
        %dma_start3A_1348 = tpu.memref_squeeze %dma_start3A_1347 : memref<1x1x128xi32, #tpu.memory_space<vmem>> -> memref<128xi32, #tpu.memory_space<vmem>>
        %dma_start3A_1349 = arith.constant 0 : i32
        %dma_start3A_1350 = arith.constant 0 : i32
        %dma_start3A_1351 = tpu.memref_slice %arg7[%dma_start3A_1349, %dma_start3A_1350] : memref<10240x128xf32, #tpu.memory_space<vmem_shared>> -> memref<10240x128xf32, #tpu.memory_space<vmem_shared>>
        tpu.enqueue_indirect_dma source(%arg12 : memref<128x128xf32, #tpu.memory_space<vmem>>) target(%dma_start3A_1351 : memref<10240x128xf32, #tpu.memory_space<vmem_shared>>) offsets(%dma_start3A_1348 : memref<128xi32, #tpu.memory_space<vmem>>) semaphore(%run_scoped3A_1345 : memref<!tpu.dma_semaphore, #tpu.memory_space<semaphore_mem>>) {add = true}
        %dma_wait3A_1352 = arith.constant 0 : i32
        %dma_wait3A_1353 = tpu.memref_slice %arg11[%and3A_252, %run_scoped3A_929, %dma_wait3A_1352] : memref<2x8x128xi32, #tpu.memory_space<vmem>> -> memref<1x1x128xi32, #tpu.memory_space<vmem>>
        %dma_wait3A_1354 = tpu.memref_squeeze %dma_wait3A_1353 : memref<1x1x128xi32, #tpu.memory_space<vmem>> -> memref<128xi32, #tpu.memory_space<vmem>>
        %dma_wait3A_1355 = arith.constant 0 : i32
        %dma_wait3A_1356 = arith.constant 0 : i32
        %dma_wait3A_1357 = tpu.memref_slice %arg7[%dma_wait3A_1355, %dma_wait3A_1356] : memref<10240x128xf32, #tpu.memory_space<vmem_shared>> -> memref<10240x128xf32, #tpu.memory_space<vmem_shared>>
        tpu.wait_indirect_dma semaphore(%run_scoped3A_1345 : memref<!tpu.dma_semaphore, #tpu.memory_space<semaphore_mem>>) src(%arg12 : memref<128x128xf32, #tpu.memory_space<vmem>>) dst(%dma_wait3A_1357 : memref<10240x128xf32, #tpu.memory_space<vmem_shared>>)
        tpu.yield
      }) : () -> ()
      %dma_start3A_930 = arith.constant 5 : i32
      %dma_start3A_931 = arith.constant 0 : i32
      %dma_start3A_932 = arith.constant 0 : i32
      %dma_start3A_933 = tpu.memref_slice %arg12[%dma_start3A_931, %dma_start3A_932] : memref<128x128xf32, #tpu.memory_space<vmem>> -> memref<64x128xf32, #tpu.memory_space<vmem>>
      %dma_start3A_934 = arith.constant 0 : i32
      %dma_start3A_935 = tpu.memref_slice %arg10[%and3A_252, %dma_start3A_930, %dma_start3A_934] : memref<2x8x128xi32, #tpu.memory_space<vmem>> -> memref<1x1x64xi32, #tpu.memory_space<vmem>>
      %dma_start3A_936 = tpu.memref_squeeze %dma_start3A_935 : memref<1x1x64xi32, #tpu.memory_space<vmem>> -> memref<64xi32, #tpu.memory_space<vmem>>
      %dma_start3A_937 = arith.constant 0 : i32
      %dma_start3A_938 = arith.constant 0 : i32
      %dma_start3A_939 = tpu.memref_slice %arg2[%dma_start3A_937, %dma_start3A_938] : memref<10000x128xf32, #tpu.memory_space<hbm>> -> memref<10000x128xf32, #tpu.memory_space<hbm>>
      tpu.enqueue_indirect_dma source(%dma_start3A_939 : memref<10000x128xf32, #tpu.memory_space<hbm>>) target(%dma_start3A_933 : memref<64x128xf32, #tpu.memory_space<vmem>>) offsets(%dma_start3A_936 : memref<64xi32, #tpu.memory_space<vmem>>) semaphore(%arg16 : memref<!tpu.dma_semaphore, #tpu.memory_space<semaphore_mem>>)
      %dma_start3A_940 = arith.constant 5 : i32
      %dma_start3A_941 = arith.constant 64 : i32
      %dma_start3A_942 = arith.constant 0 : i32
      %dma_start3A_943 = tpu.memref_slice %arg12[%dma_start3A_941, %dma_start3A_942] : memref<128x128xf32, #tpu.memory_space<vmem>> -> memref<64x128xf32, #tpu.memory_space<vmem>>
      %dma_start3A_944 = arith.constant 64 : i32
      %dma_start3A_945 = tpu.memref_slice %arg10[%and3A_252, %dma_start3A_940, %dma_start3A_944] : memref<2x8x128xi32, #tpu.memory_space<vmem>> -> memref<1x1x64xi32, #tpu.memory_space<vmem>>
      %dma_start3A_946 = tpu.memref_squeeze %dma_start3A_945 : memref<1x1x64xi32, #tpu.memory_space<vmem>> -> memref<64xi32, #tpu.memory_space<vmem>>
      %dma_start3A_947 = arith.constant 0 : i32
      %dma_start3A_948 = arith.constant 0 : i32
      %dma_start3A_949 = tpu.memref_slice %arg2[%dma_start3A_947, %dma_start3A_948] : memref<10000x128xf32, #tpu.memory_space<hbm>> -> memref<10000x128xf32, #tpu.memory_space<hbm>>
      tpu.enqueue_indirect_dma source(%dma_start3A_949 : memref<10000x128xf32, #tpu.memory_space<hbm>>) target(%dma_start3A_943 : memref<64x128xf32, #tpu.memory_space<vmem>>) offsets(%dma_start3A_946 : memref<64xi32, #tpu.memory_space<vmem>>) semaphore(%arg17 : memref<!tpu.dma_semaphore, #tpu.memory_space<semaphore_mem>>)
      %get3A_950 = arith.constant 5 : i32
      %get3A_951 = arith.index_cast %and3A_252 : i32 to index
      %get3A_952 = arith.index_cast %get3A_950 : i32 to index
      %get3A_953 = arith.constant 0 : index
      %get3A_954 = tpu.vector_load %arg11[%get3A_951, %get3A_952, %get3A_953] {strides = array<i32>} : memref<2x8x128xi32, #tpu.memory_space<vmem>>, vector<16xi32>,
      %shift_right_logical3A_955 = arith.constant 7 : i32
      %shift_right_logical3A_956 = vector.broadcast %shift_right_logical3A_955 : i32 to vector<16xi32>
      %shift_right_logical3A_957 = arith.shrui %get3A_954, %shift_right_logical3A_956 : vector<16xi32>
      %and3A_958 = arith.constant 127 : i32
      %and3A_959 = vector.broadcast %and3A_958 : i32 to vector<16xi32>
      %and3A_960 = arith.andi %get3A_954, %and3A_959 : vector<16xi32>
      tpu.vector_store_idx %arg9[%shift_right_logical3A_957, %and3A_960], %broadcast_in_dim3A_59 {add = true} : memref<80x128xf32, #tpu.memory_space<vmem>>[vector<16xi32>, vector<16xi32>], vector<16xf32>,
      %get3A_961 = arith.constant 5 : i32
      %get3A_962 = arith.index_cast %and3A_252 : i32 to index
      %get3A_963 = arith.index_cast %get3A_961 : i32 to index
      %get3A_964 = arith.constant 16 : index
      %get3A_965 = tpu.vector_load %arg11[%get3A_962, %get3A_963, %get3A_964] {strides = array<i32>} : memref<2x8x128xi32, #tpu.memory_space<vmem>>, vector<16xi32>,
      %shift_right_logical3A_966 = arith.constant 7 : i32
      %shift_right_logical3A_967 = vector.broadcast %shift_right_logical3A_966 : i32 to vector<16xi32>
      %shift_right_logical3A_968 = arith.shrui %get3A_965, %shift_right_logical3A_967 : vector<16xi32>
      %and3A_969 = arith.constant 127 : i32
      %and3A_970 = vector.broadcast %and3A_969 : i32 to vector<16xi32>
      %and3A_971 = arith.andi %get3A_965, %and3A_970 : vector<16xi32>
      tpu.vector_store_idx %arg9[%shift_right_logical3A_968, %and3A_971], %broadcast_in_dim3A_59 {add = true} : memref<80x128xf32, #tpu.memory_space<vmem>>[vector<16xi32>, vector<16xi32>], vector<16xf32>,
      %get3A_972 = arith.constant 5 : i32
      %get3A_973 = arith.index_cast %and3A_252 : i32 to index
      %get3A_974 = arith.index_cast %get3A_972 : i32 to index
      %get3A_975 = arith.constant 32 : index
      %get3A_976 = tpu.vector_load %arg11[%get3A_973, %get3A_974, %get3A_975] {strides = array<i32>} : memref<2x8x128xi32, #tpu.memory_space<vmem>>, vector<16xi32>,
      %shift_right_logical3A_977 = arith.constant 7 : i32
      %shift_right_logical3A_978 = vector.broadcast %shift_right_logical3A_977 : i32 to vector<16xi32>
      %shift_right_logical3A_979 = arith.shrui %get3A_976, %shift_right_logical3A_978 : vector<16xi32>
      %and3A_980 = arith.constant 127 : i32
      %and3A_981 = vector.broadcast %and3A_980 : i32 to vector<16xi32>
      %and3A_982 = arith.andi %get3A_976, %and3A_981 : vector<16xi32>
      tpu.vector_store_idx %arg9[%shift_right_logical3A_979, %and3A_982], %broadcast_in_dim3A_59 {add = true} : memref<80x128xf32, #tpu.memory_space<vmem>>[vector<16xi32>, vector<16xi32>], vector<16xf32>,
      %get3A_983 = arith.constant 5 : i32
      %get3A_984 = arith.index_cast %and3A_252 : i32 to index
      %get3A_985 = arith.index_cast %get3A_983 : i32 to index
      %get3A_986 = arith.constant 48 : index
      %get3A_987 = tpu.vector_load %arg11[%get3A_984, %get3A_985, %get3A_986] {strides = array<i32>} : memref<2x8x128xi32, #tpu.memory_space<vmem>>, vector<16xi32>,
      %shift_right_logical3A_988 = arith.constant 7 : i32
      %shift_right_logical3A_989 = vector.broadcast %shift_right_logical3A_988 : i32 to vector<16xi32>
      %shift_right_logical3A_990 = arith.shrui %get3A_987, %shift_right_logical3A_989 : vector<16xi32>
      %and3A_991 = arith.constant 127 : i32
      %and3A_992 = vector.broadcast %and3A_991 : i32 to vector<16xi32>
      %and3A_993 = arith.andi %get3A_987, %and3A_992 : vector<16xi32>
      tpu.vector_store_idx %arg9[%shift_right_logical3A_990, %and3A_993], %broadcast_in_dim3A_59 {add = true} : memref<80x128xf32, #tpu.memory_space<vmem>>[vector<16xi32>, vector<16xi32>], vector<16xf32>,
      %get3A_994 = arith.constant 5 : i32
      %get3A_995 = arith.index_cast %and3A_252 : i32 to index
      %get3A_996 = arith.index_cast %get3A_994 : i32 to index
      %get3A_997 = arith.constant 64 : index
      %get3A_998 = tpu.vector_load %arg11[%get3A_995, %get3A_996, %get3A_997] {strides = array<i32>} : memref<2x8x128xi32, #tpu.memory_space<vmem>>, vector<16xi32>,
      %shift_right_logical3A_999 = arith.constant 7 : i32
      %shift_right_logical3A_1000 = vector.broadcast %shift_right_logical3A_999 : i32 to vector<16xi32>
      %shift_right_logical3A_1001 = arith.shrui %get3A_998, %shift_right_logical3A_1000 : vector<16xi32>
      %and3A_1002 = arith.constant 127 : i32
      %and3A_1003 = vector.broadcast %and3A_1002 : i32 to vector<16xi32>
      %and3A_1004 = arith.andi %get3A_998, %and3A_1003 : vector<16xi32>
      tpu.vector_store_idx %arg9[%shift_right_logical3A_1001, %and3A_1004], %broadcast_in_dim3A_59 {add = true} : memref<80x128xf32, #tpu.memory_space<vmem>>[vector<16xi32>, vector<16xi32>], vector<16xf32>,
      %get3A_1005 = arith.constant 5 : i32
      %get3A_1006 = arith.index_cast %and3A_252 : i32 to index
      %get3A_1007 = arith.index_cast %get3A_1005 : i32 to index
      %get3A_1008 = arith.constant 80 : index
      %get3A_1009 = tpu.vector_load %arg11[%get3A_1006, %get3A_1007, %get3A_1008] {strides = array<i32>} : memref<2x8x128xi32, #tpu.memory_space<vmem>>, vector<16xi32>,
      %shift_right_logical3A_1010 = arith.constant 7 : i32
      %shift_right_logical3A_1011 = vector.broadcast %shift_right_logical3A_1010 : i32 to vector<16xi32>
      %shift_right_logical3A_1012 = arith.shrui %get3A_1009, %shift_right_logical3A_1011 : vector<16xi32>
      %and3A_1013 = arith.constant 127 : i32
      %and3A_1014 = vector.broadcast %and3A_1013 : i32 to vector<16xi32>
      %and3A_1015 = arith.andi %get3A_1009, %and3A_1014 : vector<16xi32>
      tpu.vector_store_idx %arg9[%shift_right_logical3A_1012, %and3A_1015], %broadcast_in_dim3A_59 {add = true} : memref<80x128xf32, #tpu.memory_space<vmem>>[vector<16xi32>, vector<16xi32>], vector<16xf32>,
      %get3A_1016 = arith.constant 5 : i32
      %get3A_1017 = arith.index_cast %and3A_252 : i32 to index
      %get3A_1018 = arith.index_cast %get3A_1016 : i32 to index
      %get3A_1019 = arith.constant 96 : index
      %get3A_1020 = tpu.vector_load %arg11[%get3A_1017, %get3A_1018, %get3A_1019] {strides = array<i32>} : memref<2x8x128xi32, #tpu.memory_space<vmem>>, vector<16xi32>,
      %shift_right_logical3A_1021 = arith.constant 7 : i32
      %shift_right_logical3A_1022 = vector.broadcast %shift_right_logical3A_1021 : i32 to vector<16xi32>
      %shift_right_logical3A_1023 = arith.shrui %get3A_1020, %shift_right_logical3A_1022 : vector<16xi32>
      %and3A_1024 = arith.constant 127 : i32
      %and3A_1025 = vector.broadcast %and3A_1024 : i32 to vector<16xi32>
      %and3A_1026 = arith.andi %get3A_1020, %and3A_1025 : vector<16xi32>
      tpu.vector_store_idx %arg9[%shift_right_logical3A_1023, %and3A_1026], %broadcast_in_dim3A_59 {add = true} : memref<80x128xf32, #tpu.memory_space<vmem>>[vector<16xi32>, vector<16xi32>], vector<16xf32>,
      %get3A_1027 = arith.constant 5 : i32
      %get3A_1028 = arith.index_cast %and3A_252 : i32 to index
      %get3A_1029 = arith.index_cast %get3A_1027 : i32 to index
      %get3A_1030 = arith.constant 112 : index
      %get3A_1031 = tpu.vector_load %arg11[%get3A_1028, %get3A_1029, %get3A_1030] {strides = array<i32>} : memref<2x8x128xi32, #tpu.memory_space<vmem>>, vector<16xi32>,
      %shift_right_logical3A_1032 = arith.constant 7 : i32
      %shift_right_logical3A_1033 = vector.broadcast %shift_right_logical3A_1032 : i32 to vector<16xi32>
      %shift_right_logical3A_1034 = arith.shrui %get3A_1031, %shift_right_logical3A_1033 : vector<16xi32>
      %and3A_1035 = arith.constant 127 : i32
      %and3A_1036 = vector.broadcast %and3A_1035 : i32 to vector<16xi32>
      %and3A_1037 = arith.andi %get3A_1031, %and3A_1036 : vector<16xi32>
      tpu.vector_store_idx %arg9[%shift_right_logical3A_1034, %and3A_1037], %broadcast_in_dim3A_59 {add = true} : memref<80x128xf32, #tpu.memory_space<vmem>>[vector<16xi32>, vector<16xi32>], vector<16xf32>,
      %dma_wait3A_1038 = arith.constant 5 : i32
      %dma_wait3A_1039 = arith.constant 0 : i32
      %dma_wait3A_1040 = arith.constant 0 : i32
      %dma_wait3A_1041 = tpu.memref_slice %arg12[%dma_wait3A_1039, %dma_wait3A_1040] : memref<128x128xf32, #tpu.memory_space<vmem>> -> memref<64x128xf32, #tpu.memory_space<vmem>>
      %dma_wait3A_1042 = arith.constant 0 : i32
      %dma_wait3A_1043 = tpu.memref_slice %arg10[%and3A_252, %dma_wait3A_1038, %dma_wait3A_1042] : memref<2x8x128xi32, #tpu.memory_space<vmem>> -> memref<1x1x64xi32, #tpu.memory_space<vmem>>
      %dma_wait3A_1044 = tpu.memref_squeeze %dma_wait3A_1043 : memref<1x1x64xi32, #tpu.memory_space<vmem>> -> memref<64xi32, #tpu.memory_space<vmem>>
      %dma_wait3A_1045 = arith.constant 0 : i32
      %dma_wait3A_1046 = arith.constant 0 : i32
      %dma_wait3A_1047 = tpu.memref_slice %arg2[%dma_wait3A_1045, %dma_wait3A_1046] : memref<10000x128xf32, #tpu.memory_space<hbm>> -> memref<10000x128xf32, #tpu.memory_space<hbm>>
      tpu.wait_indirect_dma semaphore(%arg16 : memref<!tpu.dma_semaphore, #tpu.memory_space<semaphore_mem>>) src(%dma_wait3A_1047 : memref<10000x128xf32, #tpu.memory_space<hbm>>) dst(%dma_wait3A_1041 : memref<64x128xf32, #tpu.memory_space<vmem>>)
      %dma_wait3A_1048 = arith.constant 5 : i32
      %dma_wait3A_1049 = arith.constant 64 : i32
      %dma_wait3A_1050 = arith.constant 0 : i32
      %dma_wait3A_1051 = tpu.memref_slice %arg12[%dma_wait3A_1049, %dma_wait3A_1050] : memref<128x128xf32, #tpu.memory_space<vmem>> -> memref<64x128xf32, #tpu.memory_space<vmem>>
      %dma_wait3A_1052 = arith.constant 64 : i32
      %dma_wait3A_1053 = tpu.memref_slice %arg10[%and3A_252, %dma_wait3A_1048, %dma_wait3A_1052] : memref<2x8x128xi32, #tpu.memory_space<vmem>> -> memref<1x1x64xi32, #tpu.memory_space<vmem>>
      %dma_wait3A_1054 = tpu.memref_squeeze %dma_wait3A_1053 : memref<1x1x64xi32, #tpu.memory_space<vmem>> -> memref<64xi32, #tpu.memory_space<vmem>>
      %dma_wait3A_1055 = arith.constant 0 : i32
      %dma_wait3A_1056 = arith.constant 0 : i32
      %dma_wait3A_1057 = tpu.memref_slice %arg2[%dma_wait3A_1055, %dma_wait3A_1056] : memref<10000x128xf32, #tpu.memory_space<hbm>> -> memref<10000x128xf32, #tpu.memory_space<hbm>>
      tpu.wait_indirect_dma semaphore(%arg17 : memref<!tpu.dma_semaphore, #tpu.memory_space<semaphore_mem>>) src(%dma_wait3A_1057 : memref<10000x128xf32, #tpu.memory_space<hbm>>) dst(%dma_wait3A_1051 : memref<64x128xf32, #tpu.memory_space<vmem>>)
      %run_scoped3A_1058 = arith.constant 5 : i32
      "tpu.region"() ({
        %run_scoped3A_1345 = tpu.sem_alloc : memref<!tpu.dma_semaphore, #tpu.memory_space<semaphore_mem>>
        %dma_start3A_1346 = arith.constant 0 : i32
        %dma_start3A_1347 = tpu.memref_slice %arg11[%and3A_252, %run_scoped3A_1058, %dma_start3A_1346] : memref<2x8x128xi32, #tpu.memory_space<vmem>> -> memref<1x1x128xi32, #tpu.memory_space<vmem>>
        %dma_start3A_1348 = tpu.memref_squeeze %dma_start3A_1347 : memref<1x1x128xi32, #tpu.memory_space<vmem>> -> memref<128xi32, #tpu.memory_space<vmem>>
        %dma_start3A_1349 = arith.constant 0 : i32
        %dma_start3A_1350 = arith.constant 0 : i32
        %dma_start3A_1351 = tpu.memref_slice %arg7[%dma_start3A_1349, %dma_start3A_1350] : memref<10240x128xf32, #tpu.memory_space<vmem_shared>> -> memref<10240x128xf32, #tpu.memory_space<vmem_shared>>
        tpu.enqueue_indirect_dma source(%arg12 : memref<128x128xf32, #tpu.memory_space<vmem>>) target(%dma_start3A_1351 : memref<10240x128xf32, #tpu.memory_space<vmem_shared>>) offsets(%dma_start3A_1348 : memref<128xi32, #tpu.memory_space<vmem>>) semaphore(%run_scoped3A_1345 : memref<!tpu.dma_semaphore, #tpu.memory_space<semaphore_mem>>) {add = true}
        %dma_wait3A_1352 = arith.constant 0 : i32
        %dma_wait3A_1353 = tpu.memref_slice %arg11[%and3A_252, %run_scoped3A_1058, %dma_wait3A_1352] : memref<2x8x128xi32, #tpu.memory_space<vmem>> -> memref<1x1x128xi32, #tpu.memory_space<vmem>>
        %dma_wait3A_1354 = tpu.memref_squeeze %dma_wait3A_1353 : memref<1x1x128xi32, #tpu.memory_space<vmem>> -> memref<128xi32, #tpu.memory_space<vmem>>
        %dma_wait3A_1355 = arith.constant 0 : i32
        %dma_wait3A_1356 = arith.constant 0 : i32
        %dma_wait3A_1357 = tpu.memref_slice %arg7[%dma_wait3A_1355, %dma_wait3A_1356] : memref<10240x128xf32, #tpu.memory_space<vmem_shared>> -> memref<10240x128xf32, #tpu.memory_space<vmem_shared>>
        tpu.wait_indirect_dma semaphore(%run_scoped3A_1345 : memref<!tpu.dma_semaphore, #tpu.memory_space<semaphore_mem>>) src(%arg12 : memref<128x128xf32, #tpu.memory_space<vmem>>) dst(%dma_wait3A_1357 : memref<10240x128xf32, #tpu.memory_space<vmem_shared>>)
        tpu.yield
      }) : () -> ()
      %dma_start3A_1059 = arith.constant 6 : i32
      %dma_start3A_1060 = arith.constant 0 : i32
      %dma_start3A_1061 = arith.constant 0 : i32
      %dma_start3A_1062 = tpu.memref_slice %arg12[%dma_start3A_1060, %dma_start3A_1061] : memref<128x128xf32, #tpu.memory_space<vmem>> -> memref<64x128xf32, #tpu.memory_space<vmem>>
      %dma_start3A_1063 = arith.constant 0 : i32
      %dma_start3A_1064 = tpu.memref_slice %arg10[%and3A_252, %dma_start3A_1059, %dma_start3A_1063] : memref<2x8x128xi32, #tpu.memory_space<vmem>> -> memref<1x1x64xi32, #tpu.memory_space<vmem>>
      %dma_start3A_1065 = tpu.memref_squeeze %dma_start3A_1064 : memref<1x1x64xi32, #tpu.memory_space<vmem>> -> memref<64xi32, #tpu.memory_space<vmem>>
      %dma_start3A_1066 = arith.constant 0 : i32
      %dma_start3A_1067 = arith.constant 0 : i32
      %dma_start3A_1068 = tpu.memref_slice %arg2[%dma_start3A_1066, %dma_start3A_1067] : memref<10000x128xf32, #tpu.memory_space<hbm>> -> memref<10000x128xf32, #tpu.memory_space<hbm>>
      tpu.enqueue_indirect_dma source(%dma_start3A_1068 : memref<10000x128xf32, #tpu.memory_space<hbm>>) target(%dma_start3A_1062 : memref<64x128xf32, #tpu.memory_space<vmem>>) offsets(%dma_start3A_1065 : memref<64xi32, #tpu.memory_space<vmem>>) semaphore(%arg16 : memref<!tpu.dma_semaphore, #tpu.memory_space<semaphore_mem>>)
      %dma_start3A_1069 = arith.constant 6 : i32
      %dma_start3A_1070 = arith.constant 64 : i32
      %dma_start3A_1071 = arith.constant 0 : i32
      %dma_start3A_1072 = tpu.memref_slice %arg12[%dma_start3A_1070, %dma_start3A_1071] : memref<128x128xf32, #tpu.memory_space<vmem>> -> memref<64x128xf32, #tpu.memory_space<vmem>>
      %dma_start3A_1073 = arith.constant 64 : i32
      %dma_start3A_1074 = tpu.memref_slice %arg10[%and3A_252, %dma_start3A_1069, %dma_start3A_1073] : memref<2x8x128xi32, #tpu.memory_space<vmem>> -> memref<1x1x64xi32, #tpu.memory_space<vmem>>
      %dma_start3A_1075 = tpu.memref_squeeze %dma_start3A_1074 : memref<1x1x64xi32, #tpu.memory_space<vmem>> -> memref<64xi32, #tpu.memory_space<vmem>>
      %dma_start3A_1076 = arith.constant 0 : i32
      %dma_start3A_1077 = arith.constant 0 : i32
      %dma_start3A_1078 = tpu.memref_slice %arg2[%dma_start3A_1076, %dma_start3A_1077] : memref<10000x128xf32, #tpu.memory_space<hbm>> -> memref<10000x128xf32, #tpu.memory_space<hbm>>
      tpu.enqueue_indirect_dma source(%dma_start3A_1078 : memref<10000x128xf32, #tpu.memory_space<hbm>>) target(%dma_start3A_1072 : memref<64x128xf32, #tpu.memory_space<vmem>>) offsets(%dma_start3A_1075 : memref<64xi32, #tpu.memory_space<vmem>>) semaphore(%arg17 : memref<!tpu.dma_semaphore, #tpu.memory_space<semaphore_mem>>)
      %get3A_1079 = arith.constant 6 : i32
      %get3A_1080 = arith.index_cast %and3A_252 : i32 to index
      %get3A_1081 = arith.index_cast %get3A_1079 : i32 to index
      %get3A_1082 = arith.constant 0 : index
      %get3A_1083 = tpu.vector_load %arg11[%get3A_1080, %get3A_1081, %get3A_1082] {strides = array<i32>} : memref<2x8x128xi32, #tpu.memory_space<vmem>>, vector<16xi32>,
      %shift_right_logical3A_1084 = arith.constant 7 : i32
      %shift_right_logical3A_1085 = vector.broadcast %shift_right_logical3A_1084 : i32 to vector<16xi32>
      %shift_right_logical3A_1086 = arith.shrui %get3A_1083, %shift_right_logical3A_1085 : vector<16xi32>
      %and3A_1087 = arith.constant 127 : i32
      %and3A_1088 = vector.broadcast %and3A_1087 : i32 to vector<16xi32>
      %and3A_1089 = arith.andi %get3A_1083, %and3A_1088 : vector<16xi32>
      tpu.vector_store_idx %arg9[%shift_right_logical3A_1086, %and3A_1089], %broadcast_in_dim3A_59 {add = true} : memref<80x128xf32, #tpu.memory_space<vmem>>[vector<16xi32>, vector<16xi32>], vector<16xf32>,
      %get3A_1090 = arith.constant 6 : i32
      %get3A_1091 = arith.index_cast %and3A_252 : i32 to index
      %get3A_1092 = arith.index_cast %get3A_1090 : i32 to index
      %get3A_1093 = arith.constant 16 : index
      %get3A_1094 = tpu.vector_load %arg11[%get3A_1091, %get3A_1092, %get3A_1093] {strides = array<i32>} : memref<2x8x128xi32, #tpu.memory_space<vmem>>, vector<16xi32>,
      %shift_right_logical3A_1095 = arith.constant 7 : i32
      %shift_right_logical3A_1096 = vector.broadcast %shift_right_logical3A_1095 : i32 to vector<16xi32>
      %shift_right_logical3A_1097 = arith.shrui %get3A_1094, %shift_right_logical3A_1096 : vector<16xi32>
      %and3A_1098 = arith.constant 127 : i32
      %and3A_1099 = vector.broadcast %and3A_1098 : i32 to vector<16xi32>
      %and3A_1100 = arith.andi %get3A_1094, %and3A_1099 : vector<16xi32>
      tpu.vector_store_idx %arg9[%shift_right_logical3A_1097, %and3A_1100], %broadcast_in_dim3A_59 {add = true} : memref<80x128xf32, #tpu.memory_space<vmem>>[vector<16xi32>, vector<16xi32>], vector<16xf32>,
      %get3A_1101 = arith.constant 6 : i32
      %get3A_1102 = arith.index_cast %and3A_252 : i32 to index
      %get3A_1103 = arith.index_cast %get3A_1101 : i32 to index
      %get3A_1104 = arith.constant 32 : index
      %get3A_1105 = tpu.vector_load %arg11[%get3A_1102, %get3A_1103, %get3A_1104] {strides = array<i32>} : memref<2x8x128xi32, #tpu.memory_space<vmem>>, vector<16xi32>,
      %shift_right_logical3A_1106 = arith.constant 7 : i32
      %shift_right_logical3A_1107 = vector.broadcast %shift_right_logical3A_1106 : i32 to vector<16xi32>
      %shift_right_logical3A_1108 = arith.shrui %get3A_1105, %shift_right_logical3A_1107 : vector<16xi32>
      %and3A_1109 = arith.constant 127 : i32
      %and3A_1110 = vector.broadcast %and3A_1109 : i32 to vector<16xi32>
      %and3A_1111 = arith.andi %get3A_1105, %and3A_1110 : vector<16xi32>
      tpu.vector_store_idx %arg9[%shift_right_logical3A_1108, %and3A_1111], %broadcast_in_dim3A_59 {add = true} : memref<80x128xf32, #tpu.memory_space<vmem>>[vector<16xi32>, vector<16xi32>], vector<16xf32>,
      %get3A_1112 = arith.constant 6 : i32
      %get3A_1113 = arith.index_cast %and3A_252 : i32 to index
      %get3A_1114 = arith.index_cast %get3A_1112 : i32 to index
      %get3A_1115 = arith.constant 48 : index
      %get3A_1116 = tpu.vector_load %arg11[%get3A_1113, %get3A_1114, %get3A_1115] {strides = array<i32>} : memref<2x8x128xi32, #tpu.memory_space<vmem>>, vector<16xi32>,
      %shift_right_logical3A_1117 = arith.constant 7 : i32
      %shift_right_logical3A_1118 = vector.broadcast %shift_right_logical3A_1117 : i32 to vector<16xi32>
      %shift_right_logical3A_1119 = arith.shrui %get3A_1116, %shift_right_logical3A_1118 : vector<16xi32>
      %and3A_1120 = arith.constant 127 : i32
      %and3A_1121 = vector.broadcast %and3A_1120 : i32 to vector<16xi32>
      %and3A_1122 = arith.andi %get3A_1116, %and3A_1121 : vector<16xi32>
      tpu.vector_store_idx %arg9[%shift_right_logical3A_1119, %and3A_1122], %broadcast_in_dim3A_59 {add = true} : memref<80x128xf32, #tpu.memory_space<vmem>>[vector<16xi32>, vector<16xi32>], vector<16xf32>,
      %get3A_1123 = arith.constant 6 : i32
      %get3A_1124 = arith.index_cast %and3A_252 : i32 to index
      %get3A_1125 = arith.index_cast %get3A_1123 : i32 to index
      %get3A_1126 = arith.constant 64 : index
      %get3A_1127 = tpu.vector_load %arg11[%get3A_1124, %get3A_1125, %get3A_1126] {strides = array<i32>} : memref<2x8x128xi32, #tpu.memory_space<vmem>>, vector<16xi32>,
      %shift_right_logical3A_1128 = arith.constant 7 : i32
      %shift_right_logical3A_1129 = vector.broadcast %shift_right_logical3A_1128 : i32 to vector<16xi32>
      %shift_right_logical3A_1130 = arith.shrui %get3A_1127, %shift_right_logical3A_1129 : vector<16xi32>
      %and3A_1131 = arith.constant 127 : i32
      %and3A_1132 = vector.broadcast %and3A_1131 : i32 to vector<16xi32>
      %and3A_1133 = arith.andi %get3A_1127, %and3A_1132 : vector<16xi32>
      tpu.vector_store_idx %arg9[%shift_right_logical3A_1130, %and3A_1133], %broadcast_in_dim3A_59 {add = true} : memref<80x128xf32, #tpu.memory_space<vmem>>[vector<16xi32>, vector<16xi32>], vector<16xf32>,
      %get3A_1134 = arith.constant 6 : i32
      %get3A_1135 = arith.index_cast %and3A_252 : i32 to index
      %get3A_1136 = arith.index_cast %get3A_1134 : i32 to index
      %get3A_1137 = arith.constant 80 : index
      %get3A_1138 = tpu.vector_load %arg11[%get3A_1135, %get3A_1136, %get3A_1137] {strides = array<i32>} : memref<2x8x128xi32, #tpu.memory_space<vmem>>, vector<16xi32>,
      %shift_right_logical3A_1139 = arith.constant 7 : i32
      %shift_right_logical3A_1140 = vector.broadcast %shift_right_logical3A_1139 : i32 to vector<16xi32>
      %shift_right_logical3A_1141 = arith.shrui %get3A_1138, %shift_right_logical3A_1140 : vector<16xi32>
      %and3A_1142 = arith.constant 127 : i32
      %and3A_1143 = vector.broadcast %and3A_1142 : i32 to vector<16xi32>
      %and3A_1144 = arith.andi %get3A_1138, %and3A_1143 : vector<16xi32>
      tpu.vector_store_idx %arg9[%shift_right_logical3A_1141, %and3A_1144], %broadcast_in_dim3A_59 {add = true} : memref<80x128xf32, #tpu.memory_space<vmem>>[vector<16xi32>, vector<16xi32>], vector<16xf32>,
      %get3A_1145 = arith.constant 6 : i32
      %get3A_1146 = arith.index_cast %and3A_252 : i32 to index
      %get3A_1147 = arith.index_cast %get3A_1145 : i32 to index
      %get3A_1148 = arith.constant 96 : index
      %get3A_1149 = tpu.vector_load %arg11[%get3A_1146, %get3A_1147, %get3A_1148] {strides = array<i32>} : memref<2x8x128xi32, #tpu.memory_space<vmem>>, vector<16xi32>,
      %shift_right_logical3A_1150 = arith.constant 7 : i32
      %shift_right_logical3A_1151 = vector.broadcast %shift_right_logical3A_1150 : i32 to vector<16xi32>
      %shift_right_logical3A_1152 = arith.shrui %get3A_1149, %shift_right_logical3A_1151 : vector<16xi32>
      %and3A_1153 = arith.constant 127 : i32
      %and3A_1154 = vector.broadcast %and3A_1153 : i32 to vector<16xi32>
      %and3A_1155 = arith.andi %get3A_1149, %and3A_1154 : vector<16xi32>
      tpu.vector_store_idx %arg9[%shift_right_logical3A_1152, %and3A_1155], %broadcast_in_dim3A_59 {add = true} : memref<80x128xf32, #tpu.memory_space<vmem>>[vector<16xi32>, vector<16xi32>], vector<16xf32>,
      %get3A_1156 = arith.constant 6 : i32
      %get3A_1157 = arith.index_cast %and3A_252 : i32 to index
      %get3A_1158 = arith.index_cast %get3A_1156 : i32 to index
      %get3A_1159 = arith.constant 112 : index
      %get3A_1160 = tpu.vector_load %arg11[%get3A_1157, %get3A_1158, %get3A_1159] {strides = array<i32>} : memref<2x8x128xi32, #tpu.memory_space<vmem>>, vector<16xi32>,
      %shift_right_logical3A_1161 = arith.constant 7 : i32
      %shift_right_logical3A_1162 = vector.broadcast %shift_right_logical3A_1161 : i32 to vector<16xi32>
      %shift_right_logical3A_1163 = arith.shrui %get3A_1160, %shift_right_logical3A_1162 : vector<16xi32>
      %and3A_1164 = arith.constant 127 : i32
      %and3A_1165 = vector.broadcast %and3A_1164 : i32 to vector<16xi32>
      %and3A_1166 = arith.andi %get3A_1160, %and3A_1165 : vector<16xi32>
      tpu.vector_store_idx %arg9[%shift_right_logical3A_1163, %and3A_1166], %broadcast_in_dim3A_59 {add = true} : memref<80x128xf32, #tpu.memory_space<vmem>>[vector<16xi32>, vector<16xi32>], vector<16xf32>,
      %dma_wait3A_1167 = arith.constant 6 : i32
      %dma_wait3A_1168 = arith.constant 0 : i32
      %dma_wait3A_1169 = arith.constant 0 : i32
      %dma_wait3A_1170 = tpu.memref_slice %arg12[%dma_wait3A_1168, %dma_wait3A_1169] : memref<128x128xf32, #tpu.memory_space<vmem>> -> memref<64x128xf32, #tpu.memory_space<vmem>>
      %dma_wait3A_1171 = arith.constant 0 : i32
      %dma_wait3A_1172 = tpu.memref_slice %arg10[%and3A_252, %dma_wait3A_1167, %dma_wait3A_1171] : memref<2x8x128xi32, #tpu.memory_space<vmem>> -> memref<1x1x64xi32, #tpu.memory_space<vmem>>
      %dma_wait3A_1173 = tpu.memref_squeeze %dma_wait3A_1172 : memref<1x1x64xi32, #tpu.memory_space<vmem>> -> memref<64xi32, #tpu.memory_space<vmem>>
      %dma_wait3A_1174 = arith.constant 0 : i32
      %dma_wait3A_1175 = arith.constant 0 : i32
      %dma_wait3A_1176 = tpu.memref_slice %arg2[%dma_wait3A_1174, %dma_wait3A_1175] : memref<10000x128xf32, #tpu.memory_space<hbm>> -> memref<10000x128xf32, #tpu.memory_space<hbm>>
      tpu.wait_indirect_dma semaphore(%arg16 : memref<!tpu.dma_semaphore, #tpu.memory_space<semaphore_mem>>) src(%dma_wait3A_1176 : memref<10000x128xf32, #tpu.memory_space<hbm>>) dst(%dma_wait3A_1170 : memref<64x128xf32, #tpu.memory_space<vmem>>)
      %dma_wait3A_1177 = arith.constant 6 : i32
      %dma_wait3A_1178 = arith.constant 64 : i32
      %dma_wait3A_1179 = arith.constant 0 : i32
      %dma_wait3A_1180 = tpu.memref_slice %arg12[%dma_wait3A_1178, %dma_wait3A_1179] : memref<128x128xf32, #tpu.memory_space<vmem>> -> memref<64x128xf32, #tpu.memory_space<vmem>>
      %dma_wait3A_1181 = arith.constant 64 : i32
      %dma_wait3A_1182 = tpu.memref_slice %arg10[%and3A_252, %dma_wait3A_1177, %dma_wait3A_1181] : memref<2x8x128xi32, #tpu.memory_space<vmem>> -> memref<1x1x64xi32, #tpu.memory_space<vmem>>
      %dma_wait3A_1183 = tpu.memref_squeeze %dma_wait3A_1182 : memref<1x1x64xi32, #tpu.memory_space<vmem>> -> memref<64xi32, #tpu.memory_space<vmem>>
      %dma_wait3A_1184 = arith.constant 0 : i32
      %dma_wait3A_1185 = arith.constant 0 : i32
      %dma_wait3A_1186 = tpu.memref_slice %arg2[%dma_wait3A_1184, %dma_wait3A_1185] : memref<10000x128xf32, #tpu.memory_space<hbm>> -> memref<10000x128xf32, #tpu.memory_space<hbm>>
      tpu.wait_indirect_dma semaphore(%arg17 : memref<!tpu.dma_semaphore, #tpu.memory_space<semaphore_mem>>) src(%dma_wait3A_1186 : memref<10000x128xf32, #tpu.memory_space<hbm>>) dst(%dma_wait3A_1180 : memref<64x128xf32, #tpu.memory_space<vmem>>)
      %run_scoped3A_1187 = arith.constant 6 : i32
      "tpu.region"() ({
        %run_scoped3A_1345 = tpu.sem_alloc : memref<!tpu.dma_semaphore, #tpu.memory_space<semaphore_mem>>
        %dma_start3A_1346 = arith.constant 0 : i32
        %dma_start3A_1347 = tpu.memref_slice %arg11[%and3A_252, %run_scoped3A_1187, %dma_start3A_1346] : memref<2x8x128xi32, #tpu.memory_space<vmem>> -> memref<1x1x128xi32, #tpu.memory_space<vmem>>
        %dma_start3A_1348 = tpu.memref_squeeze %dma_start3A_1347 : memref<1x1x128xi32, #tpu.memory_space<vmem>> -> memref<128xi32, #tpu.memory_space<vmem>>
        %dma_start3A_1349 = arith.constant 0 : i32
        %dma_start3A_1350 = arith.constant 0 : i32
        %dma_start3A_1351 = tpu.memref_slice %arg7[%dma_start3A_1349, %dma_start3A_1350] : memref<10240x128xf32, #tpu.memory_space<vmem_shared>> -> memref<10240x128xf32, #tpu.memory_space<vmem_shared>>
        tpu.enqueue_indirect_dma source(%arg12 : memref<128x128xf32, #tpu.memory_space<vmem>>) target(%dma_start3A_1351 : memref<10240x128xf32, #tpu.memory_space<vmem_shared>>) offsets(%dma_start3A_1348 : memref<128xi32, #tpu.memory_space<vmem>>) semaphore(%run_scoped3A_1345 : memref<!tpu.dma_semaphore, #tpu.memory_space<semaphore_mem>>) {add = true}
        %dma_wait3A_1352 = arith.constant 0 : i32
        %dma_wait3A_1353 = tpu.memref_slice %arg11[%and3A_252, %run_scoped3A_1187, %dma_wait3A_1352] : memref<2x8x128xi32, #tpu.memory_space<vmem>> -> memref<1x1x128xi32, #tpu.memory_space<vmem>>
        %dma_wait3A_1354 = tpu.memref_squeeze %dma_wait3A_1353 : memref<1x1x128xi32, #tpu.memory_space<vmem>> -> memref<128xi32, #tpu.memory_space<vmem>>
        %dma_wait3A_1355 = arith.constant 0 : i32
        %dma_wait3A_1356 = arith.constant 0 : i32
        %dma_wait3A_1357 = tpu.memref_slice %arg7[%dma_wait3A_1355, %dma_wait3A_1356] : memref<10240x128xf32, #tpu.memory_space<vmem_shared>> -> memref<10240x128xf32, #tpu.memory_space<vmem_shared>>
        tpu.wait_indirect_dma semaphore(%run_scoped3A_1345 : memref<!tpu.dma_semaphore, #tpu.memory_space<semaphore_mem>>) src(%arg12 : memref<128x128xf32, #tpu.memory_space<vmem>>) dst(%dma_wait3A_1357 : memref<10240x128xf32, #tpu.memory_space<vmem_shared>>)
        tpu.yield
      }) : () -> ()
      %dma_start3A_1188 = arith.constant 7 : i32
      %dma_start3A_1189 = arith.constant 0 : i32
      %dma_start3A_1190 = arith.constant 0 : i32
      %dma_start3A_1191 = tpu.memref_slice %arg12[%dma_start3A_1189, %dma_start3A_1190] : memref<128x128xf32, #tpu.memory_space<vmem>> -> memref<64x128xf32, #tpu.memory_space<vmem>>
      %dma_start3A_1192 = arith.constant 0 : i32
      %dma_start3A_1193 = tpu.memref_slice %arg10[%and3A_252, %dma_start3A_1188, %dma_start3A_1192] : memref<2x8x128xi32, #tpu.memory_space<vmem>> -> memref<1x1x64xi32, #tpu.memory_space<vmem>>
      %dma_start3A_1194 = tpu.memref_squeeze %dma_start3A_1193 : memref<1x1x64xi32, #tpu.memory_space<vmem>> -> memref<64xi32, #tpu.memory_space<vmem>>
      %dma_start3A_1195 = arith.constant 0 : i32
      %dma_start3A_1196 = arith.constant 0 : i32
      %dma_start3A_1197 = tpu.memref_slice %arg2[%dma_start3A_1195, %dma_start3A_1196] : memref<10000x128xf32, #tpu.memory_space<hbm>> -> memref<10000x128xf32, #tpu.memory_space<hbm>>
      tpu.enqueue_indirect_dma source(%dma_start3A_1197 : memref<10000x128xf32, #tpu.memory_space<hbm>>) target(%dma_start3A_1191 : memref<64x128xf32, #tpu.memory_space<vmem>>) offsets(%dma_start3A_1194 : memref<64xi32, #tpu.memory_space<vmem>>) semaphore(%arg16 : memref<!tpu.dma_semaphore, #tpu.memory_space<semaphore_mem>>)
      %dma_start3A_1198 = arith.constant 7 : i32
      %dma_start3A_1199 = arith.constant 64 : i32
      %dma_start3A_1200 = arith.constant 0 : i32
      %dma_start3A_1201 = tpu.memref_slice %arg12[%dma_start3A_1199, %dma_start3A_1200] : memref<128x128xf32, #tpu.memory_space<vmem>> -> memref<64x128xf32, #tpu.memory_space<vmem>>
      %dma_start3A_1202 = arith.constant 64 : i32
      %dma_start3A_1203 = tpu.memref_slice %arg10[%and3A_252, %dma_start3A_1198, %dma_start3A_1202] : memref<2x8x128xi32, #tpu.memory_space<vmem>> -> memref<1x1x64xi32, #tpu.memory_space<vmem>>
      %dma_start3A_1204 = tpu.memref_squeeze %dma_start3A_1203 : memref<1x1x64xi32, #tpu.memory_space<vmem>> -> memref<64xi32, #tpu.memory_space<vmem>>
      %dma_start3A_1205 = arith.constant 0 : i32
      %dma_start3A_1206 = arith.constant 0 : i32
      %dma_start3A_1207 = tpu.memref_slice %arg2[%dma_start3A_1205, %dma_start3A_1206] : memref<10000x128xf32, #tpu.memory_space<hbm>> -> memref<10000x128xf32, #tpu.memory_space<hbm>>
      tpu.enqueue_indirect_dma source(%dma_start3A_1207 : memref<10000x128xf32, #tpu.memory_space<hbm>>) target(%dma_start3A_1201 : memref<64x128xf32, #tpu.memory_space<vmem>>) offsets(%dma_start3A_1204 : memref<64xi32, #tpu.memory_space<vmem>>) semaphore(%arg17 : memref<!tpu.dma_semaphore, #tpu.memory_space<semaphore_mem>>)
      %get3A_1208 = arith.constant 7 : i32
      %get3A_1209 = arith.index_cast %and3A_252 : i32 to index
      %get3A_1210 = arith.index_cast %get3A_1208 : i32 to index
      %get3A_1211 = arith.constant 0 : index
      %get3A_1212 = tpu.vector_load %arg11[%get3A_1209, %get3A_1210, %get3A_1211] {strides = array<i32>} : memref<2x8x128xi32, #tpu.memory_space<vmem>>, vector<16xi32>,
      %shift_right_logical3A_1213 = arith.constant 7 : i32
      %shift_right_logical3A_1214 = vector.broadcast %shift_right_logical3A_1213 : i32 to vector<16xi32>
      %shift_right_logical3A_1215 = arith.shrui %get3A_1212, %shift_right_logical3A_1214 : vector<16xi32>
      %and3A_1216 = arith.constant 127 : i32
      %and3A_1217 = vector.broadcast %and3A_1216 : i32 to vector<16xi32>
      %and3A_1218 = arith.andi %get3A_1212, %and3A_1217 : vector<16xi32>
      tpu.vector_store_idx %arg9[%shift_right_logical3A_1215, %and3A_1218], %broadcast_in_dim3A_59 {add = true} : memref<80x128xf32, #tpu.memory_space<vmem>>[vector<16xi32>, vector<16xi32>], vector<16xf32>,
      %get3A_1219 = arith.constant 7 : i32
      %get3A_1220 = arith.index_cast %and3A_252 : i32 to index
      %get3A_1221 = arith.index_cast %get3A_1219 : i32 to index
      %get3A_1222 = arith.constant 16 : index
      %get3A_1223 = tpu.vector_load %arg11[%get3A_1220, %get3A_1221, %get3A_1222] {strides = array<i32>} : memref<2x8x128xi32, #tpu.memory_space<vmem>>, vector<16xi32>,
      %shift_right_logical3A_1224 = arith.constant 7 : i32
      %shift_right_logical3A_1225 = vector.broadcast %shift_right_logical3A_1224 : i32 to vector<16xi32>
      %shift_right_logical3A_1226 = arith.shrui %get3A_1223, %shift_right_logical3A_1225 : vector<16xi32>
      %and3A_1227 = arith.constant 127 : i32
      %and3A_1228 = vector.broadcast %and3A_1227 : i32 to vector<16xi32>
      %and3A_1229 = arith.andi %get3A_1223, %and3A_1228 : vector<16xi32>
      tpu.vector_store_idx %arg9[%shift_right_logical3A_1226, %and3A_1229], %broadcast_in_dim3A_59 {add = true} : memref<80x128xf32, #tpu.memory_space<vmem>>[vector<16xi32>, vector<16xi32>], vector<16xf32>,
      %get3A_1230 = arith.constant 7 : i32
      %get3A_1231 = arith.index_cast %and3A_252 : i32 to index
      %get3A_1232 = arith.index_cast %get3A_1230 : i32 to index
      %get3A_1233 = arith.constant 32 : index
      %get3A_1234 = tpu.vector_load %arg11[%get3A_1231, %get3A_1232, %get3A_1233] {strides = array<i32>} : memref<2x8x128xi32, #tpu.memory_space<vmem>>, vector<16xi32>,
      %shift_right_logical3A_1235 = arith.constant 7 : i32
      %shift_right_logical3A_1236 = vector.broadcast %shift_right_logical3A_1235 : i32 to vector<16xi32>
      %shift_right_logical3A_1237 = arith.shrui %get3A_1234, %shift_right_logical3A_1236 : vector<16xi32>
      %and3A_1238 = arith.constant 127 : i32
      %and3A_1239 = vector.broadcast %and3A_1238 : i32 to vector<16xi32>
      %and3A_1240 = arith.andi %get3A_1234, %and3A_1239 : vector<16xi32>
      tpu.vector_store_idx %arg9[%shift_right_logical3A_1237, %and3A_1240], %broadcast_in_dim3A_59 {add = true} : memref<80x128xf32, #tpu.memory_space<vmem>>[vector<16xi32>, vector<16xi32>], vector<16xf32>,
      %get3A_1241 = arith.constant 7 : i32
      %get3A_1242 = arith.index_cast %and3A_252 : i32 to index
      %get3A_1243 = arith.index_cast %get3A_1241 : i32 to index
      %get3A_1244 = arith.constant 48 : index
      %get3A_1245 = tpu.vector_load %arg11[%get3A_1242, %get3A_1243, %get3A_1244] {strides = array<i32>} : memref<2x8x128xi32, #tpu.memory_space<vmem>>, vector<16xi32>,
      %shift_right_logical3A_1246 = arith.constant 7 : i32
      %shift_right_logical3A_1247 = vector.broadcast %shift_right_logical3A_1246 : i32 to vector<16xi32>
      %shift_right_logical3A_1248 = arith.shrui %get3A_1245, %shift_right_logical3A_1247 : vector<16xi32>
      %and3A_1249 = arith.constant 127 : i32
      %and3A_1250 = vector.broadcast %and3A_1249 : i32 to vector<16xi32>
      %and3A_1251 = arith.andi %get3A_1245, %and3A_1250 : vector<16xi32>
      tpu.vector_store_idx %arg9[%shift_right_logical3A_1248, %and3A_1251], %broadcast_in_dim3A_59 {add = true} : memref<80x128xf32, #tpu.memory_space<vmem>>[vector<16xi32>, vector<16xi32>], vector<16xf32>,
      %get3A_1252 = arith.constant 7 : i32
      %get3A_1253 = arith.index_cast %and3A_252 : i32 to index
      %get3A_1254 = arith.index_cast %get3A_1252 : i32 to index
      %get3A_1255 = arith.constant 64 : index
      %get3A_1256 = tpu.vector_load %arg11[%get3A_1253, %get3A_1254, %get3A_1255] {strides = array<i32>} : memref<2x8x128xi32, #tpu.memory_space<vmem>>, vector<16xi32>,
      %shift_right_logical3A_1257 = arith.constant 7 : i32
      %shift_right_logical3A_1258 = vector.broadcast %shift_right_logical3A_1257 : i32 to vector<16xi32>
      %shift_right_logical3A_1259 = arith.shrui %get3A_1256, %shift_right_logical3A_1258 : vector<16xi32>
      %and3A_1260 = arith.constant 127 : i32
      %and3A_1261 = vector.broadcast %and3A_1260 : i32 to vector<16xi32>
      %and3A_1262 = arith.andi %get3A_1256, %and3A_1261 : vector<16xi32>
      tpu.vector_store_idx %arg9[%shift_right_logical3A_1259, %and3A_1262], %broadcast_in_dim3A_59 {add = true} : memref<80x128xf32, #tpu.memory_space<vmem>>[vector<16xi32>, vector<16xi32>], vector<16xf32>,
      %get3A_1263 = arith.constant 7 : i32
      %get3A_1264 = arith.index_cast %and3A_252 : i32 to index
      %get3A_1265 = arith.index_cast %get3A_1263 : i32 to index
      %get3A_1266 = arith.constant 80 : index
      %get3A_1267 = tpu.vector_load %arg11[%get3A_1264, %get3A_1265, %get3A_1266] {strides = array<i32>} : memref<2x8x128xi32, #tpu.memory_space<vmem>>, vector<16xi32>,
      %shift_right_logical3A_1268 = arith.constant 7 : i32
      %shift_right_logical3A_1269 = vector.broadcast %shift_right_logical3A_1268 : i32 to vector<16xi32>
      %shift_right_logical3A_1270 = arith.shrui %get3A_1267, %shift_right_logical3A_1269 : vector<16xi32>
      %and3A_1271 = arith.constant 127 : i32
      %and3A_1272 = vector.broadcast %and3A_1271 : i32 to vector<16xi32>
      %and3A_1273 = arith.andi %get3A_1267, %and3A_1272 : vector<16xi32>
      tpu.vector_store_idx %arg9[%shift_right_logical3A_1270, %and3A_1273], %broadcast_in_dim3A_59 {add = true} : memref<80x128xf32, #tpu.memory_space<vmem>>[vector<16xi32>, vector<16xi32>], vector<16xf32>,
      %get3A_1274 = arith.constant 7 : i32
      %get3A_1275 = arith.index_cast %and3A_252 : i32 to index
      %get3A_1276 = arith.index_cast %get3A_1274 : i32 to index
      %get3A_1277 = arith.constant 96 : index
      %get3A_1278 = tpu.vector_load %arg11[%get3A_1275, %get3A_1276, %get3A_1277] {strides = array<i32>} : memref<2x8x128xi32, #tpu.memory_space<vmem>>, vector<16xi32>,
      %shift_right_logical3A_1279 = arith.constant 7 : i32
      %shift_right_logical3A_1280 = vector.broadcast %shift_right_logical3A_1279 : i32 to vector<16xi32>
      %shift_right_logical3A_1281 = arith.shrui %get3A_1278, %shift_right_logical3A_1280 : vector<16xi32>
      %and3A_1282 = arith.constant 127 : i32
      %and3A_1283 = vector.broadcast %and3A_1282 : i32 to vector<16xi32>
      %and3A_1284 = arith.andi %get3A_1278, %and3A_1283 : vector<16xi32>
      tpu.vector_store_idx %arg9[%shift_right_logical3A_1281, %and3A_1284], %broadcast_in_dim3A_59 {add = true} : memref<80x128xf32, #tpu.memory_space<vmem>>[vector<16xi32>, vector<16xi32>], vector<16xf32>,
      %get3A_1285 = arith.constant 7 : i32
      %get3A_1286 = arith.index_cast %and3A_252 : i32 to index
      %get3A_1287 = arith.index_cast %get3A_1285 : i32 to index
      %get3A_1288 = arith.constant 112 : index
      %get3A_1289 = tpu.vector_load %arg11[%get3A_1286, %get3A_1287, %get3A_1288] {strides = array<i32>} : memref<2x8x128xi32, #tpu.memory_space<vmem>>, vector<16xi32>,
      %shift_right_logical3A_1290 = arith.constant 7 : i32
      %shift_right_logical3A_1291 = vector.broadcast %shift_right_logical3A_1290 : i32 to vector<16xi32>
      %shift_right_logical3A_1292 = arith.shrui %get3A_1289, %shift_right_logical3A_1291 : vector<16xi32>
      %and3A_1293 = arith.constant 127 : i32
      %and3A_1294 = vector.broadcast %and3A_1293 : i32 to vector<16xi32>
      %and3A_1295 = arith.andi %get3A_1289, %and3A_1294 : vector<16xi32>
      tpu.vector_store_idx %arg9[%shift_right_logical3A_1292, %and3A_1295], %broadcast_in_dim3A_59 {add = true} : memref<80x128xf32, #tpu.memory_space<vmem>>[vector<16xi32>, vector<16xi32>], vector<16xf32>,
      %dma_wait3A_1296 = arith.constant 7 : i32
      %dma_wait3A_1297 = arith.constant 0 : i32
      %dma_wait3A_1298 = arith.constant 0 : i32
      %dma_wait3A_1299 = tpu.memref_slice %arg12[%dma_wait3A_1297, %dma_wait3A_1298] : memref<128x128xf32, #tpu.memory_space<vmem>> -> memref<64x128xf32, #tpu.memory_space<vmem>>
      %dma_wait3A_1300 = arith.constant 0 : i32
      %dma_wait3A_1301 = tpu.memref_slice %arg10[%and3A_252, %dma_wait3A_1296, %dma_wait3A_1300] : memref<2x8x128xi32, #tpu.memory_space<vmem>> -> memref<1x1x64xi32, #tpu.memory_space<vmem>>
      %dma_wait3A_1302 = tpu.memref_squeeze %dma_wait3A_1301 : memref<1x1x64xi32, #tpu.memory_space<vmem>> -> memref<64xi32, #tpu.memory_space<vmem>>
      %dma_wait3A_1303 = arith.constant 0 : i32
      %dma_wait3A_1304 = arith.constant 0 : i32
      %dma_wait3A_1305 = tpu.memref_slice %arg2[%dma_wait3A_1303, %dma_wait3A_1304] : memref<10000x128xf32, #tpu.memory_space<hbm>> -> memref<10000x128xf32, #tpu.memory_space<hbm>>
      tpu.wait_indirect_dma semaphore(%arg16 : memref<!tpu.dma_semaphore, #tpu.memory_space<semaphore_mem>>) src(%dma_wait3A_1305 : memref<10000x128xf32, #tpu.memory_space<hbm>>) dst(%dma_wait3A_1299 : memref<64x128xf32, #tpu.memory_space<vmem>>)
      %dma_wait3A_1306 = arith.constant 7 : i32
      %dma_wait3A_1307 = arith.constant 64 : i32
      %dma_wait3A_1308 = arith.constant 0 : i32
      %dma_wait3A_1309 = tpu.memref_slice %arg12[%dma_wait3A_1307, %dma_wait3A_1308] : memref<128x128xf32, #tpu.memory_space<vmem>> -> memref<64x128xf32, #tpu.memory_space<vmem>>
      %dma_wait3A_1310 = arith.constant 64 : i32
      %dma_wait3A_1311 = tpu.memref_slice %arg10[%and3A_252, %dma_wait3A_1306, %dma_wait3A_1310] : memref<2x8x128xi32, #tpu.memory_space<vmem>> -> memref<1x1x64xi32, #tpu.memory_space<vmem>>
      %dma_wait3A_1312 = tpu.memref_squeeze %dma_wait3A_1311 : memref<1x1x64xi32, #tpu.memory_space<vmem>> -> memref<64xi32, #tpu.memory_space<vmem>>
      %dma_wait3A_1313 = arith.constant 0 : i32
      %dma_wait3A_1314 = arith.constant 0 : i32
      %dma_wait3A_1315 = tpu.memref_slice %arg2[%dma_wait3A_1313, %dma_wait3A_1314] : memref<10000x128xf32, #tpu.memory_space<hbm>> -> memref<10000x128xf32, #tpu.memory_space<hbm>>
      tpu.wait_indirect_dma semaphore(%arg17 : memref<!tpu.dma_semaphore, #tpu.memory_space<semaphore_mem>>) src(%dma_wait3A_1315 : memref<10000x128xf32, #tpu.memory_space<hbm>>) dst(%dma_wait3A_1309 : memref<64x128xf32, #tpu.memory_space<vmem>>)
      %run_scoped3A_1316 = arith.constant 7 : i32
      "tpu.region"() ({
        %run_scoped3A_1345 = tpu.sem_alloc : memref<!tpu.dma_semaphore, #tpu.memory_space<semaphore_mem>>
        %dma_start3A_1346 = arith.constant 0 : i32
        %dma_start3A_1347 = tpu.memref_slice %arg11[%and3A_252, %run_scoped3A_1316, %dma_start3A_1346] : memref<2x8x128xi32, #tpu.memory_space<vmem>> -> memref<1x1x128xi32, #tpu.memory_space<vmem>>
        %dma_start3A_1348 = tpu.memref_squeeze %dma_start3A_1347 : memref<1x1x128xi32, #tpu.memory_space<vmem>> -> memref<128xi32, #tpu.memory_space<vmem>>
        %dma_start3A_1349 = arith.constant 0 : i32
        %dma_start3A_1350 = arith.constant 0 : i32
        %dma_start3A_1351 = tpu.memref_slice %arg7[%dma_start3A_1349, %dma_start3A_1350] : memref<10240x128xf32, #tpu.memory_space<vmem_shared>> -> memref<10240x128xf32, #tpu.memory_space<vmem_shared>>
        tpu.enqueue_indirect_dma source(%arg12 : memref<128x128xf32, #tpu.memory_space<vmem>>) target(%dma_start3A_1351 : memref<10240x128xf32, #tpu.memory_space<vmem_shared>>) offsets(%dma_start3A_1348 : memref<128xi32, #tpu.memory_space<vmem>>) semaphore(%run_scoped3A_1345 : memref<!tpu.dma_semaphore, #tpu.memory_space<semaphore_mem>>) {add = true}
        %dma_wait3A_1352 = arith.constant 0 : i32
        %dma_wait3A_1353 = tpu.memref_slice %arg11[%and3A_252, %run_scoped3A_1316, %dma_wait3A_1352] : memref<2x8x128xi32, #tpu.memory_space<vmem>> -> memref<1x1x128xi32, #tpu.memory_space<vmem>>
        %dma_wait3A_1354 = tpu.memref_squeeze %dma_wait3A_1353 : memref<1x1x128xi32, #tpu.memory_space<vmem>> -> memref<128xi32, #tpu.memory_space<vmem>>
        %dma_wait3A_1355 = arith.constant 0 : i32
        %dma_wait3A_1356 = arith.constant 0 : i32
        %dma_wait3A_1357 = tpu.memref_slice %arg7[%dma_wait3A_1355, %dma_wait3A_1356] : memref<10240x128xf32, #tpu.memory_space<vmem_shared>> -> memref<10240x128xf32, #tpu.memory_space<vmem_shared>>
        tpu.wait_indirect_dma semaphore(%run_scoped3A_1345 : memref<!tpu.dma_semaphore, #tpu.memory_space<semaphore_mem>>) src(%arg12 : memref<128x128xf32, #tpu.memory_space<vmem>>) dst(%dma_wait3A_1357 : memref<10240x128xf32, #tpu.memory_space<vmem_shared>>)
        tpu.yield
      }) : () -> ()
      %dma_wait3A_1317 = arith.constant 0 : i32
      %dma_wait3A_1318 = arith.constant 0 : i32
      %dma_wait3A_1319 = tpu.memref_slice %arg10[%sub3A_253, %dma_wait3A_1317, %dma_wait3A_1318] : memref<2x8x128xi32, #tpu.memory_space<vmem>> -> memref<1x8x128xi32, #tpu.memory_space<vmem>>
      %dma_wait3A_1320 = tpu.memref_squeeze %dma_wait3A_1319 : memref<1x8x128xi32, #tpu.memory_space<vmem>> -> memref<8x128xi32, #tpu.memory_space<vmem>>
      %dma_wait3A_1321 = arith.constant 0 : i32
      %dma_wait3A_1322 = tpu.memref_slice %arg3[%arg0, %arg1, %mul3A_258, %dma_wait3A_1321] : memref<2x16x80x128xi32, #tpu.memory_space<hbm>> -> memref<1x1x8x128xi32, #tpu.memory_space<hbm>>
      %dma_wait3A_1323 = tpu.memref_squeeze %dma_wait3A_1322 : memref<1x1x8x128xi32, #tpu.memory_space<hbm>> -> memref<8x128xi32, #tpu.memory_space<hbm>>
      %dma_wait3A_1324 = arith.constant 0 : i32
      %dma_wait3A_1325 = arith.constant 0 : i32
      %dma_wait3A_1326 = tpu.memref_slice %arg10[%sub3A_253, %dma_wait3A_1324, %dma_wait3A_1325] : memref<2x8x128xi32, #tpu.memory_space<vmem>> -> memref<1x8x128xi32, #tpu.memory_space<vmem>>
      %dma_wait3A_1327 = tpu.memref_squeeze %dma_wait3A_1326 : memref<1x8x128xi32, #tpu.memory_space<vmem>> -> memref<8x128xi32, #tpu.memory_space<vmem>>
      %dma_wait3A_1328 = arith.constant 0 : i32
      %dma_wait3A_1329 = tpu.memref_slice %arg3[%arg0, %arg1, %mul3A_258, %dma_wait3A_1328] : memref<2x16x80x128xi32, #tpu.memory_space<hbm>> -> memref<1x1x8x128xi32, #tpu.memory_space<hbm>>
      %dma_wait3A_1330 = tpu.memref_squeeze %dma_wait3A_1329 : memref<1x1x8x128xi32, #tpu.memory_space<hbm>> -> memref<8x128xi32, #tpu.memory_space<hbm>>
      tpu.wait_dma2 semaphore(%arg18 : memref<!tpu.dma_semaphore, #tpu.memory_space<semaphore_mem>>) src(%dma_wait3A_1330 : memref<8x128xi32, #tpu.memory_space<hbm>>) dst(%dma_wait3A_1327 : memref<8x128xi32, #tpu.memory_space<vmem>>)
      %dma_wait3A_1331 = arith.constant 0 : i32
      %dma_wait3A_1332 = arith.constant 0 : i32
      %dma_wait3A_1333 = tpu.memref_slice %arg11[%sub3A_253, %dma_wait3A_1331, %dma_wait3A_1332] : memref<2x8x128xi32, #tpu.memory_space<vmem>> -> memref<1x8x128xi32, #tpu.memory_space<vmem>>
      %dma_wait3A_1334 = tpu.memref_squeeze %dma_wait3A_1333 : memref<1x8x128xi32, #tpu.memory_space<vmem>> -> memref<8x128xi32, #tpu.memory_space<vmem>>
      %dma_wait3A_1335 = arith.constant 0 : i32
      %dma_wait3A_1336 = tpu.memref_slice %arg4[%arg0, %arg1, %mul3A_273, %dma_wait3A_1335] : memref<2x16x80x128xi32, #tpu.memory_space<hbm>> -> memref<1x1x8x128xi32, #tpu.memory_space<hbm>>
      %dma_wait3A_1337 = tpu.memref_squeeze %dma_wait3A_1336 : memref<1x1x8x128xi32, #tpu.memory_space<hbm>> -> memref<8x128xi32, #tpu.memory_space<hbm>>
      %dma_wait3A_1338 = arith.constant 0 : i32
      %dma_wait3A_1339 = arith.constant 0 : i32
      %dma_wait3A_1340 = tpu.memref_slice %arg11[%sub3A_253, %dma_wait3A_1338, %dma_wait3A_1339] : memref<2x8x128xi32, #tpu.memory_space<vmem>> -> memref<1x8x128xi32, #tpu.memory_space<vmem>>
      %dma_wait3A_1341 = tpu.memref_squeeze %dma_wait3A_1340 : memref<1x8x128xi32, #tpu.memory_space<vmem>> -> memref<8x128xi32, #tpu.memory_space<vmem>>
      %dma_wait3A_1342 = arith.constant 0 : i32
      %dma_wait3A_1343 = tpu.memref_slice %arg4[%arg0, %arg1, %mul3A_273, %dma_wait3A_1342] : memref<2x16x80x128xi32, #tpu.memory_space<hbm>> -> memref<1x1x8x128xi32, #tpu.memory_space<hbm>>
      %dma_wait3A_1344 = tpu.memref_squeeze %dma_wait3A_1343 : memref<1x1x8x128xi32, #tpu.memory_space<hbm>> -> memref<8x128xi32, #tpu.memory_space<hbm>>
      tpu.wait_dma2 semaphore(%arg19 : memref<!tpu.dma_semaphore, #tpu.memory_space<semaphore_mem>>) src(%dma_wait3A_1344 : memref<8x128xi32, #tpu.memory_space<hbm>>) dst(%dma_wait3A_1341 : memref<8x128xi32, #tpu.memory_space<vmem>>)
    }
    %scan3A_66 = arith.constant 10 : i32
    %run_scoped3A_67 = arith.constant 0 : i32
    "tpu.region"() ({
      %run_scoped3A_251 = tpu.sem_alloc : memref<!tpu.dma_semaphore, #tpu.memory_space<semaphore_mem>>
      %dma_start3A = arith.constant 0 : i32
      %dma_start3A_252 = tpu.memref_slice %arg15[%run_scoped3A_67, %dma_start3A] : memref<1x80xi32, #tpu.memory_space<vmem>> -> memref<1x80xi32, #tpu.memory_space<vmem>>
      %dma_start3A_253 = tpu.memref_squeeze %dma_start3A_252 : memref<1x80xi32, #tpu.memory_space<vmem>> -> memref<80xi32, #tpu.memory_space<vmem>>
      %dma_start3A_254 = arith.constant 0 : i32
      %dma_start3A_255 = arith.constant 0 : i32
      %dma_start3A_256 = tpu.memref_slice %arg8[%dma_start3A_254, %dma_start3A_255] : memref<80x128xf32, #tpu.memory_space<vmem_shared>> -> memref<80x128xf32, #tpu.memory_space<vmem_shared>>
      tpu.enqueue_indirect_dma source(%arg9 : memref<80x128xf32, #tpu.memory_space<vmem>>) target(%dma_start3A_256 : memref<80x128xf32, #tpu.memory_space<vmem_shared>>) offsets(%dma_start3A_253 : memref<80xi32, #tpu.memory_space<vmem>>) semaphore(%run_scoped3A_251 : memref<!tpu.dma_semaphore, #tpu.memory_space<semaphore_mem>>) {add = true}
      %dma_wait3A = arith.constant 0 : i32
      %dma_wait3A_257 = tpu.memref_slice %arg15[%run_scoped3A_67, %dma_wait3A] : memref<1x80xi32, #tpu.memory_space<vmem>> -> memref<1x80xi32, #tpu.memory_space<vmem>>
      %dma_wait3A_258 = tpu.memref_squeeze %dma_wait3A_257 : memref<1x80xi32, #tpu.memory_space<vmem>> -> memref<80xi32, #tpu.memory_space<vmem>>
      %dma_wait3A_259 = arith.constant 0 : i32
      %dma_wait3A_260 = arith.constant 0 : i32
      %dma_wait3A_261 = tpu.memref_slice %arg8[%dma_wait3A_259, %dma_wait3A_260] : memref<80x128xf32, #tpu.memory_space<vmem_shared>> -> memref<80x128xf32, #tpu.memory_space<vmem_shared>>
      tpu.wait_indirect_dma semaphore(%run_scoped3A_251 : memref<!tpu.dma_semaphore, #tpu.memory_space<semaphore_mem>>) src(%arg9 : memref<80x128xf32, #tpu.memory_space<vmem>>) dst(%dma_wait3A_261 : memref<80x128xf32, #tpu.memory_space<vmem_shared>>)
      tpu.yield
    }) : () -> ()
    %barrier3A_68 = arith.constant 0 : index
    tpu.barrier barrier_id(%barrier3A_68)
    %add3A_69 = arith.constant 0 : i32
    %add3A_70 = arith.addi %mul3A_0, %add3A_69 : i32
    "tpu.region"() ({
      %run_scoped3A_251 = tpu.sem_alloc : memref<!tpu.dma_semaphore, #tpu.memory_space<semaphore_mem>>
      %dma_start3A = arith.constant 0 : i32
      %dma_start3A_252 = tpu.memref_slice %arg7[%add3A_70, %dma_start3A] : memref<10240x128xf32, #tpu.memory_space<vmem_shared>> -> memref<128x128xf32, #tpu.memory_space<vmem_shared>>
      %dma_start3A_253 = arith.constant 0 : i32
      %dma_start3A_254 = tpu.memref_slice %arg7[%add3A_70, %dma_start3A_253] : memref<10240x128xf32, #tpu.memory_space<vmem_shared>> -> memref<128x128xf32, #tpu.memory_space<vmem_shared>>
      tpu.enqueue_dma source(%dma_start3A_254 : memref<128x128xf32, #tpu.memory_space<vmem_shared>>) target(%arg12 : memref<128x128xf32, #tpu.memory_space<vmem>>) target_semaphore(%run_scoped3A_251 : memref<!tpu.dma_semaphore, #tpu.memory_space<semaphore_mem>>)
      %dma_wait3A = arith.constant 0 : i32
      %dma_wait3A_255 = tpu.memref_slice %arg7[%add3A_70, %dma_wait3A] : memref<10240x128xf32, #tpu.memory_space<vmem_shared>> -> memref<128x128xf32, #tpu.memory_space<vmem_shared>>
      %dma_wait3A_256 = arith.constant 0 : i32
      %dma_wait3A_257 = tpu.memref_slice %arg7[%add3A_70, %dma_wait3A_256] : memref<10240x128xf32, #tpu.memory_space<vmem_shared>> -> memref<128x128xf32, #tpu.memory_space<vmem_shared>>
      tpu.wait_dma2 semaphore(%run_scoped3A_251 : memref<!tpu.dma_semaphore, #tpu.memory_space<semaphore_mem>>) src(%dma_wait3A_257 : memref<128x128xf32, #tpu.memory_space<vmem_shared>>) dst(%arg12 : memref<128x128xf32, #tpu.memory_space<vmem>>)
      tpu.yield
    }) : () -> ()
    %add3A_71 = arith.constant 0 : i32
    %add3A_72 = arith.addi %mul3A_0, %add3A_71 : i32
    "tpu.region"() ({
      %run_scoped3A_251 = tpu.sem_alloc : memref<!tpu.dma_semaphore, #tpu.memory_space<semaphore_mem>>
      %dma_start3A = arith.constant 0 : i32
      %dma_start3A_252 = tpu.memref_slice %arg5[%arg0, %add3A_72, %dma_start3A] : memref<2x10240x128xf32, #tpu.memory_space<hbm>> -> memref<1x128x128xf32, #tpu.memory_space<hbm>>
      %dma_start3A_253 = tpu.memref_squeeze %dma_start3A_252 : memref<1x128x128xf32, #tpu.memory_space<hbm>> -> memref<128x128xf32, #tpu.memory_space<hbm>>
      %dma_start3A_254 = arith.constant 0 : i32
      %dma_start3A_255 = tpu.memref_slice %arg5[%arg0, %add3A_72, %dma_start3A_254] : memref<2x10240x128xf32, #tpu.memory_space<hbm>> -> memref<1x128x128xf32, #tpu.memory_space<hbm>>
      %dma_start3A_256 = tpu.memref_squeeze %dma_start3A_255 : memref<1x128x128xf32, #tpu.memory_space<hbm>> -> memref<128x128xf32, #tpu.memory_space<hbm>>
      tpu.enqueue_dma source(%arg12 : memref<128x128xf32, #tpu.memory_space<vmem>>) target(%dma_start3A_256 : memref<128x128xf32, #tpu.memory_space<hbm>>) target_semaphore(%run_scoped3A_251 : memref<!tpu.dma_semaphore, #tpu.memory_space<semaphore_mem>>)
      %dma_wait3A = arith.constant 0 : i32
      %dma_wait3A_257 = tpu.memref_slice %arg5[%arg0, %add3A_72, %dma_wait3A] : memref<2x10240x128xf32, #tpu.memory_space<hbm>> -> memref<1x128x128xf32, #tpu.memory_space<hbm>>
      %dma_wait3A_258 = tpu.memref_squeeze %dma_wait3A_257 : memref<1x128x128xf32, #tpu.memory_space<hbm>> -> memref<128x128xf32, #tpu.memory_space<hbm>>
      %dma_wait3A_259 = arith.constant 0 : i32
      %dma_wait3A_260 = tpu.memref_slice %arg5[%arg0, %add3A_72, %dma_wait3A_259] : memref<2x10240x128xf32, #tpu.memory_space<hbm>> -> memref<1x128x128xf32, #tpu.memory_space<hbm>>
      %dma_wait3A_261 = tpu.memref_squeeze %dma_wait3A_260 : memref<1x128x128xf32, #tpu.memory_space<hbm>> -> memref<128x128xf32, #tpu.memory_space<hbm>>
      tpu.wait_dma2 semaphore(%run_scoped3A_251 : memref<!tpu.dma_semaphore, #tpu.memory_space<semaphore_mem>>) src(%arg12 : memref<128x128xf32, #tpu.memory_space<vmem>>) dst(%dma_wait3A_261 : memref<128x128xf32, #tpu.memory_space<hbm>>)
      tpu.yield
    }) : () -> ()
    %add3A_73 = arith.constant 128 : i32
    %add3A_74 = arith.addi %mul3A_0, %add3A_73 : i32
    "tpu.region"() ({
      %run_scoped3A_251 = tpu.sem_alloc : memref<!tpu.dma_semaphore, #tpu.memory_space<semaphore_mem>>
      %dma_start3A = arith.constant 0 : i32
      %dma_start3A_252 = tpu.memref_slice %arg7[%add3A_74, %dma_start3A] : memref<10240x128xf32, #tpu.memory_space<vmem_shared>> -> memref<128x128xf32, #tpu.memory_space<vmem_shared>>
      %dma_start3A_253 = arith.constant 0 : i32
      %dma_start3A_254 = tpu.memref_slice %arg7[%add3A_74, %dma_start3A_253] : memref<10240x128xf32, #tpu.memory_space<vmem_shared>> -> memref<128x128xf32, #tpu.memory_space<vmem_shared>>
      tpu.enqueue_dma source(%dma_start3A_254 : memref<128x128xf32, #tpu.memory_space<vmem_shared>>) target(%arg12 : memref<128x128xf32, #tpu.memory_space<vmem>>) target_semaphore(%run_scoped3A_251 : memref<!tpu.dma_semaphore, #tpu.memory_space<semaphore_mem>>)
      %dma_wait3A = arith.constant 0 : i32
      %dma_wait3A_255 = tpu.memref_slice %arg7[%add3A_74, %dma_wait3A] : memref<10240x128xf32, #tpu.memory_space<vmem_shared>> -> memref<128x128xf32, #tpu.memory_space<vmem_shared>>
      %dma_wait3A_256 = arith.constant 0 : i32
      %dma_wait3A_257 = tpu.memref_slice %arg7[%add3A_74, %dma_wait3A_256] : memref<10240x128xf32, #tpu.memory_space<vmem_shared>> -> memref<128x128xf32, #tpu.memory_space<vmem_shared>>
      tpu.wait_dma2 semaphore(%run_scoped3A_251 : memref<!tpu.dma_semaphore, #tpu.memory_space<semaphore_mem>>) src(%dma_wait3A_257 : memref<128x128xf32, #tpu.memory_space<vmem_shared>>) dst(%arg12 : memref<128x128xf32, #tpu.memory_space<vmem>>)
      tpu.yield
    }) : () -> ()
    %add3A_75 = arith.constant 128 : i32
    %add3A_76 = arith.addi %mul3A_0, %add3A_75 : i32
    "tpu.region"() ({
      %run_scoped3A_251 = tpu.sem_alloc : memref<!tpu.dma_semaphore, #tpu.memory_space<semaphore_mem>>
      %dma_start3A = arith.constant 0 : i32
      %dma_start3A_252 = tpu.memref_slice %arg5[%arg0, %add3A_76, %dma_start3A] : memref<2x10240x128xf32, #tpu.memory_space<hbm>> -> memref<1x128x128xf32, #tpu.memory_space<hbm>>
      %dma_start3A_253 = tpu.memref_squeeze %dma_start3A_252 : memref<1x128x128xf32, #tpu.memory_space<hbm>> -> memref<128x128xf32, #tpu.memory_space<hbm>>
      %dma_start3A_254 = arith.constant 0 : i32
      %dma_start3A_255 = tpu.memref_slice %arg5[%arg0, %add3A_76, %dma_start3A_254] : memref<2x10240x128xf32, #tpu.memory_space<hbm>> -> memref<1x128x128xf32, #tpu.memory_space<hbm>>
      %dma_start3A_256 = tpu.memref_squeeze %dma_start3A_255 : memref<1x128x128xf32, #tpu.memory_space<hbm>> -> memref<128x128xf32, #tpu.memory_space<hbm>>
      tpu.enqueue_dma source(%arg12 : memref<128x128xf32, #tpu.memory_space<vmem>>) target(%dma_start3A_256 : memref<128x128xf32, #tpu.memory_space<hbm>>) target_semaphore(%run_scoped3A_251 : memref<!tpu.dma_semaphore, #tpu.memory_space<semaphore_mem>>)
      %dma_wait3A = arith.constant 0 : i32
      %dma_wait3A_257 = tpu.memref_slice %arg5[%arg0, %add3A_76, %dma_wait3A] : memref<2x10240x128xf32, #tpu.memory_space<hbm>> -> memref<1x128x128xf32, #tpu.memory_space<hbm>>
      %dma_wait3A_258 = tpu.memref_squeeze %dma_wait3A_257 : memref<1x128x128xf32, #tpu.memory_space<hbm>> -> memref<128x128xf32, #tpu.memory_space<hbm>>
      %dma_wait3A_259 = arith.constant 0 : i32
      %dma_wait3A_260 = tpu.memref_slice %arg5[%arg0, %add3A_76, %dma_wait3A_259] : memref<2x10240x128xf32, #tpu.memory_space<hbm>> -> memref<1x128x128xf32, #tpu.memory_space<hbm>>
      %dma_wait3A_261 = tpu.memref_squeeze %dma_wait3A_260 : memref<1x128x128xf32, #tpu.memory_space<hbm>> -> memref<128x128xf32, #tpu.memory_space<hbm>>
      tpu.wait_dma2 semaphore(%run_scoped3A_251 : memref<!tpu.dma_semaphore, #tpu.memory_space<semaphore_mem>>) src(%arg12 : memref<128x128xf32, #tpu.memory_space<vmem>>) dst(%dma_wait3A_261 : memref<128x128xf32, #tpu.memory_space<hbm>>)
      tpu.yield
    }) : () -> ()
    %add3A_77 = arith.constant 256 : i32
    %add3A_78 = arith.addi %mul3A_0, %add3A_77 : i32
    "tpu.region"() ({
      %run_scoped3A_251 = tpu.sem_alloc : memref<!tpu.dma_semaphore, #tpu.memory_space<semaphore_mem>>
      %dma_start3A = arith.constant 0 : i32
      %dma_start3A_252 = tpu.memref_slice %arg7[%add3A_78, %dma_start3A] : memref<10240x128xf32, #tpu.memory_space<vmem_shared>> -> memref<128x128xf32, #tpu.memory_space<vmem_shared>>
      %dma_start3A_253 = arith.constant 0 : i32
      %dma_start3A_254 = tpu.memref_slice %arg7[%add3A_78, %dma_start3A_253] : memref<10240x128xf32, #tpu.memory_space<vmem_shared>> -> memref<128x128xf32, #tpu.memory_space<vmem_shared>>
      tpu.enqueue_dma source(%dma_start3A_254 : memref<128x128xf32, #tpu.memory_space<vmem_shared>>) target(%arg12 : memref<128x128xf32, #tpu.memory_space<vmem>>) target_semaphore(%run_scoped3A_251 : memref<!tpu.dma_semaphore, #tpu.memory_space<semaphore_mem>>)
      %dma_wait3A = arith.constant 0 : i32
      %dma_wait3A_255 = tpu.memref_slice %arg7[%add3A_78, %dma_wait3A] : memref<10240x128xf32, #tpu.memory_space<vmem_shared>> -> memref<128x128xf32, #tpu.memory_space<vmem_shared>>
      %dma_wait3A_256 = arith.constant 0 : i32
      %dma_wait3A_257 = tpu.memref_slice %arg7[%add3A_78, %dma_wait3A_256] : memref<10240x128xf32, #tpu.memory_space<vmem_shared>> -> memref<128x128xf32, #tpu.memory_space<vmem_shared>>
      tpu.wait_dma2 semaphore(%run_scoped3A_251 : memref<!tpu.dma_semaphore, #tpu.memory_space<semaphore_mem>>) src(%dma_wait3A_257 : memref<128x128xf32, #tpu.memory_space<vmem_shared>>) dst(%arg12 : memref<128x128xf32, #tpu.memory_space<vmem>>)
      tpu.yield
    }) : () -> ()
    %add3A_79 = arith.constant 256 : i32
    %add3A_80 = arith.addi %mul3A_0, %add3A_79 : i32
    "tpu.region"() ({
      %run_scoped3A_251 = tpu.sem_alloc : memref<!tpu.dma_semaphore, #tpu.memory_space<semaphore_mem>>
      %dma_start3A = arith.constant 0 : i32
      %dma_start3A_252 = tpu.memref_slice %arg5[%arg0, %add3A_80, %dma_start3A] : memref<2x10240x128xf32, #tpu.memory_space<hbm>> -> memref<1x128x128xf32, #tpu.memory_space<hbm>>
      %dma_start3A_253 = tpu.memref_squeeze %dma_start3A_252 : memref<1x128x128xf32, #tpu.memory_space<hbm>> -> memref<128x128xf32, #tpu.memory_space<hbm>>
      %dma_start3A_254 = arith.constant 0 : i32
      %dma_start3A_255 = tpu.memref_slice %arg5[%arg0, %add3A_80, %dma_start3A_254] : memref<2x10240x128xf32, #tpu.memory_space<hbm>> -> memref<1x128x128xf32, #tpu.memory_space<hbm>>
      %dma_start3A_256 = tpu.memref_squeeze %dma_start3A_255 : memref<1x128x128xf32, #tpu.memory_space<hbm>> -> memref<128x128xf32, #tpu.memory_space<hbm>>
      tpu.enqueue_dma source(%arg12 : memref<128x128xf32, #tpu.memory_space<vmem>>) target(%dma_start3A_256 : memref<128x128xf32, #tpu.memory_space<hbm>>) target_semaphore(%run_scoped3A_251 : memref<!tpu.dma_semaphore, #tpu.memory_space<semaphore_mem>>)
      %dma_wait3A = arith.constant 0 : i32
      %dma_wait3A_257 = tpu.memref_slice %arg5[%arg0, %add3A_80, %dma_wait3A] : memref<2x10240x128xf32, #tpu.memory_space<hbm>> -> memref<1x128x128xf32, #tpu.memory_space<hbm>>
      %dma_wait3A_258 = tpu.memref_squeeze %dma_wait3A_257 : memref<1x128x128xf32, #tpu.memory_space<hbm>> -> memref<128x128xf32, #tpu.memory_space<hbm>>
      %dma_wait3A_259 = arith.constant 0 : i32
      %dma_wait3A_260 = tpu.memref_slice %arg5[%arg0, %add3A_80, %dma_wait3A_259] : memref<2x10240x128xf32, #tpu.memory_space<hbm>> -> memref<1x128x128xf32, #tpu.memory_space<hbm>>
      %dma_wait3A_261 = tpu.memref_squeeze %dma_wait3A_260 : memref<1x128x128xf32, #tpu.memory_space<hbm>> -> memref<128x128xf32, #tpu.memory_space<hbm>>
      tpu.wait_dma2 semaphore(%run_scoped3A_251 : memref<!tpu.dma_semaphore, #tpu.memory_space<semaphore_mem>>) src(%arg12 : memref<128x128xf32, #tpu.memory_space<vmem>>) dst(%dma_wait3A_261 : memref<128x128xf32, #tpu.memory_space<hbm>>)
      tpu.yield
    }) : () -> ()
    %add3A_81 = arith.constant 384 : i32
    %add3A_82 = arith.addi %mul3A_0, %add3A_81 : i32
    "tpu.region"() ({
      %run_scoped3A_251 = tpu.sem_alloc : memref<!tpu.dma_semaphore, #tpu.memory_space<semaphore_mem>>
      %dma_start3A = arith.constant 0 : i32
      %dma_start3A_252 = tpu.memref_slice %arg7[%add3A_82, %dma_start3A] : memref<10240x128xf32, #tpu.memory_space<vmem_shared>> -> memref<128x128xf32, #tpu.memory_space<vmem_shared>>
      %dma_start3A_253 = arith.constant 0 : i32
      %dma_start3A_254 = tpu.memref_slice %arg7[%add3A_82, %dma_start3A_253] : memref<10240x128xf32, #tpu.memory_space<vmem_shared>> -> memref<128x128xf32, #tpu.memory_space<vmem_shared>>
      tpu.enqueue_dma source(%dma_start3A_254 : memref<128x128xf32, #tpu.memory_space<vmem_shared>>) target(%arg12 : memref<128x128xf32, #tpu.memory_space<vmem>>) target_semaphore(%run_scoped3A_251 : memref<!tpu.dma_semaphore, #tpu.memory_space<semaphore_mem>>)
      %dma_wait3A = arith.constant 0 : i32
      %dma_wait3A_255 = tpu.memref_slice %arg7[%add3A_82, %dma_wait3A] : memref<10240x128xf32, #tpu.memory_space<vmem_shared>> -> memref<128x128xf32, #tpu.memory_space<vmem_shared>>
      %dma_wait3A_256 = arith.constant 0 : i32
      %dma_wait3A_257 = tpu.memref_slice %arg7[%add3A_82, %dma_wait3A_256] : memref<10240x128xf32, #tpu.memory_space<vmem_shared>> -> memref<128x128xf32, #tpu.memory_space<vmem_shared>>
      tpu.wait_dma2 semaphore(%run_scoped3A_251 : memref<!tpu.dma_semaphore, #tpu.memory_space<semaphore_mem>>) src(%dma_wait3A_257 : memref<128x128xf32, #tpu.memory_space<vmem_shared>>) dst(%arg12 : memref<128x128xf32, #tpu.memory_space<vmem>>)
      tpu.yield
    }) : () -> ()
    %add3A_83 = arith.constant 384 : i32
    %add3A_84 = arith.addi %mul3A_0, %add3A_83 : i32
    "tpu.region"() ({
      %run_scoped3A_251 = tpu.sem_alloc : memref<!tpu.dma_semaphore, #tpu.memory_space<semaphore_mem>>
      %dma_start3A = arith.constant 0 : i32
      %dma_start3A_252 = tpu.memref_slice %arg5[%arg0, %add3A_84, %dma_start3A] : memref<2x10240x128xf32, #tpu.memory_space<hbm>> -> memref<1x128x128xf32, #tpu.memory_space<hbm>>
      %dma_start3A_253 = tpu.memref_squeeze %dma_start3A_252 : memref<1x128x128xf32, #tpu.memory_space<hbm>> -> memref<128x128xf32, #tpu.memory_space<hbm>>
      %dma_start3A_254 = arith.constant 0 : i32
      %dma_start3A_255 = tpu.memref_slice %arg5[%arg0, %add3A_84, %dma_start3A_254] : memref<2x10240x128xf32, #tpu.memory_space<hbm>> -> memref<1x128x128xf32, #tpu.memory_space<hbm>>
      %dma_start3A_256 = tpu.memref_squeeze %dma_start3A_255 : memref<1x128x128xf32, #tpu.memory_space<hbm>> -> memref<128x128xf32, #tpu.memory_space<hbm>>
      tpu.enqueue_dma source(%arg12 : memref<128x128xf32, #tpu.memory_space<vmem>>) target(%dma_start3A_256 : memref<128x128xf32, #tpu.memory_space<hbm>>) target_semaphore(%run_scoped3A_251 : memref<!tpu.dma_semaphore, #tpu.memory_space<semaphore_mem>>)
      %dma_wait3A = arith.constant 0 : i32
      %dma_wait3A_257 = tpu.memref_slice %arg5[%arg0, %add3A_84, %dma_wait3A] : memref<2x10240x128xf32, #tpu.memory_space<hbm>> -> memref<1x128x128xf32, #tpu.memory_space<hbm>>
      %dma_wait3A_258 = tpu.memref_squeeze %dma_wait3A_257 : memref<1x128x128xf32, #tpu.memory_space<hbm>> -> memref<128x128xf32, #tpu.memory_space<hbm>>
      %dma_wait3A_259 = arith.constant 0 : i32
      %dma_wait3A_260 = tpu.memref_slice %arg5[%arg0, %add3A_84, %dma_wait3A_259] : memref<2x10240x128xf32, #tpu.memory_space<hbm>> -> memref<1x128x128xf32, #tpu.memory_space<hbm>>
      %dma_wait3A_261 = tpu.memref_squeeze %dma_wait3A_260 : memref<1x128x128xf32, #tpu.memory_space<hbm>> -> memref<128x128xf32, #tpu.memory_space<hbm>>
      tpu.wait_dma2 semaphore(%run_scoped3A_251 : memref<!tpu.dma_semaphore, #tpu.memory_space<semaphore_mem>>) src(%arg12 : memref<128x128xf32, #tpu.memory_space<vmem>>) dst(%dma_wait3A_261 : memref<128x128xf32, #tpu.memory_space<hbm>>)
      tpu.yield
    }) : () -> ()
    %add3A_85 = arith.constant 512 : i32
    %add3A_86 = arith.addi %mul3A_0, %add3A_85 : i32
    "tpu.region"() ({
      %run_scoped3A_251 = tpu.sem_alloc : memref<!tpu.dma_semaphore, #tpu.memory_space<semaphore_mem>>
      %dma_start3A = arith.constant 0 : i32
      %dma_start3A_252 = tpu.memref_slice %arg7[%add3A_86, %dma_start3A] : memref<10240x128xf32, #tpu.memory_space<vmem_shared>> -> memref<128x128xf32, #tpu.memory_space<vmem_shared>>
      %dma_start3A_253 = arith.constant 0 : i32
      %dma_start3A_254 = tpu.memref_slice %arg7[%add3A_86, %dma_start3A_253] : memref<10240x128xf32, #tpu.memory_space<vmem_shared>> -> memref<128x128xf32, #tpu.memory_space<vmem_shared>>
      tpu.enqueue_dma source(%dma_start3A_254 : memref<128x128xf32, #tpu.memory_space<vmem_shared>>) target(%arg12 : memref<128x128xf32, #tpu.memory_space<vmem>>) target_semaphore(%run_scoped3A_251 : memref<!tpu.dma_semaphore, #tpu.memory_space<semaphore_mem>>)
      %dma_wait3A = arith.constant 0 : i32
      %dma_wait3A_255 = tpu.memref_slice %arg7[%add3A_86, %dma_wait3A] : memref<10240x128xf32, #tpu.memory_space<vmem_shared>> -> memref<128x128xf32, #tpu.memory_space<vmem_shared>>
      %dma_wait3A_256 = arith.constant 0 : i32
      %dma_wait3A_257 = tpu.memref_slice %arg7[%add3A_86, %dma_wait3A_256] : memref<10240x128xf32, #tpu.memory_space<vmem_shared>> -> memref<128x128xf32, #tpu.memory_space<vmem_shared>>
      tpu.wait_dma2 semaphore(%run_scoped3A_251 : memref<!tpu.dma_semaphore, #tpu.memory_space<semaphore_mem>>) src(%dma_wait3A_257 : memref<128x128xf32, #tpu.memory_space<vmem_shared>>) dst(%arg12 : memref<128x128xf32, #tpu.memory_space<vmem>>)
      tpu.yield
    }) : () -> ()
    %add3A_87 = arith.constant 512 : i32
    %add3A_88 = arith.addi %mul3A_0, %add3A_87 : i32
    "tpu.region"() ({
      %run_scoped3A_251 = tpu.sem_alloc : memref<!tpu.dma_semaphore, #tpu.memory_space<semaphore_mem>>
      %dma_start3A = arith.constant 0 : i32
      %dma_start3A_252 = tpu.memref_slice %arg5[%arg0, %add3A_88, %dma_start3A] : memref<2x10240x128xf32, #tpu.memory_space<hbm>> -> memref<1x128x128xf32, #tpu.memory_space<hbm>>
      %dma_start3A_253 = tpu.memref_squeeze %dma_start3A_252 : memref<1x128x128xf32, #tpu.memory_space<hbm>> -> memref<128x128xf32, #tpu.memory_space<hbm>>
      %dma_start3A_254 = arith.constant 0 : i32
      %dma_start3A_255 = tpu.memref_slice %arg5[%arg0, %add3A_88, %dma_start3A_254] : memref<2x10240x128xf32, #tpu.memory_space<hbm>> -> memref<1x128x128xf32, #tpu.memory_space<hbm>>
      %dma_start3A_256 = tpu.memref_squeeze %dma_start3A_255 : memref<1x128x128xf32, #tpu.memory_space<hbm>> -> memref<128x128xf32, #tpu.memory_space<hbm>>
      tpu.enqueue_dma source(%arg12 : memref<128x128xf32, #tpu.memory_space<vmem>>) target(%dma_start3A_256 : memref<128x128xf32, #tpu.memory_space<hbm>>) target_semaphore(%run_scoped3A_251 : memref<!tpu.dma_semaphore, #tpu.memory_space<semaphore_mem>>)
      %dma_wait3A = arith.constant 0 : i32
      %dma_wait3A_257 = tpu.memref_slice %arg5[%arg0, %add3A_88, %dma_wait3A] : memref<2x10240x128xf32, #tpu.memory_space<hbm>> -> memref<1x128x128xf32, #tpu.memory_space<hbm>>
      %dma_wait3A_258 = tpu.memref_squeeze %dma_wait3A_257 : memref<1x128x128xf32, #tpu.memory_space<hbm>> -> memref<128x128xf32, #tpu.memory_space<hbm>>
      %dma_wait3A_259 = arith.constant 0 : i32
      %dma_wait3A_260 = tpu.memref_slice %arg5[%arg0, %add3A_88, %dma_wait3A_259] : memref<2x10240x128xf32, #tpu.memory_space<hbm>> -> memref<1x128x128xf32, #tpu.memory_space<hbm>>
      %dma_wait3A_261 = tpu.memref_squeeze %dma_wait3A_260 : memref<1x128x128xf32, #tpu.memory_space<hbm>> -> memref<128x128xf32, #tpu.memory_space<hbm>>
      tpu.wait_dma2 semaphore(%run_scoped3A_251 : memref<!tpu.dma_semaphore, #tpu.memory_space<semaphore_mem>>) src(%arg12 : memref<128x128xf32, #tpu.memory_space<vmem>>) dst(%dma_wait3A_261 : memref<128x128xf32, #tpu.memory_space<hbm>>)
      tpu.yield
    }) : () -> ()
    %mul3A_89 = arith.constant 5 : i32
    %mul3A_90 = arith.muli %arg1, %mul3A_89 : i32
    "tpu.region"() ({
      %run_scoped3A_251 = tpu.sem_alloc : memref<!tpu.dma_semaphore, #tpu.memory_space<semaphore_mem>>
      %dma_start3A = arith.constant 0 : i32
      %dma_start3A_252 = tpu.memref_slice %arg8[%mul3A_90, %dma_start3A] : memref<80x128xf32, #tpu.memory_space<vmem_shared>> -> memref<5x128xf32, #tpu.memory_space<vmem_shared>>
      %dma_start3A_253 = arith.constant 0 : i32
      %dma_start3A_254 = tpu.memref_slice %arg8[%mul3A_90, %dma_start3A_253] : memref<80x128xf32, #tpu.memory_space<vmem_shared>> -> memref<5x128xf32, #tpu.memory_space<vmem_shared>>
      tpu.enqueue_dma source(%dma_start3A_254 : memref<5x128xf32, #tpu.memory_space<vmem_shared>>) target(%arg14 : memref<5x128xf32, #tpu.memory_space<vmem>>) target_semaphore(%run_scoped3A_251 : memref<!tpu.dma_semaphore, #tpu.memory_space<semaphore_mem>>)
      %dma_wait3A = arith.constant 0 : i32
      %dma_wait3A_255 = tpu.memref_slice %arg8[%mul3A_90, %dma_wait3A] : memref<80x128xf32, #tpu.memory_space<vmem_shared>> -> memref<5x128xf32, #tpu.memory_space<vmem_shared>>
      %dma_wait3A_256 = arith.constant 0 : i32
      %dma_wait3A_257 = tpu.memref_slice %arg8[%mul3A_90, %dma_wait3A_256] : memref<80x128xf32, #tpu.memory_space<vmem_shared>> -> memref<5x128xf32, #tpu.memory_space<vmem_shared>>
      tpu.wait_dma2 semaphore(%run_scoped3A_251 : memref<!tpu.dma_semaphore, #tpu.memory_space<semaphore_mem>>) src(%dma_wait3A_257 : memref<5x128xf32, #tpu.memory_space<vmem_shared>>) dst(%arg14 : memref<5x128xf32, #tpu.memory_space<vmem>>)
      tpu.yield
    }) : () -> ()
    %scan3A_91 = arith.constant 0 : i32
    %scan3A_92 = arith.constant 0 : i32
    %scan3A_93 = arith.constant 32 : i32
    %scan3A_94 = arith.addi %scan3A_92, %scan3A_93 : i32
    %scan3A_95 = arith.constant 1 : i32
    scf.for %scan3A_251 = %scan3A_92 to %scan3A_94 step %scan3A_95  : i32 {
      %add3A_252 = arith.constant 0 : i32
      %add3A_253 = arith.addi %add3A_252, %scan3A_251 : i32
      %jit3A = arith.constant 128 : i32
      %div3A = arith.divsi %add3A_253, %jit3A : i32
      %sign3A = arith.constant 0 : i32
      %sign3A_254 = arith.cmpi sgt, %add3A_253, %sign3A : i32
      %sign3A_255 = arith.extui %sign3A_254 : i1 to i32
      %sign3A_256 = arith.constant 0 : i32
      %sign3A_257 = arith.cmpi slt, %add3A_253, %sign3A_256 : i32
      %sign3A_258 = arith.extui %sign3A_257 : i1 to i32
      %sign3A_259 = arith.subi %sign3A_255, %sign3A_258 : i32
      %sign3A_260 = arith.constant 0 : i32
      %sign3A_261 = arith.cmpi sgt, %jit3A, %sign3A_260 : i32
      %sign3A_262 = arith.extui %sign3A_261 : i1 to i32
      %sign3A_263 = arith.constant 0 : i32
      %sign3A_264 = arith.cmpi slt, %jit3A, %sign3A_263 : i32
      %sign3A_265 = arith.extui %sign3A_264 : i1 to i32
      %sign3A_266 = arith.subi %sign3A_262, %sign3A_265 : i32
      %ne3A = arith.cmpi ne, %sign3A_259, %sign3A_266 : i32
      %rem3A = arith.remsi %add3A_253, %jit3A : i32
      %ne3A_267 = arith.constant 0 : i32
      %ne3A_268 = arith.cmpi ne, %rem3A, %ne3A_267 : i32
      %and3A = arith.andi %ne3A, %ne3A_268 : i1
      %sub3A = arith.constant 1 : i32
      %sub3A_269 = arith.subi %div3A, %sub3A : i32
      %select_n3A = arith.select %and3A, %sub3A_269, %div3A : i32
      %broadcast_in_dim3A_270 = vector.broadcast %select_n3A : i32 to vector<16xi32>
      %jit3A_271 = arith.constant 128 : i32
      %eq3A_272 = arith.constant 0 : i32
      %eq3A_273 = arith.cmpi eq, %jit3A_271, %eq3A_272 : i32
      %jit3A_274 = arith.constant 1 : i32
      %select_n3A_275 = arith.select %eq3A_273, %jit3A_274, %jit3A_271 : i32
      %rem3A_276 = arith.remsi %add3A_253, %select_n3A_275 : i32
      %ne3A_277 = arith.constant 0 : i32
      %ne3A_278 = arith.cmpi ne, %rem3A_276, %ne3A_277 : i32
      %lt3A = arith.constant 0 : i32
      %lt3A_279 = arith.cmpi slt, %rem3A_276, %lt3A : i32
      %lt3A_280 = arith.constant 0 : i32
      %lt3A_281 = arith.cmpi slt, %select_n3A_275, %lt3A_280 : i32
      %ne3A_282 = arith.xori %lt3A_279, %lt3A_281 : i1
      %and3A_283 = arith.andi %ne3A_282, %ne3A_278 : i1
      %add3A_284 = arith.addi %rem3A_276, %select_n3A_275 : i32
      %select_n3A_285 = arith.select %and3A_283, %add3A_284, %rem3A_276 : i32
      %broadcast_in_dim3A_286 = vector.broadcast %select_n3A_285 : i32 to vector<16xi32>
      %gather3A = tpu.vector_load_idx %arg14[%broadcast_in_dim3A_270, %broadcast_in_dim3A_286] : memref<5x128xf32, #tpu.memory_space<vmem>>[vector<16xi32>, vector<16xi32>], vector<16xf32>,
      %swap3A_287 = arith.index_cast %scan3A_251 : i32 to index
      %swap3A_288 = arith.constant 0 : index
      %swap3A_289 = tpu.vector_load %arg13[%swap3A_287, %swap3A_288] {strides = array<i32>} : memref<32x128xf32, #tpu.memory_space<vmem>>, vector<16xf32>,
      tpu.vector_store %arg13[%swap3A_287, %swap3A_288], %gather3A {strides = array<i32>} : memref<32x128xf32, #tpu.memory_space<vmem>>, vector<16xf32>,
      %swap3A_290 = arith.index_cast %scan3A_251 : i32 to index
      %swap3A_291 = arith.constant 16 : index
      %swap3A_292 = tpu.vector_load %arg13[%swap3A_290, %swap3A_291] {strides = array<i32>} : memref<32x128xf32, #tpu.memory_space<vmem>>, vector<16xf32>,
      tpu.vector_store %arg13[%swap3A_290, %swap3A_291], %gather3A {strides = array<i32>} : memref<32x128xf32, #tpu.memory_space<vmem>>, vector<16xf32>,
      %swap3A_293 = arith.index_cast %scan3A_251 : i32 to index
      %swap3A_294 = arith.constant 32 : index
      %swap3A_295 = tpu.vector_load %arg13[%swap3A_293, %swap3A_294] {strides = array<i32>} : memref<32x128xf32, #tpu.memory_space<vmem>>, vector<16xf32>,
      tpu.vector_store %arg13[%swap3A_293, %swap3A_294], %gather3A {strides = array<i32>} : memref<32x128xf32, #tpu.memory_space<vmem>>, vector<16xf32>,
      %swap3A_296 = arith.index_cast %scan3A_251 : i32 to index
      %swap3A_297 = arith.constant 48 : index
      %swap3A_298 = tpu.vector_load %arg13[%swap3A_296, %swap3A_297] {strides = array<i32>} : memref<32x128xf32, #tpu.memory_space<vmem>>, vector<16xf32>,
      tpu.vector_store %arg13[%swap3A_296, %swap3A_297], %gather3A {strides = array<i32>} : memref<32x128xf32, #tpu.memory_space<vmem>>, vector<16xf32>,
      %swap3A_299 = arith.index_cast %scan3A_251 : i32 to index
      %swap3A_300 = arith.constant 64 : index
      %swap3A_301 = tpu.vector_load %arg13[%swap3A_299, %swap3A_300] {strides = array<i32>} : memref<32x128xf32, #tpu.memory_space<vmem>>, vector<16xf32>,
      tpu.vector_store %arg13[%swap3A_299, %swap3A_300], %gather3A {strides = array<i32>} : memref<32x128xf32, #tpu.memory_space<vmem>>, vector<16xf32>,
      %swap3A_302 = arith.index_cast %scan3A_251 : i32 to index
      %swap3A_303 = arith.constant 80 : index
      %swap3A_304 = tpu.vector_load %arg13[%swap3A_302, %swap3A_303] {strides = array<i32>} : memref<32x128xf32, #tpu.memory_space<vmem>>, vector<16xf32>,
      tpu.vector_store %arg13[%swap3A_302, %swap3A_303], %gather3A {strides = array<i32>} : memref<32x128xf32, #tpu.memory_space<vmem>>, vector<16xf32>,
      %swap3A_305 = arith.index_cast %scan3A_251 : i32 to index
      %swap3A_306 = arith.constant 96 : index
      %swap3A_307 = tpu.vector_load %arg13[%swap3A_305, %swap3A_306] {strides = array<i32>} : memref<32x128xf32, #tpu.memory_space<vmem>>, vector<16xf32>,
      tpu.vector_store %arg13[%swap3A_305, %swap3A_306], %gather3A {strides = array<i32>} : memref<32x128xf32, #tpu.memory_space<vmem>>, vector<16xf32>,
      %swap3A_308 = arith.index_cast %scan3A_251 : i32 to index
      %swap3A_309 = arith.constant 112 : index
      %swap3A_310 = tpu.vector_load %arg13[%swap3A_308, %swap3A_309] {strides = array<i32>} : memref<32x128xf32, #tpu.memory_space<vmem>>, vector<16xf32>,
      tpu.vector_store %arg13[%swap3A_308, %swap3A_309], %gather3A {strides = array<i32>} : memref<32x128xf32, #tpu.memory_space<vmem>>, vector<16xf32>,
    }
    %scan3A_96 = arith.constant 32 : i32
    %add3A_97 = arith.constant 0 : i32
    %add3A_98 = arith.addi %mul3A_0, %add3A_97 : i32
    "tpu.region"() ({
      %run_scoped3A_251 = tpu.sem_alloc : memref<!tpu.dma_semaphore, #tpu.memory_space<semaphore_mem>>
      %dma_start3A = arith.constant 0 : i32
      %dma_start3A_252 = tpu.memref_slice %arg6[%arg0, %add3A_98, %dma_start3A] : memref<2x10240x128xf32, #tpu.memory_space<hbm>> -> memref<1x32x128xf32, #tpu.memory_space<hbm>>
      %dma_start3A_253 = tpu.memref_squeeze %dma_start3A_252 : memref<1x32x128xf32, #tpu.memory_space<hbm>> -> memref<32x128xf32, #tpu.memory_space<hbm>>
      %dma_start3A_254 = arith.constant 0 : i32
      %dma_start3A_255 = tpu.memref_slice %arg6[%arg0, %add3A_98, %dma_start3A_254] : memref<2x10240x128xf32, #tpu.memory_space<hbm>> -> memref<1x32x128xf32, #tpu.memory_space<hbm>>
      %dma_start3A_256 = tpu.memref_squeeze %dma_start3A_255 : memref<1x32x128xf32, #tpu.memory_space<hbm>> -> memref<32x128xf32, #tpu.memory_space<hbm>>
      tpu.enqueue_dma source(%arg13 : memref<32x128xf32, #tpu.memory_space<vmem>>) target(%dma_start3A_256 : memref<32x128xf32, #tpu.memory_space<hbm>>) target_semaphore(%run_scoped3A_251 : memref<!tpu.dma_semaphore, #tpu.memory_space<semaphore_mem>>)
      %dma_wait3A = arith.constant 0 : i32
      %dma_wait3A_257 = tpu.memref_slice %arg6[%arg0, %add3A_98, %dma_wait3A] : memref<2x10240x128xf32, #tpu.memory_space<hbm>> -> memref<1x32x128xf32, #tpu.memory_space<hbm>>
      %dma_wait3A_258 = tpu.memref_squeeze %dma_wait3A_257 : memref<1x32x128xf32, #tpu.memory_space<hbm>> -> memref<32x128xf32, #tpu.memory_space<hbm>>
      %dma_wait3A_259 = arith.constant 0 : i32
      %dma_wait3A_260 = tpu.memref_slice %arg6[%arg0, %add3A_98, %dma_wait3A_259] : memref<2x10240x128xf32, #tpu.memory_space<hbm>> -> memref<1x32x128xf32, #tpu.memory_space<hbm>>
      %dma_wait3A_261 = tpu.memref_squeeze %dma_wait3A_260 : memref<1x32x128xf32, #tpu.memory_space<hbm>> -> memref<32x128xf32, #tpu.memory_space<hbm>>
      tpu.wait_dma2 semaphore(%run_scoped3A_251 : memref<!tpu.dma_semaphore, #tpu.memory_space<semaphore_mem>>) src(%arg13 : memref<32x128xf32, #tpu.memory_space<vmem>>) dst(%dma_wait3A_261 : memref<32x128xf32, #tpu.memory_space<hbm>>)
      tpu.yield
    }) : () -> ()
    %scan3A_99 = arith.constant 0 : i32
    %scan3A_100 = arith.constant 0 : i32
    %scan3A_101 = arith.constant 32 : i32
    %scan3A_102 = arith.addi %scan3A_100, %scan3A_101 : i32
    %scan3A_103 = arith.constant 1 : i32
    scf.for %scan3A_251 = %scan3A_100 to %scan3A_102 step %scan3A_103  : i32 {
      %add3A_252 = arith.constant 32 : i32
      %add3A_253 = arith.addi %add3A_252, %scan3A_251 : i32
      %jit3A = arith.constant 128 : i32
      %div3A = arith.divsi %add3A_253, %jit3A : i32
      %sign3A = arith.constant 0 : i32
      %sign3A_254 = arith.cmpi sgt, %add3A_253, %sign3A : i32
      %sign3A_255 = arith.extui %sign3A_254 : i1 to i32
      %sign3A_256 = arith.constant 0 : i32
      %sign3A_257 = arith.cmpi slt, %add3A_253, %sign3A_256 : i32
      %sign3A_258 = arith.extui %sign3A_257 : i1 to i32
      %sign3A_259 = arith.subi %sign3A_255, %sign3A_258 : i32
      %sign3A_260 = arith.constant 0 : i32
      %sign3A_261 = arith.cmpi sgt, %jit3A, %sign3A_260 : i32
      %sign3A_262 = arith.extui %sign3A_261 : i1 to i32
      %sign3A_263 = arith.constant 0 : i32
      %sign3A_264 = arith.cmpi slt, %jit3A, %sign3A_263 : i32
      %sign3A_265 = arith.extui %sign3A_264 : i1 to i32
      %sign3A_266 = arith.subi %sign3A_262, %sign3A_265 : i32
      %ne3A = arith.cmpi ne, %sign3A_259, %sign3A_266 : i32
      %rem3A = arith.remsi %add3A_253, %jit3A : i32
      %ne3A_267 = arith.constant 0 : i32
      %ne3A_268 = arith.cmpi ne, %rem3A, %ne3A_267 : i32
      %and3A = arith.andi %ne3A, %ne3A_268 : i1
      %sub3A = arith.constant 1 : i32
      %sub3A_269 = arith.subi %div3A, %sub3A : i32
      %select_n3A = arith.select %and3A, %sub3A_269, %div3A : i32
      %broadcast_in_dim3A_270 = vector.broadcast %select_n3A : i32 to vector<16xi32>
      %jit3A_271 = arith.constant 128 : i32
      %eq3A_272 = arith.constant 0 : i32
      %eq3A_273 = arith.cmpi eq, %jit3A_271, %eq3A_272 : i32
      %jit3A_274 = arith.constant 1 : i32
      %select_n3A_275 = arith.select %eq3A_273, %jit3A_274, %jit3A_271 : i32
      %rem3A_276 = arith.remsi %add3A_253, %select_n3A_275 : i32
      %ne3A_277 = arith.constant 0 : i32
      %ne3A_278 = arith.cmpi ne, %rem3A_276, %ne3A_277 : i32
      %lt3A = arith.constant 0 : i32
      %lt3A_279 = arith.cmpi slt, %rem3A_276, %lt3A : i32
      %lt3A_280 = arith.constant 0 : i32
      %lt3A_281 = arith.cmpi slt, %select_n3A_275, %lt3A_280 : i32
      %ne3A_282 = arith.xori %lt3A_279, %lt3A_281 : i1
      %and3A_283 = arith.andi %ne3A_282, %ne3A_278 : i1
      %add3A_284 = arith.addi %rem3A_276, %select_n3A_275 : i32
      %select_n3A_285 = arith.select %and3A_283, %add3A_284, %rem3A_276 : i32
      %broadcast_in_dim3A_286 = vector.broadcast %select_n3A_285 : i32 to vector<16xi32>
      %gather3A = tpu.vector_load_idx %arg14[%broadcast_in_dim3A_270, %broadcast_in_dim3A_286] : memref<5x128xf32, #tpu.memory_space<vmem>>[vector<16xi32>, vector<16xi32>], vector<16xf32>,
      %swap3A_287 = arith.index_cast %scan3A_251 : i32 to index
      %swap3A_288 = arith.constant 0 : index
      %swap3A_289 = tpu.vector_load %arg13[%swap3A_287, %swap3A_288] {strides = array<i32>} : memref<32x128xf32, #tpu.memory_space<vmem>>, vector<16xf32>,
      tpu.vector_store %arg13[%swap3A_287, %swap3A_288], %gather3A {strides = array<i32>} : memref<32x128xf32, #tpu.memory_space<vmem>>, vector<16xf32>,
      %swap3A_290 = arith.index_cast %scan3A_251 : i32 to index
      %swap3A_291 = arith.constant 16 : index
      %swap3A_292 = tpu.vector_load %arg13[%swap3A_290, %swap3A_291] {strides = array<i32>} : memref<32x128xf32, #tpu.memory_space<vmem>>, vector<16xf32>,
      tpu.vector_store %arg13[%swap3A_290, %swap3A_291], %gather3A {strides = array<i32>} : memref<32x128xf32, #tpu.memory_space<vmem>>, vector<16xf32>,
      %swap3A_293 = arith.index_cast %scan3A_251 : i32 to index
      %swap3A_294 = arith.constant 32 : index
      %swap3A_295 = tpu.vector_load %arg13[%swap3A_293, %swap3A_294] {strides = array<i32>} : memref<32x128xf32, #tpu.memory_space<vmem>>, vector<16xf32>,
      tpu.vector_store %arg13[%swap3A_293, %swap3A_294], %gather3A {strides = array<i32>} : memref<32x128xf32, #tpu.memory_space<vmem>>, vector<16xf32>,
      %swap3A_296 = arith.index_cast %scan3A_251 : i32 to index
      %swap3A_297 = arith.constant 48 : index
      %swap3A_298 = tpu.vector_load %arg13[%swap3A_296, %swap3A_297] {strides = array<i32>} : memref<32x128xf32, #tpu.memory_space<vmem>>, vector<16xf32>,
      tpu.vector_store %arg13[%swap3A_296, %swap3A_297], %gather3A {strides = array<i32>} : memref<32x128xf32, #tpu.memory_space<vmem>>, vector<16xf32>,
      %swap3A_299 = arith.index_cast %scan3A_251 : i32 to index
      %swap3A_300 = arith.constant 64 : index
      %swap3A_301 = tpu.vector_load %arg13[%swap3A_299, %swap3A_300] {strides = array<i32>} : memref<32x128xf32, #tpu.memory_space<vmem>>, vector<16xf32>,
      tpu.vector_store %arg13[%swap3A_299, %swap3A_300], %gather3A {strides = array<i32>} : memref<32x128xf32, #tpu.memory_space<vmem>>, vector<16xf32>,
      %swap3A_302 = arith.index_cast %scan3A_251 : i32 to index
      %swap3A_303 = arith.constant 80 : index
      %swap3A_304 = tpu.vector_load %arg13[%swap3A_302, %swap3A_303] {strides = array<i32>} : memref<32x128xf32, #tpu.memory_space<vmem>>, vector<16xf32>,
      tpu.vector_store %arg13[%swap3A_302, %swap3A_303], %gather3A {strides = array<i32>} : memref<32x128xf32, #tpu.memory_space<vmem>>, vector<16xf32>,
      %swap3A_305 = arith.index_cast %scan3A_251 : i32 to index
      %swap3A_306 = arith.constant 96 : index
      %swap3A_307 = tpu.vector_load %arg13[%swap3A_305, %swap3A_306] {strides = array<i32>} : memref<32x128xf32, #tpu.memory_space<vmem>>, vector<16xf32>,
      tpu.vector_store %arg13[%swap3A_305, %swap3A_306], %gather3A {strides = array<i32>} : memref<32x128xf32, #tpu.memory_space<vmem>>, vector<16xf32>,
      %swap3A_308 = arith.index_cast %scan3A_251 : i32 to index
      %swap3A_309 = arith.constant 112 : index
      %swap3A_310 = tpu.vector_load %arg13[%swap3A_308, %swap3A_309] {strides = array<i32>} : memref<32x128xf32, #tpu.memory_space<vmem>>, vector<16xf32>,
      tpu.vector_store %arg13[%swap3A_308, %swap3A_309], %gather3A {strides = array<i32>} : memref<32x128xf32, #tpu.memory_space<vmem>>, vector<16xf32>,
    }
    %scan3A_104 = arith.constant 32 : i32
    %add3A_105 = arith.constant 32 : i32
    %add3A_106 = arith.addi %mul3A_0, %add3A_105 : i32
    "tpu.region"() ({
      %run_scoped3A_251 = tpu.sem_alloc : memref<!tpu.dma_semaphore, #tpu.memory_space<semaphore_mem>>
      %dma_start3A = arith.constant 0 : i32
      %dma_start3A_252 = tpu.memref_slice %arg6[%arg0, %add3A_106, %dma_start3A] : memref<2x10240x128xf32, #tpu.memory_space<hbm>> -> memref<1x32x128xf32, #tpu.memory_space<hbm>>
      %dma_start3A_253 = tpu.memref_squeeze %dma_start3A_252 : memref<1x32x128xf32, #tpu.memory_space<hbm>> -> memref<32x128xf32, #tpu.memory_space<hbm>>
      %dma_start3A_254 = arith.constant 0 : i32
      %dma_start3A_255 = tpu.memref_slice %arg6[%arg0, %add3A_106, %dma_start3A_254] : memref<2x10240x128xf32, #tpu.memory_space<hbm>> -> memref<1x32x128xf32, #tpu.memory_space<hbm>>
      %dma_start3A_256 = tpu.memref_squeeze %dma_start3A_255 : memref<1x32x128xf32, #tpu.memory_space<hbm>> -> memref<32x128xf32, #tpu.memory_space<hbm>>
      tpu.enqueue_dma source(%arg13 : memref<32x128xf32, #tpu.memory_space<vmem>>) target(%dma_start3A_256 : memref<32x128xf32, #tpu.memory_space<hbm>>) target_semaphore(%run_scoped3A_251 : memref<!tpu.dma_semaphore, #tpu.memory_space<semaphore_mem>>)
      %dma_wait3A = arith.constant 0 : i32
      %dma_wait3A_257 = tpu.memref_slice %arg6[%arg0, %add3A_106, %dma_wait3A] : memref<2x10240x128xf32, #tpu.memory_space<hbm>> -> memref<1x32x128xf32, #tpu.memory_space<hbm>>
      %dma_wait3A_258 = tpu.memref_squeeze %dma_wait3A_257 : memref<1x32x128xf32, #tpu.memory_space<hbm>> -> memref<32x128xf32, #tpu.memory_space<hbm>>
      %dma_wait3A_259 = arith.constant 0 : i32
      %dma_wait3A_260 = tpu.memref_slice %arg6[%arg0, %add3A_106, %dma_wait3A_259] : memref<2x10240x128xf32, #tpu.memory_space<hbm>> -> memref<1x32x128xf32, #tpu.memory_space<hbm>>
      %dma_wait3A_261 = tpu.memref_squeeze %dma_wait3A_260 : memref<1x32x128xf32, #tpu.memory_space<hbm>> -> memref<32x128xf32, #tpu.memory_space<hbm>>
      tpu.wait_dma2 semaphore(%run_scoped3A_251 : memref<!tpu.dma_semaphore, #tpu.memory_space<semaphore_mem>>) src(%arg13 : memref<32x128xf32, #tpu.memory_space<vmem>>) dst(%dma_wait3A_261 : memref<32x128xf32, #tpu.memory_space<hbm>>)
      tpu.yield
    }) : () -> ()
    %scan3A_107 = arith.constant 0 : i32
    %scan3A_108 = arith.constant 0 : i32
    %scan3A_109 = arith.constant 32 : i32
    %scan3A_110 = arith.addi %scan3A_108, %scan3A_109 : i32
    %scan3A_111 = arith.constant 1 : i32
    scf.for %scan3A_251 = %scan3A_108 to %scan3A_110 step %scan3A_111  : i32 {
      %add3A_252 = arith.constant 64 : i32
      %add3A_253 = arith.addi %add3A_252, %scan3A_251 : i32
      %jit3A = arith.constant 128 : i32
      %div3A = arith.divsi %add3A_253, %jit3A : i32
      %sign3A = arith.constant 0 : i32
      %sign3A_254 = arith.cmpi sgt, %add3A_253, %sign3A : i32
      %sign3A_255 = arith.extui %sign3A_254 : i1 to i32
      %sign3A_256 = arith.constant 0 : i32
      %sign3A_257 = arith.cmpi slt, %add3A_253, %sign3A_256 : i32
      %sign3A_258 = arith.extui %sign3A_257 : i1 to i32
      %sign3A_259 = arith.subi %sign3A_255, %sign3A_258 : i32
      %sign3A_260 = arith.constant 0 : i32
      %sign3A_261 = arith.cmpi sgt, %jit3A, %sign3A_260 : i32
      %sign3A_262 = arith.extui %sign3A_261 : i1 to i32
      %sign3A_263 = arith.constant 0 : i32
      %sign3A_264 = arith.cmpi slt, %jit3A, %sign3A_263 : i32
      %sign3A_265 = arith.extui %sign3A_264 : i1 to i32
      %sign3A_266 = arith.subi %sign3A_262, %sign3A_265 : i32
      %ne3A = arith.cmpi ne, %sign3A_259, %sign3A_266 : i32
      %rem3A = arith.remsi %add3A_253, %jit3A : i32
      %ne3A_267 = arith.constant 0 : i32
      %ne3A_268 = arith.cmpi ne, %rem3A, %ne3A_267 : i32
      %and3A = arith.andi %ne3A, %ne3A_268 : i1
      %sub3A = arith.constant 1 : i32
      %sub3A_269 = arith.subi %div3A, %sub3A : i32
      %select_n3A = arith.select %and3A, %sub3A_269, %div3A : i32
      %broadcast_in_dim3A_270 = vector.broadcast %select_n3A : i32 to vector<16xi32>
      %jit3A_271 = arith.constant 128 : i32
      %eq3A_272 = arith.constant 0 : i32
      %eq3A_273 = arith.cmpi eq, %jit3A_271, %eq3A_272 : i32
      %jit3A_274 = arith.constant 1 : i32
      %select_n3A_275 = arith.select %eq3A_273, %jit3A_274, %jit3A_271 : i32
      %rem3A_276 = arith.remsi %add3A_253, %select_n3A_275 : i32
      %ne3A_277 = arith.constant 0 : i32
      %ne3A_278 = arith.cmpi ne, %rem3A_276, %ne3A_277 : i32
      %lt3A = arith.constant 0 : i32
      %lt3A_279 = arith.cmpi slt, %rem3A_276, %lt3A : i32
      %lt3A_280 = arith.constant 0 : i32
      %lt3A_281 = arith.cmpi slt, %select_n3A_275, %lt3A_280 : i32
      %ne3A_282 = arith.xori %lt3A_279, %lt3A_281 : i1
      %and3A_283 = arith.andi %ne3A_282, %ne3A_278 : i1
      %add3A_284 = arith.addi %rem3A_276, %select_n3A_275 : i32
      %select_n3A_285 = arith.select %and3A_283, %add3A_284, %rem3A_276 : i32
      %broadcast_in_dim3A_286 = vector.broadcast %select_n3A_285 : i32 to vector<16xi32>
      %gather3A = tpu.vector_load_idx %arg14[%broadcast_in_dim3A_270, %broadcast_in_dim3A_286] : memref<5x128xf32, #tpu.memory_space<vmem>>[vector<16xi32>, vector<16xi32>], vector<16xf32>,
      %swap3A_287 = arith.index_cast %scan3A_251 : i32 to index
      %swap3A_288 = arith.constant 0 : index
      %swap3A_289 = tpu.vector_load %arg13[%swap3A_287, %swap3A_288] {strides = array<i32>} : memref<32x128xf32, #tpu.memory_space<vmem>>, vector<16xf32>,
      tpu.vector_store %arg13[%swap3A_287, %swap3A_288], %gather3A {strides = array<i32>} : memref<32x128xf32, #tpu.memory_space<vmem>>, vector<16xf32>,
      %swap3A_290 = arith.index_cast %scan3A_251 : i32 to index
      %swap3A_291 = arith.constant 16 : index
      %swap3A_292 = tpu.vector_load %arg13[%swap3A_290, %swap3A_291] {strides = array<i32>} : memref<32x128xf32, #tpu.memory_space<vmem>>, vector<16xf32>,
      tpu.vector_store %arg13[%swap3A_290, %swap3A_291], %gather3A {strides = array<i32>} : memref<32x128xf32, #tpu.memory_space<vmem>>, vector<16xf32>,
      %swap3A_293 = arith.index_cast %scan3A_251 : i32 to index
      %swap3A_294 = arith.constant 32 : index
      %swap3A_295 = tpu.vector_load %arg13[%swap3A_293, %swap3A_294] {strides = array<i32>} : memref<32x128xf32, #tpu.memory_space<vmem>>, vector<16xf32>,
      tpu.vector_store %arg13[%swap3A_293, %swap3A_294], %gather3A {strides = array<i32>} : memref<32x128xf32, #tpu.memory_space<vmem>>, vector<16xf32>,
      %swap3A_296 = arith.index_cast %scan3A_251 : i32 to index
      %swap3A_297 = arith.constant 48 : index
      %swap3A_298 = tpu.vector_load %arg13[%swap3A_296, %swap3A_297] {strides = array<i32>} : memref<32x128xf32, #tpu.memory_space<vmem>>, vector<16xf32>,
      tpu.vector_store %arg13[%swap3A_296, %swap3A_297], %gather3A {strides = array<i32>} : memref<32x128xf32, #tpu.memory_space<vmem>>, vector<16xf32>,
      %swap3A_299 = arith.index_cast %scan3A_251 : i32 to index
      %swap3A_300 = arith.constant 64 : index
      %swap3A_301 = tpu.vector_load %arg13[%swap3A_299, %swap3A_300] {strides = array<i32>} : memref<32x128xf32, #tpu.memory_space<vmem>>, vector<16xf32>,
      tpu.vector_store %arg13[%swap3A_299, %swap3A_300], %gather3A {strides = array<i32>} : memref<32x128xf32, #tpu.memory_space<vmem>>, vector<16xf32>,
      %swap3A_302 = arith.index_cast %scan3A_251 : i32 to index
      %swap3A_303 = arith.constant 80 : index
      %swap3A_304 = tpu.vector_load %arg13[%swap3A_302, %swap3A_303] {strides = array<i32>} : memref<32x128xf32, #tpu.memory_space<vmem>>, vector<16xf32>,
      tpu.vector_store %arg13[%swap3A_302, %swap3A_303], %gather3A {strides = array<i32>} : memref<32x128xf32, #tpu.memory_space<vmem>>, vector<16xf32>,
      %swap3A_305 = arith.index_cast %scan3A_251 : i32 to index
      %swap3A_306 = arith.constant 96 : index
      %swap3A_307 = tpu.vector_load %arg13[%swap3A_305, %swap3A_306] {strides = array<i32>} : memref<32x128xf32, #tpu.memory_space<vmem>>, vector<16xf32>,
      tpu.vector_store %arg13[%swap3A_305, %swap3A_306], %gather3A {strides = array<i32>} : memref<32x128xf32, #tpu.memory_space<vmem>>, vector<16xf32>,
      %swap3A_308 = arith.index_cast %scan3A_251 : i32 to index
      %swap3A_309 = arith.constant 112 : index
      %swap3A_310 = tpu.vector_load %arg13[%swap3A_308, %swap3A_309] {strides = array<i32>} : memref<32x128xf32, #tpu.memory_space<vmem>>, vector<16xf32>,
      tpu.vector_store %arg13[%swap3A_308, %swap3A_309], %gather3A {strides = array<i32>} : memref<32x128xf32, #tpu.memory_space<vmem>>, vector<16xf32>,
    }
    %scan3A_112 = arith.constant 32 : i32
    %add3A_113 = arith.constant 64 : i32
    %add3A_114 = arith.addi %mul3A_0, %add3A_113 : i32
    "tpu.region"() ({
      %run_scoped3A_251 = tpu.sem_alloc : memref<!tpu.dma_semaphore, #tpu.memory_space<semaphore_mem>>
      %dma_start3A = arith.constant 0 : i32
      %dma_start3A_252 = tpu.memref_slice %arg6[%arg0, %add3A_114, %dma_start3A] : memref<2x10240x128xf32, #tpu.memory_space<hbm>> -> memref<1x32x128xf32, #tpu.memory_space<hbm>>
      %dma_start3A_253 = tpu.memref_squeeze %dma_start3A_252 : memref<1x32x128xf32, #tpu.memory_space<hbm>> -> memref<32x128xf32, #tpu.memory_space<hbm>>
      %dma_start3A_254 = arith.constant 0 : i32
      %dma_start3A_255 = tpu.memref_slice %arg6[%arg0, %add3A_114, %dma_start3A_254] : memref<2x10240x128xf32, #tpu.memory_space<hbm>> -> memref<1x32x128xf32, #tpu.memory_space<hbm>>
      %dma_start3A_256 = tpu.memref_squeeze %dma_start3A_255 : memref<1x32x128xf32, #tpu.memory_space<hbm>> -> memref<32x128xf32, #tpu.memory_space<hbm>>
      tpu.enqueue_dma source(%arg13 : memref<32x128xf32, #tpu.memory_space<vmem>>) target(%dma_start3A_256 : memref<32x128xf32, #tpu.memory_space<hbm>>) target_semaphore(%run_scoped3A_251 : memref<!tpu.dma_semaphore, #tpu.memory_space<semaphore_mem>>)
      %dma_wait3A = arith.constant 0 : i32
      %dma_wait3A_257 = tpu.memref_slice %arg6[%arg0, %add3A_114, %dma_wait3A] : memref<2x10240x128xf32, #tpu.memory_space<hbm>> -> memref<1x32x128xf32, #tpu.memory_space<hbm>>
      %dma_wait3A_258 = tpu.memref_squeeze %dma_wait3A_257 : memref<1x32x128xf32, #tpu.memory_space<hbm>> -> memref<32x128xf32, #tpu.memory_space<hbm>>
      %dma_wait3A_259 = arith.constant 0 : i32
      %dma_wait3A_260 = tpu.memref_slice %arg6[%arg0, %add3A_114, %dma_wait3A_259] : memref<2x10240x128xf32, #tpu.memory_space<hbm>> -> memref<1x32x128xf32, #tpu.memory_space<hbm>>
      %dma_wait3A_261 = tpu.memref_squeeze %dma_wait3A_260 : memref<1x32x128xf32, #tpu.memory_space<hbm>> -> memref<32x128xf32, #tpu.memory_space<hbm>>
      tpu.wait_dma2 semaphore(%run_scoped3A_251 : memref<!tpu.dma_semaphore, #tpu.memory_space<semaphore_mem>>) src(%arg13 : memref<32x128xf32, #tpu.memory_space<vmem>>) dst(%dma_wait3A_261 : memref<32x128xf32, #tpu.memory_space<hbm>>)
      tpu.yield
    }) : () -> ()
    %scan3A_115 = arith.constant 0 : i32
    %scan3A_116 = arith.constant 0 : i32
    %scan3A_117 = arith.constant 32 : i32
    %scan3A_118 = arith.addi %scan3A_116, %scan3A_117 : i32
    %scan3A_119 = arith.constant 1 : i32
    scf.for %scan3A_251 = %scan3A_116 to %scan3A_118 step %scan3A_119  : i32 {
      %add3A_252 = arith.constant 96 : i32
      %add3A_253 = arith.addi %add3A_252, %scan3A_251 : i32
      %jit3A = arith.constant 128 : i32
      %div3A = arith.divsi %add3A_253, %jit3A : i32
      %sign3A = arith.constant 0 : i32
      %sign3A_254 = arith.cmpi sgt, %add3A_253, %sign3A : i32
      %sign3A_255 = arith.extui %sign3A_254 : i1 to i32
      %sign3A_256 = arith.constant 0 : i32
      %sign3A_257 = arith.cmpi slt, %add3A_253, %sign3A_256 : i32
      %sign3A_258 = arith.extui %sign3A_257 : i1 to i32
      %sign3A_259 = arith.subi %sign3A_255, %sign3A_258 : i32
      %sign3A_260 = arith.constant 0 : i32
      %sign3A_261 = arith.cmpi sgt, %jit3A, %sign3A_260 : i32
      %sign3A_262 = arith.extui %sign3A_261 : i1 to i32
      %sign3A_263 = arith.constant 0 : i32
      %sign3A_264 = arith.cmpi slt, %jit3A, %sign3A_263 : i32
      %sign3A_265 = arith.extui %sign3A_264 : i1 to i32
      %sign3A_266 = arith.subi %sign3A_262, %sign3A_265 : i32
      %ne3A = arith.cmpi ne, %sign3A_259, %sign3A_266 : i32
      %rem3A = arith.remsi %add3A_253, %jit3A : i32
      %ne3A_267 = arith.constant 0 : i32
      %ne3A_268 = arith.cmpi ne, %rem3A, %ne3A_267 : i32
      %and3A = arith.andi %ne3A, %ne3A_268 : i1
      %sub3A = arith.constant 1 : i32
      %sub3A_269 = arith.subi %div3A, %sub3A : i32
      %select_n3A = arith.select %and3A, %sub3A_269, %div3A : i32
      %broadcast_in_dim3A_270 = vector.broadcast %select_n3A : i32 to vector<16xi32>
      %jit3A_271 = arith.constant 128 : i32
      %eq3A_272 = arith.constant 0 : i32
      %eq3A_273 = arith.cmpi eq, %jit3A_271, %eq3A_272 : i32
      %jit3A_274 = arith.constant 1 : i32
      %select_n3A_275 = arith.select %eq3A_273, %jit3A_274, %jit3A_271 : i32
      %rem3A_276 = arith.remsi %add3A_253, %select_n3A_275 : i32
      %ne3A_277 = arith.constant 0 : i32
      %ne3A_278 = arith.cmpi ne, %rem3A_276, %ne3A_277 : i32
      %lt3A = arith.constant 0 : i32
      %lt3A_279 = arith.cmpi slt, %rem3A_276, %lt3A : i32
      %lt3A_280 = arith.constant 0 : i32
      %lt3A_281 = arith.cmpi slt, %select_n3A_275, %lt3A_280 : i32
      %ne3A_282 = arith.xori %lt3A_279, %lt3A_281 : i1
      %and3A_283 = arith.andi %ne3A_282, %ne3A_278 : i1
      %add3A_284 = arith.addi %rem3A_276, %select_n3A_275 : i32
      %select_n3A_285 = arith.select %and3A_283, %add3A_284, %rem3A_276 : i32
      %broadcast_in_dim3A_286 = vector.broadcast %select_n3A_285 : i32 to vector<16xi32>
      %gather3A = tpu.vector_load_idx %arg14[%broadcast_in_dim3A_270, %broadcast_in_dim3A_286] : memref<5x128xf32, #tpu.memory_space<vmem>>[vector<16xi32>, vector<16xi32>], vector<16xf32>,
      %swap3A_287 = arith.index_cast %scan3A_251 : i32 to index
      %swap3A_288 = arith.constant 0 : index
      %swap3A_289 = tpu.vector_load %arg13[%swap3A_287, %swap3A_288] {strides = array<i32>} : memref<32x128xf32, #tpu.memory_space<vmem>>, vector<16xf32>,
      tpu.vector_store %arg13[%swap3A_287, %swap3A_288], %gather3A {strides = array<i32>} : memref<32x128xf32, #tpu.memory_space<vmem>>, vector<16xf32>,
      %swap3A_290 = arith.index_cast %scan3A_251 : i32 to index
      %swap3A_291 = arith.constant 16 : index
      %swap3A_292 = tpu.vector_load %arg13[%swap3A_290, %swap3A_291] {strides = array<i32>} : memref<32x128xf32, #tpu.memory_space<vmem>>, vector<16xf32>,
      tpu.vector_store %arg13[%swap3A_290, %swap3A_291], %gather3A {strides = array<i32>} : memref<32x128xf32, #tpu.memory_space<vmem>>, vector<16xf32>,
      %swap3A_293 = arith.index_cast %scan3A_251 : i32 to index
      %swap3A_294 = arith.constant 32 : index
      %swap3A_295 = tpu.vector_load %arg13[%swap3A_293, %swap3A_294] {strides = array<i32>} : memref<32x128xf32, #tpu.memory_space<vmem>>, vector<16xf32>,
      tpu.vector_store %arg13[%swap3A_293, %swap3A_294], %gather3A {strides = array<i32>} : memref<32x128xf32, #tpu.memory_space<vmem>>, vector<16xf32>,
      %swap3A_296 = arith.index_cast %scan3A_251 : i32 to index
      %swap3A_297 = arith.constant 48 : index
      %swap3A_298 = tpu.vector_load %arg13[%swap3A_296, %swap3A_297] {strides = array<i32>} : memref<32x128xf32, #tpu.memory_space<vmem>>, vector<16xf32>,
      tpu.vector_store %arg13[%swap3A_296, %swap3A_297], %gather3A {strides = array<i32>} : memref<32x128xf32, #tpu.memory_space<vmem>>, vector<16xf32>,
      %swap3A_299 = arith.index_cast %scan3A_251 : i32 to index
      %swap3A_300 = arith.constant 64 : index
      %swap3A_301 = tpu.vector_load %arg13[%swap3A_299, %swap3A_300] {strides = array<i32>} : memref<32x128xf32, #tpu.memory_space<vmem>>, vector<16xf32>,
      tpu.vector_store %arg13[%swap3A_299, %swap3A_300], %gather3A {strides = array<i32>} : memref<32x128xf32, #tpu.memory_space<vmem>>, vector<16xf32>,
      %swap3A_302 = arith.index_cast %scan3A_251 : i32 to index
      %swap3A_303 = arith.constant 80 : index
      %swap3A_304 = tpu.vector_load %arg13[%swap3A_302, %swap3A_303] {strides = array<i32>} : memref<32x128xf32, #tpu.memory_space<vmem>>, vector<16xf32>,
      tpu.vector_store %arg13[%swap3A_302, %swap3A_303], %gather3A {strides = array<i32>} : memref<32x128xf32, #tpu.memory_space<vmem>>, vector<16xf32>,
      %swap3A_305 = arith.index_cast %scan3A_251 : i32 to index
      %swap3A_306 = arith.constant 96 : index
      %swap3A_307 = tpu.vector_load %arg13[%swap3A_305, %swap3A_306] {strides = array<i32>} : memref<32x128xf32, #tpu.memory_space<vmem>>, vector<16xf32>,
      tpu.vector_store %arg13[%swap3A_305, %swap3A_306], %gather3A {strides = array<i32>} : memref<32x128xf32, #tpu.memory_space<vmem>>, vector<16xf32>,
      %swap3A_308 = arith.index_cast %scan3A_251 : i32 to index
      %swap3A_309 = arith.constant 112 : index
      %swap3A_310 = tpu.vector_load %arg13[%swap3A_308, %swap3A_309] {strides = array<i32>} : memref<32x128xf32, #tpu.memory_space<vmem>>, vector<16xf32>,
      tpu.vector_store %arg13[%swap3A_308, %swap3A_309], %gather3A {strides = array<i32>} : memref<32x128xf32, #tpu.memory_space<vmem>>, vector<16xf32>,
    }
    %scan3A_120 = arith.constant 32 : i32
    %add3A_121 = arith.constant 96 : i32
    %add3A_122 = arith.addi %mul3A_0, %add3A_121 : i32
    "tpu.region"() ({
      %run_scoped3A_251 = tpu.sem_alloc : memref<!tpu.dma_semaphore, #tpu.memory_space<semaphore_mem>>
      %dma_start3A = arith.constant 0 : i32
      %dma_start3A_252 = tpu.memref_slice %arg6[%arg0, %add3A_122, %dma_start3A] : memref<2x10240x128xf32, #tpu.memory_space<hbm>> -> memref<1x32x128xf32, #tpu.memory_space<hbm>>
      %dma_start3A_253 = tpu.memref_squeeze %dma_start3A_252 : memref<1x32x128xf32, #tpu.memory_space<hbm>> -> memref<32x128xf32, #tpu.memory_space<hbm>>
      %dma_start3A_254 = arith.constant 0 : i32
      %dma_start3A_255 = tpu.memref_slice %arg6[%arg0, %add3A_122, %dma_start3A_254] : memref<2x10240x128xf32, #tpu.memory_space<hbm>> -> memref<1x32x128xf32, #tpu.memory_space<hbm>>
      %dma_start3A_256 = tpu.memref_squeeze %dma_start3A_255 : memref<1x32x128xf32, #tpu.memory_space<hbm>> -> memref<32x128xf32, #tpu.memory_space<hbm>>
      tpu.enqueue_dma source(%arg13 : memref<32x128xf32, #tpu.memory_space<vmem>>) target(%dma_start3A_256 : memref<32x128xf32, #tpu.memory_space<hbm>>) target_semaphore(%run_scoped3A_251 : memref<!tpu.dma_semaphore, #tpu.memory_space<semaphore_mem>>)
      %dma_wait3A = arith.constant 0 : i32
      %dma_wait3A_257 = tpu.memref_slice %arg6[%arg0, %add3A_122, %dma_wait3A] : memref<2x10240x128xf32, #tpu.memory_space<hbm>> -> memref<1x32x128xf32, #tpu.memory_space<hbm>>
      %dma_wait3A_258 = tpu.memref_squeeze %dma_wait3A_257 : memref<1x32x128xf32, #tpu.memory_space<hbm>> -> memref<32x128xf32, #tpu.memory_space<hbm>>
      %dma_wait3A_259 = arith.constant 0 : i32
      %dma_wait3A_260 = tpu.memref_slice %arg6[%arg0, %add3A_122, %dma_wait3A_259] : memref<2x10240x128xf32, #tpu.memory_space<hbm>> -> memref<1x32x128xf32, #tpu.memory_space<hbm>>
      %dma_wait3A_261 = tpu.memref_squeeze %dma_wait3A_260 : memref<1x32x128xf32, #tpu.memory_space<hbm>> -> memref<32x128xf32, #tpu.memory_space<hbm>>
      tpu.wait_dma2 semaphore(%run_scoped3A_251 : memref<!tpu.dma_semaphore, #tpu.memory_space<semaphore_mem>>) src(%arg13 : memref<32x128xf32, #tpu.memory_space<vmem>>) dst(%dma_wait3A_261 : memref<32x128xf32, #tpu.memory_space<hbm>>)
      tpu.yield
    }) : () -> ()
    %scan3A_123 = arith.constant 0 : i32
    %scan3A_124 = arith.constant 0 : i32
    %scan3A_125 = arith.constant 32 : i32
    %scan3A_126 = arith.addi %scan3A_124, %scan3A_125 : i32
    %scan3A_127 = arith.constant 1 : i32
    scf.for %scan3A_251 = %scan3A_124 to %scan3A_126 step %scan3A_127  : i32 {
      %add3A_252 = arith.constant 128 : i32
      %add3A_253 = arith.addi %add3A_252, %scan3A_251 : i32
      %jit3A = arith.constant 128 : i32
      %div3A = arith.divsi %add3A_253, %jit3A : i32
      %sign3A = arith.constant 0 : i32
      %sign3A_254 = arith.cmpi sgt, %add3A_253, %sign3A : i32
      %sign3A_255 = arith.extui %sign3A_254 : i1 to i32
      %sign3A_256 = arith.constant 0 : i32
      %sign3A_257 = arith.cmpi slt, %add3A_253, %sign3A_256 : i32
      %sign3A_258 = arith.extui %sign3A_257 : i1 to i32
      %sign3A_259 = arith.subi %sign3A_255, %sign3A_258 : i32
      %sign3A_260 = arith.constant 0 : i32
      %sign3A_261 = arith.cmpi sgt, %jit3A, %sign3A_260 : i32
      %sign3A_262 = arith.extui %sign3A_261 : i1 to i32
      %sign3A_263 = arith.constant 0 : i32
      %sign3A_264 = arith.cmpi slt, %jit3A, %sign3A_263 : i32
      %sign3A_265 = arith.extui %sign3A_264 : i1 to i32
      %sign3A_266 = arith.subi %sign3A_262, %sign3A_265 : i32
      %ne3A = arith.cmpi ne, %sign3A_259, %sign3A_266 : i32
      %rem3A = arith.remsi %add3A_253, %jit3A : i32
      %ne3A_267 = arith.constant 0 : i32
      %ne3A_268 = arith.cmpi ne, %rem3A, %ne3A_267 : i32
      %and3A = arith.andi %ne3A, %ne3A_268 : i1
      %sub3A = arith.constant 1 : i32
      %sub3A_269 = arith.subi %div3A, %sub3A : i32
      %select_n3A = arith.select %and3A, %sub3A_269, %div3A : i32
      %broadcast_in_dim3A_270 = vector.broadcast %select_n3A : i32 to vector<16xi32>
      %jit3A_271 = arith.constant 128 : i32
      %eq3A_272 = arith.constant 0 : i32
      %eq3A_273 = arith.cmpi eq, %jit3A_271, %eq3A_272 : i32
      %jit3A_274 = arith.constant 1 : i32
      %select_n3A_275 = arith.select %eq3A_273, %jit3A_274, %jit3A_271 : i32
      %rem3A_276 = arith.remsi %add3A_253, %select_n3A_275 : i32
      %ne3A_277 = arith.constant 0 : i32
      %ne3A_278 = arith.cmpi ne, %rem3A_276, %ne3A_277 : i32
      %lt3A = arith.constant 0 : i32
      %lt3A_279 = arith.cmpi slt, %rem3A_276, %lt3A : i32
      %lt3A_280 = arith.constant 0 : i32
      %lt3A_281 = arith.cmpi slt, %select_n3A_275, %lt3A_280 : i32
      %ne3A_282 = arith.xori %lt3A_279, %lt3A_281 : i1
      %and3A_283 = arith.andi %ne3A_282, %ne3A_278 : i1
      %add3A_284 = arith.addi %rem3A_276, %select_n3A_275 : i32
      %select_n3A_285 = arith.select %and3A_283, %add3A_284, %rem3A_276 : i32
      %broadcast_in_dim3A_286 = vector.broadcast %select_n3A_285 : i32 to vector<16xi32>
      %gather3A = tpu.vector_load_idx %arg14[%broadcast_in_dim3A_270, %broadcast_in_dim3A_286] : memref<5x128xf32, #tpu.memory_space<vmem>>[vector<16xi32>, vector<16xi32>], vector<16xf32>,
      %swap3A_287 = arith.index_cast %scan3A_251 : i32 to index
      %swap3A_288 = arith.constant 0 : index
      %swap3A_289 = tpu.vector_load %arg13[%swap3A_287, %swap3A_288] {strides = array<i32>} : memref<32x128xf32, #tpu.memory_space<vmem>>, vector<16xf32>,
      tpu.vector_store %arg13[%swap3A_287, %swap3A_288], %gather3A {strides = array<i32>} : memref<32x128xf32, #tpu.memory_space<vmem>>, vector<16xf32>,
      %swap3A_290 = arith.index_cast %scan3A_251 : i32 to index
      %swap3A_291 = arith.constant 16 : index
      %swap3A_292 = tpu.vector_load %arg13[%swap3A_290, %swap3A_291] {strides = array<i32>} : memref<32x128xf32, #tpu.memory_space<vmem>>, vector<16xf32>,
      tpu.vector_store %arg13[%swap3A_290, %swap3A_291], %gather3A {strides = array<i32>} : memref<32x128xf32, #tpu.memory_space<vmem>>, vector<16xf32>,
      %swap3A_293 = arith.index_cast %scan3A_251 : i32 to index
      %swap3A_294 = arith.constant 32 : index
      %swap3A_295 = tpu.vector_load %arg13[%swap3A_293, %swap3A_294] {strides = array<i32>} : memref<32x128xf32, #tpu.memory_space<vmem>>, vector<16xf32>,
      tpu.vector_store %arg13[%swap3A_293, %swap3A_294], %gather3A {strides = array<i32>} : memref<32x128xf32, #tpu.memory_space<vmem>>, vector<16xf32>,
      %swap3A_296 = arith.index_cast %scan3A_251 : i32 to index
      %swap3A_297 = arith.constant 48 : index
      %swap3A_298 = tpu.vector_load %arg13[%swap3A_296, %swap3A_297] {strides = array<i32>} : memref<32x128xf32, #tpu.memory_space<vmem>>, vector<16xf32>,
      tpu.vector_store %arg13[%swap3A_296, %swap3A_297], %gather3A {strides = array<i32>} : memref<32x128xf32, #tpu.memory_space<vmem>>, vector<16xf32>,
      %swap3A_299 = arith.index_cast %scan3A_251 : i32 to index
      %swap3A_300 = arith.constant 64 : index
      %swap3A_301 = tpu.vector_load %arg13[%swap3A_299, %swap3A_300] {strides = array<i32>} : memref<32x128xf32, #tpu.memory_space<vmem>>, vector<16xf32>,
      tpu.vector_store %arg13[%swap3A_299, %swap3A_300], %gather3A {strides = array<i32>} : memref<32x128xf32, #tpu.memory_space<vmem>>, vector<16xf32>,
      %swap3A_302 = arith.index_cast %scan3A_251 : i32 to index
      %swap3A_303 = arith.constant 80 : index
      %swap3A_304 = tpu.vector_load %arg13[%swap3A_302, %swap3A_303] {strides = array<i32>} : memref<32x128xf32, #tpu.memory_space<vmem>>, vector<16xf32>,
      tpu.vector_store %arg13[%swap3A_302, %swap3A_303], %gather3A {strides = array<i32>} : memref<32x128xf32, #tpu.memory_space<vmem>>, vector<16xf32>,
      %swap3A_305 = arith.index_cast %scan3A_251 : i32 to index
      %swap3A_306 = arith.constant 96 : index
      %swap3A_307 = tpu.vector_load %arg13[%swap3A_305, %swap3A_306] {strides = array<i32>} : memref<32x128xf32, #tpu.memory_space<vmem>>, vector<16xf32>,
      tpu.vector_store %arg13[%swap3A_305, %swap3A_306], %gather3A {strides = array<i32>} : memref<32x128xf32, #tpu.memory_space<vmem>>, vector<16xf32>,
      %swap3A_308 = arith.index_cast %scan3A_251 : i32 to index
      %swap3A_309 = arith.constant 112 : index
      %swap3A_310 = tpu.vector_load %arg13[%swap3A_308, %swap3A_309] {strides = array<i32>} : memref<32x128xf32, #tpu.memory_space<vmem>>, vector<16xf32>,
      tpu.vector_store %arg13[%swap3A_308, %swap3A_309], %gather3A {strides = array<i32>} : memref<32x128xf32, #tpu.memory_space<vmem>>, vector<16xf32>,
    }
    %scan3A_128 = arith.constant 32 : i32
    %add3A_129 = arith.constant 128 : i32
    %add3A_130 = arith.addi %mul3A_0, %add3A_129 : i32
    "tpu.region"() ({
      %run_scoped3A_251 = tpu.sem_alloc : memref<!tpu.dma_semaphore, #tpu.memory_space<semaphore_mem>>
      %dma_start3A = arith.constant 0 : i32
      %dma_start3A_252 = tpu.memref_slice %arg6[%arg0, %add3A_130, %dma_start3A] : memref<2x10240x128xf32, #tpu.memory_space<hbm>> -> memref<1x32x128xf32, #tpu.memory_space<hbm>>
      %dma_start3A_253 = tpu.memref_squeeze %dma_start3A_252 : memref<1x32x128xf32, #tpu.memory_space<hbm>> -> memref<32x128xf32, #tpu.memory_space<hbm>>
      %dma_start3A_254 = arith.constant 0 : i32
      %dma_start3A_255 = tpu.memref_slice %arg6[%arg0, %add3A_130, %dma_start3A_254] : memref<2x10240x128xf32, #tpu.memory_space<hbm>> -> memref<1x32x128xf32, #tpu.memory_space<hbm>>
      %dma_start3A_256 = tpu.memref_squeeze %dma_start3A_255 : memref<1x32x128xf32, #tpu.memory_space<hbm>> -> memref<32x128xf32, #tpu.memory_space<hbm>>
      tpu.enqueue_dma source(%arg13 : memref<32x128xf32, #tpu.memory_space<vmem>>) target(%dma_start3A_256 : memref<32x128xf32, #tpu.memory_space<hbm>>) target_semaphore(%run_scoped3A_251 : memref<!tpu.dma_semaphore, #tpu.memory_space<semaphore_mem>>)
      %dma_wait3A = arith.constant 0 : i32
      %dma_wait3A_257 = tpu.memref_slice %arg6[%arg0, %add3A_130, %dma_wait3A] : memref<2x10240x128xf32, #tpu.memory_space<hbm>> -> memref<1x32x128xf32, #tpu.memory_space<hbm>>
      %dma_wait3A_258 = tpu.memref_squeeze %dma_wait3A_257 : memref<1x32x128xf32, #tpu.memory_space<hbm>> -> memref<32x128xf32, #tpu.memory_space<hbm>>
      %dma_wait3A_259 = arith.constant 0 : i32
      %dma_wait3A_260 = tpu.memref_slice %arg6[%arg0, %add3A_130, %dma_wait3A_259] : memref<2x10240x128xf32, #tpu.memory_space<hbm>> -> memref<1x32x128xf32, #tpu.memory_space<hbm>>
      %dma_wait3A_261 = tpu.memref_squeeze %dma_wait3A_260 : memref<1x32x128xf32, #tpu.memory_space<hbm>> -> memref<32x128xf32, #tpu.memory_space<hbm>>
      tpu.wait_dma2 semaphore(%run_scoped3A_251 : memref<!tpu.dma_semaphore, #tpu.memory_space<semaphore_mem>>) src(%arg13 : memref<32x128xf32, #tpu.memory_space<vmem>>) dst(%dma_wait3A_261 : memref<32x128xf32, #tpu.memory_space<hbm>>)
      tpu.yield
    }) : () -> ()
    %scan3A_131 = arith.constant 0 : i32
    %scan3A_132 = arith.constant 0 : i32
    %scan3A_133 = arith.constant 32 : i32
    %scan3A_134 = arith.addi %scan3A_132, %scan3A_133 : i32
    %scan3A_135 = arith.constant 1 : i32
    scf.for %scan3A_251 = %scan3A_132 to %scan3A_134 step %scan3A_135  : i32 {
      %add3A_252 = arith.constant 160 : i32
      %add3A_253 = arith.addi %add3A_252, %scan3A_251 : i32
      %jit3A = arith.constant 128 : i32
      %div3A = arith.divsi %add3A_253, %jit3A : i32
      %sign3A = arith.constant 0 : i32
      %sign3A_254 = arith.cmpi sgt, %add3A_253, %sign3A : i32
      %sign3A_255 = arith.extui %sign3A_254 : i1 to i32
      %sign3A_256 = arith.constant 0 : i32
      %sign3A_257 = arith.cmpi slt, %add3A_253, %sign3A_256 : i32
      %sign3A_258 = arith.extui %sign3A_257 : i1 to i32
      %sign3A_259 = arith.subi %sign3A_255, %sign3A_258 : i32
      %sign3A_260 = arith.constant 0 : i32
      %sign3A_261 = arith.cmpi sgt, %jit3A, %sign3A_260 : i32
      %sign3A_262 = arith.extui %sign3A_261 : i1 to i32
      %sign3A_263 = arith.constant 0 : i32
      %sign3A_264 = arith.cmpi slt, %jit3A, %sign3A_263 : i32
      %sign3A_265 = arith.extui %sign3A_264 : i1 to i32
      %sign3A_266 = arith.subi %sign3A_262, %sign3A_265 : i32
      %ne3A = arith.cmpi ne, %sign3A_259, %sign3A_266 : i32
      %rem3A = arith.remsi %add3A_253, %jit3A : i32
      %ne3A_267 = arith.constant 0 : i32
      %ne3A_268 = arith.cmpi ne, %rem3A, %ne3A_267 : i32
      %and3A = arith.andi %ne3A, %ne3A_268 : i1
      %sub3A = arith.constant 1 : i32
      %sub3A_269 = arith.subi %div3A, %sub3A : i32
      %select_n3A = arith.select %and3A, %sub3A_269, %div3A : i32
      %broadcast_in_dim3A_270 = vector.broadcast %select_n3A : i32 to vector<16xi32>
      %jit3A_271 = arith.constant 128 : i32
      %eq3A_272 = arith.constant 0 : i32
      %eq3A_273 = arith.cmpi eq, %jit3A_271, %eq3A_272 : i32
      %jit3A_274 = arith.constant 1 : i32
      %select_n3A_275 = arith.select %eq3A_273, %jit3A_274, %jit3A_271 : i32
      %rem3A_276 = arith.remsi %add3A_253, %select_n3A_275 : i32
      %ne3A_277 = arith.constant 0 : i32
      %ne3A_278 = arith.cmpi ne, %rem3A_276, %ne3A_277 : i32
      %lt3A = arith.constant 0 : i32
      %lt3A_279 = arith.cmpi slt, %rem3A_276, %lt3A : i32
      %lt3A_280 = arith.constant 0 : i32
      %lt3A_281 = arith.cmpi slt, %select_n3A_275, %lt3A_280 : i32
      %ne3A_282 = arith.xori %lt3A_279, %lt3A_281 : i1
      %and3A_283 = arith.andi %ne3A_282, %ne3A_278 : i1
      %add3A_284 = arith.addi %rem3A_276, %select_n3A_275 : i32
      %select_n3A_285 = arith.select %and3A_283, %add3A_284, %rem3A_276 : i32
      %broadcast_in_dim3A_286 = vector.broadcast %select_n3A_285 : i32 to vector<16xi32>
      %gather3A = tpu.vector_load_idx %arg14[%broadcast_in_dim3A_270, %broadcast_in_dim3A_286] : memref<5x128xf32, #tpu.memory_space<vmem>>[vector<16xi32>, vector<16xi32>], vector<16xf32>,
      %swap3A_287 = arith.index_cast %scan3A_251 : i32 to index
      %swap3A_288 = arith.constant 0 : index
      %swap3A_289 = tpu.vector_load %arg13[%swap3A_287, %swap3A_288] {strides = array<i32>} : memref<32x128xf32, #tpu.memory_space<vmem>>, vector<16xf32>,
      tpu.vector_store %arg13[%swap3A_287, %swap3A_288], %gather3A {strides = array<i32>} : memref<32x128xf32, #tpu.memory_space<vmem>>, vector<16xf32>,
      %swap3A_290 = arith.index_cast %scan3A_251 : i32 to index
      %swap3A_291 = arith.constant 16 : index
      %swap3A_292 = tpu.vector_load %arg13[%swap3A_290, %swap3A_291] {strides = array<i32>} : memref<32x128xf32, #tpu.memory_space<vmem>>, vector<16xf32>,
      tpu.vector_store %arg13[%swap3A_290, %swap3A_291], %gather3A {strides = array<i32>} : memref<32x128xf32, #tpu.memory_space<vmem>>, vector<16xf32>,
      %swap3A_293 = arith.index_cast %scan3A_251 : i32 to index
      %swap3A_294 = arith.constant 32 : index
      %swap3A_295 = tpu.vector_load %arg13[%swap3A_293, %swap3A_294] {strides = array<i32>} : memref<32x128xf32, #tpu.memory_space<vmem>>, vector<16xf32>,
      tpu.vector_store %arg13[%swap3A_293, %swap3A_294], %gather3A {strides = array<i32>} : memref<32x128xf32, #tpu.memory_space<vmem>>, vector<16xf32>,
      %swap3A_296 = arith.index_cast %scan3A_251 : i32 to index
      %swap3A_297 = arith.constant 48 : index
      %swap3A_298 = tpu.vector_load %arg13[%swap3A_296, %swap3A_297] {strides = array<i32>} : memref<32x128xf32, #tpu.memory_space<vmem>>, vector<16xf32>,
      tpu.vector_store %arg13[%swap3A_296, %swap3A_297], %gather3A {strides = array<i32>} : memref<32x128xf32, #tpu.memory_space<vmem>>, vector<16xf32>,
      %swap3A_299 = arith.index_cast %scan3A_251 : i32 to index
      %swap3A_300 = arith.constant 64 : index
      %swap3A_301 = tpu.vector_load %arg13[%swap3A_299, %swap3A_300] {strides = array<i32>} : memref<32x128xf32, #tpu.memory_space<vmem>>, vector<16xf32>,
      tpu.vector_store %arg13[%swap3A_299, %swap3A_300], %gather3A {strides = array<i32>} : memref<32x128xf32, #tpu.memory_space<vmem>>, vector<16xf32>,
      %swap3A_302 = arith.index_cast %scan3A_251 : i32 to index
      %swap3A_303 = arith.constant 80 : index
      %swap3A_304 = tpu.vector_load %arg13[%swap3A_302, %swap3A_303] {strides = array<i32>} : memref<32x128xf32, #tpu.memory_space<vmem>>, vector<16xf32>,
      tpu.vector_store %arg13[%swap3A_302, %swap3A_303], %gather3A {strides = array<i32>} : memref<32x128xf32, #tpu.memory_space<vmem>>, vector<16xf32>,
      %swap3A_305 = arith.index_cast %scan3A_251 : i32 to index
      %swap3A_306 = arith.constant 96 : index
      %swap3A_307 = tpu.vector_load %arg13[%swap3A_305, %swap3A_306] {strides = array<i32>} : memref<32x128xf32, #tpu.memory_space<vmem>>, vector<16xf32>,
      tpu.vector_store %arg13[%swap3A_305, %swap3A_306], %gather3A {strides = array<i32>} : memref<32x128xf32, #tpu.memory_space<vmem>>, vector<16xf32>,
      %swap3A_308 = arith.index_cast %scan3A_251 : i32 to index
      %swap3A_309 = arith.constant 112 : index
      %swap3A_310 = tpu.vector_load %arg13[%swap3A_308, %swap3A_309] {strides = array<i32>} : memref<32x128xf32, #tpu.memory_space<vmem>>, vector<16xf32>,
      tpu.vector_store %arg13[%swap3A_308, %swap3A_309], %gather3A {strides = array<i32>} : memref<32x128xf32, #tpu.memory_space<vmem>>, vector<16xf32>,
    }
    %scan3A_136 = arith.constant 32 : i32
    %add3A_137 = arith.constant 160 : i32
    %add3A_138 = arith.addi %mul3A_0, %add3A_137 : i32
    "tpu.region"() ({
      %run_scoped3A_251 = tpu.sem_alloc : memref<!tpu.dma_semaphore, #tpu.memory_space<semaphore_mem>>
      %dma_start3A = arith.constant 0 : i32
      %dma_start3A_252 = tpu.memref_slice %arg6[%arg0, %add3A_138, %dma_start3A] : memref<2x10240x128xf32, #tpu.memory_space<hbm>> -> memref<1x32x128xf32, #tpu.memory_space<hbm>>
      %dma_start3A_253 = tpu.memref_squeeze %dma_start3A_252 : memref<1x32x128xf32, #tpu.memory_space<hbm>> -> memref<32x128xf32, #tpu.memory_space<hbm>>
      %dma_start3A_254 = arith.constant 0 : i32
      %dma_start3A_255 = tpu.memref_slice %arg6[%arg0, %add3A_138, %dma_start3A_254] : memref<2x10240x128xf32, #tpu.memory_space<hbm>> -> memref<1x32x128xf32, #tpu.memory_space<hbm>>
      %dma_start3A_256 = tpu.memref_squeeze %dma_start3A_255 : memref<1x32x128xf32, #tpu.memory_space<hbm>> -> memref<32x128xf32, #tpu.memory_space<hbm>>
      tpu.enqueue_dma source(%arg13 : memref<32x128xf32, #tpu.memory_space<vmem>>) target(%dma_start3A_256 : memref<32x128xf32, #tpu.memory_space<hbm>>) target_semaphore(%run_scoped3A_251 : memref<!tpu.dma_semaphore, #tpu.memory_space<semaphore_mem>>)
      %dma_wait3A = arith.constant 0 : i32
      %dma_wait3A_257 = tpu.memref_slice %arg6[%arg0, %add3A_138, %dma_wait3A] : memref<2x10240x128xf32, #tpu.memory_space<hbm>> -> memref<1x32x128xf32, #tpu.memory_space<hbm>>
      %dma_wait3A_258 = tpu.memref_squeeze %dma_wait3A_257 : memref<1x32x128xf32, #tpu.memory_space<hbm>> -> memref<32x128xf32, #tpu.memory_space<hbm>>
      %dma_wait3A_259 = arith.constant 0 : i32
      %dma_wait3A_260 = tpu.memref_slice %arg6[%arg0, %add3A_138, %dma_wait3A_259] : memref<2x10240x128xf32, #tpu.memory_space<hbm>> -> memref<1x32x128xf32, #tpu.memory_space<hbm>>
      %dma_wait3A_261 = tpu.memref_squeeze %dma_wait3A_260 : memref<1x32x128xf32, #tpu.memory_space<hbm>> -> memref<32x128xf32, #tpu.memory_space<hbm>>
      tpu.wait_dma2 semaphore(%run_scoped3A_251 : memref<!tpu.dma_semaphore, #tpu.memory_space<semaphore_mem>>) src(%arg13 : memref<32x128xf32, #tpu.memory_space<vmem>>) dst(%dma_wait3A_261 : memref<32x128xf32, #tpu.memory_space<hbm>>)
      tpu.yield
    }) : () -> ()
    %scan3A_139 = arith.constant 0 : i32
    %scan3A_140 = arith.constant 0 : i32
    %scan3A_141 = arith.constant 32 : i32
    %scan3A_142 = arith.addi %scan3A_140, %scan3A_141 : i32
    %scan3A_143 = arith.constant 1 : i32
    scf.for %scan3A_251 = %scan3A_140 to %scan3A_142 step %scan3A_143  : i32 {
      %add3A_252 = arith.constant 192 : i32
      %add3A_253 = arith.addi %add3A_252, %scan3A_251 : i32
      %jit3A = arith.constant 128 : i32
      %div3A = arith.divsi %add3A_253, %jit3A : i32
      %sign3A = arith.constant 0 : i32
      %sign3A_254 = arith.cmpi sgt, %add3A_253, %sign3A : i32
      %sign3A_255 = arith.extui %sign3A_254 : i1 to i32
      %sign3A_256 = arith.constant 0 : i32
      %sign3A_257 = arith.cmpi slt, %add3A_253, %sign3A_256 : i32
      %sign3A_258 = arith.extui %sign3A_257 : i1 to i32
      %sign3A_259 = arith.subi %sign3A_255, %sign3A_258 : i32
      %sign3A_260 = arith.constant 0 : i32
      %sign3A_261 = arith.cmpi sgt, %jit3A, %sign3A_260 : i32
      %sign3A_262 = arith.extui %sign3A_261 : i1 to i32
      %sign3A_263 = arith.constant 0 : i32
      %sign3A_264 = arith.cmpi slt, %jit3A, %sign3A_263 : i32
      %sign3A_265 = arith.extui %sign3A_264 : i1 to i32
      %sign3A_266 = arith.subi %sign3A_262, %sign3A_265 : i32
      %ne3A = arith.cmpi ne, %sign3A_259, %sign3A_266 : i32
      %rem3A = arith.remsi %add3A_253, %jit3A : i32
      %ne3A_267 = arith.constant 0 : i32
      %ne3A_268 = arith.cmpi ne, %rem3A, %ne3A_267 : i32
      %and3A = arith.andi %ne3A, %ne3A_268 : i1
      %sub3A = arith.constant 1 : i32
      %sub3A_269 = arith.subi %div3A, %sub3A : i32
      %select_n3A = arith.select %and3A, %sub3A_269, %div3A : i32
      %broadcast_in_dim3A_270 = vector.broadcast %select_n3A : i32 to vector<16xi32>
      %jit3A_271 = arith.constant 128 : i32
      %eq3A_272 = arith.constant 0 : i32
      %eq3A_273 = arith.cmpi eq, %jit3A_271, %eq3A_272 : i32
      %jit3A_274 = arith.constant 1 : i32
      %select_n3A_275 = arith.select %eq3A_273, %jit3A_274, %jit3A_271 : i32
      %rem3A_276 = arith.remsi %add3A_253, %select_n3A_275 : i32
      %ne3A_277 = arith.constant 0 : i32
      %ne3A_278 = arith.cmpi ne, %rem3A_276, %ne3A_277 : i32
      %lt3A = arith.constant 0 : i32
      %lt3A_279 = arith.cmpi slt, %rem3A_276, %lt3A : i32
      %lt3A_280 = arith.constant 0 : i32
      %lt3A_281 = arith.cmpi slt, %select_n3A_275, %lt3A_280 : i32
      %ne3A_282 = arith.xori %lt3A_279, %lt3A_281 : i1
      %and3A_283 = arith.andi %ne3A_282, %ne3A_278 : i1
      %add3A_284 = arith.addi %rem3A_276, %select_n3A_275 : i32
      %select_n3A_285 = arith.select %and3A_283, %add3A_284, %rem3A_276 : i32
      %broadcast_in_dim3A_286 = vector.broadcast %select_n3A_285 : i32 to vector<16xi32>
      %gather3A = tpu.vector_load_idx %arg14[%broadcast_in_dim3A_270, %broadcast_in_dim3A_286] : memref<5x128xf32, #tpu.memory_space<vmem>>[vector<16xi32>, vector<16xi32>], vector<16xf32>,
      %swap3A_287 = arith.index_cast %scan3A_251 : i32 to index
      %swap3A_288 = arith.constant 0 : index
      %swap3A_289 = tpu.vector_load %arg13[%swap3A_287, %swap3A_288] {strides = array<i32>} : memref<32x128xf32, #tpu.memory_space<vmem>>, vector<16xf32>,
      tpu.vector_store %arg13[%swap3A_287, %swap3A_288], %gather3A {strides = array<i32>} : memref<32x128xf32, #tpu.memory_space<vmem>>, vector<16xf32>,
      %swap3A_290 = arith.index_cast %scan3A_251 : i32 to index
      %swap3A_291 = arith.constant 16 : index
      %swap3A_292 = tpu.vector_load %arg13[%swap3A_290, %swap3A_291] {strides = array<i32>} : memref<32x128xf32, #tpu.memory_space<vmem>>, vector<16xf32>,
      tpu.vector_store %arg13[%swap3A_290, %swap3A_291], %gather3A {strides = array<i32>} : memref<32x128xf32, #tpu.memory_space<vmem>>, vector<16xf32>,
      %swap3A_293 = arith.index_cast %scan3A_251 : i32 to index
      %swap3A_294 = arith.constant 32 : index
      %swap3A_295 = tpu.vector_load %arg13[%swap3A_293, %swap3A_294] {strides = array<i32>} : memref<32x128xf32, #tpu.memory_space<vmem>>, vector<16xf32>,
      tpu.vector_store %arg13[%swap3A_293, %swap3A_294], %gather3A {strides = array<i32>} : memref<32x128xf32, #tpu.memory_space<vmem>>, vector<16xf32>,
      %swap3A_296 = arith.index_cast %scan3A_251 : i32 to index
      %swap3A_297 = arith.constant 48 : index
      %swap3A_298 = tpu.vector_load %arg13[%swap3A_296, %swap3A_297] {strides = array<i32>} : memref<32x128xf32, #tpu.memory_space<vmem>>, vector<16xf32>,
      tpu.vector_store %arg13[%swap3A_296, %swap3A_297], %gather3A {strides = array<i32>} : memref<32x128xf32, #tpu.memory_space<vmem>>, vector<16xf32>,
      %swap3A_299 = arith.index_cast %scan3A_251 : i32 to index
      %swap3A_300 = arith.constant 64 : index
      %swap3A_301 = tpu.vector_load %arg13[%swap3A_299, %swap3A_300] {strides = array<i32>} : memref<32x128xf32, #tpu.memory_space<vmem>>, vector<16xf32>,
      tpu.vector_store %arg13[%swap3A_299, %swap3A_300], %gather3A {strides = array<i32>} : memref<32x128xf32, #tpu.memory_space<vmem>>, vector<16xf32>,
      %swap3A_302 = arith.index_cast %scan3A_251 : i32 to index
      %swap3A_303 = arith.constant 80 : index
      %swap3A_304 = tpu.vector_load %arg13[%swap3A_302, %swap3A_303] {strides = array<i32>} : memref<32x128xf32, #tpu.memory_space<vmem>>, vector<16xf32>,
      tpu.vector_store %arg13[%swap3A_302, %swap3A_303], %gather3A {strides = array<i32>} : memref<32x128xf32, #tpu.memory_space<vmem>>, vector<16xf32>,
      %swap3A_305 = arith.index_cast %scan3A_251 : i32 to index
      %swap3A_306 = arith.constant 96 : index
      %swap3A_307 = tpu.vector_load %arg13[%swap3A_305, %swap3A_306] {strides = array<i32>} : memref<32x128xf32, #tpu.memory_space<vmem>>, vector<16xf32>,
      tpu.vector_store %arg13[%swap3A_305, %swap3A_306], %gather3A {strides = array<i32>} : memref<32x128xf32, #tpu.memory_space<vmem>>, vector<16xf32>,
      %swap3A_308 = arith.index_cast %scan3A_251 : i32 to index
      %swap3A_309 = arith.constant 112 : index
      %swap3A_310 = tpu.vector_load %arg13[%swap3A_308, %swap3A_309] {strides = array<i32>} : memref<32x128xf32, #tpu.memory_space<vmem>>, vector<16xf32>,
      tpu.vector_store %arg13[%swap3A_308, %swap3A_309], %gather3A {strides = array<i32>} : memref<32x128xf32, #tpu.memory_space<vmem>>, vector<16xf32>,
    }
    %scan3A_144 = arith.constant 32 : i32
    %add3A_145 = arith.constant 192 : i32
    %add3A_146 = arith.addi %mul3A_0, %add3A_145 : i32
    "tpu.region"() ({
      %run_scoped3A_251 = tpu.sem_alloc : memref<!tpu.dma_semaphore, #tpu.memory_space<semaphore_mem>>
      %dma_start3A = arith.constant 0 : i32
      %dma_start3A_252 = tpu.memref_slice %arg6[%arg0, %add3A_146, %dma_start3A] : memref<2x10240x128xf32, #tpu.memory_space<hbm>> -> memref<1x32x128xf32, #tpu.memory_space<hbm>>
      %dma_start3A_253 = tpu.memref_squeeze %dma_start3A_252 : memref<1x32x128xf32, #tpu.memory_space<hbm>> -> memref<32x128xf32, #tpu.memory_space<hbm>>
      %dma_start3A_254 = arith.constant 0 : i32
      %dma_start3A_255 = tpu.memref_slice %arg6[%arg0, %add3A_146, %dma_start3A_254] : memref<2x10240x128xf32, #tpu.memory_space<hbm>> -> memref<1x32x128xf32, #tpu.memory_space<hbm>>
      %dma_start3A_256 = tpu.memref_squeeze %dma_start3A_255 : memref<1x32x128xf32, #tpu.memory_space<hbm>> -> memref<32x128xf32, #tpu.memory_space<hbm>>
      tpu.enqueue_dma source(%arg13 : memref<32x128xf32, #tpu.memory_space<vmem>>) target(%dma_start3A_256 : memref<32x128xf32, #tpu.memory_space<hbm>>) target_semaphore(%run_scoped3A_251 : memref<!tpu.dma_semaphore, #tpu.memory_space<semaphore_mem>>)
      %dma_wait3A = arith.constant 0 : i32
      %dma_wait3A_257 = tpu.memref_slice %arg6[%arg0, %add3A_146, %dma_wait3A] : memref<2x10240x128xf32, #tpu.memory_space<hbm>> -> memref<1x32x128xf32, #tpu.memory_space<hbm>>
      %dma_wait3A_258 = tpu.memref_squeeze %dma_wait3A_257 : memref<1x32x128xf32, #tpu.memory_space<hbm>> -> memref<32x128xf32, #tpu.memory_space<hbm>>
      %dma_wait3A_259 = arith.constant 0 : i32
      %dma_wait3A_260 = tpu.memref_slice %arg6[%arg0, %add3A_146, %dma_wait3A_259] : memref<2x10240x128xf32, #tpu.memory_space<hbm>> -> memref<1x32x128xf32, #tpu.memory_space<hbm>>
      %dma_wait3A_261 = tpu.memref_squeeze %dma_wait3A_260 : memref<1x32x128xf32, #tpu.memory_space<hbm>> -> memref<32x128xf32, #tpu.memory_space<hbm>>
      tpu.wait_dma2 semaphore(%run_scoped3A_251 : memref<!tpu.dma_semaphore, #tpu.memory_space<semaphore_mem>>) src(%arg13 : memref<32x128xf32, #tpu.memory_space<vmem>>) dst(%dma_wait3A_261 : memref<32x128xf32, #tpu.memory_space<hbm>>)
      tpu.yield
    }) : () -> ()
    %scan3A_147 = arith.constant 0 : i32
    %scan3A_148 = arith.constant 0 : i32
    %scan3A_149 = arith.constant 32 : i32
    %scan3A_150 = arith.addi %scan3A_148, %scan3A_149 : i32
    %scan3A_151 = arith.constant 1 : i32
    scf.for %scan3A_251 = %scan3A_148 to %scan3A_150 step %scan3A_151  : i32 {
      %add3A_252 = arith.constant 224 : i32
      %add3A_253 = arith.addi %add3A_252, %scan3A_251 : i32
      %jit3A = arith.constant 128 : i32
      %div3A = arith.divsi %add3A_253, %jit3A : i32
      %sign3A = arith.constant 0 : i32
      %sign3A_254 = arith.cmpi sgt, %add3A_253, %sign3A : i32
      %sign3A_255 = arith.extui %sign3A_254 : i1 to i32
      %sign3A_256 = arith.constant 0 : i32
      %sign3A_257 = arith.cmpi slt, %add3A_253, %sign3A_256 : i32
      %sign3A_258 = arith.extui %sign3A_257 : i1 to i32
      %sign3A_259 = arith.subi %sign3A_255, %sign3A_258 : i32
      %sign3A_260 = arith.constant 0 : i32
      %sign3A_261 = arith.cmpi sgt, %jit3A, %sign3A_260 : i32
      %sign3A_262 = arith.extui %sign3A_261 : i1 to i32
      %sign3A_263 = arith.constant 0 : i32
      %sign3A_264 = arith.cmpi slt, %jit3A, %sign3A_263 : i32
      %sign3A_265 = arith.extui %sign3A_264 : i1 to i32
      %sign3A_266 = arith.subi %sign3A_262, %sign3A_265 : i32
      %ne3A = arith.cmpi ne, %sign3A_259, %sign3A_266 : i32
      %rem3A = arith.remsi %add3A_253, %jit3A : i32
      %ne3A_267 = arith.constant 0 : i32
      %ne3A_268 = arith.cmpi ne, %rem3A, %ne3A_267 : i32
      %and3A = arith.andi %ne3A, %ne3A_268 : i1
      %sub3A = arith.constant 1 : i32
      %sub3A_269 = arith.subi %div3A, %sub3A : i32
      %select_n3A = arith.select %and3A, %sub3A_269, %div3A : i32
      %broadcast_in_dim3A_270 = vector.broadcast %select_n3A : i32 to vector<16xi32>
      %jit3A_271 = arith.constant 128 : i32
      %eq3A_272 = arith.constant 0 : i32
      %eq3A_273 = arith.cmpi eq, %jit3A_271, %eq3A_272 : i32
      %jit3A_274 = arith.constant 1 : i32
      %select_n3A_275 = arith.select %eq3A_273, %jit3A_274, %jit3A_271 : i32
      %rem3A_276 = arith.remsi %add3A_253, %select_n3A_275 : i32
      %ne3A_277 = arith.constant 0 : i32
      %ne3A_278 = arith.cmpi ne, %rem3A_276, %ne3A_277 : i32
      %lt3A = arith.constant 0 : i32
      %lt3A_279 = arith.cmpi slt, %rem3A_276, %lt3A : i32
      %lt3A_280 = arith.constant 0 : i32
      %lt3A_281 = arith.cmpi slt, %select_n3A_275, %lt3A_280 : i32
      %ne3A_282 = arith.xori %lt3A_279, %lt3A_281 : i1
      %and3A_283 = arith.andi %ne3A_282, %ne3A_278 : i1
      %add3A_284 = arith.addi %rem3A_276, %select_n3A_275 : i32
      %select_n3A_285 = arith.select %and3A_283, %add3A_284, %rem3A_276 : i32
      %broadcast_in_dim3A_286 = vector.broadcast %select_n3A_285 : i32 to vector<16xi32>
      %gather3A = tpu.vector_load_idx %arg14[%broadcast_in_dim3A_270, %broadcast_in_dim3A_286] : memref<5x128xf32, #tpu.memory_space<vmem>>[vector<16xi32>, vector<16xi32>], vector<16xf32>,
      %swap3A_287 = arith.index_cast %scan3A_251 : i32 to index
      %swap3A_288 = arith.constant 0 : index
      %swap3A_289 = tpu.vector_load %arg13[%swap3A_287, %swap3A_288] {strides = array<i32>} : memref<32x128xf32, #tpu.memory_space<vmem>>, vector<16xf32>,
      tpu.vector_store %arg13[%swap3A_287, %swap3A_288], %gather3A {strides = array<i32>} : memref<32x128xf32, #tpu.memory_space<vmem>>, vector<16xf32>,
      %swap3A_290 = arith.index_cast %scan3A_251 : i32 to index
      %swap3A_291 = arith.constant 16 : index
      %swap3A_292 = tpu.vector_load %arg13[%swap3A_290, %swap3A_291] {strides = array<i32>} : memref<32x128xf32, #tpu.memory_space<vmem>>, vector<16xf32>,
      tpu.vector_store %arg13[%swap3A_290, %swap3A_291], %gather3A {strides = array<i32>} : memref<32x128xf32, #tpu.memory_space<vmem>>, vector<16xf32>,
      %swap3A_293 = arith.index_cast %scan3A_251 : i32 to index
      %swap3A_294 = arith.constant 32 : index
      %swap3A_295 = tpu.vector_load %arg13[%swap3A_293, %swap3A_294] {strides = array<i32>} : memref<32x128xf32, #tpu.memory_space<vmem>>, vector<16xf32>,
      tpu.vector_store %arg13[%swap3A_293, %swap3A_294], %gather3A {strides = array<i32>} : memref<32x128xf32, #tpu.memory_space<vmem>>, vector<16xf32>,
      %swap3A_296 = arith.index_cast %scan3A_251 : i32 to index
      %swap3A_297 = arith.constant 48 : index
      %swap3A_298 = tpu.vector_load %arg13[%swap3A_296, %swap3A_297] {strides = array<i32>} : memref<32x128xf32, #tpu.memory_space<vmem>>, vector<16xf32>,
      tpu.vector_store %arg13[%swap3A_296, %swap3A_297], %gather3A {strides = array<i32>} : memref<32x128xf32, #tpu.memory_space<vmem>>, vector<16xf32>,
      %swap3A_299 = arith.index_cast %scan3A_251 : i32 to index
      %swap3A_300 = arith.constant 64 : index
      %swap3A_301 = tpu.vector_load %arg13[%swap3A_299, %swap3A_300] {strides = array<i32>} : memref<32x128xf32, #tpu.memory_space<vmem>>, vector<16xf32>,
      tpu.vector_store %arg13[%swap3A_299, %swap3A_300], %gather3A {strides = array<i32>} : memref<32x128xf32, #tpu.memory_space<vmem>>, vector<16xf32>,
      %swap3A_302 = arith.index_cast %scan3A_251 : i32 to index
      %swap3A_303 = arith.constant 80 : index
      %swap3A_304 = tpu.vector_load %arg13[%swap3A_302, %swap3A_303] {strides = array<i32>} : memref<32x128xf32, #tpu.memory_space<vmem>>, vector<16xf32>,
      tpu.vector_store %arg13[%swap3A_302, %swap3A_303], %gather3A {strides = array<i32>} : memref<32x128xf32, #tpu.memory_space<vmem>>, vector<16xf32>,
      %swap3A_305 = arith.index_cast %scan3A_251 : i32 to index
      %swap3A_306 = arith.constant 96 : index
      %swap3A_307 = tpu.vector_load %arg13[%swap3A_305, %swap3A_306] {strides = array<i32>} : memref<32x128xf32, #tpu.memory_space<vmem>>, vector<16xf32>,
      tpu.vector_store %arg13[%swap3A_305, %swap3A_306], %gather3A {strides = array<i32>} : memref<32x128xf32, #tpu.memory_space<vmem>>, vector<16xf32>,
      %swap3A_308 = arith.index_cast %scan3A_251 : i32 to index
      %swap3A_309 = arith.constant 112 : index
      %swap3A_310 = tpu.vector_load %arg13[%swap3A_308, %swap3A_309] {strides = array<i32>} : memref<32x128xf32, #tpu.memory_space<vmem>>, vector<16xf32>,
      tpu.vector_store %arg13[%swap3A_308, %swap3A_309], %gather3A {strides = array<i32>} : memref<32x128xf32, #tpu.memory_space<vmem>>, vector<16xf32>,
    }
    %scan3A_152 = arith.constant 32 : i32
    %add3A_153 = arith.constant 224 : i32
    %add3A_154 = arith.addi %mul3A_0, %add3A_153 : i32
    "tpu.region"() ({
      %run_scoped3A_251 = tpu.sem_alloc : memref<!tpu.dma_semaphore, #tpu.memory_space<semaphore_mem>>
      %dma_start3A = arith.constant 0 : i32
      %dma_start3A_252 = tpu.memref_slice %arg6[%arg0, %add3A_154, %dma_start3A] : memref<2x10240x128xf32, #tpu.memory_space<hbm>> -> memref<1x32x128xf32, #tpu.memory_space<hbm>>
      %dma_start3A_253 = tpu.memref_squeeze %dma_start3A_252 : memref<1x32x128xf32, #tpu.memory_space<hbm>> -> memref<32x128xf32, #tpu.memory_space<hbm>>
      %dma_start3A_254 = arith.constant 0 : i32
      %dma_start3A_255 = tpu.memref_slice %arg6[%arg0, %add3A_154, %dma_start3A_254] : memref<2x10240x128xf32, #tpu.memory_space<hbm>> -> memref<1x32x128xf32, #tpu.memory_space<hbm>>
      %dma_start3A_256 = tpu.memref_squeeze %dma_start3A_255 : memref<1x32x128xf32, #tpu.memory_space<hbm>> -> memref<32x128xf32, #tpu.memory_space<hbm>>
      tpu.enqueue_dma source(%arg13 : memref<32x128xf32, #tpu.memory_space<vmem>>) target(%dma_start3A_256 : memref<32x128xf32, #tpu.memory_space<hbm>>) target_semaphore(%run_scoped3A_251 : memref<!tpu.dma_semaphore, #tpu.memory_space<semaphore_mem>>)
      %dma_wait3A = arith.constant 0 : i32
      %dma_wait3A_257 = tpu.memref_slice %arg6[%arg0, %add3A_154, %dma_wait3A] : memref<2x10240x128xf32, #tpu.memory_space<hbm>> -> memref<1x32x128xf32, #tpu.memory_space<hbm>>
      %dma_wait3A_258 = tpu.memref_squeeze %dma_wait3A_257 : memref<1x32x128xf32, #tpu.memory_space<hbm>> -> memref<32x128xf32, #tpu.memory_space<hbm>>
      %dma_wait3A_259 = arith.constant 0 : i32
      %dma_wait3A_260 = tpu.memref_slice %arg6[%arg0, %add3A_154, %dma_wait3A_259] : memref<2x10240x128xf32, #tpu.memory_space<hbm>> -> memref<1x32x128xf32, #tpu.memory_space<hbm>>
      %dma_wait3A_261 = tpu.memref_squeeze %dma_wait3A_260 : memref<1x32x128xf32, #tpu.memory_space<hbm>> -> memref<32x128xf32, #tpu.memory_space<hbm>>
      tpu.wait_dma2 semaphore(%run_scoped3A_251 : memref<!tpu.dma_semaphore, #tpu.memory_space<semaphore_mem>>) src(%arg13 : memref<32x128xf32, #tpu.memory_space<vmem>>) dst(%dma_wait3A_261 : memref<32x128xf32, #tpu.memory_space<hbm>>)
      tpu.yield
    }) : () -> ()
    %scan3A_155 = arith.constant 0 : i32
    %scan3A_156 = arith.constant 0 : i32
    %scan3A_157 = arith.constant 32 : i32
    %scan3A_158 = arith.addi %scan3A_156, %scan3A_157 : i32
    %scan3A_159 = arith.constant 1 : i32
    scf.for %scan3A_251 = %scan3A_156 to %scan3A_158 step %scan3A_159  : i32 {
      %add3A_252 = arith.constant 256 : i32
      %add3A_253 = arith.addi %add3A_252, %scan3A_251 : i32
      %jit3A = arith.constant 128 : i32
      %div3A = arith.divsi %add3A_253, %jit3A : i32
      %sign3A = arith.constant 0 : i32
      %sign3A_254 = arith.cmpi sgt, %add3A_253, %sign3A : i32
      %sign3A_255 = arith.extui %sign3A_254 : i1 to i32
      %sign3A_256 = arith.constant 0 : i32
      %sign3A_257 = arith.cmpi slt, %add3A_253, %sign3A_256 : i32
      %sign3A_258 = arith.extui %sign3A_257 : i1 to i32
      %sign3A_259 = arith.subi %sign3A_255, %sign3A_258 : i32
      %sign3A_260 = arith.constant 0 : i32
      %sign3A_261 = arith.cmpi sgt, %jit3A, %sign3A_260 : i32
      %sign3A_262 = arith.extui %sign3A_261 : i1 to i32
      %sign3A_263 = arith.constant 0 : i32
      %sign3A_264 = arith.cmpi slt, %jit3A, %sign3A_263 : i32
      %sign3A_265 = arith.extui %sign3A_264 : i1 to i32
      %sign3A_266 = arith.subi %sign3A_262, %sign3A_265 : i32
      %ne3A = arith.cmpi ne, %sign3A_259, %sign3A_266 : i32
      %rem3A = arith.remsi %add3A_253, %jit3A : i32
      %ne3A_267 = arith.constant 0 : i32
      %ne3A_268 = arith.cmpi ne, %rem3A, %ne3A_267 : i32
      %and3A = arith.andi %ne3A, %ne3A_268 : i1
      %sub3A = arith.constant 1 : i32
      %sub3A_269 = arith.subi %div3A, %sub3A : i32
      %select_n3A = arith.select %and3A, %sub3A_269, %div3A : i32
      %broadcast_in_dim3A_270 = vector.broadcast %select_n3A : i32 to vector<16xi32>
      %jit3A_271 = arith.constant 128 : i32
      %eq3A_272 = arith.constant 0 : i32
      %eq3A_273 = arith.cmpi eq, %jit3A_271, %eq3A_272 : i32
      %jit3A_274 = arith.constant 1 : i32
      %select_n3A_275 = arith.select %eq3A_273, %jit3A_274, %jit3A_271 : i32
      %rem3A_276 = arith.remsi %add3A_253, %select_n3A_275 : i32
      %ne3A_277 = arith.constant 0 : i32
      %ne3A_278 = arith.cmpi ne, %rem3A_276, %ne3A_277 : i32
      %lt3A = arith.constant 0 : i32
      %lt3A_279 = arith.cmpi slt, %rem3A_276, %lt3A : i32
      %lt3A_280 = arith.constant 0 : i32
      %lt3A_281 = arith.cmpi slt, %select_n3A_275, %lt3A_280 : i32
      %ne3A_282 = arith.xori %lt3A_279, %lt3A_281 : i1
      %and3A_283 = arith.andi %ne3A_282, %ne3A_278 : i1
      %add3A_284 = arith.addi %rem3A_276, %select_n3A_275 : i32
      %select_n3A_285 = arith.select %and3A_283, %add3A_284, %rem3A_276 : i32
      %broadcast_in_dim3A_286 = vector.broadcast %select_n3A_285 : i32 to vector<16xi32>
      %gather3A = tpu.vector_load_idx %arg14[%broadcast_in_dim3A_270, %broadcast_in_dim3A_286] : memref<5x128xf32, #tpu.memory_space<vmem>>[vector<16xi32>, vector<16xi32>], vector<16xf32>,
      %swap3A_287 = arith.index_cast %scan3A_251 : i32 to index
      %swap3A_288 = arith.constant 0 : index
      %swap3A_289 = tpu.vector_load %arg13[%swap3A_287, %swap3A_288] {strides = array<i32>} : memref<32x128xf32, #tpu.memory_space<vmem>>, vector<16xf32>,
      tpu.vector_store %arg13[%swap3A_287, %swap3A_288], %gather3A {strides = array<i32>} : memref<32x128xf32, #tpu.memory_space<vmem>>, vector<16xf32>,
      %swap3A_290 = arith.index_cast %scan3A_251 : i32 to index
      %swap3A_291 = arith.constant 16 : index
      %swap3A_292 = tpu.vector_load %arg13[%swap3A_290, %swap3A_291] {strides = array<i32>} : memref<32x128xf32, #tpu.memory_space<vmem>>, vector<16xf32>,
      tpu.vector_store %arg13[%swap3A_290, %swap3A_291], %gather3A {strides = array<i32>} : memref<32x128xf32, #tpu.memory_space<vmem>>, vector<16xf32>,
      %swap3A_293 = arith.index_cast %scan3A_251 : i32 to index
      %swap3A_294 = arith.constant 32 : index
      %swap3A_295 = tpu.vector_load %arg13[%swap3A_293, %swap3A_294] {strides = array<i32>} : memref<32x128xf32, #tpu.memory_space<vmem>>, vector<16xf32>,
      tpu.vector_store %arg13[%swap3A_293, %swap3A_294], %gather3A {strides = array<i32>} : memref<32x128xf32, #tpu.memory_space<vmem>>, vector<16xf32>,
      %swap3A_296 = arith.index_cast %scan3A_251 : i32 to index
      %swap3A_297 = arith.constant 48 : index
      %swap3A_298 = tpu.vector_load %arg13[%swap3A_296, %swap3A_297] {strides = array<i32>} : memref<32x128xf32, #tpu.memory_space<vmem>>, vector<16xf32>,
      tpu.vector_store %arg13[%swap3A_296, %swap3A_297], %gather3A {strides = array<i32>} : memref<32x128xf32, #tpu.memory_space<vmem>>, vector<16xf32>,
      %swap3A_299 = arith.index_cast %scan3A_251 : i32 to index
      %swap3A_300 = arith.constant 64 : index
      %swap3A_301 = tpu.vector_load %arg13[%swap3A_299, %swap3A_300] {strides = array<i32>} : memref<32x128xf32, #tpu.memory_space<vmem>>, vector<16xf32>,
      tpu.vector_store %arg13[%swap3A_299, %swap3A_300], %gather3A {strides = array<i32>} : memref<32x128xf32, #tpu.memory_space<vmem>>, vector<16xf32>,
      %swap3A_302 = arith.index_cast %scan3A_251 : i32 to index
      %swap3A_303 = arith.constant 80 : index
      %swap3A_304 = tpu.vector_load %arg13[%swap3A_302, %swap3A_303] {strides = array<i32>} : memref<32x128xf32, #tpu.memory_space<vmem>>, vector<16xf32>,
      tpu.vector_store %arg13[%swap3A_302, %swap3A_303], %gather3A {strides = array<i32>} : memref<32x128xf32, #tpu.memory_space<vmem>>, vector<16xf32>,
      %swap3A_305 = arith.index_cast %scan3A_251 : i32 to index
      %swap3A_306 = arith.constant 96 : index
      %swap3A_307 = tpu.vector_load %arg13[%swap3A_305, %swap3A_306] {strides = array<i32>} : memref<32x128xf32, #tpu.memory_space<vmem>>, vector<16xf32>,
      tpu.vector_store %arg13[%swap3A_305, %swap3A_306], %gather3A {strides = array<i32>} : memref<32x128xf32, #tpu.memory_space<vmem>>, vector<16xf32>,
      %swap3A_308 = arith.index_cast %scan3A_251 : i32 to index
      %swap3A_309 = arith.constant 112 : index
      %swap3A_310 = tpu.vector_load %arg13[%swap3A_308, %swap3A_309] {strides = array<i32>} : memref<32x128xf32, #tpu.memory_space<vmem>>, vector<16xf32>,
      tpu.vector_store %arg13[%swap3A_308, %swap3A_309], %gather3A {strides = array<i32>} : memref<32x128xf32, #tpu.memory_space<vmem>>, vector<16xf32>,
    }
    %scan3A_160 = arith.constant 32 : i32
    %add3A_161 = arith.constant 256 : i32
    %add3A_162 = arith.addi %mul3A_0, %add3A_161 : i32
    "tpu.region"() ({
      %run_scoped3A_251 = tpu.sem_alloc : memref<!tpu.dma_semaphore, #tpu.memory_space<semaphore_mem>>
      %dma_start3A = arith.constant 0 : i32
      %dma_start3A_252 = tpu.memref_slice %arg6[%arg0, %add3A_162, %dma_start3A] : memref<2x10240x128xf32, #tpu.memory_space<hbm>> -> memref<1x32x128xf32, #tpu.memory_space<hbm>>
      %dma_start3A_253 = tpu.memref_squeeze %dma_start3A_252 : memref<1x32x128xf32, #tpu.memory_space<hbm>> -> memref<32x128xf32, #tpu.memory_space<hbm>>
      %dma_start3A_254 = arith.constant 0 : i32
      %dma_start3A_255 = tpu.memref_slice %arg6[%arg0, %add3A_162, %dma_start3A_254] : memref<2x10240x128xf32, #tpu.memory_space<hbm>> -> memref<1x32x128xf32, #tpu.memory_space<hbm>>
      %dma_start3A_256 = tpu.memref_squeeze %dma_start3A_255 : memref<1x32x128xf32, #tpu.memory_space<hbm>> -> memref<32x128xf32, #tpu.memory_space<hbm>>
      tpu.enqueue_dma source(%arg13 : memref<32x128xf32, #tpu.memory_space<vmem>>) target(%dma_start3A_256 : memref<32x128xf32, #tpu.memory_space<hbm>>) target_semaphore(%run_scoped3A_251 : memref<!tpu.dma_semaphore, #tpu.memory_space<semaphore_mem>>)
      %dma_wait3A = arith.constant 0 : i32
      %dma_wait3A_257 = tpu.memref_slice %arg6[%arg0, %add3A_162, %dma_wait3A] : memref<2x10240x128xf32, #tpu.memory_space<hbm>> -> memref<1x32x128xf32, #tpu.memory_space<hbm>>
      %dma_wait3A_258 = tpu.memref_squeeze %dma_wait3A_257 : memref<1x32x128xf32, #tpu.memory_space<hbm>> -> memref<32x128xf32, #tpu.memory_space<hbm>>
      %dma_wait3A_259 = arith.constant 0 : i32
      %dma_wait3A_260 = tpu.memref_slice %arg6[%arg0, %add3A_162, %dma_wait3A_259] : memref<2x10240x128xf32, #tpu.memory_space<hbm>> -> memref<1x32x128xf32, #tpu.memory_space<hbm>>
      %dma_wait3A_261 = tpu.memref_squeeze %dma_wait3A_260 : memref<1x32x128xf32, #tpu.memory_space<hbm>> -> memref<32x128xf32, #tpu.memory_space<hbm>>
      tpu.wait_dma2 semaphore(%run_scoped3A_251 : memref<!tpu.dma_semaphore, #tpu.memory_space<semaphore_mem>>) src(%arg13 : memref<32x128xf32, #tpu.memory_space<vmem>>) dst(%dma_wait3A_261 : memref<32x128xf32, #tpu.memory_space<hbm>>)
      tpu.yield
    }) : () -> ()
    %scan3A_163 = arith.constant 0 : i32
    %scan3A_164 = arith.constant 0 : i32
    %scan3A_165 = arith.constant 32 : i32
    %scan3A_166 = arith.addi %scan3A_164, %scan3A_165 : i32
    %scan3A_167 = arith.constant 1 : i32
    scf.for %scan3A_251 = %scan3A_164 to %scan3A_166 step %scan3A_167  : i32 {
      %add3A_252 = arith.constant 288 : i32
      %add3A_253 = arith.addi %add3A_252, %scan3A_251 : i32
      %jit3A = arith.constant 128 : i32
      %div3A = arith.divsi %add3A_253, %jit3A : i32
      %sign3A = arith.constant 0 : i32
      %sign3A_254 = arith.cmpi sgt, %add3A_253, %sign3A : i32
      %sign3A_255 = arith.extui %sign3A_254 : i1 to i32
      %sign3A_256 = arith.constant 0 : i32
      %sign3A_257 = arith.cmpi slt, %add3A_253, %sign3A_256 : i32
      %sign3A_258 = arith.extui %sign3A_257 : i1 to i32
      %sign3A_259 = arith.subi %sign3A_255, %sign3A_258 : i32
      %sign3A_260 = arith.constant 0 : i32
      %sign3A_261 = arith.cmpi sgt, %jit3A, %sign3A_260 : i32
      %sign3A_262 = arith.extui %sign3A_261 : i1 to i32
      %sign3A_263 = arith.constant 0 : i32
      %sign3A_264 = arith.cmpi slt, %jit3A, %sign3A_263 : i32
      %sign3A_265 = arith.extui %sign3A_264 : i1 to i32
      %sign3A_266 = arith.subi %sign3A_262, %sign3A_265 : i32
      %ne3A = arith.cmpi ne, %sign3A_259, %sign3A_266 : i32
      %rem3A = arith.remsi %add3A_253, %jit3A : i32
      %ne3A_267 = arith.constant 0 : i32
      %ne3A_268 = arith.cmpi ne, %rem3A, %ne3A_267 : i32
      %and3A = arith.andi %ne3A, %ne3A_268 : i1
      %sub3A = arith.constant 1 : i32
      %sub3A_269 = arith.subi %div3A, %sub3A : i32
      %select_n3A = arith.select %and3A, %sub3A_269, %div3A : i32
      %broadcast_in_dim3A_270 = vector.broadcast %select_n3A : i32 to vector<16xi32>
      %jit3A_271 = arith.constant 128 : i32
      %eq3A_272 = arith.constant 0 : i32
      %eq3A_273 = arith.cmpi eq, %jit3A_271, %eq3A_272 : i32
      %jit3A_274 = arith.constant 1 : i32
      %select_n3A_275 = arith.select %eq3A_273, %jit3A_274, %jit3A_271 : i32
      %rem3A_276 = arith.remsi %add3A_253, %select_n3A_275 : i32
      %ne3A_277 = arith.constant 0 : i32
      %ne3A_278 = arith.cmpi ne, %rem3A_276, %ne3A_277 : i32
      %lt3A = arith.constant 0 : i32
      %lt3A_279 = arith.cmpi slt, %rem3A_276, %lt3A : i32
      %lt3A_280 = arith.constant 0 : i32
      %lt3A_281 = arith.cmpi slt, %select_n3A_275, %lt3A_280 : i32
      %ne3A_282 = arith.xori %lt3A_279, %lt3A_281 : i1
      %and3A_283 = arith.andi %ne3A_282, %ne3A_278 : i1
      %add3A_284 = arith.addi %rem3A_276, %select_n3A_275 : i32
      %select_n3A_285 = arith.select %and3A_283, %add3A_284, %rem3A_276 : i32
      %broadcast_in_dim3A_286 = vector.broadcast %select_n3A_285 : i32 to vector<16xi32>
      %gather3A = tpu.vector_load_idx %arg14[%broadcast_in_dim3A_270, %broadcast_in_dim3A_286] : memref<5x128xf32, #tpu.memory_space<vmem>>[vector<16xi32>, vector<16xi32>], vector<16xf32>,
      %swap3A_287 = arith.index_cast %scan3A_251 : i32 to index
      %swap3A_288 = arith.constant 0 : index
      %swap3A_289 = tpu.vector_load %arg13[%swap3A_287, %swap3A_288] {strides = array<i32>} : memref<32x128xf32, #tpu.memory_space<vmem>>, vector<16xf32>,
      tpu.vector_store %arg13[%swap3A_287, %swap3A_288], %gather3A {strides = array<i32>} : memref<32x128xf32, #tpu.memory_space<vmem>>, vector<16xf32>,
      %swap3A_290 = arith.index_cast %scan3A_251 : i32 to index
      %swap3A_291 = arith.constant 16 : index
      %swap3A_292 = tpu.vector_load %arg13[%swap3A_290, %swap3A_291] {strides = array<i32>} : memref<32x128xf32, #tpu.memory_space<vmem>>, vector<16xf32>,
      tpu.vector_store %arg13[%swap3A_290, %swap3A_291], %gather3A {strides = array<i32>} : memref<32x128xf32, #tpu.memory_space<vmem>>, vector<16xf32>,
      %swap3A_293 = arith.index_cast %scan3A_251 : i32 to index
      %swap3A_294 = arith.constant 32 : index
      %swap3A_295 = tpu.vector_load %arg13[%swap3A_293, %swap3A_294] {strides = array<i32>} : memref<32x128xf32, #tpu.memory_space<vmem>>, vector<16xf32>,
      tpu.vector_store %arg13[%swap3A_293, %swap3A_294], %gather3A {strides = array<i32>} : memref<32x128xf32, #tpu.memory_space<vmem>>, vector<16xf32>,
      %swap3A_296 = arith.index_cast %scan3A_251 : i32 to index
      %swap3A_297 = arith.constant 48 : index
      %swap3A_298 = tpu.vector_load %arg13[%swap3A_296, %swap3A_297] {strides = array<i32>} : memref<32x128xf32, #tpu.memory_space<vmem>>, vector<16xf32>,
      tpu.vector_store %arg13[%swap3A_296, %swap3A_297], %gather3A {strides = array<i32>} : memref<32x128xf32, #tpu.memory_space<vmem>>, vector<16xf32>,
      %swap3A_299 = arith.index_cast %scan3A_251 : i32 to index
      %swap3A_300 = arith.constant 64 : index
      %swap3A_301 = tpu.vector_load %arg13[%swap3A_299, %swap3A_300] {strides = array<i32>} : memref<32x128xf32, #tpu.memory_space<vmem>>, vector<16xf32>,
      tpu.vector_store %arg13[%swap3A_299, %swap3A_300], %gather3A {strides = array<i32>} : memref<32x128xf32, #tpu.memory_space<vmem>>, vector<16xf32>,
      %swap3A_302 = arith.index_cast %scan3A_251 : i32 to index
      %swap3A_303 = arith.constant 80 : index
      %swap3A_304 = tpu.vector_load %arg13[%swap3A_302, %swap3A_303] {strides = array<i32>} : memref<32x128xf32, #tpu.memory_space<vmem>>, vector<16xf32>,
      tpu.vector_store %arg13[%swap3A_302, %swap3A_303], %gather3A {strides = array<i32>} : memref<32x128xf32, #tpu.memory_space<vmem>>, vector<16xf32>,
      %swap3A_305 = arith.index_cast %scan3A_251 : i32 to index
      %swap3A_306 = arith.constant 96 : index
      %swap3A_307 = tpu.vector_load %arg13[%swap3A_305, %swap3A_306] {strides = array<i32>} : memref<32x128xf32, #tpu.memory_space<vmem>>, vector<16xf32>,
      tpu.vector_store %arg13[%swap3A_305, %swap3A_306], %gather3A {strides = array<i32>} : memref<32x128xf32, #tpu.memory_space<vmem>>, vector<16xf32>,
      %swap3A_308 = arith.index_cast %scan3A_251 : i32 to index
      %swap3A_309 = arith.constant 112 : index
      %swap3A_310 = tpu.vector_load %arg13[%swap3A_308, %swap3A_309] {strides = array<i32>} : memref<32x128xf32, #tpu.memory_space<vmem>>, vector<16xf32>,
      tpu.vector_store %arg13[%swap3A_308, %swap3A_309], %gather3A {strides = array<i32>} : memref<32x128xf32, #tpu.memory_space<vmem>>, vector<16xf32>,
    }
    %scan3A_168 = arith.constant 32 : i32
    %add3A_169 = arith.constant 288 : i32
    %add3A_170 = arith.addi %mul3A_0, %add3A_169 : i32
    "tpu.region"() ({
      %run_scoped3A_251 = tpu.sem_alloc : memref<!tpu.dma_semaphore, #tpu.memory_space<semaphore_mem>>
      %dma_start3A = arith.constant 0 : i32
      %dma_start3A_252 = tpu.memref_slice %arg6[%arg0, %add3A_170, %dma_start3A] : memref<2x10240x128xf32, #tpu.memory_space<hbm>> -> memref<1x32x128xf32, #tpu.memory_space<hbm>>
      %dma_start3A_253 = tpu.memref_squeeze %dma_start3A_252 : memref<1x32x128xf32, #tpu.memory_space<hbm>> -> memref<32x128xf32, #tpu.memory_space<hbm>>
      %dma_start3A_254 = arith.constant 0 : i32
      %dma_start3A_255 = tpu.memref_slice %arg6[%arg0, %add3A_170, %dma_start3A_254] : memref<2x10240x128xf32, #tpu.memory_space<hbm>> -> memref<1x32x128xf32, #tpu.memory_space<hbm>>
      %dma_start3A_256 = tpu.memref_squeeze %dma_start3A_255 : memref<1x32x128xf32, #tpu.memory_space<hbm>> -> memref<32x128xf32, #tpu.memory_space<hbm>>
      tpu.enqueue_dma source(%arg13 : memref<32x128xf32, #tpu.memory_space<vmem>>) target(%dma_start3A_256 : memref<32x128xf32, #tpu.memory_space<hbm>>) target_semaphore(%run_scoped3A_251 : memref<!tpu.dma_semaphore, #tpu.memory_space<semaphore_mem>>)
      %dma_wait3A = arith.constant 0 : i32
      %dma_wait3A_257 = tpu.memref_slice %arg6[%arg0, %add3A_170, %dma_wait3A] : memref<2x10240x128xf32, #tpu.memory_space<hbm>> -> memref<1x32x128xf32, #tpu.memory_space<hbm>>
      %dma_wait3A_258 = tpu.memref_squeeze %dma_wait3A_257 : memref<1x32x128xf32, #tpu.memory_space<hbm>> -> memref<32x128xf32, #tpu.memory_space<hbm>>
      %dma_wait3A_259 = arith.constant 0 : i32
      %dma_wait3A_260 = tpu.memref_slice %arg6[%arg0, %add3A_170, %dma_wait3A_259] : memref<2x10240x128xf32, #tpu.memory_space<hbm>> -> memref<1x32x128xf32, #tpu.memory_space<hbm>>
      %dma_wait3A_261 = tpu.memref_squeeze %dma_wait3A_260 : memref<1x32x128xf32, #tpu.memory_space<hbm>> -> memref<32x128xf32, #tpu.memory_space<hbm>>
      tpu.wait_dma2 semaphore(%run_scoped3A_251 : memref<!tpu.dma_semaphore, #tpu.memory_space<semaphore_mem>>) src(%arg13 : memref<32x128xf32, #tpu.memory_space<vmem>>) dst(%dma_wait3A_261 : memref<32x128xf32, #tpu.memory_space<hbm>>)
      tpu.yield
    }) : () -> ()
    %scan3A_171 = arith.constant 0 : i32
    %scan3A_172 = arith.constant 0 : i32
    %scan3A_173 = arith.constant 32 : i32
    %scan3A_174 = arith.addi %scan3A_172, %scan3A_173 : i32
    %scan3A_175 = arith.constant 1 : i32
    scf.for %scan3A_251 = %scan3A_172 to %scan3A_174 step %scan3A_175  : i32 {
      %add3A_252 = arith.constant 320 : i32
      %add3A_253 = arith.addi %add3A_252, %scan3A_251 : i32
      %jit3A = arith.constant 128 : i32
      %div3A = arith.divsi %add3A_253, %jit3A : i32
      %sign3A = arith.constant 0 : i32
      %sign3A_254 = arith.cmpi sgt, %add3A_253, %sign3A : i32
      %sign3A_255 = arith.extui %sign3A_254 : i1 to i32
      %sign3A_256 = arith.constant 0 : i32
      %sign3A_257 = arith.cmpi slt, %add3A_253, %sign3A_256 : i32
      %sign3A_258 = arith.extui %sign3A_257 : i1 to i32
      %sign3A_259 = arith.subi %sign3A_255, %sign3A_258 : i32
      %sign3A_260 = arith.constant 0 : i32
      %sign3A_261 = arith.cmpi sgt, %jit3A, %sign3A_260 : i32
      %sign3A_262 = arith.extui %sign3A_261 : i1 to i32
      %sign3A_263 = arith.constant 0 : i32
      %sign3A_264 = arith.cmpi slt, %jit3A, %sign3A_263 : i32
      %sign3A_265 = arith.extui %sign3A_264 : i1 to i32
      %sign3A_266 = arith.subi %sign3A_262, %sign3A_265 : i32
      %ne3A = arith.cmpi ne, %sign3A_259, %sign3A_266 : i32
      %rem3A = arith.remsi %add3A_253, %jit3A : i32
      %ne3A_267 = arith.constant 0 : i32
      %ne3A_268 = arith.cmpi ne, %rem3A, %ne3A_267 : i32
      %and3A = arith.andi %ne3A, %ne3A_268 : i1
      %sub3A = arith.constant 1 : i32
      %sub3A_269 = arith.subi %div3A, %sub3A : i32
      %select_n3A = arith.select %and3A, %sub3A_269, %div3A : i32
      %broadcast_in_dim3A_270 = vector.broadcast %select_n3A : i32 to vector<16xi32>
      %jit3A_271 = arith.constant 128 : i32
      %eq3A_272 = arith.constant 0 : i32
      %eq3A_273 = arith.cmpi eq, %jit3A_271, %eq3A_272 : i32
      %jit3A_274 = arith.constant 1 : i32
      %select_n3A_275 = arith.select %eq3A_273, %jit3A_274, %jit3A_271 : i32
      %rem3A_276 = arith.remsi %add3A_253, %select_n3A_275 : i32
      %ne3A_277 = arith.constant 0 : i32
      %ne3A_278 = arith.cmpi ne, %rem3A_276, %ne3A_277 : i32
      %lt3A = arith.constant 0 : i32
      %lt3A_279 = arith.cmpi slt, %rem3A_276, %lt3A : i32
      %lt3A_280 = arith.constant 0 : i32
      %lt3A_281 = arith.cmpi slt, %select_n3A_275, %lt3A_280 : i32
      %ne3A_282 = arith.xori %lt3A_279, %lt3A_281 : i1
      %and3A_283 = arith.andi %ne3A_282, %ne3A_278 : i1
      %add3A_284 = arith.addi %rem3A_276, %select_n3A_275 : i32
      %select_n3A_285 = arith.select %and3A_283, %add3A_284, %rem3A_276 : i32
      %broadcast_in_dim3A_286 = vector.broadcast %select_n3A_285 : i32 to vector<16xi32>
      %gather3A = tpu.vector_load_idx %arg14[%broadcast_in_dim3A_270, %broadcast_in_dim3A_286] : memref<5x128xf32, #tpu.memory_space<vmem>>[vector<16xi32>, vector<16xi32>], vector<16xf32>,
      %swap3A_287 = arith.index_cast %scan3A_251 : i32 to index
      %swap3A_288 = arith.constant 0 : index
      %swap3A_289 = tpu.vector_load %arg13[%swap3A_287, %swap3A_288] {strides = array<i32>} : memref<32x128xf32, #tpu.memory_space<vmem>>, vector<16xf32>,
      tpu.vector_store %arg13[%swap3A_287, %swap3A_288], %gather3A {strides = array<i32>} : memref<32x128xf32, #tpu.memory_space<vmem>>, vector<16xf32>,
      %swap3A_290 = arith.index_cast %scan3A_251 : i32 to index
      %swap3A_291 = arith.constant 16 : index
      %swap3A_292 = tpu.vector_load %arg13[%swap3A_290, %swap3A_291] {strides = array<i32>} : memref<32x128xf32, #tpu.memory_space<vmem>>, vector<16xf32>,
      tpu.vector_store %arg13[%swap3A_290, %swap3A_291], %gather3A {strides = array<i32>} : memref<32x128xf32, #tpu.memory_space<vmem>>, vector<16xf32>,
      %swap3A_293 = arith.index_cast %scan3A_251 : i32 to index
      %swap3A_294 = arith.constant 32 : index
      %swap3A_295 = tpu.vector_load %arg13[%swap3A_293, %swap3A_294] {strides = array<i32>} : memref<32x128xf32, #tpu.memory_space<vmem>>, vector<16xf32>,
      tpu.vector_store %arg13[%swap3A_293, %swap3A_294], %gather3A {strides = array<i32>} : memref<32x128xf32, #tpu.memory_space<vmem>>, vector<16xf32>,
      %swap3A_296 = arith.index_cast %scan3A_251 : i32 to index
      %swap3A_297 = arith.constant 48 : index
      %swap3A_298 = tpu.vector_load %arg13[%swap3A_296, %swap3A_297] {strides = array<i32>} : memref<32x128xf32, #tpu.memory_space<vmem>>, vector<16xf32>,
      tpu.vector_store %arg13[%swap3A_296, %swap3A_297], %gather3A {strides = array<i32>} : memref<32x128xf32, #tpu.memory_space<vmem>>, vector<16xf32>,
      %swap3A_299 = arith.index_cast %scan3A_251 : i32 to index
      %swap3A_300 = arith.constant 64 : index
      %swap3A_301 = tpu.vector_load %arg13[%swap3A_299, %swap3A_300] {strides = array<i32>} : memref<32x128xf32, #tpu.memory_space<vmem>>, vector<16xf32>,
      tpu.vector_store %arg13[%swap3A_299, %swap3A_300], %gather3A {strides = array<i32>} : memref<32x128xf32, #tpu.memory_space<vmem>>, vector<16xf32>,
      %swap3A_302 = arith.index_cast %scan3A_251 : i32 to index
      %swap3A_303 = arith.constant 80 : index
      %swap3A_304 = tpu.vector_load %arg13[%swap3A_302, %swap3A_303] {strides = array<i32>} : memref<32x128xf32, #tpu.memory_space<vmem>>, vector<16xf32>,
      tpu.vector_store %arg13[%swap3A_302, %swap3A_303], %gather3A {strides = array<i32>} : memref<32x128xf32, #tpu.memory_space<vmem>>, vector<16xf32>,
      %swap3A_305 = arith.index_cast %scan3A_251 : i32 to index
      %swap3A_306 = arith.constant 96 : index
      %swap3A_307 = tpu.vector_load %arg13[%swap3A_305, %swap3A_306] {strides = array<i32>} : memref<32x128xf32, #tpu.memory_space<vmem>>, vector<16xf32>,
      tpu.vector_store %arg13[%swap3A_305, %swap3A_306], %gather3A {strides = array<i32>} : memref<32x128xf32, #tpu.memory_space<vmem>>, vector<16xf32>,
      %swap3A_308 = arith.index_cast %scan3A_251 : i32 to index
      %swap3A_309 = arith.constant 112 : index
      %swap3A_310 = tpu.vector_load %arg13[%swap3A_308, %swap3A_309] {strides = array<i32>} : memref<32x128xf32, #tpu.memory_space<vmem>>, vector<16xf32>,
      tpu.vector_store %arg13[%swap3A_308, %swap3A_309], %gather3A {strides = array<i32>} : memref<32x128xf32, #tpu.memory_space<vmem>>, vector<16xf32>,
    }
    %scan3A_176 = arith.constant 32 : i32
    %add3A_177 = arith.constant 320 : i32
    %add3A_178 = arith.addi %mul3A_0, %add3A_177 : i32
    "tpu.region"() ({
      %run_scoped3A_251 = tpu.sem_alloc : memref<!tpu.dma_semaphore, #tpu.memory_space<semaphore_mem>>
      %dma_start3A = arith.constant 0 : i32
      %dma_start3A_252 = tpu.memref_slice %arg6[%arg0, %add3A_178, %dma_start3A] : memref<2x10240x128xf32, #tpu.memory_space<hbm>> -> memref<1x32x128xf32, #tpu.memory_space<hbm>>
      %dma_start3A_253 = tpu.memref_squeeze %dma_start3A_252 : memref<1x32x128xf32, #tpu.memory_space<hbm>> -> memref<32x128xf32, #tpu.memory_space<hbm>>
      %dma_start3A_254 = arith.constant 0 : i32
      %dma_start3A_255 = tpu.memref_slice %arg6[%arg0, %add3A_178, %dma_start3A_254] : memref<2x10240x128xf32, #tpu.memory_space<hbm>> -> memref<1x32x128xf32, #tpu.memory_space<hbm>>
      %dma_start3A_256 = tpu.memref_squeeze %dma_start3A_255 : memref<1x32x128xf32, #tpu.memory_space<hbm>> -> memref<32x128xf32, #tpu.memory_space<hbm>>
      tpu.enqueue_dma source(%arg13 : memref<32x128xf32, #tpu.memory_space<vmem>>) target(%dma_start3A_256 : memref<32x128xf32, #tpu.memory_space<hbm>>) target_semaphore(%run_scoped3A_251 : memref<!tpu.dma_semaphore, #tpu.memory_space<semaphore_mem>>)
      %dma_wait3A = arith.constant 0 : i32
      %dma_wait3A_257 = tpu.memref_slice %arg6[%arg0, %add3A_178, %dma_wait3A] : memref<2x10240x128xf32, #tpu.memory_space<hbm>> -> memref<1x32x128xf32, #tpu.memory_space<hbm>>
      %dma_wait3A_258 = tpu.memref_squeeze %dma_wait3A_257 : memref<1x32x128xf32, #tpu.memory_space<hbm>> -> memref<32x128xf32, #tpu.memory_space<hbm>>
      %dma_wait3A_259 = arith.constant 0 : i32
      %dma_wait3A_260 = tpu.memref_slice %arg6[%arg0, %add3A_178, %dma_wait3A_259] : memref<2x10240x128xf32, #tpu.memory_space<hbm>> -> memref<1x32x128xf32, #tpu.memory_space<hbm>>
      %dma_wait3A_261 = tpu.memref_squeeze %dma_wait3A_260 : memref<1x32x128xf32, #tpu.memory_space<hbm>> -> memref<32x128xf32, #tpu.memory_space<hbm>>
      tpu.wait_dma2 semaphore(%run_scoped3A_251 : memref<!tpu.dma_semaphore, #tpu.memory_space<semaphore_mem>>) src(%arg13 : memref<32x128xf32, #tpu.memory_space<vmem>>) dst(%dma_wait3A_261 : memref<32x128xf32, #tpu.memory_space<hbm>>)
      tpu.yield
    }) : () -> ()
    %scan3A_179 = arith.constant 0 : i32
    %scan3A_180 = arith.constant 0 : i32
    %scan3A_181 = arith.constant 32 : i32
    %scan3A_182 = arith.addi %scan3A_180, %scan3A_181 : i32
    %scan3A_183 = arith.constant 1 : i32
    scf.for %scan3A_251 = %scan3A_180 to %scan3A_182 step %scan3A_183  : i32 {
      %add3A_252 = arith.constant 352 : i32
      %add3A_253 = arith.addi %add3A_252, %scan3A_251 : i32
      %jit3A = arith.constant 128 : i32
      %div3A = arith.divsi %add3A_253, %jit3A : i32
      %sign3A = arith.constant 0 : i32
      %sign3A_254 = arith.cmpi sgt, %add3A_253, %sign3A : i32
      %sign3A_255 = arith.extui %sign3A_254 : i1 to i32
      %sign3A_256 = arith.constant 0 : i32
      %sign3A_257 = arith.cmpi slt, %add3A_253, %sign3A_256 : i32
      %sign3A_258 = arith.extui %sign3A_257 : i1 to i32
      %sign3A_259 = arith.subi %sign3A_255, %sign3A_258 : i32
      %sign3A_260 = arith.constant 0 : i32
      %sign3A_261 = arith.cmpi sgt, %jit3A, %sign3A_260 : i32
      %sign3A_262 = arith.extui %sign3A_261 : i1 to i32
      %sign3A_263 = arith.constant 0 : i32
      %sign3A_264 = arith.cmpi slt, %jit3A, %sign3A_263 : i32
      %sign3A_265 = arith.extui %sign3A_264 : i1 to i32
      %sign3A_266 = arith.subi %sign3A_262, %sign3A_265 : i32
      %ne3A = arith.cmpi ne, %sign3A_259, %sign3A_266 : i32
      %rem3A = arith.remsi %add3A_253, %jit3A : i32
      %ne3A_267 = arith.constant 0 : i32
      %ne3A_268 = arith.cmpi ne, %rem3A, %ne3A_267 : i32
      %and3A = arith.andi %ne3A, %ne3A_268 : i1
      %sub3A = arith.constant 1 : i32
      %sub3A_269 = arith.subi %div3A, %sub3A : i32
      %select_n3A = arith.select %and3A, %sub3A_269, %div3A : i32
      %broadcast_in_dim3A_270 = vector.broadcast %select_n3A : i32 to vector<16xi32>
      %jit3A_271 = arith.constant 128 : i32
      %eq3A_272 = arith.constant 0 : i32
      %eq3A_273 = arith.cmpi eq, %jit3A_271, %eq3A_272 : i32
      %jit3A_274 = arith.constant 1 : i32
      %select_n3A_275 = arith.select %eq3A_273, %jit3A_274, %jit3A_271 : i32
      %rem3A_276 = arith.remsi %add3A_253, %select_n3A_275 : i32
      %ne3A_277 = arith.constant 0 : i32
      %ne3A_278 = arith.cmpi ne, %rem3A_276, %ne3A_277 : i32
      %lt3A = arith.constant 0 : i32
      %lt3A_279 = arith.cmpi slt, %rem3A_276, %lt3A : i32
      %lt3A_280 = arith.constant 0 : i32
      %lt3A_281 = arith.cmpi slt, %select_n3A_275, %lt3A_280 : i32
      %ne3A_282 = arith.xori %lt3A_279, %lt3A_281 : i1
      %and3A_283 = arith.andi %ne3A_282, %ne3A_278 : i1
      %add3A_284 = arith.addi %rem3A_276, %select_n3A_275 : i32
      %select_n3A_285 = arith.select %and3A_283, %add3A_284, %rem3A_276 : i32
      %broadcast_in_dim3A_286 = vector.broadcast %select_n3A_285 : i32 to vector<16xi32>
      %gather3A = tpu.vector_load_idx %arg14[%broadcast_in_dim3A_270, %broadcast_in_dim3A_286] : memref<5x128xf32, #tpu.memory_space<vmem>>[vector<16xi32>, vector<16xi32>], vector<16xf32>,
      %swap3A_287 = arith.index_cast %scan3A_251 : i32 to index
      %swap3A_288 = arith.constant 0 : index
      %swap3A_289 = tpu.vector_load %arg13[%swap3A_287, %swap3A_288] {strides = array<i32>} : memref<32x128xf32, #tpu.memory_space<vmem>>, vector<16xf32>,
      tpu.vector_store %arg13[%swap3A_287, %swap3A_288], %gather3A {strides = array<i32>} : memref<32x128xf32, #tpu.memory_space<vmem>>, vector<16xf32>,
      %swap3A_290 = arith.index_cast %scan3A_251 : i32 to index
      %swap3A_291 = arith.constant 16 : index
      %swap3A_292 = tpu.vector_load %arg13[%swap3A_290, %swap3A_291] {strides = array<i32>} : memref<32x128xf32, #tpu.memory_space<vmem>>, vector<16xf32>,
      tpu.vector_store %arg13[%swap3A_290, %swap3A_291], %gather3A {strides = array<i32>} : memref<32x128xf32, #tpu.memory_space<vmem>>, vector<16xf32>,
      %swap3A_293 = arith.index_cast %scan3A_251 : i32 to index
      %swap3A_294 = arith.constant 32 : index
      %swap3A_295 = tpu.vector_load %arg13[%swap3A_293, %swap3A_294] {strides = array<i32>} : memref<32x128xf32, #tpu.memory_space<vmem>>, vector<16xf32>,
      tpu.vector_store %arg13[%swap3A_293, %swap3A_294], %gather3A {strides = array<i32>} : memref<32x128xf32, #tpu.memory_space<vmem>>, vector<16xf32>,
      %swap3A_296 = arith.index_cast %scan3A_251 : i32 to index
      %swap3A_297 = arith.constant 48 : index
      %swap3A_298 = tpu.vector_load %arg13[%swap3A_296, %swap3A_297] {strides = array<i32>} : memref<32x128xf32, #tpu.memory_space<vmem>>, vector<16xf32>,
      tpu.vector_store %arg13[%swap3A_296, %swap3A_297], %gather3A {strides = array<i32>} : memref<32x128xf32, #tpu.memory_space<vmem>>, vector<16xf32>,
      %swap3A_299 = arith.index_cast %scan3A_251 : i32 to index
      %swap3A_300 = arith.constant 64 : index
      %swap3A_301 = tpu.vector_load %arg13[%swap3A_299, %swap3A_300] {strides = array<i32>} : memref<32x128xf32, #tpu.memory_space<vmem>>, vector<16xf32>,
      tpu.vector_store %arg13[%swap3A_299, %swap3A_300], %gather3A {strides = array<i32>} : memref<32x128xf32, #tpu.memory_space<vmem>>, vector<16xf32>,
      %swap3A_302 = arith.index_cast %scan3A_251 : i32 to index
      %swap3A_303 = arith.constant 80 : index
      %swap3A_304 = tpu.vector_load %arg13[%swap3A_302, %swap3A_303] {strides = array<i32>} : memref<32x128xf32, #tpu.memory_space<vmem>>, vector<16xf32>,
      tpu.vector_store %arg13[%swap3A_302, %swap3A_303], %gather3A {strides = array<i32>} : memref<32x128xf32, #tpu.memory_space<vmem>>, vector<16xf32>,
      %swap3A_305 = arith.index_cast %scan3A_251 : i32 to index
      %swap3A_306 = arith.constant 96 : index
      %swap3A_307 = tpu.vector_load %arg13[%swap3A_305, %swap3A_306] {strides = array<i32>} : memref<32x128xf32, #tpu.memory_space<vmem>>, vector<16xf32>,
      tpu.vector_store %arg13[%swap3A_305, %swap3A_306], %gather3A {strides = array<i32>} : memref<32x128xf32, #tpu.memory_space<vmem>>, vector<16xf32>,
      %swap3A_308 = arith.index_cast %scan3A_251 : i32 to index
      %swap3A_309 = arith.constant 112 : index
      %swap3A_310 = tpu.vector_load %arg13[%swap3A_308, %swap3A_309] {strides = array<i32>} : memref<32x128xf32, #tpu.memory_space<vmem>>, vector<16xf32>,
      tpu.vector_store %arg13[%swap3A_308, %swap3A_309], %gather3A {strides = array<i32>} : memref<32x128xf32, #tpu.memory_space<vmem>>, vector<16xf32>,
    }
    %scan3A_184 = arith.constant 32 : i32
    %add3A_185 = arith.constant 352 : i32
    %add3A_186 = arith.addi %mul3A_0, %add3A_185 : i32
    "tpu.region"() ({
      %run_scoped3A_251 = tpu.sem_alloc : memref<!tpu.dma_semaphore, #tpu.memory_space<semaphore_mem>>
      %dma_start3A = arith.constant 0 : i32
      %dma_start3A_252 = tpu.memref_slice %arg6[%arg0, %add3A_186, %dma_start3A] : memref<2x10240x128xf32, #tpu.memory_space<hbm>> -> memref<1x32x128xf32, #tpu.memory_space<hbm>>
      %dma_start3A_253 = tpu.memref_squeeze %dma_start3A_252 : memref<1x32x128xf32, #tpu.memory_space<hbm>> -> memref<32x128xf32, #tpu.memory_space<hbm>>
      %dma_start3A_254 = arith.constant 0 : i32
      %dma_start3A_255 = tpu.memref_slice %arg6[%arg0, %add3A_186, %dma_start3A_254] : memref<2x10240x128xf32, #tpu.memory_space<hbm>> -> memref<1x32x128xf32, #tpu.memory_space<hbm>>
      %dma_start3A_256 = tpu.memref_squeeze %dma_start3A_255 : memref<1x32x128xf32, #tpu.memory_space<hbm>> -> memref<32x128xf32, #tpu.memory_space<hbm>>
      tpu.enqueue_dma source(%arg13 : memref<32x128xf32, #tpu.memory_space<vmem>>) target(%dma_start3A_256 : memref<32x128xf32, #tpu.memory_space<hbm>>) target_semaphore(%run_scoped3A_251 : memref<!tpu.dma_semaphore, #tpu.memory_space<semaphore_mem>>)
      %dma_wait3A = arith.constant 0 : i32
      %dma_wait3A_257 = tpu.memref_slice %arg6[%arg0, %add3A_186, %dma_wait3A] : memref<2x10240x128xf32, #tpu.memory_space<hbm>> -> memref<1x32x128xf32, #tpu.memory_space<hbm>>
      %dma_wait3A_258 = tpu.memref_squeeze %dma_wait3A_257 : memref<1x32x128xf32, #tpu.memory_space<hbm>> -> memref<32x128xf32, #tpu.memory_space<hbm>>
      %dma_wait3A_259 = arith.constant 0 : i32
      %dma_wait3A_260 = tpu.memref_slice %arg6[%arg0, %add3A_186, %dma_wait3A_259] : memref<2x10240x128xf32, #tpu.memory_space<hbm>> -> memref<1x32x128xf32, #tpu.memory_space<hbm>>
      %dma_wait3A_261 = tpu.memref_squeeze %dma_wait3A_260 : memref<1x32x128xf32, #tpu.memory_space<hbm>> -> memref<32x128xf32, #tpu.memory_space<hbm>>
      tpu.wait_dma2 semaphore(%run_scoped3A_251 : memref<!tpu.dma_semaphore, #tpu.memory_space<semaphore_mem>>) src(%arg13 : memref<32x128xf32, #tpu.memory_space<vmem>>) dst(%dma_wait3A_261 : memref<32x128xf32, #tpu.memory_space<hbm>>)
      tpu.yield
    }) : () -> ()
    %scan3A_187 = arith.constant 0 : i32
    %scan3A_188 = arith.constant 0 : i32
    %scan3A_189 = arith.constant 32 : i32
    %scan3A_190 = arith.addi %scan3A_188, %scan3A_189 : i32
    %scan3A_191 = arith.constant 1 : i32
    scf.for %scan3A_251 = %scan3A_188 to %scan3A_190 step %scan3A_191  : i32 {
      %add3A_252 = arith.constant 384 : i32
      %add3A_253 = arith.addi %add3A_252, %scan3A_251 : i32
      %jit3A = arith.constant 128 : i32
      %div3A = arith.divsi %add3A_253, %jit3A : i32
      %sign3A = arith.constant 0 : i32
      %sign3A_254 = arith.cmpi sgt, %add3A_253, %sign3A : i32
      %sign3A_255 = arith.extui %sign3A_254 : i1 to i32
      %sign3A_256 = arith.constant 0 : i32
      %sign3A_257 = arith.cmpi slt, %add3A_253, %sign3A_256 : i32
      %sign3A_258 = arith.extui %sign3A_257 : i1 to i32
      %sign3A_259 = arith.subi %sign3A_255, %sign3A_258 : i32
      %sign3A_260 = arith.constant 0 : i32
      %sign3A_261 = arith.cmpi sgt, %jit3A, %sign3A_260 : i32
      %sign3A_262 = arith.extui %sign3A_261 : i1 to i32
      %sign3A_263 = arith.constant 0 : i32
      %sign3A_264 = arith.cmpi slt, %jit3A, %sign3A_263 : i32
      %sign3A_265 = arith.extui %sign3A_264 : i1 to i32
      %sign3A_266 = arith.subi %sign3A_262, %sign3A_265 : i32
      %ne3A = arith.cmpi ne, %sign3A_259, %sign3A_266 : i32
      %rem3A = arith.remsi %add3A_253, %jit3A : i32
      %ne3A_267 = arith.constant 0 : i32
      %ne3A_268 = arith.cmpi ne, %rem3A, %ne3A_267 : i32
      %and3A = arith.andi %ne3A, %ne3A_268 : i1
      %sub3A = arith.constant 1 : i32
      %sub3A_269 = arith.subi %div3A, %sub3A : i32
      %select_n3A = arith.select %and3A, %sub3A_269, %div3A : i32
      %broadcast_in_dim3A_270 = vector.broadcast %select_n3A : i32 to vector<16xi32>
      %jit3A_271 = arith.constant 128 : i32
      %eq3A_272 = arith.constant 0 : i32
      %eq3A_273 = arith.cmpi eq, %jit3A_271, %eq3A_272 : i32
      %jit3A_274 = arith.constant 1 : i32
      %select_n3A_275 = arith.select %eq3A_273, %jit3A_274, %jit3A_271 : i32
      %rem3A_276 = arith.remsi %add3A_253, %select_n3A_275 : i32
      %ne3A_277 = arith.constant 0 : i32
      %ne3A_278 = arith.cmpi ne, %rem3A_276, %ne3A_277 : i32
      %lt3A = arith.constant 0 : i32
      %lt3A_279 = arith.cmpi slt, %rem3A_276, %lt3A : i32
      %lt3A_280 = arith.constant 0 : i32
      %lt3A_281 = arith.cmpi slt, %select_n3A_275, %lt3A_280 : i32
      %ne3A_282 = arith.xori %lt3A_279, %lt3A_281 : i1
      %and3A_283 = arith.andi %ne3A_282, %ne3A_278 : i1
      %add3A_284 = arith.addi %rem3A_276, %select_n3A_275 : i32
      %select_n3A_285 = arith.select %and3A_283, %add3A_284, %rem3A_276 : i32
      %broadcast_in_dim3A_286 = vector.broadcast %select_n3A_285 : i32 to vector<16xi32>
      %gather3A = tpu.vector_load_idx %arg14[%broadcast_in_dim3A_270, %broadcast_in_dim3A_286] : memref<5x128xf32, #tpu.memory_space<vmem>>[vector<16xi32>, vector<16xi32>], vector<16xf32>,
      %swap3A_287 = arith.index_cast %scan3A_251 : i32 to index
      %swap3A_288 = arith.constant 0 : index
      %swap3A_289 = tpu.vector_load %arg13[%swap3A_287, %swap3A_288] {strides = array<i32>} : memref<32x128xf32, #tpu.memory_space<vmem>>, vector<16xf32>,
      tpu.vector_store %arg13[%swap3A_287, %swap3A_288], %gather3A {strides = array<i32>} : memref<32x128xf32, #tpu.memory_space<vmem>>, vector<16xf32>,
      %swap3A_290 = arith.index_cast %scan3A_251 : i32 to index
      %swap3A_291 = arith.constant 16 : index
      %swap3A_292 = tpu.vector_load %arg13[%swap3A_290, %swap3A_291] {strides = array<i32>} : memref<32x128xf32, #tpu.memory_space<vmem>>, vector<16xf32>,
      tpu.vector_store %arg13[%swap3A_290, %swap3A_291], %gather3A {strides = array<i32>} : memref<32x128xf32, #tpu.memory_space<vmem>>, vector<16xf32>,
      %swap3A_293 = arith.index_cast %scan3A_251 : i32 to index
      %swap3A_294 = arith.constant 32 : index
      %swap3A_295 = tpu.vector_load %arg13[%swap3A_293, %swap3A_294] {strides = array<i32>} : memref<32x128xf32, #tpu.memory_space<vmem>>, vector<16xf32>,
      tpu.vector_store %arg13[%swap3A_293, %swap3A_294], %gather3A {strides = array<i32>} : memref<32x128xf32, #tpu.memory_space<vmem>>, vector<16xf32>,
      %swap3A_296 = arith.index_cast %scan3A_251 : i32 to index
      %swap3A_297 = arith.constant 48 : index
      %swap3A_298 = tpu.vector_load %arg13[%swap3A_296, %swap3A_297] {strides = array<i32>} : memref<32x128xf32, #tpu.memory_space<vmem>>, vector<16xf32>,
      tpu.vector_store %arg13[%swap3A_296, %swap3A_297], %gather3A {strides = array<i32>} : memref<32x128xf32, #tpu.memory_space<vmem>>, vector<16xf32>,
      %swap3A_299 = arith.index_cast %scan3A_251 : i32 to index
      %swap3A_300 = arith.constant 64 : index
      %swap3A_301 = tpu.vector_load %arg13[%swap3A_299, %swap3A_300] {strides = array<i32>} : memref<32x128xf32, #tpu.memory_space<vmem>>, vector<16xf32>,
      tpu.vector_store %arg13[%swap3A_299, %swap3A_300], %gather3A {strides = array<i32>} : memref<32x128xf32, #tpu.memory_space<vmem>>, vector<16xf32>,
      %swap3A_302 = arith.index_cast %scan3A_251 : i32 to index
      %swap3A_303 = arith.constant 80 : index
      %swap3A_304 = tpu.vector_load %arg13[%swap3A_302, %swap3A_303] {strides = array<i32>} : memref<32x128xf32, #tpu.memory_space<vmem>>, vector<16xf32>,
      tpu.vector_store %arg13[%swap3A_302, %swap3A_303], %gather3A {strides = array<i32>} : memref<32x128xf32, #tpu.memory_space<vmem>>, vector<16xf32>,
      %swap3A_305 = arith.index_cast %scan3A_251 : i32 to index
      %swap3A_306 = arith.constant 96 : index
      %swap3A_307 = tpu.vector_load %arg13[%swap3A_305, %swap3A_306] {strides = array<i32>} : memref<32x128xf32, #tpu.memory_space<vmem>>, vector<16xf32>,
      tpu.vector_store %arg13[%swap3A_305, %swap3A_306], %gather3A {strides = array<i32>} : memref<32x128xf32, #tpu.memory_space<vmem>>, vector<16xf32>,
      %swap3A_308 = arith.index_cast %scan3A_251 : i32 to index
      %swap3A_309 = arith.constant 112 : index
      %swap3A_310 = tpu.vector_load %arg13[%swap3A_308, %swap3A_309] {strides = array<i32>} : memref<32x128xf32, #tpu.memory_space<vmem>>, vector<16xf32>,
      tpu.vector_store %arg13[%swap3A_308, %swap3A_309], %gather3A {strides = array<i32>} : memref<32x128xf32, #tpu.memory_space<vmem>>, vector<16xf32>,
    }
    %scan3A_192 = arith.constant 32 : i32
    %add3A_193 = arith.constant 384 : i32
    %add3A_194 = arith.addi %mul3A_0, %add3A_193 : i32
    "tpu.region"() ({
      %run_scoped3A_251 = tpu.sem_alloc : memref<!tpu.dma_semaphore, #tpu.memory_space<semaphore_mem>>
      %dma_start3A = arith.constant 0 : i32
      %dma_start3A_252 = tpu.memref_slice %arg6[%arg0, %add3A_194, %dma_start3A] : memref<2x10240x128xf32, #tpu.memory_space<hbm>> -> memref<1x32x128xf32, #tpu.memory_space<hbm>>
      %dma_start3A_253 = tpu.memref_squeeze %dma_start3A_252 : memref<1x32x128xf32, #tpu.memory_space<hbm>> -> memref<32x128xf32, #tpu.memory_space<hbm>>
      %dma_start3A_254 = arith.constant 0 : i32
      %dma_start3A_255 = tpu.memref_slice %arg6[%arg0, %add3A_194, %dma_start3A_254] : memref<2x10240x128xf32, #tpu.memory_space<hbm>> -> memref<1x32x128xf32, #tpu.memory_space<hbm>>
      %dma_start3A_256 = tpu.memref_squeeze %dma_start3A_255 : memref<1x32x128xf32, #tpu.memory_space<hbm>> -> memref<32x128xf32, #tpu.memory_space<hbm>>
      tpu.enqueue_dma source(%arg13 : memref<32x128xf32, #tpu.memory_space<vmem>>) target(%dma_start3A_256 : memref<32x128xf32, #tpu.memory_space<hbm>>) target_semaphore(%run_scoped3A_251 : memref<!tpu.dma_semaphore, #tpu.memory_space<semaphore_mem>>)
      %dma_wait3A = arith.constant 0 : i32
      %dma_wait3A_257 = tpu.memref_slice %arg6[%arg0, %add3A_194, %dma_wait3A] : memref<2x10240x128xf32, #tpu.memory_space<hbm>> -> memref<1x32x128xf32, #tpu.memory_space<hbm>>
      %dma_wait3A_258 = tpu.memref_squeeze %dma_wait3A_257 : memref<1x32x128xf32, #tpu.memory_space<hbm>> -> memref<32x128xf32, #tpu.memory_space<hbm>>
      %dma_wait3A_259 = arith.constant 0 : i32
      %dma_wait3A_260 = tpu.memref_slice %arg6[%arg0, %add3A_194, %dma_wait3A_259] : memref<2x10240x128xf32, #tpu.memory_space<hbm>> -> memref<1x32x128xf32, #tpu.memory_space<hbm>>
      %dma_wait3A_261 = tpu.memref_squeeze %dma_wait3A_260 : memref<1x32x128xf32, #tpu.memory_space<hbm>> -> memref<32x128xf32, #tpu.memory_space<hbm>>
      tpu.wait_dma2 semaphore(%run_scoped3A_251 : memref<!tpu.dma_semaphore, #tpu.memory_space<semaphore_mem>>) src(%arg13 : memref<32x128xf32, #tpu.memory_space<vmem>>) dst(%dma_wait3A_261 : memref<32x128xf32, #tpu.memory_space<hbm>>)
      tpu.yield
    }) : () -> ()
    %scan3A_195 = arith.constant 0 : i32
    %scan3A_196 = arith.constant 0 : i32
    %scan3A_197 = arith.constant 32 : i32
    %scan3A_198 = arith.addi %scan3A_196, %scan3A_197 : i32
    %scan3A_199 = arith.constant 1 : i32
    scf.for %scan3A_251 = %scan3A_196 to %scan3A_198 step %scan3A_199  : i32 {
      %add3A_252 = arith.constant 416 : i32
      %add3A_253 = arith.addi %add3A_252, %scan3A_251 : i32
      %jit3A = arith.constant 128 : i32
      %div3A = arith.divsi %add3A_253, %jit3A : i32
      %sign3A = arith.constant 0 : i32
      %sign3A_254 = arith.cmpi sgt, %add3A_253, %sign3A : i32
      %sign3A_255 = arith.extui %sign3A_254 : i1 to i32
      %sign3A_256 = arith.constant 0 : i32
      %sign3A_257 = arith.cmpi slt, %add3A_253, %sign3A_256 : i32
      %sign3A_258 = arith.extui %sign3A_257 : i1 to i32
      %sign3A_259 = arith.subi %sign3A_255, %sign3A_258 : i32
      %sign3A_260 = arith.constant 0 : i32
      %sign3A_261 = arith.cmpi sgt, %jit3A, %sign3A_260 : i32
      %sign3A_262 = arith.extui %sign3A_261 : i1 to i32
      %sign3A_263 = arith.constant 0 : i32
      %sign3A_264 = arith.cmpi slt, %jit3A, %sign3A_263 : i32
      %sign3A_265 = arith.extui %sign3A_264 : i1 to i32
      %sign3A_266 = arith.subi %sign3A_262, %sign3A_265 : i32
      %ne3A = arith.cmpi ne, %sign3A_259, %sign3A_266 : i32
      %rem3A = arith.remsi %add3A_253, %jit3A : i32
      %ne3A_267 = arith.constant 0 : i32
      %ne3A_268 = arith.cmpi ne, %rem3A, %ne3A_267 : i32
      %and3A = arith.andi %ne3A, %ne3A_268 : i1
      %sub3A = arith.constant 1 : i32
      %sub3A_269 = arith.subi %div3A, %sub3A : i32
      %select_n3A = arith.select %and3A, %sub3A_269, %div3A : i32
      %broadcast_in_dim3A_270 = vector.broadcast %select_n3A : i32 to vector<16xi32>
      %jit3A_271 = arith.constant 128 : i32
      %eq3A_272 = arith.constant 0 : i32
      %eq3A_273 = arith.cmpi eq, %jit3A_271, %eq3A_272 : i32
      %jit3A_274 = arith.constant 1 : i32
      %select_n3A_275 = arith.select %eq3A_273, %jit3A_274, %jit3A_271 : i32
      %rem3A_276 = arith.remsi %add3A_253, %select_n3A_275 : i32
      %ne3A_277 = arith.constant 0 : i32
      %ne3A_278 = arith.cmpi ne, %rem3A_276, %ne3A_277 : i32
      %lt3A = arith.constant 0 : i32
      %lt3A_279 = arith.cmpi slt, %rem3A_276, %lt3A : i32
      %lt3A_280 = arith.constant 0 : i32
      %lt3A_281 = arith.cmpi slt, %select_n3A_275, %lt3A_280 : i32
      %ne3A_282 = arith.xori %lt3A_279, %lt3A_281 : i1
      %and3A_283 = arith.andi %ne3A_282, %ne3A_278 : i1
      %add3A_284 = arith.addi %rem3A_276, %select_n3A_275 : i32
      %select_n3A_285 = arith.select %and3A_283, %add3A_284, %rem3A_276 : i32
      %broadcast_in_dim3A_286 = vector.broadcast %select_n3A_285 : i32 to vector<16xi32>
      %gather3A = tpu.vector_load_idx %arg14[%broadcast_in_dim3A_270, %broadcast_in_dim3A_286] : memref<5x128xf32, #tpu.memory_space<vmem>>[vector<16xi32>, vector<16xi32>], vector<16xf32>,
      %swap3A_287 = arith.index_cast %scan3A_251 : i32 to index
      %swap3A_288 = arith.constant 0 : index
      %swap3A_289 = tpu.vector_load %arg13[%swap3A_287, %swap3A_288] {strides = array<i32>} : memref<32x128xf32, #tpu.memory_space<vmem>>, vector<16xf32>,
      tpu.vector_store %arg13[%swap3A_287, %swap3A_288], %gather3A {strides = array<i32>} : memref<32x128xf32, #tpu.memory_space<vmem>>, vector<16xf32>,
      %swap3A_290 = arith.index_cast %scan3A_251 : i32 to index
      %swap3A_291 = arith.constant 16 : index
      %swap3A_292 = tpu.vector_load %arg13[%swap3A_290, %swap3A_291] {strides = array<i32>} : memref<32x128xf32, #tpu.memory_space<vmem>>, vector<16xf32>,
      tpu.vector_store %arg13[%swap3A_290, %swap3A_291], %gather3A {strides = array<i32>} : memref<32x128xf32, #tpu.memory_space<vmem>>, vector<16xf32>,
      %swap3A_293 = arith.index_cast %scan3A_251 : i32 to index
      %swap3A_294 = arith.constant 32 : index
      %swap3A_295 = tpu.vector_load %arg13[%swap3A_293, %swap3A_294] {strides = array<i32>} : memref<32x128xf32, #tpu.memory_space<vmem>>, vector<16xf32>,
      tpu.vector_store %arg13[%swap3A_293, %swap3A_294], %gather3A {strides = array<i32>} : memref<32x128xf32, #tpu.memory_space<vmem>>, vector<16xf32>,
      %swap3A_296 = arith.index_cast %scan3A_251 : i32 to index
      %swap3A_297 = arith.constant 48 : index
      %swap3A_298 = tpu.vector_load %arg13[%swap3A_296, %swap3A_297] {strides = array<i32>} : memref<32x128xf32, #tpu.memory_space<vmem>>, vector<16xf32>,
      tpu.vector_store %arg13[%swap3A_296, %swap3A_297], %gather3A {strides = array<i32>} : memref<32x128xf32, #tpu.memory_space<vmem>>, vector<16xf32>,
      %swap3A_299 = arith.index_cast %scan3A_251 : i32 to index
      %swap3A_300 = arith.constant 64 : index
      %swap3A_301 = tpu.vector_load %arg13[%swap3A_299, %swap3A_300] {strides = array<i32>} : memref<32x128xf32, #tpu.memory_space<vmem>>, vector<16xf32>,
      tpu.vector_store %arg13[%swap3A_299, %swap3A_300], %gather3A {strides = array<i32>} : memref<32x128xf32, #tpu.memory_space<vmem>>, vector<16xf32>,
      %swap3A_302 = arith.index_cast %scan3A_251 : i32 to index
      %swap3A_303 = arith.constant 80 : index
      %swap3A_304 = tpu.vector_load %arg13[%swap3A_302, %swap3A_303] {strides = array<i32>} : memref<32x128xf32, #tpu.memory_space<vmem>>, vector<16xf32>,
      tpu.vector_store %arg13[%swap3A_302, %swap3A_303], %gather3A {strides = array<i32>} : memref<32x128xf32, #tpu.memory_space<vmem>>, vector<16xf32>,
      %swap3A_305 = arith.index_cast %scan3A_251 : i32 to index
      %swap3A_306 = arith.constant 96 : index
      %swap3A_307 = tpu.vector_load %arg13[%swap3A_305, %swap3A_306] {strides = array<i32>} : memref<32x128xf32, #tpu.memory_space<vmem>>, vector<16xf32>,
      tpu.vector_store %arg13[%swap3A_305, %swap3A_306], %gather3A {strides = array<i32>} : memref<32x128xf32, #tpu.memory_space<vmem>>, vector<16xf32>,
      %swap3A_308 = arith.index_cast %scan3A_251 : i32 to index
      %swap3A_309 = arith.constant 112 : index
      %swap3A_310 = tpu.vector_load %arg13[%swap3A_308, %swap3A_309] {strides = array<i32>} : memref<32x128xf32, #tpu.memory_space<vmem>>, vector<16xf32>,
      tpu.vector_store %arg13[%swap3A_308, %swap3A_309], %gather3A {strides = array<i32>} : memref<32x128xf32, #tpu.memory_space<vmem>>, vector<16xf32>,
    }
    %scan3A_200 = arith.constant 32 : i32
    %add3A_201 = arith.constant 416 : i32
    %add3A_202 = arith.addi %mul3A_0, %add3A_201 : i32
    "tpu.region"() ({
      %run_scoped3A_251 = tpu.sem_alloc : memref<!tpu.dma_semaphore, #tpu.memory_space<semaphore_mem>>
      %dma_start3A = arith.constant 0 : i32
      %dma_start3A_252 = tpu.memref_slice %arg6[%arg0, %add3A_202, %dma_start3A] : memref<2x10240x128xf32, #tpu.memory_space<hbm>> -> memref<1x32x128xf32, #tpu.memory_space<hbm>>
      %dma_start3A_253 = tpu.memref_squeeze %dma_start3A_252 : memref<1x32x128xf32, #tpu.memory_space<hbm>> -> memref<32x128xf32, #tpu.memory_space<hbm>>
      %dma_start3A_254 = arith.constant 0 : i32
      %dma_start3A_255 = tpu.memref_slice %arg6[%arg0, %add3A_202, %dma_start3A_254] : memref<2x10240x128xf32, #tpu.memory_space<hbm>> -> memref<1x32x128xf32, #tpu.memory_space<hbm>>
      %dma_start3A_256 = tpu.memref_squeeze %dma_start3A_255 : memref<1x32x128xf32, #tpu.memory_space<hbm>> -> memref<32x128xf32, #tpu.memory_space<hbm>>
      tpu.enqueue_dma source(%arg13 : memref<32x128xf32, #tpu.memory_space<vmem>>) target(%dma_start3A_256 : memref<32x128xf32, #tpu.memory_space<hbm>>) target_semaphore(%run_scoped3A_251 : memref<!tpu.dma_semaphore, #tpu.memory_space<semaphore_mem>>)
      %dma_wait3A = arith.constant 0 : i32
      %dma_wait3A_257 = tpu.memref_slice %arg6[%arg0, %add3A_202, %dma_wait3A] : memref<2x10240x128xf32, #tpu.memory_space<hbm>> -> memref<1x32x128xf32, #tpu.memory_space<hbm>>
      %dma_wait3A_258 = tpu.memref_squeeze %dma_wait3A_257 : memref<1x32x128xf32, #tpu.memory_space<hbm>> -> memref<32x128xf32, #tpu.memory_space<hbm>>
      %dma_wait3A_259 = arith.constant 0 : i32
      %dma_wait3A_260 = tpu.memref_slice %arg6[%arg0, %add3A_202, %dma_wait3A_259] : memref<2x10240x128xf32, #tpu.memory_space<hbm>> -> memref<1x32x128xf32, #tpu.memory_space<hbm>>
      %dma_wait3A_261 = tpu.memref_squeeze %dma_wait3A_260 : memref<1x32x128xf32, #tpu.memory_space<hbm>> -> memref<32x128xf32, #tpu.memory_space<hbm>>
      tpu.wait_dma2 semaphore(%run_scoped3A_251 : memref<!tpu.dma_semaphore, #tpu.memory_space<semaphore_mem>>) src(%arg13 : memref<32x128xf32, #tpu.memory_space<vmem>>) dst(%dma_wait3A_261 : memref<32x128xf32, #tpu.memory_space<hbm>>)
      tpu.yield
    }) : () -> ()
    %scan3A_203 = arith.constant 0 : i32
    %scan3A_204 = arith.constant 0 : i32
    %scan3A_205 = arith.constant 32 : i32
    %scan3A_206 = arith.addi %scan3A_204, %scan3A_205 : i32
    %scan3A_207 = arith.constant 1 : i32
    scf.for %scan3A_251 = %scan3A_204 to %scan3A_206 step %scan3A_207  : i32 {
      %add3A_252 = arith.constant 448 : i32
      %add3A_253 = arith.addi %add3A_252, %scan3A_251 : i32
      %jit3A = arith.constant 128 : i32
      %div3A = arith.divsi %add3A_253, %jit3A : i32
      %sign3A = arith.constant 0 : i32
      %sign3A_254 = arith.cmpi sgt, %add3A_253, %sign3A : i32
      %sign3A_255 = arith.extui %sign3A_254 : i1 to i32
      %sign3A_256 = arith.constant 0 : i32
      %sign3A_257 = arith.cmpi slt, %add3A_253, %sign3A_256 : i32
      %sign3A_258 = arith.extui %sign3A_257 : i1 to i32
      %sign3A_259 = arith.subi %sign3A_255, %sign3A_258 : i32
      %sign3A_260 = arith.constant 0 : i32
      %sign3A_261 = arith.cmpi sgt, %jit3A, %sign3A_260 : i32
      %sign3A_262 = arith.extui %sign3A_261 : i1 to i32
      %sign3A_263 = arith.constant 0 : i32
      %sign3A_264 = arith.cmpi slt, %jit3A, %sign3A_263 : i32
      %sign3A_265 = arith.extui %sign3A_264 : i1 to i32
      %sign3A_266 = arith.subi %sign3A_262, %sign3A_265 : i32
      %ne3A = arith.cmpi ne, %sign3A_259, %sign3A_266 : i32
      %rem3A = arith.remsi %add3A_253, %jit3A : i32
      %ne3A_267 = arith.constant 0 : i32
      %ne3A_268 = arith.cmpi ne, %rem3A, %ne3A_267 : i32
      %and3A = arith.andi %ne3A, %ne3A_268 : i1
      %sub3A = arith.constant 1 : i32
      %sub3A_269 = arith.subi %div3A, %sub3A : i32
      %select_n3A = arith.select %and3A, %sub3A_269, %div3A : i32
      %broadcast_in_dim3A_270 = vector.broadcast %select_n3A : i32 to vector<16xi32>
      %jit3A_271 = arith.constant 128 : i32
      %eq3A_272 = arith.constant 0 : i32
      %eq3A_273 = arith.cmpi eq, %jit3A_271, %eq3A_272 : i32
      %jit3A_274 = arith.constant 1 : i32
      %select_n3A_275 = arith.select %eq3A_273, %jit3A_274, %jit3A_271 : i32
      %rem3A_276 = arith.remsi %add3A_253, %select_n3A_275 : i32
      %ne3A_277 = arith.constant 0 : i32
      %ne3A_278 = arith.cmpi ne, %rem3A_276, %ne3A_277 : i32
      %lt3A = arith.constant 0 : i32
      %lt3A_279 = arith.cmpi slt, %rem3A_276, %lt3A : i32
      %lt3A_280 = arith.constant 0 : i32
      %lt3A_281 = arith.cmpi slt, %select_n3A_275, %lt3A_280 : i32
      %ne3A_282 = arith.xori %lt3A_279, %lt3A_281 : i1
      %and3A_283 = arith.andi %ne3A_282, %ne3A_278 : i1
      %add3A_284 = arith.addi %rem3A_276, %select_n3A_275 : i32
      %select_n3A_285 = arith.select %and3A_283, %add3A_284, %rem3A_276 : i32
      %broadcast_in_dim3A_286 = vector.broadcast %select_n3A_285 : i32 to vector<16xi32>
      %gather3A = tpu.vector_load_idx %arg14[%broadcast_in_dim3A_270, %broadcast_in_dim3A_286] : memref<5x128xf32, #tpu.memory_space<vmem>>[vector<16xi32>, vector<16xi32>], vector<16xf32>,
      %swap3A_287 = arith.index_cast %scan3A_251 : i32 to index
      %swap3A_288 = arith.constant 0 : index
      %swap3A_289 = tpu.vector_load %arg13[%swap3A_287, %swap3A_288] {strides = array<i32>} : memref<32x128xf32, #tpu.memory_space<vmem>>, vector<16xf32>,
      tpu.vector_store %arg13[%swap3A_287, %swap3A_288], %gather3A {strides = array<i32>} : memref<32x128xf32, #tpu.memory_space<vmem>>, vector<16xf32>,
      %swap3A_290 = arith.index_cast %scan3A_251 : i32 to index
      %swap3A_291 = arith.constant 16 : index
      %swap3A_292 = tpu.vector_load %arg13[%swap3A_290, %swap3A_291] {strides = array<i32>} : memref<32x128xf32, #tpu.memory_space<vmem>>, vector<16xf32>,
      tpu.vector_store %arg13[%swap3A_290, %swap3A_291], %gather3A {strides = array<i32>} : memref<32x128xf32, #tpu.memory_space<vmem>>, vector<16xf32>,
      %swap3A_293 = arith.index_cast %scan3A_251 : i32 to index
      %swap3A_294 = arith.constant 32 : index
      %swap3A_295 = tpu.vector_load %arg13[%swap3A_293, %swap3A_294] {strides = array<i32>} : memref<32x128xf32, #tpu.memory_space<vmem>>, vector<16xf32>,
      tpu.vector_store %arg13[%swap3A_293, %swap3A_294], %gather3A {strides = array<i32>} : memref<32x128xf32, #tpu.memory_space<vmem>>, vector<16xf32>,
      %swap3A_296 = arith.index_cast %scan3A_251 : i32 to index
      %swap3A_297 = arith.constant 48 : index
      %swap3A_298 = tpu.vector_load %arg13[%swap3A_296, %swap3A_297] {strides = array<i32>} : memref<32x128xf32, #tpu.memory_space<vmem>>, vector<16xf32>,
      tpu.vector_store %arg13[%swap3A_296, %swap3A_297], %gather3A {strides = array<i32>} : memref<32x128xf32, #tpu.memory_space<vmem>>, vector<16xf32>,
      %swap3A_299 = arith.index_cast %scan3A_251 : i32 to index
      %swap3A_300 = arith.constant 64 : index
      %swap3A_301 = tpu.vector_load %arg13[%swap3A_299, %swap3A_300] {strides = array<i32>} : memref<32x128xf32, #tpu.memory_space<vmem>>, vector<16xf32>,
      tpu.vector_store %arg13[%swap3A_299, %swap3A_300], %gather3A {strides = array<i32>} : memref<32x128xf32, #tpu.memory_space<vmem>>, vector<16xf32>,
      %swap3A_302 = arith.index_cast %scan3A_251 : i32 to index
      %swap3A_303 = arith.constant 80 : index
      %swap3A_304 = tpu.vector_load %arg13[%swap3A_302, %swap3A_303] {strides = array<i32>} : memref<32x128xf32, #tpu.memory_space<vmem>>, vector<16xf32>,
      tpu.vector_store %arg13[%swap3A_302, %swap3A_303], %gather3A {strides = array<i32>} : memref<32x128xf32, #tpu.memory_space<vmem>>, vector<16xf32>,
      %swap3A_305 = arith.index_cast %scan3A_251 : i32 to index
      %swap3A_306 = arith.constant 96 : index
      %swap3A_307 = tpu.vector_load %arg13[%swap3A_305, %swap3A_306] {strides = array<i32>} : memref<32x128xf32, #tpu.memory_space<vmem>>, vector<16xf32>,
      tpu.vector_store %arg13[%swap3A_305, %swap3A_306], %gather3A {strides = array<i32>} : memref<32x128xf32, #tpu.memory_space<vmem>>, vector<16xf32>,
      %swap3A_308 = arith.index_cast %scan3A_251 : i32 to index
      %swap3A_309 = arith.constant 112 : index
      %swap3A_310 = tpu.vector_load %arg13[%swap3A_308, %swap3A_309] {strides = array<i32>} : memref<32x128xf32, #tpu.memory_space<vmem>>, vector<16xf32>,
      tpu.vector_store %arg13[%swap3A_308, %swap3A_309], %gather3A {strides = array<i32>} : memref<32x128xf32, #tpu.memory_space<vmem>>, vector<16xf32>,
    }
    %scan3A_208 = arith.constant 32 : i32
    %add3A_209 = arith.constant 448 : i32
    %add3A_210 = arith.addi %mul3A_0, %add3A_209 : i32
    "tpu.region"() ({
      %run_scoped3A_251 = tpu.sem_alloc : memref<!tpu.dma_semaphore, #tpu.memory_space<semaphore_mem>>
      %dma_start3A = arith.constant 0 : i32
      %dma_start3A_252 = tpu.memref_slice %arg6[%arg0, %add3A_210, %dma_start3A] : memref<2x10240x128xf32, #tpu.memory_space<hbm>> -> memref<1x32x128xf32, #tpu.memory_space<hbm>>
      %dma_start3A_253 = tpu.memref_squeeze %dma_start3A_252 : memref<1x32x128xf32, #tpu.memory_space<hbm>> -> memref<32x128xf32, #tpu.memory_space<hbm>>
      %dma_start3A_254 = arith.constant 0 : i32
      %dma_start3A_255 = tpu.memref_slice %arg6[%arg0, %add3A_210, %dma_start3A_254] : memref<2x10240x128xf32, #tpu.memory_space<hbm>> -> memref<1x32x128xf32, #tpu.memory_space<hbm>>
      %dma_start3A_256 = tpu.memref_squeeze %dma_start3A_255 : memref<1x32x128xf32, #tpu.memory_space<hbm>> -> memref<32x128xf32, #tpu.memory_space<hbm>>
      tpu.enqueue_dma source(%arg13 : memref<32x128xf32, #tpu.memory_space<vmem>>) target(%dma_start3A_256 : memref<32x128xf32, #tpu.memory_space<hbm>>) target_semaphore(%run_scoped3A_251 : memref<!tpu.dma_semaphore, #tpu.memory_space<semaphore_mem>>)
      %dma_wait3A = arith.constant 0 : i32
      %dma_wait3A_257 = tpu.memref_slice %arg6[%arg0, %add3A_210, %dma_wait3A] : memref<2x10240x128xf32, #tpu.memory_space<hbm>> -> memref<1x32x128xf32, #tpu.memory_space<hbm>>
      %dma_wait3A_258 = tpu.memref_squeeze %dma_wait3A_257 : memref<1x32x128xf32, #tpu.memory_space<hbm>> -> memref<32x128xf32, #tpu.memory_space<hbm>>
      %dma_wait3A_259 = arith.constant 0 : i32
      %dma_wait3A_260 = tpu.memref_slice %arg6[%arg0, %add3A_210, %dma_wait3A_259] : memref<2x10240x128xf32, #tpu.memory_space<hbm>> -> memref<1x32x128xf32, #tpu.memory_space<hbm>>
      %dma_wait3A_261 = tpu.memref_squeeze %dma_wait3A_260 : memref<1x32x128xf32, #tpu.memory_space<hbm>> -> memref<32x128xf32, #tpu.memory_space<hbm>>
      tpu.wait_dma2 semaphore(%run_scoped3A_251 : memref<!tpu.dma_semaphore, #tpu.memory_space<semaphore_mem>>) src(%arg13 : memref<32x128xf32, #tpu.memory_space<vmem>>) dst(%dma_wait3A_261 : memref<32x128xf32, #tpu.memory_space<hbm>>)
      tpu.yield
    }) : () -> ()
    %scan3A_211 = arith.constant 0 : i32
    %scan3A_212 = arith.constant 0 : i32
    %scan3A_213 = arith.constant 32 : i32
    %scan3A_214 = arith.addi %scan3A_212, %scan3A_213 : i32
    %scan3A_215 = arith.constant 1 : i32
    scf.for %scan3A_251 = %scan3A_212 to %scan3A_214 step %scan3A_215  : i32 {
      %add3A_252 = arith.constant 480 : i32
      %add3A_253 = arith.addi %add3A_252, %scan3A_251 : i32
      %jit3A = arith.constant 128 : i32
      %div3A = arith.divsi %add3A_253, %jit3A : i32
      %sign3A = arith.constant 0 : i32
      %sign3A_254 = arith.cmpi sgt, %add3A_253, %sign3A : i32
      %sign3A_255 = arith.extui %sign3A_254 : i1 to i32
      %sign3A_256 = arith.constant 0 : i32
      %sign3A_257 = arith.cmpi slt, %add3A_253, %sign3A_256 : i32
      %sign3A_258 = arith.extui %sign3A_257 : i1 to i32
      %sign3A_259 = arith.subi %sign3A_255, %sign3A_258 : i32
      %sign3A_260 = arith.constant 0 : i32
      %sign3A_261 = arith.cmpi sgt, %jit3A, %sign3A_260 : i32
      %sign3A_262 = arith.extui %sign3A_261 : i1 to i32
      %sign3A_263 = arith.constant 0 : i32
      %sign3A_264 = arith.cmpi slt, %jit3A, %sign3A_263 : i32
      %sign3A_265 = arith.extui %sign3A_264 : i1 to i32
      %sign3A_266 = arith.subi %sign3A_262, %sign3A_265 : i32
      %ne3A = arith.cmpi ne, %sign3A_259, %sign3A_266 : i32
      %rem3A = arith.remsi %add3A_253, %jit3A : i32
      %ne3A_267 = arith.constant 0 : i32
      %ne3A_268 = arith.cmpi ne, %rem3A, %ne3A_267 : i32
      %and3A = arith.andi %ne3A, %ne3A_268 : i1
      %sub3A = arith.constant 1 : i32
      %sub3A_269 = arith.subi %div3A, %sub3A : i32
      %select_n3A = arith.select %and3A, %sub3A_269, %div3A : i32
      %broadcast_in_dim3A_270 = vector.broadcast %select_n3A : i32 to vector<16xi32>
      %jit3A_271 = arith.constant 128 : i32
      %eq3A_272 = arith.constant 0 : i32
      %eq3A_273 = arith.cmpi eq, %jit3A_271, %eq3A_272 : i32
      %jit3A_274 = arith.constant 1 : i32
      %select_n3A_275 = arith.select %eq3A_273, %jit3A_274, %jit3A_271 : i32
      %rem3A_276 = arith.remsi %add3A_253, %select_n3A_275 : i32
      %ne3A_277 = arith.constant 0 : i32
      %ne3A_278 = arith.cmpi ne, %rem3A_276, %ne3A_277 : i32
      %lt3A = arith.constant 0 : i32
      %lt3A_279 = arith.cmpi slt, %rem3A_276, %lt3A : i32
      %lt3A_280 = arith.constant 0 : i32
      %lt3A_281 = arith.cmpi slt, %select_n3A_275, %lt3A_280 : i32
      %ne3A_282 = arith.xori %lt3A_279, %lt3A_281 : i1
      %and3A_283 = arith.andi %ne3A_282, %ne3A_278 : i1
      %add3A_284 = arith.addi %rem3A_276, %select_n3A_275 : i32
      %select_n3A_285 = arith.select %and3A_283, %add3A_284, %rem3A_276 : i32
      %broadcast_in_dim3A_286 = vector.broadcast %select_n3A_285 : i32 to vector<16xi32>
      %gather3A = tpu.vector_load_idx %arg14[%broadcast_in_dim3A_270, %broadcast_in_dim3A_286] : memref<5x128xf32, #tpu.memory_space<vmem>>[vector<16xi32>, vector<16xi32>], vector<16xf32>,
      %swap3A_287 = arith.index_cast %scan3A_251 : i32 to index
      %swap3A_288 = arith.constant 0 : index
      %swap3A_289 = tpu.vector_load %arg13[%swap3A_287, %swap3A_288] {strides = array<i32>} : memref<32x128xf32, #tpu.memory_space<vmem>>, vector<16xf32>,
      tpu.vector_store %arg13[%swap3A_287, %swap3A_288], %gather3A {strides = array<i32>} : memref<32x128xf32, #tpu.memory_space<vmem>>, vector<16xf32>,
      %swap3A_290 = arith.index_cast %scan3A_251 : i32 to index
      %swap3A_291 = arith.constant 16 : index
      %swap3A_292 = tpu.vector_load %arg13[%swap3A_290, %swap3A_291] {strides = array<i32>} : memref<32x128xf32, #tpu.memory_space<vmem>>, vector<16xf32>,
      tpu.vector_store %arg13[%swap3A_290, %swap3A_291], %gather3A {strides = array<i32>} : memref<32x128xf32, #tpu.memory_space<vmem>>, vector<16xf32>,
      %swap3A_293 = arith.index_cast %scan3A_251 : i32 to index
      %swap3A_294 = arith.constant 32 : index
      %swap3A_295 = tpu.vector_load %arg13[%swap3A_293, %swap3A_294] {strides = array<i32>} : memref<32x128xf32, #tpu.memory_space<vmem>>, vector<16xf32>,
      tpu.vector_store %arg13[%swap3A_293, %swap3A_294], %gather3A {strides = array<i32>} : memref<32x128xf32, #tpu.memory_space<vmem>>, vector<16xf32>,
      %swap3A_296 = arith.index_cast %scan3A_251 : i32 to index
      %swap3A_297 = arith.constant 48 : index
      %swap3A_298 = tpu.vector_load %arg13[%swap3A_296, %swap3A_297] {strides = array<i32>} : memref<32x128xf32, #tpu.memory_space<vmem>>, vector<16xf32>,
      tpu.vector_store %arg13[%swap3A_296, %swap3A_297], %gather3A {strides = array<i32>} : memref<32x128xf32, #tpu.memory_space<vmem>>, vector<16xf32>,
      %swap3A_299 = arith.index_cast %scan3A_251 : i32 to index
      %swap3A_300 = arith.constant 64 : index
      %swap3A_301 = tpu.vector_load %arg13[%swap3A_299, %swap3A_300] {strides = array<i32>} : memref<32x128xf32, #tpu.memory_space<vmem>>, vector<16xf32>,
      tpu.vector_store %arg13[%swap3A_299, %swap3A_300], %gather3A {strides = array<i32>} : memref<32x128xf32, #tpu.memory_space<vmem>>, vector<16xf32>,
      %swap3A_302 = arith.index_cast %scan3A_251 : i32 to index
      %swap3A_303 = arith.constant 80 : index
      %swap3A_304 = tpu.vector_load %arg13[%swap3A_302, %swap3A_303] {strides = array<i32>} : memref<32x128xf32, #tpu.memory_space<vmem>>, vector<16xf32>,
      tpu.vector_store %arg13[%swap3A_302, %swap3A_303], %gather3A {strides = array<i32>} : memref<32x128xf32, #tpu.memory_space<vmem>>, vector<16xf32>,
      %swap3A_305 = arith.index_cast %scan3A_251 : i32 to index
      %swap3A_306 = arith.constant 96 : index
      %swap3A_307 = tpu.vector_load %arg13[%swap3A_305, %swap3A_306] {strides = array<i32>} : memref<32x128xf32, #tpu.memory_space<vmem>>, vector<16xf32>,
      tpu.vector_store %arg13[%swap3A_305, %swap3A_306], %gather3A {strides = array<i32>} : memref<32x128xf32, #tpu.memory_space<vmem>>, vector<16xf32>,
      %swap3A_308 = arith.index_cast %scan3A_251 : i32 to index
      %swap3A_309 = arith.constant 112 : index
      %swap3A_310 = tpu.vector_load %arg13[%swap3A_308, %swap3A_309] {strides = array<i32>} : memref<32x128xf32, #tpu.memory_space<vmem>>, vector<16xf32>,
      tpu.vector_store %arg13[%swap3A_308, %swap3A_309], %gather3A {strides = array<i32>} : memref<32x128xf32, #tpu.memory_space<vmem>>, vector<16xf32>,
    }
    %scan3A_216 = arith.constant 32 : i32
    %add3A_217 = arith.constant 480 : i32
    %add3A_218 = arith.addi %mul3A_0, %add3A_217 : i32
    "tpu.region"() ({
      %run_scoped3A_251 = tpu.sem_alloc : memref<!tpu.dma_semaphore, #tpu.memory_space<semaphore_mem>>
      %dma_start3A = arith.constant 0 : i32
      %dma_start3A_252 = tpu.memref_slice %arg6[%arg0, %add3A_218, %dma_start3A] : memref<2x10240x128xf32, #tpu.memory_space<hbm>> -> memref<1x32x128xf32, #tpu.memory_space<hbm>>
      %dma_start3A_253 = tpu.memref_squeeze %dma_start3A_252 : memref<1x32x128xf32, #tpu.memory_space<hbm>> -> memref<32x128xf32, #tpu.memory_space<hbm>>
      %dma_start3A_254 = arith.constant 0 : i32
      %dma_start3A_255 = tpu.memref_slice %arg6[%arg0, %add3A_218, %dma_start3A_254] : memref<2x10240x128xf32, #tpu.memory_space<hbm>> -> memref<1x32x128xf32, #tpu.memory_space<hbm>>
      %dma_start3A_256 = tpu.memref_squeeze %dma_start3A_255 : memref<1x32x128xf32, #tpu.memory_space<hbm>> -> memref<32x128xf32, #tpu.memory_space<hbm>>
      tpu.enqueue_dma source(%arg13 : memref<32x128xf32, #tpu.memory_space<vmem>>) target(%dma_start3A_256 : memref<32x128xf32, #tpu.memory_space<hbm>>) target_semaphore(%run_scoped3A_251 : memref<!tpu.dma_semaphore, #tpu.memory_space<semaphore_mem>>)
      %dma_wait3A = arith.constant 0 : i32
      %dma_wait3A_257 = tpu.memref_slice %arg6[%arg0, %add3A_218, %dma_wait3A] : memref<2x10240x128xf32, #tpu.memory_space<hbm>> -> memref<1x32x128xf32, #tpu.memory_space<hbm>>
      %dma_wait3A_258 = tpu.memref_squeeze %dma_wait3A_257 : memref<1x32x128xf32, #tpu.memory_space<hbm>> -> memref<32x128xf32, #tpu.memory_space<hbm>>
      %dma_wait3A_259 = arith.constant 0 : i32
      %dma_wait3A_260 = tpu.memref_slice %arg6[%arg0, %add3A_218, %dma_wait3A_259] : memref<2x10240x128xf32, #tpu.memory_space<hbm>> -> memref<1x32x128xf32, #tpu.memory_space<hbm>>
      %dma_wait3A_261 = tpu.memref_squeeze %dma_wait3A_260 : memref<1x32x128xf32, #tpu.memory_space<hbm>> -> memref<32x128xf32, #tpu.memory_space<hbm>>
      tpu.wait_dma2 semaphore(%run_scoped3A_251 : memref<!tpu.dma_semaphore, #tpu.memory_space<semaphore_mem>>) src(%arg13 : memref<32x128xf32, #tpu.memory_space<vmem>>) dst(%dma_wait3A_261 : memref<32x128xf32, #tpu.memory_space<hbm>>)
      tpu.yield
    }) : () -> ()
    %scan3A_219 = arith.constant 0 : i32
    %scan3A_220 = arith.constant 0 : i32
    %scan3A_221 = arith.constant 32 : i32
    %scan3A_222 = arith.addi %scan3A_220, %scan3A_221 : i32
    %scan3A_223 = arith.constant 1 : i32
    scf.for %scan3A_251 = %scan3A_220 to %scan3A_222 step %scan3A_223  : i32 {
      %add3A_252 = arith.constant 512 : i32
      %add3A_253 = arith.addi %add3A_252, %scan3A_251 : i32
      %jit3A = arith.constant 128 : i32
      %div3A = arith.divsi %add3A_253, %jit3A : i32
      %sign3A = arith.constant 0 : i32
      %sign3A_254 = arith.cmpi sgt, %add3A_253, %sign3A : i32
      %sign3A_255 = arith.extui %sign3A_254 : i1 to i32
      %sign3A_256 = arith.constant 0 : i32
      %sign3A_257 = arith.cmpi slt, %add3A_253, %sign3A_256 : i32
      %sign3A_258 = arith.extui %sign3A_257 : i1 to i32
      %sign3A_259 = arith.subi %sign3A_255, %sign3A_258 : i32
      %sign3A_260 = arith.constant 0 : i32
      %sign3A_261 = arith.cmpi sgt, %jit3A, %sign3A_260 : i32
      %sign3A_262 = arith.extui %sign3A_261 : i1 to i32
      %sign3A_263 = arith.constant 0 : i32
      %sign3A_264 = arith.cmpi slt, %jit3A, %sign3A_263 : i32
      %sign3A_265 = arith.extui %sign3A_264 : i1 to i32
      %sign3A_266 = arith.subi %sign3A_262, %sign3A_265 : i32
      %ne3A = arith.cmpi ne, %sign3A_259, %sign3A_266 : i32
      %rem3A = arith.remsi %add3A_253, %jit3A : i32
      %ne3A_267 = arith.constant 0 : i32
      %ne3A_268 = arith.cmpi ne, %rem3A, %ne3A_267 : i32
      %and3A = arith.andi %ne3A, %ne3A_268 : i1
      %sub3A = arith.constant 1 : i32
      %sub3A_269 = arith.subi %div3A, %sub3A : i32
      %select_n3A = arith.select %and3A, %sub3A_269, %div3A : i32
      %broadcast_in_dim3A_270 = vector.broadcast %select_n3A : i32 to vector<16xi32>
      %jit3A_271 = arith.constant 128 : i32
      %eq3A_272 = arith.constant 0 : i32
      %eq3A_273 = arith.cmpi eq, %jit3A_271, %eq3A_272 : i32
      %jit3A_274 = arith.constant 1 : i32
      %select_n3A_275 = arith.select %eq3A_273, %jit3A_274, %jit3A_271 : i32
      %rem3A_276 = arith.remsi %add3A_253, %select_n3A_275 : i32
      %ne3A_277 = arith.constant 0 : i32
      %ne3A_278 = arith.cmpi ne, %rem3A_276, %ne3A_277 : i32
      %lt3A = arith.constant 0 : i32
      %lt3A_279 = arith.cmpi slt, %rem3A_276, %lt3A : i32
      %lt3A_280 = arith.constant 0 : i32
      %lt3A_281 = arith.cmpi slt, %select_n3A_275, %lt3A_280 : i32
      %ne3A_282 = arith.xori %lt3A_279, %lt3A_281 : i1
      %and3A_283 = arith.andi %ne3A_282, %ne3A_278 : i1
      %add3A_284 = arith.addi %rem3A_276, %select_n3A_275 : i32
      %select_n3A_285 = arith.select %and3A_283, %add3A_284, %rem3A_276 : i32
      %broadcast_in_dim3A_286 = vector.broadcast %select_n3A_285 : i32 to vector<16xi32>
      %gather3A = tpu.vector_load_idx %arg14[%broadcast_in_dim3A_270, %broadcast_in_dim3A_286] : memref<5x128xf32, #tpu.memory_space<vmem>>[vector<16xi32>, vector<16xi32>], vector<16xf32>,
      %swap3A_287 = arith.index_cast %scan3A_251 : i32 to index
      %swap3A_288 = arith.constant 0 : index
      %swap3A_289 = tpu.vector_load %arg13[%swap3A_287, %swap3A_288] {strides = array<i32>} : memref<32x128xf32, #tpu.memory_space<vmem>>, vector<16xf32>,
      tpu.vector_store %arg13[%swap3A_287, %swap3A_288], %gather3A {strides = array<i32>} : memref<32x128xf32, #tpu.memory_space<vmem>>, vector<16xf32>,
      %swap3A_290 = arith.index_cast %scan3A_251 : i32 to index
      %swap3A_291 = arith.constant 16 : index
      %swap3A_292 = tpu.vector_load %arg13[%swap3A_290, %swap3A_291] {strides = array<i32>} : memref<32x128xf32, #tpu.memory_space<vmem>>, vector<16xf32>,
      tpu.vector_store %arg13[%swap3A_290, %swap3A_291], %gather3A {strides = array<i32>} : memref<32x128xf32, #tpu.memory_space<vmem>>, vector<16xf32>,
      %swap3A_293 = arith.index_cast %scan3A_251 : i32 to index
      %swap3A_294 = arith.constant 32 : index
      %swap3A_295 = tpu.vector_load %arg13[%swap3A_293, %swap3A_294] {strides = array<i32>} : memref<32x128xf32, #tpu.memory_space<vmem>>, vector<16xf32>,
      tpu.vector_store %arg13[%swap3A_293, %swap3A_294], %gather3A {strides = array<i32>} : memref<32x128xf32, #tpu.memory_space<vmem>>, vector<16xf32>,
      %swap3A_296 = arith.index_cast %scan3A_251 : i32 to index
      %swap3A_297 = arith.constant 48 : index
      %swap3A_298 = tpu.vector_load %arg13[%swap3A_296, %swap3A_297] {strides = array<i32>} : memref<32x128xf32, #tpu.memory_space<vmem>>, vector<16xf32>,
      tpu.vector_store %arg13[%swap3A_296, %swap3A_297], %gather3A {strides = array<i32>} : memref<32x128xf32, #tpu.memory_space<vmem>>, vector<16xf32>,
      %swap3A_299 = arith.index_cast %scan3A_251 : i32 to index
      %swap3A_300 = arith.constant 64 : index
      %swap3A_301 = tpu.vector_load %arg13[%swap3A_299, %swap3A_300] {strides = array<i32>} : memref<32x128xf32, #tpu.memory_space<vmem>>, vector<16xf32>,
      tpu.vector_store %arg13[%swap3A_299, %swap3A_300], %gather3A {strides = array<i32>} : memref<32x128xf32, #tpu.memory_space<vmem>>, vector<16xf32>,
      %swap3A_302 = arith.index_cast %scan3A_251 : i32 to index
      %swap3A_303 = arith.constant 80 : index
      %swap3A_304 = tpu.vector_load %arg13[%swap3A_302, %swap3A_303] {strides = array<i32>} : memref<32x128xf32, #tpu.memory_space<vmem>>, vector<16xf32>,
      tpu.vector_store %arg13[%swap3A_302, %swap3A_303], %gather3A {strides = array<i32>} : memref<32x128xf32, #tpu.memory_space<vmem>>, vector<16xf32>,
      %swap3A_305 = arith.index_cast %scan3A_251 : i32 to index
      %swap3A_306 = arith.constant 96 : index
      %swap3A_307 = tpu.vector_load %arg13[%swap3A_305, %swap3A_306] {strides = array<i32>} : memref<32x128xf32, #tpu.memory_space<vmem>>, vector<16xf32>,
      tpu.vector_store %arg13[%swap3A_305, %swap3A_306], %gather3A {strides = array<i32>} : memref<32x128xf32, #tpu.memory_space<vmem>>, vector<16xf32>,
      %swap3A_308 = arith.index_cast %scan3A_251 : i32 to index
      %swap3A_309 = arith.constant 112 : index
      %swap3A_310 = tpu.vector_load %arg13[%swap3A_308, %swap3A_309] {strides = array<i32>} : memref<32x128xf32, #tpu.memory_space<vmem>>, vector<16xf32>,
      tpu.vector_store %arg13[%swap3A_308, %swap3A_309], %gather3A {strides = array<i32>} : memref<32x128xf32, #tpu.memory_space<vmem>>, vector<16xf32>,
    }
    %scan3A_224 = arith.constant 32 : i32
    %add3A_225 = arith.constant 512 : i32
    %add3A_226 = arith.addi %mul3A_0, %add3A_225 : i32
    "tpu.region"() ({
      %run_scoped3A_251 = tpu.sem_alloc : memref<!tpu.dma_semaphore, #tpu.memory_space<semaphore_mem>>
      %dma_start3A = arith.constant 0 : i32
      %dma_start3A_252 = tpu.memref_slice %arg6[%arg0, %add3A_226, %dma_start3A] : memref<2x10240x128xf32, #tpu.memory_space<hbm>> -> memref<1x32x128xf32, #tpu.memory_space<hbm>>
      %dma_start3A_253 = tpu.memref_squeeze %dma_start3A_252 : memref<1x32x128xf32, #tpu.memory_space<hbm>> -> memref<32x128xf32, #tpu.memory_space<hbm>>
      %dma_start3A_254 = arith.constant 0 : i32
      %dma_start3A_255 = tpu.memref_slice %arg6[%arg0, %add3A_226, %dma_start3A_254] : memref<2x10240x128xf32, #tpu.memory_space<hbm>> -> memref<1x32x128xf32, #tpu.memory_space<hbm>>
      %dma_start3A_256 = tpu.memref_squeeze %dma_start3A_255 : memref<1x32x128xf32, #tpu.memory_space<hbm>> -> memref<32x128xf32, #tpu.memory_space<hbm>>
      tpu.enqueue_dma source(%arg13 : memref<32x128xf32, #tpu.memory_space<vmem>>) target(%dma_start3A_256 : memref<32x128xf32, #tpu.memory_space<hbm>>) target_semaphore(%run_scoped3A_251 : memref<!tpu.dma_semaphore, #tpu.memory_space<semaphore_mem>>)
      %dma_wait3A = arith.constant 0 : i32
      %dma_wait3A_257 = tpu.memref_slice %arg6[%arg0, %add3A_226, %dma_wait3A] : memref<2x10240x128xf32, #tpu.memory_space<hbm>> -> memref<1x32x128xf32, #tpu.memory_space<hbm>>
      %dma_wait3A_258 = tpu.memref_squeeze %dma_wait3A_257 : memref<1x32x128xf32, #tpu.memory_space<hbm>> -> memref<32x128xf32, #tpu.memory_space<hbm>>
      %dma_wait3A_259 = arith.constant 0 : i32
      %dma_wait3A_260 = tpu.memref_slice %arg6[%arg0, %add3A_226, %dma_wait3A_259] : memref<2x10240x128xf32, #tpu.memory_space<hbm>> -> memref<1x32x128xf32, #tpu.memory_space<hbm>>
      %dma_wait3A_261 = tpu.memref_squeeze %dma_wait3A_260 : memref<1x32x128xf32, #tpu.memory_space<hbm>> -> memref<32x128xf32, #tpu.memory_space<hbm>>
      tpu.wait_dma2 semaphore(%run_scoped3A_251 : memref<!tpu.dma_semaphore, #tpu.memory_space<semaphore_mem>>) src(%arg13 : memref<32x128xf32, #tpu.memory_space<vmem>>) dst(%dma_wait3A_261 : memref<32x128xf32, #tpu.memory_space<hbm>>)
      tpu.yield
    }) : () -> ()
    %scan3A_227 = arith.constant 0 : i32
    %scan3A_228 = arith.constant 0 : i32
    %scan3A_229 = arith.constant 32 : i32
    %scan3A_230 = arith.addi %scan3A_228, %scan3A_229 : i32
    %scan3A_231 = arith.constant 1 : i32
    scf.for %scan3A_251 = %scan3A_228 to %scan3A_230 step %scan3A_231  : i32 {
      %add3A_252 = arith.constant 544 : i32
      %add3A_253 = arith.addi %add3A_252, %scan3A_251 : i32
      %jit3A = arith.constant 128 : i32
      %div3A = arith.divsi %add3A_253, %jit3A : i32
      %sign3A = arith.constant 0 : i32
      %sign3A_254 = arith.cmpi sgt, %add3A_253, %sign3A : i32
      %sign3A_255 = arith.extui %sign3A_254 : i1 to i32
      %sign3A_256 = arith.constant 0 : i32
      %sign3A_257 = arith.cmpi slt, %add3A_253, %sign3A_256 : i32
      %sign3A_258 = arith.extui %sign3A_257 : i1 to i32
      %sign3A_259 = arith.subi %sign3A_255, %sign3A_258 : i32
      %sign3A_260 = arith.constant 0 : i32
      %sign3A_261 = arith.cmpi sgt, %jit3A, %sign3A_260 : i32
      %sign3A_262 = arith.extui %sign3A_261 : i1 to i32
      %sign3A_263 = arith.constant 0 : i32
      %sign3A_264 = arith.cmpi slt, %jit3A, %sign3A_263 : i32
      %sign3A_265 = arith.extui %sign3A_264 : i1 to i32
      %sign3A_266 = arith.subi %sign3A_262, %sign3A_265 : i32
      %ne3A = arith.cmpi ne, %sign3A_259, %sign3A_266 : i32
      %rem3A = arith.remsi %add3A_253, %jit3A : i32
      %ne3A_267 = arith.constant 0 : i32
      %ne3A_268 = arith.cmpi ne, %rem3A, %ne3A_267 : i32
      %and3A = arith.andi %ne3A, %ne3A_268 : i1
      %sub3A = arith.constant 1 : i32
      %sub3A_269 = arith.subi %div3A, %sub3A : i32
      %select_n3A = arith.select %and3A, %sub3A_269, %div3A : i32
      %broadcast_in_dim3A_270 = vector.broadcast %select_n3A : i32 to vector<16xi32>
      %jit3A_271 = arith.constant 128 : i32
      %eq3A_272 = arith.constant 0 : i32
      %eq3A_273 = arith.cmpi eq, %jit3A_271, %eq3A_272 : i32
      %jit3A_274 = arith.constant 1 : i32
      %select_n3A_275 = arith.select %eq3A_273, %jit3A_274, %jit3A_271 : i32
      %rem3A_276 = arith.remsi %add3A_253, %select_n3A_275 : i32
      %ne3A_277 = arith.constant 0 : i32
      %ne3A_278 = arith.cmpi ne, %rem3A_276, %ne3A_277 : i32
      %lt3A = arith.constant 0 : i32
      %lt3A_279 = arith.cmpi slt, %rem3A_276, %lt3A : i32
      %lt3A_280 = arith.constant 0 : i32
      %lt3A_281 = arith.cmpi slt, %select_n3A_275, %lt3A_280 : i32
      %ne3A_282 = arith.xori %lt3A_279, %lt3A_281 : i1
      %and3A_283 = arith.andi %ne3A_282, %ne3A_278 : i1
      %add3A_284 = arith.addi %rem3A_276, %select_n3A_275 : i32
      %select_n3A_285 = arith.select %and3A_283, %add3A_284, %rem3A_276 : i32
      %broadcast_in_dim3A_286 = vector.broadcast %select_n3A_285 : i32 to vector<16xi32>
      %gather3A = tpu.vector_load_idx %arg14[%broadcast_in_dim3A_270, %broadcast_in_dim3A_286] : memref<5x128xf32, #tpu.memory_space<vmem>>[vector<16xi32>, vector<16xi32>], vector<16xf32>,
      %swap3A_287 = arith.index_cast %scan3A_251 : i32 to index
      %swap3A_288 = arith.constant 0 : index
      %swap3A_289 = tpu.vector_load %arg13[%swap3A_287, %swap3A_288] {strides = array<i32>} : memref<32x128xf32, #tpu.memory_space<vmem>>, vector<16xf32>,
      tpu.vector_store %arg13[%swap3A_287, %swap3A_288], %gather3A {strides = array<i32>} : memref<32x128xf32, #tpu.memory_space<vmem>>, vector<16xf32>,
      %swap3A_290 = arith.index_cast %scan3A_251 : i32 to index
      %swap3A_291 = arith.constant 16 : index
      %swap3A_292 = tpu.vector_load %arg13[%swap3A_290, %swap3A_291] {strides = array<i32>} : memref<32x128xf32, #tpu.memory_space<vmem>>, vector<16xf32>,
      tpu.vector_store %arg13[%swap3A_290, %swap3A_291], %gather3A {strides = array<i32>} : memref<32x128xf32, #tpu.memory_space<vmem>>, vector<16xf32>,
      %swap3A_293 = arith.index_cast %scan3A_251 : i32 to index
      %swap3A_294 = arith.constant 32 : index
      %swap3A_295 = tpu.vector_load %arg13[%swap3A_293, %swap3A_294] {strides = array<i32>} : memref<32x128xf32, #tpu.memory_space<vmem>>, vector<16xf32>,
      tpu.vector_store %arg13[%swap3A_293, %swap3A_294], %gather3A {strides = array<i32>} : memref<32x128xf32, #tpu.memory_space<vmem>>, vector<16xf32>,
      %swap3A_296 = arith.index_cast %scan3A_251 : i32 to index
      %swap3A_297 = arith.constant 48 : index
      %swap3A_298 = tpu.vector_load %arg13[%swap3A_296, %swap3A_297] {strides = array<i32>} : memref<32x128xf32, #tpu.memory_space<vmem>>, vector<16xf32>,
      tpu.vector_store %arg13[%swap3A_296, %swap3A_297], %gather3A {strides = array<i32>} : memref<32x128xf32, #tpu.memory_space<vmem>>, vector<16xf32>,
      %swap3A_299 = arith.index_cast %scan3A_251 : i32 to index
      %swap3A_300 = arith.constant 64 : index
      %swap3A_301 = tpu.vector_load %arg13[%swap3A_299, %swap3A_300] {strides = array<i32>} : memref<32x128xf32, #tpu.memory_space<vmem>>, vector<16xf32>,
      tpu.vector_store %arg13[%swap3A_299, %swap3A_300], %gather3A {strides = array<i32>} : memref<32x128xf32, #tpu.memory_space<vmem>>, vector<16xf32>,
      %swap3A_302 = arith.index_cast %scan3A_251 : i32 to index
      %swap3A_303 = arith.constant 80 : index
      %swap3A_304 = tpu.vector_load %arg13[%swap3A_302, %swap3A_303] {strides = array<i32>} : memref<32x128xf32, #tpu.memory_space<vmem>>, vector<16xf32>,
      tpu.vector_store %arg13[%swap3A_302, %swap3A_303], %gather3A {strides = array<i32>} : memref<32x128xf32, #tpu.memory_space<vmem>>, vector<16xf32>,
      %swap3A_305 = arith.index_cast %scan3A_251 : i32 to index
      %swap3A_306 = arith.constant 96 : index
      %swap3A_307 = tpu.vector_load %arg13[%swap3A_305, %swap3A_306] {strides = array<i32>} : memref<32x128xf32, #tpu.memory_space<vmem>>, vector<16xf32>,
      tpu.vector_store %arg13[%swap3A_305, %swap3A_306], %gather3A {strides = array<i32>} : memref<32x128xf32, #tpu.memory_space<vmem>>, vector<16xf32>,
      %swap3A_308 = arith.index_cast %scan3A_251 : i32 to index
      %swap3A_309 = arith.constant 112 : index
      %swap3A_310 = tpu.vector_load %arg13[%swap3A_308, %swap3A_309] {strides = array<i32>} : memref<32x128xf32, #tpu.memory_space<vmem>>, vector<16xf32>,
      tpu.vector_store %arg13[%swap3A_308, %swap3A_309], %gather3A {strides = array<i32>} : memref<32x128xf32, #tpu.memory_space<vmem>>, vector<16xf32>,
    }
    %scan3A_232 = arith.constant 32 : i32
    %add3A_233 = arith.constant 544 : i32
    %add3A_234 = arith.addi %mul3A_0, %add3A_233 : i32
    "tpu.region"() ({
      %run_scoped3A_251 = tpu.sem_alloc : memref<!tpu.dma_semaphore, #tpu.memory_space<semaphore_mem>>
      %dma_start3A = arith.constant 0 : i32
      %dma_start3A_252 = tpu.memref_slice %arg6[%arg0, %add3A_234, %dma_start3A] : memref<2x10240x128xf32, #tpu.memory_space<hbm>> -> memref<1x32x128xf32, #tpu.memory_space<hbm>>
      %dma_start3A_253 = tpu.memref_squeeze %dma_start3A_252 : memref<1x32x128xf32, #tpu.memory_space<hbm>> -> memref<32x128xf32, #tpu.memory_space<hbm>>
      %dma_start3A_254 = arith.constant 0 : i32
      %dma_start3A_255 = tpu.memref_slice %arg6[%arg0, %add3A_234, %dma_start3A_254] : memref<2x10240x128xf32, #tpu.memory_space<hbm>> -> memref<1x32x128xf32, #tpu.memory_space<hbm>>
      %dma_start3A_256 = tpu.memref_squeeze %dma_start3A_255 : memref<1x32x128xf32, #tpu.memory_space<hbm>> -> memref<32x128xf32, #tpu.memory_space<hbm>>
      tpu.enqueue_dma source(%arg13 : memref<32x128xf32, #tpu.memory_space<vmem>>) target(%dma_start3A_256 : memref<32x128xf32, #tpu.memory_space<hbm>>) target_semaphore(%run_scoped3A_251 : memref<!tpu.dma_semaphore, #tpu.memory_space<semaphore_mem>>)
      %dma_wait3A = arith.constant 0 : i32
      %dma_wait3A_257 = tpu.memref_slice %arg6[%arg0, %add3A_234, %dma_wait3A] : memref<2x10240x128xf32, #tpu.memory_space<hbm>> -> memref<1x32x128xf32, #tpu.memory_space<hbm>>
      %dma_wait3A_258 = tpu.memref_squeeze %dma_wait3A_257 : memref<1x32x128xf32, #tpu.memory_space<hbm>> -> memref<32x128xf32, #tpu.memory_space<hbm>>
      %dma_wait3A_259 = arith.constant 0 : i32
      %dma_wait3A_260 = tpu.memref_slice %arg6[%arg0, %add3A_234, %dma_wait3A_259] : memref<2x10240x128xf32, #tpu.memory_space<hbm>> -> memref<1x32x128xf32, #tpu.memory_space<hbm>>
      %dma_wait3A_261 = tpu.memref_squeeze %dma_wait3A_260 : memref<1x32x128xf32, #tpu.memory_space<hbm>> -> memref<32x128xf32, #tpu.memory_space<hbm>>
      tpu.wait_dma2 semaphore(%run_scoped3A_251 : memref<!tpu.dma_semaphore, #tpu.memory_space<semaphore_mem>>) src(%arg13 : memref<32x128xf32, #tpu.memory_space<vmem>>) dst(%dma_wait3A_261 : memref<32x128xf32, #tpu.memory_space<hbm>>)
      tpu.yield
    }) : () -> ()
    %scan3A_235 = arith.constant 0 : i32
    %scan3A_236 = arith.constant 0 : i32
    %scan3A_237 = arith.constant 32 : i32
    %scan3A_238 = arith.addi %scan3A_236, %scan3A_237 : i32
    %scan3A_239 = arith.constant 1 : i32
    scf.for %scan3A_251 = %scan3A_236 to %scan3A_238 step %scan3A_239  : i32 {
      %add3A_252 = arith.constant 576 : i32
      %add3A_253 = arith.addi %add3A_252, %scan3A_251 : i32
      %jit3A = arith.constant 128 : i32
      %div3A = arith.divsi %add3A_253, %jit3A : i32
      %sign3A = arith.constant 0 : i32
      %sign3A_254 = arith.cmpi sgt, %add3A_253, %sign3A : i32
      %sign3A_255 = arith.extui %sign3A_254 : i1 to i32
      %sign3A_256 = arith.constant 0 : i32
      %sign3A_257 = arith.cmpi slt, %add3A_253, %sign3A_256 : i32
      %sign3A_258 = arith.extui %sign3A_257 : i1 to i32
      %sign3A_259 = arith.subi %sign3A_255, %sign3A_258 : i32
      %sign3A_260 = arith.constant 0 : i32
      %sign3A_261 = arith.cmpi sgt, %jit3A, %sign3A_260 : i32
      %sign3A_262 = arith.extui %sign3A_261 : i1 to i32
      %sign3A_263 = arith.constant 0 : i32
      %sign3A_264 = arith.cmpi slt, %jit3A, %sign3A_263 : i32
      %sign3A_265 = arith.extui %sign3A_264 : i1 to i32
      %sign3A_266 = arith.subi %sign3A_262, %sign3A_265 : i32
      %ne3A = arith.cmpi ne, %sign3A_259, %sign3A_266 : i32
      %rem3A = arith.remsi %add3A_253, %jit3A : i32
      %ne3A_267 = arith.constant 0 : i32
      %ne3A_268 = arith.cmpi ne, %rem3A, %ne3A_267 : i32
      %and3A = arith.andi %ne3A, %ne3A_268 : i1
      %sub3A = arith.constant 1 : i32
      %sub3A_269 = arith.subi %div3A, %sub3A : i32
      %select_n3A = arith.select %and3A, %sub3A_269, %div3A : i32
      %broadcast_in_dim3A_270 = vector.broadcast %select_n3A : i32 to vector<16xi32>
      %jit3A_271 = arith.constant 128 : i32
      %eq3A_272 = arith.constant 0 : i32
      %eq3A_273 = arith.cmpi eq, %jit3A_271, %eq3A_272 : i32
      %jit3A_274 = arith.constant 1 : i32
      %select_n3A_275 = arith.select %eq3A_273, %jit3A_274, %jit3A_271 : i32
      %rem3A_276 = arith.remsi %add3A_253, %select_n3A_275 : i32
      %ne3A_277 = arith.constant 0 : i32
      %ne3A_278 = arith.cmpi ne, %rem3A_276, %ne3A_277 : i32
      %lt3A = arith.constant 0 : i32
      %lt3A_279 = arith.cmpi slt, %rem3A_276, %lt3A : i32
      %lt3A_280 = arith.constant 0 : i32
      %lt3A_281 = arith.cmpi slt, %select_n3A_275, %lt3A_280 : i32
      %ne3A_282 = arith.xori %lt3A_279, %lt3A_281 : i1
      %and3A_283 = arith.andi %ne3A_282, %ne3A_278 : i1
      %add3A_284 = arith.addi %rem3A_276, %select_n3A_275 : i32
      %select_n3A_285 = arith.select %and3A_283, %add3A_284, %rem3A_276 : i32
      %broadcast_in_dim3A_286 = vector.broadcast %select_n3A_285 : i32 to vector<16xi32>
      %gather3A = tpu.vector_load_idx %arg14[%broadcast_in_dim3A_270, %broadcast_in_dim3A_286] : memref<5x128xf32, #tpu.memory_space<vmem>>[vector<16xi32>, vector<16xi32>], vector<16xf32>,
      %swap3A_287 = arith.index_cast %scan3A_251 : i32 to index
      %swap3A_288 = arith.constant 0 : index
      %swap3A_289 = tpu.vector_load %arg13[%swap3A_287, %swap3A_288] {strides = array<i32>} : memref<32x128xf32, #tpu.memory_space<vmem>>, vector<16xf32>,
      tpu.vector_store %arg13[%swap3A_287, %swap3A_288], %gather3A {strides = array<i32>} : memref<32x128xf32, #tpu.memory_space<vmem>>, vector<16xf32>,
      %swap3A_290 = arith.index_cast %scan3A_251 : i32 to index
      %swap3A_291 = arith.constant 16 : index
      %swap3A_292 = tpu.vector_load %arg13[%swap3A_290, %swap3A_291] {strides = array<i32>} : memref<32x128xf32, #tpu.memory_space<vmem>>, vector<16xf32>,
      tpu.vector_store %arg13[%swap3A_290, %swap3A_291], %gather3A {strides = array<i32>} : memref<32x128xf32, #tpu.memory_space<vmem>>, vector<16xf32>,
      %swap3A_293 = arith.index_cast %scan3A_251 : i32 to index
      %swap3A_294 = arith.constant 32 : index
      %swap3A_295 = tpu.vector_load %arg13[%swap3A_293, %swap3A_294] {strides = array<i32>} : memref<32x128xf32, #tpu.memory_space<vmem>>, vector<16xf32>,
      tpu.vector_store %arg13[%swap3A_293, %swap3A_294], %gather3A {strides = array<i32>} : memref<32x128xf32, #tpu.memory_space<vmem>>, vector<16xf32>,
      %swap3A_296 = arith.index_cast %scan3A_251 : i32 to index
      %swap3A_297 = arith.constant 48 : index
      %swap3A_298 = tpu.vector_load %arg13[%swap3A_296, %swap3A_297] {strides = array<i32>} : memref<32x128xf32, #tpu.memory_space<vmem>>, vector<16xf32>,
      tpu.vector_store %arg13[%swap3A_296, %swap3A_297], %gather3A {strides = array<i32>} : memref<32x128xf32, #tpu.memory_space<vmem>>, vector<16xf32>,
      %swap3A_299 = arith.index_cast %scan3A_251 : i32 to index
      %swap3A_300 = arith.constant 64 : index
      %swap3A_301 = tpu.vector_load %arg13[%swap3A_299, %swap3A_300] {strides = array<i32>} : memref<32x128xf32, #tpu.memory_space<vmem>>, vector<16xf32>,
      tpu.vector_store %arg13[%swap3A_299, %swap3A_300], %gather3A {strides = array<i32>} : memref<32x128xf32, #tpu.memory_space<vmem>>, vector<16xf32>,
      %swap3A_302 = arith.index_cast %scan3A_251 : i32 to index
      %swap3A_303 = arith.constant 80 : index
      %swap3A_304 = tpu.vector_load %arg13[%swap3A_302, %swap3A_303] {strides = array<i32>} : memref<32x128xf32, #tpu.memory_space<vmem>>, vector<16xf32>,
      tpu.vector_store %arg13[%swap3A_302, %swap3A_303], %gather3A {strides = array<i32>} : memref<32x128xf32, #tpu.memory_space<vmem>>, vector<16xf32>,
      %swap3A_305 = arith.index_cast %scan3A_251 : i32 to index
      %swap3A_306 = arith.constant 96 : index
      %swap3A_307 = tpu.vector_load %arg13[%swap3A_305, %swap3A_306] {strides = array<i32>} : memref<32x128xf32, #tpu.memory_space<vmem>>, vector<16xf32>,
      tpu.vector_store %arg13[%swap3A_305, %swap3A_306], %gather3A {strides = array<i32>} : memref<32x128xf32, #tpu.memory_space<vmem>>, vector<16xf32>,
      %swap3A_308 = arith.index_cast %scan3A_251 : i32 to index
      %swap3A_309 = arith.constant 112 : index
      %swap3A_310 = tpu.vector_load %arg13[%swap3A_308, %swap3A_309] {strides = array<i32>} : memref<32x128xf32, #tpu.memory_space<vmem>>, vector<16xf32>,
      tpu.vector_store %arg13[%swap3A_308, %swap3A_309], %gather3A {strides = array<i32>} : memref<32x128xf32, #tpu.memory_space<vmem>>, vector<16xf32>,
    }
    %scan3A_240 = arith.constant 32 : i32
    %add3A_241 = arith.constant 576 : i32
    %add3A_242 = arith.addi %mul3A_0, %add3A_241 : i32
    "tpu.region"() ({
      %run_scoped3A_251 = tpu.sem_alloc : memref<!tpu.dma_semaphore, #tpu.memory_space<semaphore_mem>>
      %dma_start3A = arith.constant 0 : i32
      %dma_start3A_252 = tpu.memref_slice %arg6[%arg0, %add3A_242, %dma_start3A] : memref<2x10240x128xf32, #tpu.memory_space<hbm>> -> memref<1x32x128xf32, #tpu.memory_space<hbm>>
      %dma_start3A_253 = tpu.memref_squeeze %dma_start3A_252 : memref<1x32x128xf32, #tpu.memory_space<hbm>> -> memref<32x128xf32, #tpu.memory_space<hbm>>
      %dma_start3A_254 = arith.constant 0 : i32
      %dma_start3A_255 = tpu.memref_slice %arg6[%arg0, %add3A_242, %dma_start3A_254] : memref<2x10240x128xf32, #tpu.memory_space<hbm>> -> memref<1x32x128xf32, #tpu.memory_space<hbm>>
      %dma_start3A_256 = tpu.memref_squeeze %dma_start3A_255 : memref<1x32x128xf32, #tpu.memory_space<hbm>> -> memref<32x128xf32, #tpu.memory_space<hbm>>
      tpu.enqueue_dma source(%arg13 : memref<32x128xf32, #tpu.memory_space<vmem>>) target(%dma_start3A_256 : memref<32x128xf32, #tpu.memory_space<hbm>>) target_semaphore(%run_scoped3A_251 : memref<!tpu.dma_semaphore, #tpu.memory_space<semaphore_mem>>)
      %dma_wait3A = arith.constant 0 : i32
      %dma_wait3A_257 = tpu.memref_slice %arg6[%arg0, %add3A_242, %dma_wait3A] : memref<2x10240x128xf32, #tpu.memory_space<hbm>> -> memref<1x32x128xf32, #tpu.memory_space<hbm>>
      %dma_wait3A_258 = tpu.memref_squeeze %dma_wait3A_257 : memref<1x32x128xf32, #tpu.memory_space<hbm>> -> memref<32x128xf32, #tpu.memory_space<hbm>>
      %dma_wait3A_259 = arith.constant 0 : i32
      %dma_wait3A_260 = tpu.memref_slice %arg6[%arg0, %add3A_242, %dma_wait3A_259] : memref<2x10240x128xf32, #tpu.memory_space<hbm>> -> memref<1x32x128xf32, #tpu.memory_space<hbm>>
      %dma_wait3A_261 = tpu.memref_squeeze %dma_wait3A_260 : memref<1x32x128xf32, #tpu.memory_space<hbm>> -> memref<32x128xf32, #tpu.memory_space<hbm>>
      tpu.wait_dma2 semaphore(%run_scoped3A_251 : memref<!tpu.dma_semaphore, #tpu.memory_space<semaphore_mem>>) src(%arg13 : memref<32x128xf32, #tpu.memory_space<vmem>>) dst(%dma_wait3A_261 : memref<32x128xf32, #tpu.memory_space<hbm>>)
      tpu.yield
    }) : () -> ()
    %scan3A_243 = arith.constant 0 : i32
    %scan3A_244 = arith.constant 0 : i32
    %scan3A_245 = arith.constant 32 : i32
    %scan3A_246 = arith.addi %scan3A_244, %scan3A_245 : i32
    %scan3A_247 = arith.constant 1 : i32
    scf.for %scan3A_251 = %scan3A_244 to %scan3A_246 step %scan3A_247  : i32 {
      %add3A_252 = arith.constant 608 : i32
      %add3A_253 = arith.addi %add3A_252, %scan3A_251 : i32
      %jit3A = arith.constant 128 : i32
      %div3A = arith.divsi %add3A_253, %jit3A : i32
      %sign3A = arith.constant 0 : i32
      %sign3A_254 = arith.cmpi sgt, %add3A_253, %sign3A : i32
      %sign3A_255 = arith.extui %sign3A_254 : i1 to i32
      %sign3A_256 = arith.constant 0 : i32
      %sign3A_257 = arith.cmpi slt, %add3A_253, %sign3A_256 : i32
      %sign3A_258 = arith.extui %sign3A_257 : i1 to i32
      %sign3A_259 = arith.subi %sign3A_255, %sign3A_258 : i32
      %sign3A_260 = arith.constant 0 : i32
      %sign3A_261 = arith.cmpi sgt, %jit3A, %sign3A_260 : i32
      %sign3A_262 = arith.extui %sign3A_261 : i1 to i32
      %sign3A_263 = arith.constant 0 : i32
      %sign3A_264 = arith.cmpi slt, %jit3A, %sign3A_263 : i32
      %sign3A_265 = arith.extui %sign3A_264 : i1 to i32
      %sign3A_266 = arith.subi %sign3A_262, %sign3A_265 : i32
      %ne3A = arith.cmpi ne, %sign3A_259, %sign3A_266 : i32
      %rem3A = arith.remsi %add3A_253, %jit3A : i32
      %ne3A_267 = arith.constant 0 : i32
      %ne3A_268 = arith.cmpi ne, %rem3A, %ne3A_267 : i32
      %and3A = arith.andi %ne3A, %ne3A_268 : i1
      %sub3A = arith.constant 1 : i32
      %sub3A_269 = arith.subi %div3A, %sub3A : i32
      %select_n3A = arith.select %and3A, %sub3A_269, %div3A : i32
      %broadcast_in_dim3A_270 = vector.broadcast %select_n3A : i32 to vector<16xi32>
      %jit3A_271 = arith.constant 128 : i32
      %eq3A_272 = arith.constant 0 : i32
      %eq3A_273 = arith.cmpi eq, %jit3A_271, %eq3A_272 : i32
      %jit3A_274 = arith.constant 1 : i32
      %select_n3A_275 = arith.select %eq3A_273, %jit3A_274, %jit3A_271 : i32
      %rem3A_276 = arith.remsi %add3A_253, %select_n3A_275 : i32
      %ne3A_277 = arith.constant 0 : i32
      %ne3A_278 = arith.cmpi ne, %rem3A_276, %ne3A_277 : i32
      %lt3A = arith.constant 0 : i32
      %lt3A_279 = arith.cmpi slt, %rem3A_276, %lt3A : i32
      %lt3A_280 = arith.constant 0 : i32
      %lt3A_281 = arith.cmpi slt, %select_n3A_275, %lt3A_280 : i32
      %ne3A_282 = arith.xori %lt3A_279, %lt3A_281 : i1
      %and3A_283 = arith.andi %ne3A_282, %ne3A_278 : i1
      %add3A_284 = arith.addi %rem3A_276, %select_n3A_275 : i32
      %select_n3A_285 = arith.select %and3A_283, %add3A_284, %rem3A_276 : i32
      %broadcast_in_dim3A_286 = vector.broadcast %select_n3A_285 : i32 to vector<16xi32>
      %gather3A = tpu.vector_load_idx %arg14[%broadcast_in_dim3A_270, %broadcast_in_dim3A_286] : memref<5x128xf32, #tpu.memory_space<vmem>>[vector<16xi32>, vector<16xi32>], vector<16xf32>,
      %swap3A_287 = arith.index_cast %scan3A_251 : i32 to index
      %swap3A_288 = arith.constant 0 : index
      %swap3A_289 = tpu.vector_load %arg13[%swap3A_287, %swap3A_288] {strides = array<i32>} : memref<32x128xf32, #tpu.memory_space<vmem>>, vector<16xf32>,
      tpu.vector_store %arg13[%swap3A_287, %swap3A_288], %gather3A {strides = array<i32>} : memref<32x128xf32, #tpu.memory_space<vmem>>, vector<16xf32>,
      %swap3A_290 = arith.index_cast %scan3A_251 : i32 to index
      %swap3A_291 = arith.constant 16 : index
      %swap3A_292 = tpu.vector_load %arg13[%swap3A_290, %swap3A_291] {strides = array<i32>} : memref<32x128xf32, #tpu.memory_space<vmem>>, vector<16xf32>,
      tpu.vector_store %arg13[%swap3A_290, %swap3A_291], %gather3A {strides = array<i32>} : memref<32x128xf32, #tpu.memory_space<vmem>>, vector<16xf32>,
      %swap3A_293 = arith.index_cast %scan3A_251 : i32 to index
      %swap3A_294 = arith.constant 32 : index
      %swap3A_295 = tpu.vector_load %arg13[%swap3A_293, %swap3A_294] {strides = array<i32>} : memref<32x128xf32, #tpu.memory_space<vmem>>, vector<16xf32>,
      tpu.vector_store %arg13[%swap3A_293, %swap3A_294], %gather3A {strides = array<i32>} : memref<32x128xf32, #tpu.memory_space<vmem>>, vector<16xf32>,
      %swap3A_296 = arith.index_cast %scan3A_251 : i32 to index
      %swap3A_297 = arith.constant 48 : index
      %swap3A_298 = tpu.vector_load %arg13[%swap3A_296, %swap3A_297] {strides = array<i32>} : memref<32x128xf32, #tpu.memory_space<vmem>>, vector<16xf32>,
      tpu.vector_store %arg13[%swap3A_296, %swap3A_297], %gather3A {strides = array<i32>} : memref<32x128xf32, #tpu.memory_space<vmem>>, vector<16xf32>,
      %swap3A_299 = arith.index_cast %scan3A_251 : i32 to index
      %swap3A_300 = arith.constant 64 : index
      %swap3A_301 = tpu.vector_load %arg13[%swap3A_299, %swap3A_300] {strides = array<i32>} : memref<32x128xf32, #tpu.memory_space<vmem>>, vector<16xf32>,
      tpu.vector_store %arg13[%swap3A_299, %swap3A_300], %gather3A {strides = array<i32>} : memref<32x128xf32, #tpu.memory_space<vmem>>, vector<16xf32>,
      %swap3A_302 = arith.index_cast %scan3A_251 : i32 to index
      %swap3A_303 = arith.constant 80 : index
      %swap3A_304 = tpu.vector_load %arg13[%swap3A_302, %swap3A_303] {strides = array<i32>} : memref<32x128xf32, #tpu.memory_space<vmem>>, vector<16xf32>,
      tpu.vector_store %arg13[%swap3A_302, %swap3A_303], %gather3A {strides = array<i32>} : memref<32x128xf32, #tpu.memory_space<vmem>>, vector<16xf32>,
      %swap3A_305 = arith.index_cast %scan3A_251 : i32 to index
      %swap3A_306 = arith.constant 96 : index
      %swap3A_307 = tpu.vector_load %arg13[%swap3A_305, %swap3A_306] {strides = array<i32>} : memref<32x128xf32, #tpu.memory_space<vmem>>, vector<16xf32>,
      tpu.vector_store %arg13[%swap3A_305, %swap3A_306], %gather3A {strides = array<i32>} : memref<32x128xf32, #tpu.memory_space<vmem>>, vector<16xf32>,
      %swap3A_308 = arith.index_cast %scan3A_251 : i32 to index
      %swap3A_309 = arith.constant 112 : index
      %swap3A_310 = tpu.vector_load %arg13[%swap3A_308, %swap3A_309] {strides = array<i32>} : memref<32x128xf32, #tpu.memory_space<vmem>>, vector<16xf32>,
      tpu.vector_store %arg13[%swap3A_308, %swap3A_309], %gather3A {strides = array<i32>} : memref<32x128xf32, #tpu.memory_space<vmem>>, vector<16xf32>,
    }
    %scan3A_248 = arith.constant 32 : i32
    %add3A_249 = arith.constant 608 : i32
    %add3A_250 = arith.addi %mul3A_0, %add3A_249 : i32
    "tpu.region"() ({
      %run_scoped3A_251 = tpu.sem_alloc : memref<!tpu.dma_semaphore, #tpu.memory_space<semaphore_mem>>
      %dma_start3A = arith.constant 0 : i32
      %dma_start3A_252 = tpu.memref_slice %arg6[%arg0, %add3A_250, %dma_start3A] : memref<2x10240x128xf32, #tpu.memory_space<hbm>> -> memref<1x32x128xf32, #tpu.memory_space<hbm>>
      %dma_start3A_253 = tpu.memref_squeeze %dma_start3A_252 : memref<1x32x128xf32, #tpu.memory_space<hbm>> -> memref<32x128xf32, #tpu.memory_space<hbm>>
      %dma_start3A_254 = arith.constant 0 : i32
      %dma_start3A_255 = tpu.memref_slice %arg6[%arg0, %add3A_250, %dma_start3A_254] : memref<2x10240x128xf32, #tpu.memory_space<hbm>> -> memref<1x32x128xf32, #tpu.memory_space<hbm>>
      %dma_start3A_256 = tpu.memref_squeeze %dma_start3A_255 : memref<1x32x128xf32, #tpu.memory_space<hbm>> -> memref<32x128xf32, #tpu.memory_space<hbm>>
      tpu.enqueue_dma source(%arg13 : memref<32x128xf32, #tpu.memory_space<vmem>>) target(%dma_start3A_256 : memref<32x128xf32, #tpu.memory_space<hbm>>) target_semaphore(%run_scoped3A_251 : memref<!tpu.dma_semaphore, #tpu.memory_space<semaphore_mem>>)
      %dma_wait3A = arith.constant 0 : i32
      %dma_wait3A_257 = tpu.memref_slice %arg6[%arg0, %add3A_250, %dma_wait3A] : memref<2x10240x128xf32, #tpu.memory_space<hbm>> -> memref<1x32x128xf32, #tpu.memory_space<hbm>>
      %dma_wait3A_258 = tpu.memref_squeeze %dma_wait3A_257 : memref<1x32x128xf32, #tpu.memory_space<hbm>> -> memref<32x128xf32, #tpu.memory_space<hbm>>
      %dma_wait3A_259 = arith.constant 0 : i32
      %dma_wait3A_260 = tpu.memref_slice %arg6[%arg0, %add3A_250, %dma_wait3A_259] : memref<2x10240x128xf32, #tpu.memory_space<hbm>> -> memref<1x32x128xf32, #tpu.memory_space<hbm>>
      %dma_wait3A_261 = tpu.memref_squeeze %dma_wait3A_260 : memref<1x32x128xf32, #tpu.memory_space<hbm>> -> memref<32x128xf32, #tpu.memory_space<hbm>>
      tpu.wait_dma2 semaphore(%run_scoped3A_251 : memref<!tpu.dma_semaphore, #tpu.memory_space<semaphore_mem>>) src(%arg13 : memref<32x128xf32, #tpu.memory_space<vmem>>) dst(%dma_wait3A_261 : memref<32x128xf32, #tpu.memory_space<hbm>>)
      tpu.yield
    }) : () -> ()
    return
  }
}

module attributes {stable_mosaic.version = 14 : i64} {
  func.func @_tc_body(%arg0: i32, %arg1: memref<2x1024x128xf32, #tpu.memory_space<vmem>>, %arg2: memref<2x1024x128xf32, #tpu.memory_space<vmem>>, %arg3: memref<1x128xf32, #tpu.memory_space<vmem>>, %arg4: memref<1024x256xf32, #tpu.memory_space<vmem>>) attributes {dimension_semantics = [#tpu.dimension_semantics<arbitrary>], iteration_bounds = array<i64: 10>, scalar_prefetch = 0 : i64, scratch_operands = 0 : i64, tpu.core_type = #tpu.core_type<tc>, window_params = [{transform_indices = @transform_0, window_bounds = array<i64: 2, 1024, 128>}, {transform_indices = @transform_1, window_bounds = array<i64: 2, 1024, 128>}, {pipeline_mode = #tpu.pipeline_mode<synchronous>, transform_indices = @transform_2, window_bounds = array<i64: 1, 128>}, {transform_indices = @transform_3, window_bounds = array<i64: 1024, 256>}]} {
    %get3A = arith.constant 0 : index
    %get3A_0 = arith.constant 0 : index
    %get3A_1 = arith.constant 0 : index
    %get3A_2 = vector.load %arg1[%get3A, %get3A_0, %get3A_1] : memref<2x1024x128xf32, #tpu.memory_space<vmem>>, vector<1x1024x128xf32>
    %get3A_3 = vector.shape_cast %get3A_2 : vector<1x1024x128xf32> to vector<1024x128xf32>
    %get3A_4 = arith.constant 1 : index
    %get3A_5 = arith.constant 0 : index
    %get3A_6 = arith.constant 0 : index
    %get3A_7 = vector.load %arg1[%get3A_4, %get3A_5, %get3A_6] : memref<2x1024x128xf32, #tpu.memory_space<vmem>>, vector<1x1024x128xf32>
    %get3A_8 = vector.shape_cast %get3A_7 : vector<1x1024x128xf32> to vector<1024x128xf32>
    %add3A = arith.addf %get3A_3, %get3A_8 : vector<1024x128xf32>
    %swap3A = arith.constant 0 : index
    %swap3A_9 = arith.constant 0 : index
    %swap3A_10 = vector.load %arg4[%swap3A, %swap3A_9] : memref<1024x256xf32, #tpu.memory_space<vmem>>, vector<1024x128xf32>
    tpu.vector_store %arg4[%swap3A, %swap3A_9], %add3A {strides = array<i32>} : memref<1024x256xf32, #tpu.memory_space<vmem>>, vector<1024x128xf32>,
    %get3A_11 = arith.constant 0 : index
    %get3A_12 = arith.constant 0 : index
    %get3A_13 = arith.constant 0 : index
    %get3A_14 = vector.load %arg2[%get3A_11, %get3A_12, %get3A_13] : memref<2x1024x128xf32, #tpu.memory_space<vmem>>, vector<1x1024x128xf32>
    %get3A_15 = vector.shape_cast %get3A_14 : vector<1x1024x128xf32> to vector<1024x128xf32>
    %get3A_16 = arith.constant 1 : index
    %get3A_17 = arith.constant 0 : index
    %get3A_18 = arith.constant 0 : index
    %get3A_19 = vector.load %arg2[%get3A_16, %get3A_17, %get3A_18] : memref<2x1024x128xf32, #tpu.memory_space<vmem>>, vector<1x1024x128xf32>
    %get3A_20 = vector.shape_cast %get3A_19 : vector<1x1024x128xf32> to vector<1024x128xf32>
    %add3A_21 = arith.addf %get3A_15, %get3A_20 : vector<1024x128xf32>
    %get3A_22 = arith.constant 0 : index
    %get3A_23 = arith.constant 0 : index
    %get3A_24 = vector.load %arg3[%get3A_22, %get3A_23] : memref<1x128xf32, #tpu.memory_space<vmem>>, vector<1x128xf32>
    %mul3A = vector.broadcast %get3A_24 : vector<1x128xf32> to vector<1024x128xf32>
    %mul3A_25 = arith.mulf %add3A_21, %mul3A : vector<1024x128xf32>
    %swap3A_26 = arith.constant 0 : index
    %swap3A_27 = arith.constant 128 : index
    %swap3A_28 = vector.load %arg4[%swap3A_26, %swap3A_27] : memref<1024x256xf32, #tpu.memory_space<vmem>>, vector<1024x128xf32>
    tpu.vector_store %arg4[%swap3A_26, %swap3A_27], %mul3A_25 {strides = array<i32>} : memref<1024x256xf32, #tpu.memory_space<vmem>>, vector<1024x128xf32>,
    return
  }
  func.func @transform_0(%arg0: i32) -> (i32, i32, i32) {
    %c0_i32 = arith.constant 0 : i32
    %c0_i32_0 = arith.constant 0 : i32
    %c0_i32_1 = arith.constant 0 : i32
    return %c0_i32, %arg0, %c0_i32_0 : i32, i32, i32
  }
  func.func @transform_1(%arg0: i32) -> (i32, i32, i32) {
    %c0_i32 = arith.constant 0 : i32
    %c0_i32_0 = arith.constant 0 : i32
    %c0_i32_1 = arith.constant 0 : i32
    return %c0_i32, %arg0, %c0_i32_0 : i32, i32, i32
  }
  func.func @transform_2(%arg0: i32) -> (i32, i32) {
    %c0_i32 = arith.constant 0 : i32
    %c0_i32_0 = arith.constant 0 : i32
    %c0_i32_1 = arith.constant 0 : i32
    return %c0_i32, %c0_i32_0 : i32, i32
  }
  func.func @transform_3(%arg0: i32) -> (i32, i32) {
    %c0_i32 = arith.constant 0 : i32
    %c0_i32_0 = arith.constant 0 : i32
    return %arg0, %c0_i32 : i32, i32
  }
}

</mosaic_0001>

<sc_bundles>
// kernel: kernel.4.cloned.1.call-start
scs
__scs_entry_jumppad:
0x0: {  	(pc) =	sbr.rel $0x88, $3  }
0x1: {  	(tag) =	ssettag $0x0;
	lr =	simm.s32 $0x1  }
0x2: {  	[smem:$0x3F9E] =	sst lr;
	_ =	strace $0xD0000000  }
0x3: {  	_ = 	snop  }
0x4: {  	_ = 	snop  }
0x5: {  	_ = 	snop  }
0x6: {  	_ = 	snop  }
0x7: {  	_ = 	snop  }
__scs_overlays_trampoline_lowered:
0x8: {  	[smem:$0x3FAD] =	sst s0  }
0x9: {  	[smem:$0x3FAE] =	sst s1  }
0xa: {  	[smem:$0x3FAF] =	sst s2  }
0xb: {  	[smem:$0x3FB0] =	sst s3  }
0xc: {  	[smem:$0x3FB1] =	sst s4  }
0xd: {  	[smem:$0x3FB2] =	sst s5  }
0xe: {  	[smem:$0x3FB3] =	sst s6  }
0xf: {  	[smem:$0x3FB4] =	sst s7  }
0x10: {  	[smem:$0x3FB5] =	sst s8  }
0x11: {  	[smem:$0x3FB6] =	sst s9;
	s0 =	simm.s32 @!p0 $0x0  }
0x12: {  	s1 =	sld [smem:$0x3F9C];
	s0 =	simm.s32 @p0 $0x1  }
0x13: {  	[smem:$0x3FB7] =	sst s0;
	s0 =	simm.s32 @!p1 $0x0  }
0x14: {  	s2 =	sld [smem:$0x3F9B];
	s0 =	simm.s32 @p1 $0x1  }
0x15: {  	[smem:$0x3FB8] =	sst s0;
	s0 =	simm.s32 @!p2 $0x0  }
0x16: {  	s3 =	sld [smem:$0x3FDB];
	s0 =	simm.s32 @p2 $0x1  }
0x17: {  	s4 =	simm.s32 $0x1BF5;
	[smem:$0x3FBA] =	sst s0  }
0x18: {  	s0 =	sld [smem:$0x3F9D];
	_ =	swait.ge [sflag:s4], $0x0  }
0x19: {  	s7 =	sld [smem:$0x3F9E]  }
0x1a: {  	s8 =	sadd.s32 $0xFFFFE003, lr  }
0x1b: {  	s9 =	sadd.s32 $0xFFFFFEF7, lr;
	s5 =	simm.s32 $0xFFFFFFFF;
	p2 =	slt.u32 s8, $0xFFFFF086  }
0x1c: {  	p1 =	slt.u32 s9, $0xF7A;
	s5 =	simm.s32 @!p2 $0x0  }
0x1d: {  	s5 =	simm.s32 @p1 $0x1;
	p0 =	seq.s32 s7, s2  }
0x1e: {  	s7 =	smul.u32 @!p0 $0xF7A, s2;
	p2 =	seq.s32 @!p0 s5, $0x0  }
0x1f: {  	s9 =	smul.u32 $0xF7A, s1;
	s8 =	simm.s32 @!p0 $0x1BF5;
	p2 =	por !p2, p0  }
0x20: {  	[sflag:s8] =	ssyncset.s32 @!p0 $0xFFFFF086;
	s6 =	sadd.s32 @!p0 s3, s7;
	s7 =	simm.s32 @!p0 $0x108  }
0x21: {  	s3 =	sadd.s32 s3, s9;
	s6 =	sadd.s32 @!p0 $0x88, s6;
	s7 =	simm.s32 @p2 $0x1082  }
0x22: {  	[simem:s7], [sflag:s8] =	dma.local @!p0 [hbm:s6], $0xF7A  }
0x23: {  	s9 =	sor.u32 $0xD0000000, s2;
	s6 =	simm.s32 $0x108;
	_ =	swait.ge @!p0 [sflag:s8], $0x0  }
0x24: {  	s3 =	sadd.s32 $0x88, s3;
	s6 =	simm.s32 @!p1 $0x1082;
	[sflag:s4] =	ssyncset.s32 $0xFFFFF086  }
0x25: {  	[simem:s6], [sflag:s4] =	dma.local [hbm:s3], $0xF7A  }
0x26: {  	[smem:$0x3F9E] =	sst s1;
	(tag) =	ssettag s2;
	_ =	strace s9  }
0x27: {  	s1 =	sld [smem:$0x3FAE]  }
0x28: {  	s2 =	sld [smem:$0x3FAF]  }
0x29: {  	s4 =	sld [smem:$0x3FB1]  }
0x2a: {  	p0 =	seq.s32 s5, $0x0;
	s5 =	sld [smem:$0x3FB2]  }
0x2b: {  	s6 =	sld [smem:$0x3FB3]  }
0x2c: {  	s7 =	sld [smem:$0x3FB4]  }
0x2d: {  	s3 =	simm.s32 $0x108;
	s8 =	sld [smem:$0x3FB5]  }
0x2e: {  	s3 =	simm.s32 @!p0 $0x1082;
	s9 =	sld [smem:$0x3FB6]  }
0x2f: {  	lr =	sadd.s32 s0, s3;
	s0 =	sld [smem:$0x3FAD]  }
0x30: {  	s3 =	sld [smem:$0x3FB0]  }
0x31: {  	[smem:$0x3FB9] =	sst s10  }
0x32: {  	s10 =	sld [smem:$0x3FB7];
	_ =	sdelay $0x3  }
0x33: {  	p0 =	seq.s32 s10, $0x1;
	s10 =	sld [smem:$0x3FB9];
	_ =	sdelay $0x3  }
0x34: {  	[smem:$0x3FB9] =	sst s10  }
0x35: {  	s10 =	sld [smem:$0x3FB8];
	_ =	sdelay $0x3  }
0x36: {  	p1 =	seq.s32 s10, $0x1;
	s10 =	sld [smem:$0x3FB9];
	_ =	sdelay $0x3  }
0x37: {  	[smem:$0x3FB9] =	sst s10  }
0x38: {  	s10 =	sld [smem:$0x3FBA]  }
0x39: {  	_ = 	snop;
	(pc) =	sbr.ind lr, $3  }
0x3a: {  	_ = 	snop  }
0x3b: {  	_ = 	snop  }
0x3c: {  	p2 =	seq.s32 s10, $0x1;
	s10 =	sld [smem:$0x3FB9]  }
0x3d: {  	_ =	shalt  }
0x3e: {  	_ =	shalt  }
0x3f: {  	_ =	shalt  }
0x40: {  	_ =	shalt  }
0x41: {  	_ =	shalt  }
0x42: {  	_ =	shalt  }
0x43: {  	_ =	shalt  }
0x44: {  	_ =	shalt  }
0x45: {  	_ =	shalt  }
0x46: {  	_ =	shalt  }
0x47: {  	_ =	shalt  }
0x48: {  	_ =	shalt  }
0x49: {  	_ =	shalt  }
0x4a: {  	_ =	shalt  }
0x4b: {  	_ =	shalt  }
0x4c: {  	_ =	shalt  }
0x4d: {  	_ =	shalt  }
0x4e: {  	_ =	shalt  }
0x4f: {  	_ =	shalt  }
0x50: {  	_ =	shalt  }
0x51: {  	_ =	shalt  }
0x52: {  	_ =	shalt  }
0x53: {  	_ =	shalt  }
0x54: {  	_ =	shalt  }
0x55: {  	_ =	shalt  }
0x56: {  	_ =	shalt  }
0x57: {  	_ =	shalt  }
0x58: {  	_ =	shalt  }
0x59: {  	_ =	shalt  }
0x5a: {  	_ =	shalt  }
0x5b: {  	_ =	shalt  }
0x5c: {  	_ =	shalt  }
0x5d: {  	_ =	shalt  }
0x5e: {  	_ =	shalt  }
0x5f: {  	_ =	shalt  }
0x60: {  	_ =	shalt  }
0x61: {  	_ =	shalt  }
0x62: {  	_ =	shalt  }
0x63: {  	_ =	shalt  }
0x64: {  	_ =	shalt  }
0x65: {  	_ =	shalt  }
0x66: {  	_ =	shalt  }
0x67: {  	_ =	shalt  }
0x68: {  	_ =	shalt  }
0x69: {  	_ =	shalt  }
0x6a: {  	_ =	shalt  }
0x6b: {  	_ =	shalt  }
0x6c: {  	_ =	shalt  }
0x6d: {  	_ =	shalt  }
0x6e: {  	_ =	shalt  }
0x6f: {  	_ =	shalt  }
0x70: {  	_ =	shalt  }
0x71: {  	_ =	shalt  }
0x72: {  	_ =	shalt  }
0x73: {  	_ =	shalt  }
0x74: {  	_ =	shalt  }
0x75: {  	_ =	shalt  }
0x76: {  	_ =	shalt  }
0x77: {  	_ =	shalt  }
0x78: {  	_ =	shalt  }
0x79: {  	_ =	shalt  }
0x7a: {  	_ =	shalt  }
0x7b: {  	_ =	shalt  }
0x7c: {  	_ =	shalt  }
0x7d: {  	_ =	shalt  }
0x7e: {  	_ =	shalt  }
0x7f: {  	_ =	shalt  }
0x80: {  	_ =	shalt  }
0x81: {  	_ =	shalt  }
0x82: {  	_ =	shalt  }
0x83: {  	_ =	shalt  }
0x84: {  	_ =	shalt  }
0x85: {  	_ =	shalt  }
0x86: {  	_ =	shalt  }
0x87: {  	_ =	shalt  }
.Lfunc_end0:
.L_simem_size_0:
called_computation_lowered:
.L_overlay_start_0:
0x88: {  	s2 =	sld [smem:$0x3FD9]  }
0x89: {  	s3 =	sld [smem:$0x3FFE];
	_ =	sdelay $0x1  }
0x8a: {  	s1 =	srdreg.scid  }
0x8b: {  	s0 =	sand.u32 $0x1, s1  }
0x8c: {  	s17 =	sshll.u32 s0, $0xA;
	s2 =	sadd.s32 s3, s2  }
0x8d: {  	s2 =	sadd.s32 s2, s17  }
0x8e: {  	[smem:$0x3FC5] =	sst s2  }
0x8f: {  	_ = 	snop  }
0x90: {  	s2 =	sld [smem:$0x3FC9]  }
0x91: {  	s18 =	sld [smem:$0x3FD0];
	(tm) =	ssettm $0x1  }
0x92: {  	s4 =	sld [smem:$0x3FFB];
	_ =	sdelay $0x3  }
0x93: {  	_ =	strace s4  }
0x94: {  	s4 =	sld [smem:$0x3FFC];
	_ =	sdelay $0x3  }
0x95: {  	_ =	strace s4  }
0x96: {  	s4 =	sld [smem:$0x3FFD];
	_ =	sdelay $0x3  }
0x97: {  	_ =	strace s4  }
0x98: {  	_ =	strace $0x8FFFFFFF  }
0x99: {  	s19 =	sld [smem:$0x3FDB];
	_ =	sdelay $0x1  }
0x9a: {  	s5 =	simm.s32 $_scs_section_size  }
0x9b: {  	s6 =	simm.s32 $_size__tile_overlayer_lowered;
	s7 =	simm.s32 $_tile_overlayer_lowered  }
0x9c: {  	s22 =	simm.s32 $0x1BFF;
	s21 =	sshll.u32 s7, $0x1;
	s4 =	sadd.s32 s5, s19  }
0x9d: {  	s8 =	simm.s32 $0x0;
	s20 =	sshll.u32 s6, $0x1;
	s6 =	sadd.s32 s21, s4  }
0x9e: {  	[timem:s8], [sflag:s22] =	dma.local [hbm:s6], s20  }
0x9f: {  	_ =	swait.ge [sflag:s22], s20  }
0xa0: {  	s5 =	ssub.s32 $0x0, s20;
	[sflag:s22] =	ssyncset.done $0x0  }
0xa1: {  	[sflag:s22] =	ssyncadd.s32 s5;
	_ =	sdelay $0x1  }
0xa2: {  	s23 =	simm.s32 $0x1B8B  }
0xa3: {  	_ =	swait.ge [sflag:s23], $0x1  }
0xa4: {  	[sflag:s23] =	ssyncset.done $0x0  }
0xa5: {  	s25 =	simm.s32 $0x1B8E;
	s24 =	sld [smem:$0x3FFE];
	[sflag:s23] =	ssyncadd.s32 $0xFFFFFFFF  }
0xa6: {  	s26 =	simm.s32 $execute0_lowered;
	[smem:$0x3FD2] =	sst s25  }
0xa7: {  	s6 =	sshll.u32 s26, $0x1;
	_ =	strace $0x80000046;
	[dreg:$0x1] =	wrdreg $0xFFFFFFFF  }
0xa8: {  	s28 =	simm.s32 $_size_execute0_lowered;
	s4 =	sadd.s32 s4, s6;
	[dreg:$0x0] =	wrdreg $0x0  }
0xa9: {  	s6 =	sshll.u32 s28, $0x1;
	[dreg:$0x2] =	wrdreg s4  }
0xaa: {  	[dreg:$0x3] =	wrdreg s6  }
0xab: {  	[dreg:$0x4] =	wrdreg $0xC0  }
0xac: {  	_ =	task [dreg:s8], $0x5FFFF  }
0xad: {  	[dreg:$0x1] =	wrdreg $0xFFFFFFFF  }
0xae: {  	[dreg:$0x0] =	wrdreg $0x60  }
0xaf: {  	[dreg:$0x2] =	wrdreg s2  }
0xb0: {  	[dreg:$0x3] =	wrdreg s18  }
0xb1: {  	[dreg:$0x4] =	wrdreg s24  }
0xb2: {  	[dreg:$0x5] =	wrdreg $0x0  }
0xb3: {  	[dreg:$0x6] =	wrdreg $0x140000  }
0xb4: {  	[dreg:$0x7] =	wrdreg $0x9  }
0xb5: {  	_ =	task.clear_ibuf [dreg:s8], $0x8FFFF;
	_ =	strace $0x90000046  }
0xb6: {  	s29 =	simm.s32 $0x9;
	_ =	strace $0x80000048  }
0xb7: {  	_ =	swait.ge [sflag:s29], $0x1  }
0xb8: {  	[sflag:s29] =	ssyncadd.s32 $0xFFFFFFFF  }
0xb9: {  	_ =	strace $0x90000048  }
0xba: {  	_ =	sfence  }
0xbb: {  	s30 =	sld [smem:$0x0];
	_ =	sdelay $0x2  }
0xbc: {  	s31 =	sshll.u32 s1, $0xD;
	s1 =	sshrl.u32 s1, $0x2  }
0xbd: {  	s3 =	sand.u32 $0x4000, s31;
	s1 =	sadd.s32 s1, s30  }
0xbe: {  	s0 =	sor.u32 s3, s0;
	s1 =	sshll.u32 s1, $0x11  }
0xbf: {  	s0 =	sor.u32 s1, s0  }
0xc0: {  	s0 =	sadd.s32 $0x8F2B, s0  }
0xc1: {  	[sflag:s0] =	ssyncadd.remote.s32 $0x1  }
0xc2: {  	_ =	sfence.sel $0xFFFF  }
0xc3: {  	[dreg:$0x0] =	wrdreg $0xFFFFFFFF;
	(pc) =	sbr.abs _section_cstart, $3  }
0xc4: {  	[dreg:$0x1] =	wrdreg $0xFFFFFFFF  }
0xc5: {  	_ =	task.clear_ibuf [dreg:s8], $0x2FFFF;
	_ =	strace $0x9FFFFFFF  }
0xc6: {  	(tm) =	ssettm $0x7FFFFFFF  }
0xc7: {  	_ =	shalt  }
tec
execute0_lowered:
.L_overlay_start_1:
0x0: {  	(tag) =	ssettag $0x1  }
0x1: {  	s1 =	rddreg [dreg:$0x0]  }
0x2: {  	s2 =	rddreg [dreg:$0x1]  }
0x3: {  	s0 =	rddreg [dreg:$0x2]  }
0x4: {  	s3 =	rddreg [dreg:$0x3]  }
0x5: {  	s23 =	rddreg [dreg:$0x4]  }
0x6: {  	s5 =	simm.s32 $0x0;
	s4 =	srdreg.scid;
	s10 =	stileid.u32  }
0x7: {  	[smem:$0x7FF] =	sst s5;
	s9 =	smul.u32 $0x14000, s10  }
0x8: {  	s4 =	sand.u32 $0x1, s4;
	s6 =	sadd.s32 $0x400, s0;
	s15 =	smul.u32 $0x2800, s10  }
0x9: {  	s11 =	sadd.s32 $0xA400, s0;
	s0 =	sadd.s32 $0x5A400, s0;
	s14 =	smul.u32 $0x140000, s4  }
0xa: {  	_ =	strace $0x80000047;
	s8 =	ssub.s32 $0x2, s4;
	s4 =	smul.u32 $0x28000, s4  }
0xb: {  	s12 =	sshrl.u32 s8, $0x1;
	s13 =	sadd.s32 $0x4000, s9;
	s16 =	sadd.s32 $0x8000, s9  }
0xc: {  	s17 =	sadd.s32 $0xC000, s9;
	s19 =	sadd.s32 $0x10000, s9;
	s12 =	ssub.s32 s8, s12  }
0xd: {  	s8 =	sadd.s32 s13, s3;
	s18 =	sadd.s32 s9, s14;
	s13 =	sadd.s32 s14, s13  }
0xe: {  	s9 =	sadd.s32 s15, s4;
	s22 =	sadd.s32 s14, s16;
	s18 =	sshrl.u32 s18, $0x3  }
0xf: {  	s24 =	sadd.s32 s14, s17;
	s13 =	sshrl.u32 s13, $0x3;
	s20 =	sadd.s32 s11, s18  }
0x10: {  	s4 =	sshrl.u32 s22, $0x3;
	s21 =	sadd.s32 s11, s13;
	[dreg:$0x6] =	wrdreg s20  }
0x11: {  	s14 =	sadd.s32 s14, s19;
	s25 =	sadd.s32 s11, s4;
	[dreg:$0x7] =	wrdreg s21  }
0x12: {  	s22 =	sadd.s32 s19, s3;
	s13 =	sadd.s32 s0, s13;
	[dreg:$0x8] =	wrdreg s25  }
0x13: {  	s19 =	sshrl.u32 s9, $0x3;
	s4 =	sadd.s32 s0, s4;
	[dreg:$0xc] =	wrdreg s13  }
0x14: {  	s20 =	sshrl.u32 s24, $0x3;
	[dreg:$0xd] =	wrdreg s4;
	s24 =	sadd.s32 s2, s19  }
0x15: {  	s4 =	sadd.s32 s6, s19;
	[dreg:$0x10] =	wrdreg s24  }
0x16: {  	s25 =	smax.u32 s12, $0x1;
	[dreg:$0x11] =	wrdreg s4  }
0x17: {  	s14 =	sshrl.u32 s14, $0x3;
	s26 =	sadd.s32 s11, s20;
	[dreg:$0x13] =	wrdreg s25  }
0x18: {  	s11 =	sadd.s32 s11, s14;
	[dreg:$0x9] =	wrdreg s26  }
0x19: {  	s15 =	sadd.s32 s0, s20;
	[dreg:$0xa] =	wrdreg s11  }
0x1a: {  	s11 =	sadd.s32 s0, s18;
	[dreg:$0xe] =	wrdreg s15;
	s0 =	sadd.s32 s0, s14  }
0x1b: {  	[dreg:$0xf] =	wrdreg s0  }
0x1c: {  	s7 =	smul.u32 $0x50000, s10;
	s26 =	sadd.s32 $0x200, s11;
	[dreg:$0xb] =	wrdreg s11  }
0x1d: {  	p0 =	sne.s32 s10, $0x0;
	s4 =	sadd.s32 $0x400, s11;
	[dreg:$0x14] =	wrdreg s26  }
0x1e: {  	s18 =	smul.u32 $0xA00, s10;
	s10 =	sadd.s32 $0x600, s11;
	[dreg:$0x15] =	wrdreg s4  }
0x1f: {  	s28 =	simm.s32 $0x14280;
	s12 =	sadd.s32 $0xA00, s11;
	[dreg:$0x16] =	wrdreg s10  }
0x20: {  	s29 =	simm.s32 $0x1;
	s13 =	sadd.s32 $0xC00, s11;
	[dreg:$0x17] =	wrdreg s12  }
0x21: {  	s30 =	simm.s32 $0x2;
	s14 =	sadd.s32 $0xE00, s11;
	[dreg:$0x18] =	wrdreg s13  }
0x22: {  	s31 =	simm.s32 $0x80;
	s15 =	sadd.s32 $0x1200, s11;
	[dreg:$0x19] =	wrdreg s14  }
0x23: {  	s20 =	sadd.s32 s16, s3;
	s16 =	sadd.s32 $0x1400, s11;
	[dreg:$0x1a] =	wrdreg s15  }
0x24: {  	s21 =	sadd.s32 s17, s3;
	s17 =	sadd.s32 $0x1600, s11;
	[dreg:$0x1b] =	wrdreg s16  }
0x25: {  	s7 =	sshrl.u32 s7, $0x2;
	s19 =	sadd.s32 $0x1C00, s11;
	[dreg:$0x1c] =	wrdreg s17  }
0x26: {  	s7 =	sadd.s32 s7, s3;
	s24 =	sadd.s32 $0x2200, s11;
	[dreg:$0x1e] =	wrdreg s19  }
0x27: {  	s25 =	sadd.s32 $0x2400, s11;
	s0 =	sshrl.u32 s18, $0x2;
	[smem:$0x7FB] =	sst s24  }
0x28: {  	s18 =	sadd.s32 $0x1A00, s11;
	[smem:$0x7FC] =	sst s25;
	s26 =	sadd.s32 $0x2600, s11  }
0x29: {  	s24 =	simm.s32 $0x5;
	s25 =	simm.s32 $0x40;
	s4 =	simm.s32 $0x4  }
0x2a: {  	s10 =	simm.s32 $0x1CA80;
	s12 =	simm.s32 $0x0;
	[dreg:$0x1d] =	wrdreg s18  }
0x2b: {  	v0 =	vlaneseq.u32;
	s0 =	sadd.s32 s0, s23;
	s23 =	sadd.s32 $0x1E00, s11;
	[smem:$0x7FD] =	sst s26  }
0x2c: {  	v1 =	vimm.f32 $0.0e+00;
	v6 =	vimm.f32 $1.000000000e+00;
	v2 =	vor.u32 $0x10, v0;
	s26 =	simm.s32 $0x19A80;
	s11 =	simm.s32 $0x1BA80;
	[dreg:$0x12] =	wrdreg s0  }
0x2d: {  	v3 =	vor.u32 $0x20, v0;
	v4 =	vor.u32 $0x30, v0;
	v5 =	vor.u32 $0x40, v0;
	[dreg:$0x1f] =	wrdreg s23;
	s23 =	simm.s32 $0x17A80;
	s0 =	simm.s32 $0x3  }
.LBB2_1:
0x2e: {  	s13 =	simm.s32 $0x0;
	s14 =	simm.s32 $0x200  }
.LBB2_2:
0x2f: {  	p1 =	sne.s32 s14, $0xFE00;
	[tilespmem:s13+$0x17AF0] =	vst v1  }
0x30: {  	[tilespmem:s13+$0x17A80] =	vst v1  }
0x31: {  	[tilespmem:s13+$0x17A90] =	vst v1  }
.Ltmp0:
0x32: {  	[tilespmem:s13+$0x17AA0] =	vst v1;
	(pc) =	sbr.rel @p1 .LBB2_2-.Ltmp0, $4  }
0x33: {  	[tilespmem:s13+$0x17AB0] =	vst v1  }
0x34: {  	[tilespmem:s13+$0x17AC0] =	vst v1  }
0x35: {  	[tilespmem:s13+$0x17AD0] =	vst v1  }
0x36: {  	[tilespmem:s13+$0x17AE0] =	vst v1;
	s13 =	sshra.s32 s14, $0x2;
	s14 =	sadd.s32 $0x200, s14  }
0x37: {  	[tilespmem:s13+$0x17AF0] =	vst v1  }
0x38: {  	[tilespmem:s13+$0x17A80] =	vst v1  }
0x39: {  	[tilespmem:s13+$0x17A90] =	vst v1  }
0x3a: {  	[tilespmem:s13+$0x17AA0] =	vst v1  }
0x3b: {  	[tilespmem:s13+$0x17AB0] =	vst v1  }
0x3c: {  	[tilespmem:s13+$0x17AC0] =	vst v1  }
0x3d: {  	[tilespmem:s13+$0x17AD0] =	vst v1  }
0x3e: {  	[tilespmem:s13+$0x17AE0] =	vst v1;
	s13 =	simm.s32 $0x0;
	s14 =	simm.s32 $0x200  }
.LBB2_4:
0x3f: {  	p1 =	sne.s32 s14, $0x9E00;
	[tilespmem:s13+$0x142F0] =	vst v1  }
0x40: {  	[tilespmem:s13+$0x14280] =	vst v1  }
0x41: {  	[tilespmem:s13+$0x14290] =	vst v1  }
.Ltmp1:
0x42: {  	[tilespmem:s13+$0x142A0] =	vst v1;
	(pc) =	sbr.rel @p1 .LBB2_4-.Ltmp1, $4  }
0x43: {  	[tilespmem:s13+$0x142B0] =	vst v1  }
0x44: {  	[tilespmem:s13+$0x142C0] =	vst v1  }
0x45: {  	[tilespmem:s13+$0x142D0] =	vst v1  }
0x46: {  	[tilespmem:s13+$0x142E0] =	vst v1;
	s13 =	sshra.s32 s14, $0x2;
	s14 =	sadd.s32 $0x200, s14  }
0x47: {  	[tilespmem:s13+$0x142F0] =	vst v1  }
0x48: {  	[tilespmem:s13+$0x14280] =	vst v1  }
0x49: {  	[tilespmem:s13+$0x14290] =	vst v1  }
0x4a: {  	[tilespmem:s13+$0x142A0] =	vst v1  }
0x4b: {  	[tilespmem:s13+$0x142B0] =	vst v1  }
0x4c: {  	[tilespmem:s13+$0x142C0] =	vst v1  }
0x4d: {  	[tilespmem:s13+$0x142D0] =	vst v1  }
0x4e: {  	[tilespmem:s13+$0x142E0] =	vst v1  }
0x4f: {  	[spmem:s7] =	stream.linear.scatter [tilespmem:s23], [sflag:$0x5], $0x4000, $0x38;
	[tilespmem:$0x1CF00] =	vst v63  }
0x50: {  	_ =	swait.ge [sflag:s24], $0x4000  }
0x51: {  	[sflag:s24] =	ssyncset.done $0x0  }
0x52: {  	[sflag:s24] =	ssyncadd.s32 $0xFFFFC000  }
0x53: {  	[spmem:s8] =	stream.linear.scatter [tilespmem:s23], [sflag:$0x5], $0x4000, $0x38;
	[tilespmem:$0x1CF00] =	vst v63  }
0x54: {  	_ =	swait.ge [sflag:s24], $0x4000  }
0x55: {  	[sflag:s24] =	ssyncset.done $0x0  }
0x56: {  	[sflag:s24] =	ssyncadd.s32 $0xFFFFC000  }
0x57: {  	[spmem:s20] =	stream.linear.scatter [tilespmem:s23], [sflag:$0x5], $0x4000, $0x38;
	[tilespmem:$0x1CF00] =	vst v63  }
0x58: {  	_ =	swait.ge [sflag:s24], $0x4000  }
0x59: {  	[sflag:s24] =	ssyncset.done $0x0  }
0x5a: {  	[sflag:s24] =	ssyncadd.s32 $0xFFFFC000  }
0x5b: {  	[spmem:s21] =	stream.linear.scatter [tilespmem:s23], [sflag:$0x5], $0x4000, $0x38;
	[tilespmem:$0x1CF00] =	vst v63  }
0x5c: {  	_ =	swait.ge [sflag:s24], $0x4000  }
0x5d: {  	[sflag:s24] =	ssyncset.done $0x0  }
0x5e: {  	[sflag:s24] =	ssyncadd.s32 $0xFFFFC000  }
0x5f: {  	[spmem:s22] =	stream.linear.scatter [tilespmem:s23], [sflag:$0x5], $0x4000, $0x38;
	[tilespmem:$0x1CF00] =	vst v63  }
0x60: {  	_ =	swait.ge [sflag:s24], $0x4000  }
0x61: {  	[sflag:s24] =	ssyncset.done $0x0  }
0x62: {  	[sflag:s24] =	ssyncadd.s32 $0xFFFFC000  }
0x63: {  	s13 =	simm.s32 @!p0 $0x17A80;
	s14 =	rddreg [dreg:$0x4]  }
0x64: {  	[spmem:s14] =	stream.linear.scatter @!p0 [tilespmem:s13], [sflag:$0x5], $0x2800, $0x38;
	[tilespmem:$0x1CF00] =	vst v63  }
0x65: {  	s13 =	simm.s32 @!p0 $0x5  }
0x66: {  	_ =	swait.ge @!p0 [sflag:s13], $0x2800  }
0x67: {  	[sflag:s13] =	ssyncset.done @!p0 $0x0  }
0x68: {  	[sflag:s13] =	ssyncadd.s32 @!p0 $0xFFFFD800  }
0x69: {  	[tilespmem:$0x1CE80] =	vst v0  }
0x6a: {  	[tilespmem:$0x1CE90] =	vst v2  }
0x6b: {  	[tilespmem:$0x1CEA0] =	vst v3  }
0x6c: {  	[tilespmem:$0x1CEB0] =	vst v4  }
0x6d: {  	[tilespmem:$0x1CEC0] =	vst v5  }
0x6e: {  	[bflag:$0x0] =	sbarrier.arrive $0xFFFF  }
0x6f: {  	s15 =	simm.s32 $0x16A80;
	s13 =	simm.s32 $0x0;
	s17 =	rddreg [dreg:$0x10]  }
0x70: {  	[tilespmem:s15], [sflag:$0x5] =	stream.linear.gather [hbm4b:s17+s13], $0x400, $0x38;
	[tilespmem:$0x1CF00] =	vst v63  }
0x71: {  	_ =	swait.ge [sflag:s24], $0x400  }
0x72: {  	[sflag:s24] =	ssyncset.done $0x0  }
0x73: {  	s19 =	simm.s32 $0x17280;
	s18 =	rddreg [dreg:$0x11];
	[sflag:s24] =	ssyncadd.s32 $0xFFFFFC00  }
0x74: {  	[tilespmem:s19], [sflag:$0x5] =	stream.linear.gather [hbm4b:s18+s13], $0x400, $0x38;
	[tilespmem:$0x1CF00] =	vst v63  }
0x75: {  	_ =	swait.ge [sflag:s24], $0x400  }
0x76: {  	[sflag:s24] =	ssyncset.done $0x0  }
0x77: {  	s14 =	simm.s32 $0x1;
	[sflag:s24] =	ssyncadd.s32 $0xFFFFFC00  }
.LBB2_6:
0x78: {  	s16 =	smin.u32 s14, $0x9  }
0x79: {  	s16 =	sshll.u32 s16, $0xA  }
0x7a: {  	s17 =	sadd.s32 s9, s16;
	s16 =	sand.u32 $0x400, s13  }
0x7b: {  	s18 =	sxor.u32 $0x400, s16;
	s17 =	sshrl.u32 s17, $0x3  }
0x7c: {  	s19 =	sor.u32 $0x16A80, s18;
	s15 =	sadd.s32 s2, s17  }
0x7d: {  	[tilespmem:s19], [sflag:$0x3] =	stream.linear.gather [hbm4b:s15+s5], $0x400, $0x38;
	[tilespmem:$0x1CF00] =	vst v63  }
0x7e: {  	s17 =	sadd.s32 s6, s17;
	s19 =	sor.u32 $0x17280, s18  }
0x7f: {  	[tilespmem:s19], [sflag:$0x4] =	stream.linear.gather [hbm4b:s17+s5], $0x400, $0x38;
	[tilespmem:$0x1CF00] =	vst v63  }
0x80: {  	s17 =	sor.u32 $0x16A80, s16  }
0x81: {  	[tilespmem:s23], [sflag:$0x1] =	stream.indirect.gather [hbm4b:s1+s25], $0x80, s17, s25, $0xb8;
	[tilespmem:$0x1CF00] =	vst v63  }
0x82: {  	s18 =	sor.u32 $0x16AC0, s16  }
0x83: {  	[tilespmem:s26], [sflag:$0x2] =	stream.indirect.gather [hbm4b:s1+s25], $0x80, s18, s25, $0xb8;
	[tilespmem:$0x1CF00] =	vst v63  }
0x84: {  	v7 =	vld [tilespmem:s16+$0x17280];
	_ =	sdelay $0x7  }
0x85: {  	[tilespmem:v7+s28+$0x0] =	vst.idx.add.f32.msk $0xffff, v6  }
0x86: {  	v7 =	vld [tilespmem:s16+$0x17290];
	_ =	sdelay $0x7  }
0x87: {  	[tilespmem:v7+s28+$0x0] =	vst.idx.add.f32.msk $0xffff, v6  }
0x88: {  	v7 =	vld [tilespmem:s16+$0x172A0];
	_ =	sdelay $0x7  }
0x89: {  	[tilespmem:v7+s28+$0x0] =	vst.idx.add.f32.msk $0xffff, v6  }
0x8a: {  	v7 =	vld [tilespmem:s16+$0x172B0];
	_ =	sdelay $0x7  }
0x8b: {  	[tilespmem:v7+s28+$0x0] =	vst.idx.add.f32.msk $0xffff, v6  }
0x8c: {  	v7 =	vld [tilespmem:s16+$0x172C0];
	_ =	sdelay $0x7  }
0x8d: {  	[tilespmem:v7+s28+$0x0] =	vst.idx.add.f32.msk $0xffff, v6  }
0x8e: {  	v7 =	vld [tilespmem:s16+$0x172D0];
	_ =	sdelay $0x7  }
0x8f: {  	[tilespmem:v7+s28+$0x0] =	vst.idx.add.f32.msk $0xffff, v6  }
0x90: {  	v7 =	vld [tilespmem:s16+$0x172E0];
	_ =	sdelay $0x7  }
0x91: {  	[tilespmem:v7+s28+$0x0] =	vst.idx.add.f32.msk $0xffff, v6  }
0x92: {  	v7 =	vld [tilespmem:s16+$0x172F0];
	_ =	sdelay $0x7  }
0x93: {  	[tilespmem:v7+s28+$0x0] =	vst.idx.add.f32.msk $0xffff, v6  }
0x94: {  	_ =	swait.ge [sflag:s29], $0x2000  }
0x95: {  	[sflag:s29] =	ssyncset.done $0x0  }
0x96: {  	[sflag:s29] =	ssyncadd.s32 $0xFFFFE000  }
0x97: {  	_ =	swait.ge [sflag:s30], $0x2000  }
0x98: {  	[sflag:s30] =	ssyncset.done $0x0  }
0x99: {  	s19 =	sor.u32 $0x17280, s16;
	[sflag:s30] =	ssyncadd.s32 $0xFFFFE000  }
0x9a: {  	[spmem:s3] =	stream.indirect.scatter.add.f32 [tilespmem:s23], [sflag:$0x5], $0x80, s19, s31, $0xb8;
	[tilespmem:$0x1CF00] =	vst v63  }
0x9b: {  	_ =	swait.ge [sflag:s24], $0x4000  }
0x9c: {  	[sflag:s24] =	ssyncset.done $0x0  }
0x9d: {  	s17 =	sor.u32 $0x16B00, s16;
	[sflag:s24] =	ssyncadd.s32 $0xFFFFC000  }
0x9e: {  	[tilespmem:s23], [sflag:$0x1] =	stream.indirect.gather [hbm4b:s1+s25], $0x80, s17, s25, $0xb8;
	[tilespmem:$0x1CF00] =	vst v63  }
0x9f: {  	s18 =	sor.u32 $0x16B40, s16  }
0xa0: {  	[tilespmem:s26], [sflag:$0x2] =	stream.indirect.gather [hbm4b:s1+s25], $0x80, s18, s25, $0xb8;
	[tilespmem:$0x1CF00] =	vst v63  }
0xa1: {  	v7 =	vld [tilespmem:s16+$0x17300];
	_ =	sdelay $0x7  }
0xa2: {  	[tilespmem:v7+s28+$0x0] =	vst.idx.add.f32.msk $0xffff, v6  }
0xa3: {  	v7 =	vld [tilespmem:s16+$0x17310];
	_ =	sdelay $0x7  }
0xa4: {  	[tilespmem:v7+s28+$0x0] =	vst.idx.add.f32.msk $0xffff, v6  }
0xa5: {  	v7 =	vld [tilespmem:s16+$0x17320];
	_ =	sdelay $0x7  }
0xa6: {  	[tilespmem:v7+s28+$0x0] =	vst.idx.add.f32.msk $0xffff, v6  }
0xa7: {  	v7 =	vld [tilespmem:s16+$0x17330];
	_ =	sdelay $0x7  }
0xa8: {  	[tilespmem:v7+s28+$0x0] =	vst.idx.add.f32.msk $0xffff, v6  }
0xa9: {  	v7 =	vld [tilespmem:s16+$0x17340];
	_ =	sdelay $0x7  }
0xaa: {  	[tilespmem:v7+s28+$0x0] =	vst.idx.add.f32.msk $0xffff, v6  }
0xab: {  	v7 =	vld [tilespmem:s16+$0x17350];
	_ =	sdelay $0x7  }
0xac: {  	[tilespmem:v7+s28+$0x0] =	vst.idx.add.f32.msk $0xffff, v6  }
0xad: {  	v7 =	vld [tilespmem:s16+$0x17360];
	_ =	sdelay $0x7  }
0xae: {  	[tilespmem:v7+s28+$0x0] =	vst.idx.add.f32.msk $0xffff, v6  }
0xaf: {  	v7 =	vld [tilespmem:s16+$0x17370];
	_ =	sdelay $0x7  }
0xb0: {  	[tilespmem:v7+s28+$0x0] =	vst.idx.add.f32.msk $0xffff, v6  }
0xb1: {  	_ =	swait.ge [sflag:s29], $0x2000  }
0xb2: {  	[sflag:s29] =	ssyncset.done $0x0  }
0xb3: {  	[sflag:s29] =	ssyncadd.s32 $0xFFFFE000  }
0xb4: {  	_ =	swait.ge [sflag:s30], $0x2000  }
0xb5: {  	[sflag:s30] =	ssyncset.done $0x0  }
0xb6: {  	s19 =	sor.u32 $0x17300, s16;
	[sflag:s30] =	ssyncadd.s32 $0xFFFFE000  }
0xb7: {  	[spmem:s3] =	stream.indirect.scatter.add.f32 [tilespmem:s23], [sflag:$0x5], $0x80, s19, s31, $0xb8;
	[tilespmem:$0x1CF00] =	vst v63  }
0xb8: {  	_ =	swait.ge [sflag:s24], $0x4000  }
0xb9: {  	[sflag:s24] =	ssyncset.done $0x0  }
0xba: {  	s17 =	sor.u32 $0x16B80, s16;
	[sflag:s24] =	ssyncadd.s32 $0xFFFFC000  }
0xbb: {  	[tilespmem:s23], [sflag:$0x1] =	stream.indirect.gather [hbm4b:s1+s25], $0x80, s17, s25, $0xb8;
	[tilespmem:$0x1CF00] =	vst v63  }
0xbc: {  	s18 =	sor.u32 $0x16BC0, s16  }
0xbd: {  	[tilespmem:s26], [sflag:$0x2] =	stream.indirect.gather [hbm4b:s1+s25], $0x80, s18, s25, $0xb8;
	[tilespmem:$0x1CF00] =	vst v63  }
0xbe: {  	v7 =	vld [tilespmem:s16+$0x17380];
	_ =	sdelay $0x7  }
0xbf: {  	[tilespmem:v7+s28+$0x0] =	vst.idx.add.f32.msk $0xffff, v6  }
0xc0: {  	v7 =	vld [tilespmem:s16+$0x17390];
	_ =	sdelay $0x7  }
0xc1: {  	[tilespmem:v7+s28+$0x0] =	vst.idx.add.f32.msk $0xffff, v6  }
0xc2: {  	v7 =	vld [tilespmem:s16+$0x173A0];
	_ =	sdelay $0x7  }
0xc3: {  	[tilespmem:v7+s28+$0x0] =	vst.idx.add.f32.msk $0xffff, v6  }
0xc4: {  	v7 =	vld [tilespmem:s16+$0x173B0];
	_ =	sdelay $0x7  }
0xc5: {  	[tilespmem:v7+s28+$0x0] =	vst.idx.add.f32.msk $0xffff, v6  }
0xc6: {  	v7 =	vld [tilespmem:s16+$0x173C0];
	_ =	sdelay $0x7  }
0xc7: {  	[tilespmem:v7+s28+$0x0] =	vst.idx.add.f32.msk $0xffff, v6  }
0xc8: {  	v7 =	vld [tilespmem:s16+$0x173D0];
	_ =	sdelay $0x7  }
0xc9: {  	[tilespmem:v7+s28+$0x0] =	vst.idx.add.f32.msk $0xffff, v6  }
0xca: {  	v7 =	vld [tilespmem:s16+$0x173E0];
	_ =	sdelay $0x7  }
0xcb: {  	[tilespmem:v7+s28+$0x0] =	vst.idx.add.f32.msk $0xffff, v6  }
0xcc: {  	v7 =	vld [tilespmem:s16+$0x173F0];
	_ =	sdelay $0x7  }
0xcd: {  	[tilespmem:v7+s28+$0x0] =	vst.idx.add.f32.msk $0xffff, v6  }
0xce: {  	_ =	swait.ge [sflag:s29], $0x2000  }
0xcf: {  	[sflag:s29] =	ssyncset.done $0x0  }
0xd0: {  	[sflag:s29] =	ssyncadd.s32 $0xFFFFE000  }
0xd1: {  	_ =	swait.ge [sflag:s30], $0x2000  }
0xd2: {  	[sflag:s30] =	ssyncset.done $0x0  }
0xd3: {  	s19 =	sor.u32 $0x17380, s16;
	[sflag:s30] =	ssyncadd.s32 $0xFFFFE000  }
0xd4: {  	[spmem:s3] =	stream.indirect.scatter.add.f32 [tilespmem:s23], [sflag:$0x5], $0x80, s19, s31, $0xb8;
	[tilespmem:$0x1CF00] =	vst v63  }
0xd5: {  	_ =	swait.ge [sflag:s24], $0x4000  }
0xd6: {  	[sflag:s24] =	ssyncset.done $0x0  }
0xd7: {  	s17 =	sadd.s32 $0x16C00, s16;
	[sflag:s24] =	ssyncadd.s32 $0xFFFFC000  }
0xd8: {  	[tilespmem:s23], [sflag:$0x1] =	stream.indirect.gather [hbm4b:s1+s25], $0x80, s17, s25, $0xb8;
	[tilespmem:$0x1CF00] =	vst v63  }
0xd9: {  	s18 =	sadd.s32 $0x16C40, s16  }
0xda: {  	[tilespmem:s26], [sflag:$0x2] =	stream.indirect.gather [hbm4b:s1+s25], $0x80, s18, s25, $0xb8;
	[tilespmem:$0x1CF00] =	vst v63  }
0xdb: {  	v7 =	vld [tilespmem:s16+$0x17400];
	_ =	sdelay $0x7  }
0xdc: {  	[tilespmem:v7+s28+$0x0] =	vst.idx.add.f32.msk $0xffff, v6  }
0xdd: {  	v7 =	vld [tilespmem:s16+$0x17410];
	_ =	sdelay $0x7  }
0xde: {  	[tilespmem:v7+s28+$0x0] =	vst.idx.add.f32.msk $0xffff, v6  }
0xdf: {  	v7 =	vld [tilespmem:s16+$0x17420];
	_ =	sdelay $0x7  }
0xe0: {  	[tilespmem:v7+s28+$0x0] =	vst.idx.add.f32.msk $0xffff, v6  }
0xe1: {  	v7 =	vld [tilespmem:s16+$0x17430];
	_ =	sdelay $0x7  }
0xe2: {  	[tilespmem:v7+s28+$0x0] =	vst.idx.add.f32.msk $0xffff, v6  }
0xe3: {  	v7 =	vld [tilespmem:s16+$0x17440];
	_ =	sdelay $0x7  }
0xe4: {  	[tilespmem:v7+s28+$0x0] =	vst.idx.add.f32.msk $0xffff, v6  }
0xe5: {  	v7 =	vld [tilespmem:s16+$0x17450];
	_ =	sdelay $0x7  }
0xe6: {  	[tilespmem:v7+s28+$0x0] =	vst.idx.add.f32.msk $0xffff, v6  }
0xe7: {  	v7 =	vld [tilespmem:s16+$0x17460];
	_ =	sdelay $0x7  }
0xe8: {  	[tilespmem:v7+s28+$0x0] =	vst.idx.add.f32.msk $0xffff, v6  }
0xe9: {  	v7 =	vld [tilespmem:s16+$0x17470];
	_ =	sdelay $0x7  }
0xea: {  	[tilespmem:v7+s28+$0x0] =	vst.idx.add.f32.msk $0xffff, v6  }
0xeb: {  	_ =	swait.ge [sflag:s29], $0x2000  }
0xec: {  	[sflag:s29] =	ssyncset.done $0x0  }
0xed: {  	[sflag:s29] =	ssyncadd.s32 $0xFFFFE000  }
0xee: {  	_ =	swait.ge [sflag:s30], $0x2000  }
0xef: {  	[sflag:s30] =	ssyncset.done $0x0  }
0xf0: {  	s19 =	sadd.s32 $0x17400, s16;
	[sflag:s30] =	ssyncadd.s32 $0xFFFFE000  }
0xf1: {  	[spmem:s3] =	stream.indirect.scatter.add.f32 [tilespmem:s23], [sflag:$0x5], $0x80, s19, s31, $0xb8;
	[tilespmem:$0x1CF00] =	vst v63  }
0xf2: {  	_ =	swait.ge [sflag:s24], $0x4000  }
0xf3: {  	[sflag:s24] =	ssyncset.done $0x0  }
0xf4: {  	s17 =	sadd.s32 $0x16C80, s16;
	[sflag:s24] =	ssyncadd.s32 $0xFFFFC000  }
0xf5: {  	[tilespmem:s23], [sflag:$0x1] =	stream.indirect.gather [hbm4b:s1+s25], $0x80, s17, s25, $0xb8;
	[tilespmem:$0x1CF00] =	vst v63  }
0xf6: {  	s18 =	sadd.s32 $0x16CC0, s16  }
0xf7: {  	[tilespmem:s26], [sflag:$0x2] =	stream.indirect.gather [hbm4b:s1+s25], $0x80, s18, s25, $0xb8;
	[tilespmem:$0x1CF00] =	vst v63  }
0xf8: {  	v7 =	vld [tilespmem:s16+$0x17480];
	_ =	sdelay $0x7  }
0xf9: {  	[tilespmem:v7+s28+$0x0] =	vst.idx.add.f32.msk $0xffff, v6  }
0xfa: {  	v7 =	vld [tilespmem:s16+$0x17490];
	_ =	sdelay $0x7  }
0xfb: {  	[tilespmem:v7+s28+$0x0] =	vst.idx.add.f32.msk $0xffff, v6  }
0xfc: {  	v7 =	vld [tilespmem:s16+$0x174A0];
	_ =	sdelay $0x7  }
0xfd: {  	[tilespmem:v7+s28+$0x0] =	vst.idx.add.f32.msk $0xffff, v6  }
0xfe: {  	v7 =	vld [tilespmem:s16+$0x174B0];
	_ =	sdelay $0x7  }
0xff: {  	[tilespmem:v7+s28+$0x0] =	vst.idx.add.f32.msk $0xffff, v6  }
0x100: {  	v7 =	vld [tilespmem:s16+$0x174C0];
	_ =	sdelay $0x7  }
0x101: {  	[tilespmem:v7+s28+$0x0] =	vst.idx.add.f32.msk $0xffff, v6  }
0x102: {  	v7 =	vld [tilespmem:s16+$0x174D0];
	_ =	sdelay $0x7  }
0x103: {  	[tilespmem:v7+s28+$0x0] =	vst.idx.add.f32.msk $0xffff, v6  }
0x104: {  	v7 =	vld [tilespmem:s16+$0x174E0];
	_ =	sdelay $0x7  }
0x105: {  	[tilespmem:v7+s28+$0x0] =	vst.idx.add.f32.msk $0xffff, v6  }
0x106: {  	v7 =	vld [tilespmem:s16+$0x174F0];
	_ =	sdelay $0x7  }
0x107: {  	[tilespmem:v7+s28+$0x0] =	vst.idx.add.f32.msk $0xffff, v6  }
0x108: {  	_ =	swait.ge [sflag:s29], $0x2000  }
0x109: {  	[sflag:s29] =	ssyncset.done $0x0  }
0x10a: {  	[sflag:s29] =	ssyncadd.s32 $0xFFFFE000  }
0x10b: {  	_ =	swait.ge [sflag:s30], $0x2000  }
0x10c: {  	[sflag:s30] =	ssyncset.done $0x0  }
0x10d: {  	s19 =	sadd.s32 $0x17480, s16;
	[sflag:s30] =	ssyncadd.s32 $0xFFFFE000  }
0x10e: {  	[spmem:s3] =	stream.indirect.scatter.add.f32 [tilespmem:s23], [sflag:$0x5], $0x80, s19, s31, $0xb8;
	[tilespmem:$0x1CF00] =	vst v63  }
0x10f: {  	_ =	swait.ge [sflag:s24], $0x4000  }
0x110: {  	[sflag:s24] =	ssyncset.done $0x0  }
0x111: {  	s17 =	sadd.s32 $0x16D00, s16;
	[sflag:s24] =	ssyncadd.s32 $0xFFFFC000  }
0x112: {  	[tilespmem:s23], [sflag:$0x1] =	stream.indirect.gather [hbm4b:s1+s25], $0x80, s17, s25, $0xb8;
	[tilespmem:$0x1CF00] =	vst v63  }
0x113: {  	s18 =	sadd.s32 $0x16D40, s16  }
0x114: {  	[tilespmem:s26], [sflag:$0x2] =	stream.indirect.gather [hbm4b:s1+s25], $0x80, s18, s25, $0xb8;
	[tilespmem:$0x1CF00] =	vst v63  }
0x115: {  	v7 =	vld [tilespmem:s16+$0x17500];
	_ =	sdelay $0x7  }
0x116: {  	[tilespmem:v7+s28+$0x0] =	vst.idx.add.f32.msk $0xffff, v6  }
0x117: {  	v7 =	vld [tilespmem:s16+$0x17510];
	_ =	sdelay $0x7  }
0x118: {  	[tilespmem:v7+s28+$0x0] =	vst.idx.add.f32.msk $0xffff, v6  }
0x119: {  	v7 =	vld [tilespmem:s16+$0x17520];
	_ =	sdelay $0x7  }
0x11a: {  	[tilespmem:v7+s28+$0x0] =	vst.idx.add.f32.msk $0xffff, v6  }
0x11b: {  	v7 =	vld [tilespmem:s16+$0x17530];
	_ =	sdelay $0x7  }
0x11c: {  	[tilespmem:v7+s28+$0x0] =	vst.idx.add.f32.msk $0xffff, v6  }
0x11d: {  	v7 =	vld [tilespmem:s16+$0x17540];
	_ =	sdelay $0x7  }
0x11e: {  	[tilespmem:v7+s28+$0x0] =	vst.idx.add.f32.msk $0xffff, v6  }
0x11f: {  	v7 =	vld [tilespmem:s16+$0x17550];
	_ =	sdelay $0x7  }
0x120: {  	[tilespmem:v7+s28+$0x0] =	vst.idx.add.f32.msk $0xffff, v6  }
0x121: {  	v7 =	vld [tilespmem:s16+$0x17560];
	_ =	sdelay $0x7  }
0x122: {  	[tilespmem:v7+s28+$0x0] =	vst.idx.add.f32.msk $0xffff, v6  }
0x123: {  	v7 =	vld [tilespmem:s16+$0x17570];
	_ =	sdelay $0x7  }
0x124: {  	[tilespmem:v7+s28+$0x0] =	vst.idx.add.f32.msk $0xffff, v6  }
0x125: {  	_ =	swait.ge [sflag:s29], $0x2000  }
0x126: {  	[sflag:s29] =	ssyncset.done $0x0  }
0x127: {  	[sflag:s29] =	ssyncadd.s32 $0xFFFFE000  }
0x128: {  	_ =	swait.ge [sflag:s30], $0x2000  }
0x129: {  	[sflag:s30] =	ssyncset.done $0x0  }
0x12a: {  	s19 =	sadd.s32 $0x17500, s16;
	[sflag:s30] =	ssyncadd.s32 $0xFFFFE000  }
0x12b: {  	[spmem:s3] =	stream.indirect.scatter.add.f32 [tilespmem:s23], [sflag:$0x5], $0x80, s19, s31, $0xb8;
	[tilespmem:$0x1CF00] =	vst v63  }
0x12c: {  	_ =	swait.ge [sflag:s24], $0x4000  }
0x12d: {  	[sflag:s24] =	ssyncset.done $0x0  }
0x12e: {  	s17 =	sadd.s32 $0x16D80, s16;
	[sflag:s24] =	ssyncadd.s32 $0xFFFFC000  }
0x12f: {  	[tilespmem:s23], [sflag:$0x1] =	stream.indirect.gather [hbm4b:s1+s25], $0x80, s17, s25, $0xb8;
	[tilespmem:$0x1CF00] =	vst v63  }
0x130: {  	s18 =	sadd.s32 $0x16DC0, s16  }
0x131: {  	[tilespmem:s26], [sflag:$0x2] =	stream.indirect.gather [hbm4b:s1+s25], $0x80, s18, s25, $0xb8;
	[tilespmem:$0x1CF00] =	vst v63  }
0x132: {  	v7 =	vld [tilespmem:s16+$0x17580];
	_ =	sdelay $0x7  }
0x133: {  	[tilespmem:v7+s28+$0x0] =	vst.idx.add.f32.msk $0xffff, v6  }
0x134: {  	v7 =	vld [tilespmem:s16+$0x17590];
	_ =	sdelay $0x7  }
0x135: {  	[tilespmem:v7+s28+$0x0] =	vst.idx.add.f32.msk $0xffff, v6  }
0x136: {  	v7 =	vld [tilespmem:s16+$0x175A0];
	_ =	sdelay $0x7  }
0x137: {  	[tilespmem:v7+s28+$0x0] =	vst.idx.add.f32.msk $0xffff, v6  }
0x138: {  	v7 =	vld [tilespmem:s16+$0x175B0];
	_ =	sdelay $0x7  }
0x139: {  	[tilespmem:v7+s28+$0x0] =	vst.idx.add.f32.msk $0xffff, v6  }
0x13a: {  	v7 =	vld [tilespmem:s16+$0x175C0];
	_ =	sdelay $0x7  }
0x13b: {  	[tilespmem:v7+s28+$0x0] =	vst.idx.add.f32.msk $0xffff, v6  }
0x13c: {  	v7 =	vld [tilespmem:s16+$0x175D0];
	_ =	sdelay $0x7  }
0x13d: {  	[tilespmem:v7+s28+$0x0] =	vst.idx.add.f32.msk $0xffff, v6  }
0x13e: {  	v7 =	vld [tilespmem:s16+$0x175E0];
	_ =	sdelay $0x7  }
0x13f: {  	[tilespmem:v7+s28+$0x0] =	vst.idx.add.f32.msk $0xffff, v6  }
0x140: {  	v7 =	vld [tilespmem:s16+$0x175F0];
	_ =	sdelay $0x7  }
0x141: {  	[tilespmem:v7+s28+$0x0] =	vst.idx.add.f32.msk $0xffff, v6  }
0x142: {  	_ =	swait.ge [sflag:s29], $0x2000  }
0x143: {  	[sflag:s29] =	ssyncset.done $0x0  }
0x144: {  	[sflag:s29] =	ssyncadd.s32 $0xFFFFE000  }
0x145: {  	_ =	swait.ge [sflag:s30], $0x2000  }
0x146: {  	[sflag:s30] =	ssyncset.done $0x0  }
0x147: {  	s19 =	sadd.s32 $0x17580, s16;
	[sflag:s30] =	ssyncadd.s32 $0xFFFFE000  }
0x148: {  	[spmem:s3] =	stream.indirect.scatter.add.f32 [tilespmem:s23], [sflag:$0x5], $0x80, s19, s31, $0xb8;
	[tilespmem:$0x1CF00] =	vst v63  }
0x149: {  	_ =	swait.ge [sflag:s24], $0x4000  }
0x14a: {  	[sflag:s24] =	ssyncset.done $0x0  }
0x14b: {  	s17 =	sadd.s32 $0x16E00, s16;
	[sflag:s24] =	ssyncadd.s32 $0xFFFFC000  }
0x14c: {  	[tilespmem:s23], [sflag:$0x1] =	stream.indirect.gather [hbm4b:s1+s25], $0x80, s17, s25, $0xb8;
	[tilespmem:$0x1CF00] =	vst v63  }
0x14d: {  	s18 =	sadd.s32 $0x16E40, s16  }
0x14e: {  	[tilespmem:s26], [sflag:$0x2] =	stream.indirect.gather [hbm4b:s1+s25], $0x80, s18, s25, $0xb8;
	[tilespmem:$0x1CF00] =	vst v63  }
0x14f: {  	v7 =	vld [tilespmem:s16+$0x17600];
	_ =	sdelay $0x7  }
0x150: {  	[tilespmem:v7+s28+$0x0] =	vst.idx.add.f32.msk $0xffff, v6  }
0x151: {  	v7 =	vld [tilespmem:s16+$0x17610];
	_ =	sdelay $0x7  }
0x152: {  	[tilespmem:v7+s28+$0x0] =	vst.idx.add.f32.msk $0xffff, v6  }
0x153: {  	v7 =	vld [tilespmem:s16+$0x17620];
	_ =	sdelay $0x7  }
0x154: {  	[tilespmem:v7+s28+$0x0] =	vst.idx.add.f32.msk $0xffff, v6  }
0x155: {  	v7 =	vld [tilespmem:s16+$0x17630];
	_ =	sdelay $0x7  }
0x156: {  	[tilespmem:v7+s28+$0x0] =	vst.idx.add.f32.msk $0xffff, v6  }
0x157: {  	v7 =	vld [tilespmem:s16+$0x17640];
	_ =	sdelay $0x7  }
0x158: {  	[tilespmem:v7+s28+$0x0] =	vst.idx.add.f32.msk $0xffff, v6  }
0x159: {  	v7 =	vld [tilespmem:s16+$0x17650];
	_ =	sdelay $0x7  }
0x15a: {  	[tilespmem:v7+s28+$0x0] =	vst.idx.add.f32.msk $0xffff, v6  }
0x15b: {  	v7 =	vld [tilespmem:s16+$0x17660];
	_ =	sdelay $0x7  }
0x15c: {  	[tilespmem:v7+s28+$0x0] =	vst.idx.add.f32.msk $0xffff, v6  }
0x15d: {  	v7 =	vld [tilespmem:s16+$0x17670];
	_ =	sdelay $0x7  }
0x15e: {  	[tilespmem:v7+s28+$0x0] =	vst.idx.add.f32.msk $0xffff, v6  }
0x15f: {  	_ =	swait.ge [sflag:s29], $0x2000  }
0x160: {  	[sflag:s29] =	ssyncset.done $0x0  }
0x161: {  	[sflag:s29] =	ssyncadd.s32 $0xFFFFE000  }
0x162: {  	_ =	swait.ge [sflag:s30], $0x2000  }
0x163: {  	[sflag:s30] =	ssyncset.done $0x0  }
0x164: {  	s19 =	sadd.s32 $0x17600, s16;
	[sflag:s30] =	ssyncadd.s32 $0xFFFFE000  }
0x165: {  	[spmem:s3] =	stream.indirect.scatter.add.f32 [tilespmem:s23], [sflag:$0x5], $0x80, s19, s31, $0xb8;
	[tilespmem:$0x1CF00] =	vst v63  }
0x166: {  	_ =	swait.ge [sflag:s24], $0x4000  }
0x167: {  	[sflag:s24] =	ssyncset.done $0x0  }
0x168: {  	[sflag:s24] =	ssyncadd.s32 $0xFFFFC000  }
0x169: {  	p1 =	sne.s32 s14, $0xA;
	_ =	swait.ge [sflag:s0], $0x400  }
.Ltmp2:
0x16a: {  	[sflag:s0] =	ssyncset.done $0x0;
	(pc) =	sbr.rel @p1 .LBB2_6-.Ltmp2, $4  }
0x16b: {  	[sflag:s0] =	ssyncadd.s32 $0xFFFFFC00  }
0x16c: {  	_ =	swait.ge [sflag:s4], $0x400  }
0x16d: {  	[sflag:s4] =	ssyncset.done $0x0  }
0x16e: {  	s14 =	sadd.s32 $0x1, s14;
	s13 =	sadd.s32 $0x400, s13;
	[sflag:s4] =	ssyncadd.s32 $0xFFFFFC00  }
0x16f: {  	s13 =	rddreg [dreg:$0x4];
	s14 =	simm.s32 $0x50;
	s15 =	simm.s32 $0x1CE80  }
0x170: {  	[spmem:s13] =	stream.indirect.scatter.add.f32 [tilespmem:s28], [sflag:$0x5], $0x80, s15, s14, $0xb8;
	[tilespmem:$0x1CF00] =	vst v63  }
0x171: {  	_ =	swait.ge [sflag:s24], $0x2800  }
0x172: {  	[sflag:s24] =	ssyncset.done $0x0  }
0x173: {  	[sflag:s24] =	ssyncadd.s32 $0xFFFFD800  }
0x174: {  	[bflag:$0x0] =	sbarrier.arrive $0xFFFF  }
0x175: {  	[tilespmem:s23], [sflag:$0x5] =	stream.linear.gather [spmem:s7], $0x4000, $0x38;
	[tilespmem:$0x1CF00] =	vst v63  }
0x176: {  	_ =	swait.ge [sflag:s24], $0x4000  }
0x177: {  	[sflag:s24] =	ssyncset.done $0x0  }
0x178: {  	s13 =	simm.s32 $0x0;
	s18 =	rddreg [dreg:$0x6];
	[sflag:s24] =	ssyncadd.s32 $0xFFFFC000  }
0x179: {  	[hbm4b:s18+s13] =	stream.linear.scatter [tilespmem:s23], [sflag:$0x5], $0x4000, $0x38;
	[tilespmem:$0x1CF00] =	vst v63  }
0x17a: {  	_ =	swait.ge [sflag:s24], $0x4000  }
0x17b: {  	[sflag:s24] =	ssyncset.done $0x0  }
0x17c: {  	[sflag:s24] =	ssyncadd.s32 $0xFFFFC000  }
0x17d: {  	[tilespmem:s23], [sflag:$0x5] =	stream.linear.gather [spmem:s8], $0x4000, $0x38;
	[tilespmem:$0x1CF00] =	vst v63  }
0x17e: {  	_ =	swait.ge [sflag:s24], $0x4000  }
0x17f: {  	[sflag:s24] =	ssyncset.done $0x0  }
0x180: {  	s19 =	rddreg [dreg:$0x7];
	[sflag:s24] =	ssyncadd.s32 $0xFFFFC000  }
0x181: {  	[hbm4b:s19+s13] =	stream.linear.scatter [tilespmem:s23], [sflag:$0x5], $0x4000, $0x38;
	[tilespmem:$0x1CF00] =	vst v63  }
0x182: {  	_ =	swait.ge [sflag:s24], $0x4000  }
0x183: {  	[sflag:s24] =	ssyncset.done $0x0  }
0x184: {  	[sflag:s24] =	ssyncadd.s32 $0xFFFFC000  }
0x185: {  	[tilespmem:s23], [sflag:$0x5] =	stream.linear.gather [spmem:s20], $0x4000, $0x38;
	[tilespmem:$0x1CF00] =	vst v63  }
0x186: {  	_ =	swait.ge [sflag:s24], $0x4000  }
0x187: {  	[sflag:s24] =	ssyncset.done $0x0  }
0x188: {  	s15 =	rddreg [dreg:$0x8];
	[sflag:s24] =	ssyncadd.s32 $0xFFFFC000  }
0x189: {  	[hbm4b:s15+s13] =	stream.linear.scatter [tilespmem:s23], [sflag:$0x5], $0x4000, $0x38;
	[tilespmem:$0x1CF00] =	vst v63  }
0x18a: {  	_ =	swait.ge [sflag:s24], $0x4000  }
0x18b: {  	[sflag:s24] =	ssyncset.done $0x0  }
0x18c: {  	[sflag:s24] =	ssyncadd.s32 $0xFFFFC000  }
0x18d: {  	[tilespmem:s23], [sflag:$0x5] =	stream.linear.gather [spmem:s21], $0x4000, $0x38;
	[tilespmem:$0x1CF00] =	vst v63  }
0x18e: {  	_ =	swait.ge [sflag:s24], $0x4000  }
0x18f: {  	[sflag:s24] =	ssyncset.done $0x0  }
0x190: {  	s16 =	rddreg [dreg:$0x9];
	[sflag:s24] =	ssyncadd.s32 $0xFFFFC000  }
0x191: {  	[hbm4b:s16+s13] =	stream.linear.scatter [tilespmem:s23], [sflag:$0x5], $0x4000, $0x38;
	[tilespmem:$0x1CF00] =	vst v63  }
0x192: {  	_ =	swait.ge [sflag:s24], $0x4000  }
0x193: {  	[sflag:s24] =	ssyncset.done $0x0  }
0x194: {  	[sflag:s24] =	ssyncadd.s32 $0xFFFFC000  }
0x195: {  	[tilespmem:s23], [sflag:$0x5] =	stream.linear.gather [spmem:s22], $0x4000, $0x38;
	[tilespmem:$0x1CF00] =	vst v63  }
0x196: {  	_ =	swait.ge [sflag:s24], $0x4000  }
0x197: {  	[sflag:s24] =	ssyncset.done $0x0  }
0x198: {  	s17 =	rddreg [dreg:$0xa];
	[sflag:s24] =	ssyncadd.s32 $0xFFFFC000  }
0x199: {  	[hbm4b:s17+s13] =	stream.linear.scatter [tilespmem:s23], [sflag:$0x5], $0x4000, $0x38;
	[tilespmem:$0x1CF00] =	vst v63  }
0x19a: {  	_ =	swait.ge [sflag:s24], $0x4000  }
0x19b: {  	[sflag:s24] =	ssyncset.done $0x0  }
0x19c: {  	v7 =	vmov s13;
	s18 =	rddreg [dreg:$0x12];
	[sflag:s24] =	ssyncadd.s32 $0xFFFFC000  }
0x19d: {  	[tilespmem:s10], [sflag:$0x5] =	stream.linear.gather [spmem:s18], $0x280, $0x38;
	[tilespmem:$0x1CF00] =	vst v63  }
0x19e: {  	_ =	swait.ge [sflag:s24], $0x280  }
0x19f: {  	[sflag:s24] =	ssyncset.done $0x0  }
0x1a0: {  	[sflag:s24] =	ssyncadd.s32 $0xFFFFFD80  }
0x1a1: {  	v7 =	vld.idx.msk [tilespmem:v7+s10+$0x0], $0xffff;
	_ =	sdelay $0x3  }
0x1a2: {  	s13 =	simm.s32 $0x1BAC0  }
0x1a3: {  	[tilespmem:s13+$0xFFFFFFC0] =	vst v7  }
0x1a4: {  	[tilespmem:s13+$0xFFFFFFD0] =	vst v7  }
0x1a5: {  	s19 =	simm.s32 $0x1;
	[tilespmem:s13+$0xFFFFFFE0] =	vst v7  }
0x1a6: {  	s14 =	simm.s32 $0x2;
	v8 =	vmov s19;
	[tilespmem:s13+$0xFFFFFFF0] =	vst v7  }
.LBB2_8:
0x1a7: {  	p1 =	sne.s32 s14, $0x1F;
	[tilespmem:s13+$0x0] =	vst v7  }
0x1a8: {  	[tilespmem:s13+$0x10] =	vst v7  }
0x1a9: {  	[tilespmem:s13+$0x20] =	vst v7  }
0x1aa: {  	[tilespmem:s13+$0x30] =	vst v7  }
0x1ab: {  	v7 =	vld.idx.msk [tilespmem:v8+s10+$0x0], $0xffff;
	_ =	sdelay $0x4  }
.Ltmp3:
0x1ac: {  	s13 =	sadd.s32 $0x80, s13;
	(pc) =	sbr.rel @p1 .LBB2_8-.Ltmp3, $4  }
0x1ad: {  	[tilespmem:s13+$0xFFFFFFC0] =	vst v7  }
0x1ae: {  	[tilespmem:s13+$0xFFFFFFD0] =	vst v7  }
0x1af: {  	[tilespmem:s13+$0xFFFFFFE0] =	vst v7  }
0x1b0: {  	v8 =	vmov s14;
	s14 =	sadd.s32 $0x1, s14;
	[tilespmem:s13+$0xFFFFFFF0] =	vst v7  }
0x1b1: {  	[tilespmem:s13+$0x0] =	vst v7  }
0x1b2: {  	[tilespmem:s13+$0x10] =	vst v7  }
0x1b3: {  	[tilespmem:s13+$0x20] =	vst v7  }
0x1b4: {  	[tilespmem:s13+$0x30] =	vst v7  }
0x1b5: {  	v7 =	vld.idx.msk [tilespmem:v8+s10+$0x0], $0xffff;
	_ =	sdelay $0x3  }
0x1b6: {  	s17 =	sadd.s32 $0x80, s13  }
0x1b7: {  	[tilespmem:s17+$0xFFFFFFC0] =	vst v7  }
0x1b8: {  	[tilespmem:s17+$0xFFFFFFD0] =	vst v7  }
0x1b9: {  	[tilespmem:s17+$0xFFFFFFE0] =	vst v7  }
0x1ba: {  	[tilespmem:s17+$0xFFFFFFF0] =	vst v7  }
0x1bb: {  	[tilespmem:s17+$0x0] =	vst v7  }
0x1bc: {  	[tilespmem:s17+$0x10] =	vst v7  }
0x1bd: {  	s14 =	simm.s32 $0x20;
	[tilespmem:s17+$0x20] =	vst v7  }
0x1be: {  	s18 =	rddreg [dreg:$0xb];
	[tilespmem:s17+$0x30] =	vst v7;
	v7 =	vmov s14  }
0x1bf: {  	[hbm4b:s18+s5] =	stream.linear.scatter [tilespmem:s11], [sflag:$0x5], $0x1000, $0x38;
	[tilespmem:$0x1CF00] =	vst v63  }
0x1c0: {  	_ =	swait.ge [sflag:s24], $0x1000  }
0x1c1: {  	[sflag:s24] =	ssyncset.done $0x0  }
0x1c2: {  	[sflag:s24] =	ssyncadd.s32 $0xFFFFF000  }
0x1c3: {  	v7 =	vld.idx.msk [tilespmem:v7+s10+$0x0], $0xffff;
	_ =	sdelay $0x3  }
0x1c4: {  	s13 =	simm.s32 $0x1BAC0  }
0x1c5: {  	[tilespmem:s13+$0xFFFFFFC0] =	vst v7  }
0x1c6: {  	[tilespmem:s13+$0xFFFFFFD0] =	vst v7  }
0x1c7: {  	s19 =	simm.s32 $0x21;
	[tilespmem:s13+$0xFFFFFFE0] =	vst v7  }
0x1c8: {  	v8 =	vmov s19;
	s14 =	simm.s32 $0x22;
	[tilespmem:s13+$0xFFFFFFF0] =	vst v7  }
.LBB2_10:
0x1c9: {  	p1 =	sne.s32 s14, $0x3F;
	[tilespmem:s13+$0x0] =	vst v7  }
0x1ca: {  	[tilespmem:s13+$0x10] =	vst v7  }
0x1cb: {  	[tilespmem:s13+$0x20] =	vst v7  }
0x1cc: {  	[tilespmem:s13+$0x30] =	vst v7  }
0x1cd: {  	v7 =	vld.idx.msk [tilespmem:v8+s10+$0x0], $0xffff;
	_ =	sdelay $0x4  }
.Ltmp4:
0x1ce: {  	s13 =	sadd.s32 $0x80, s13;
	(pc) =	sbr.rel @p1 .LBB2_10-.Ltmp4, $4  }
0x1cf: {  	[tilespmem:s13+$0xFFFFFFC0] =	vst v7  }
0x1d0: {  	[tilespmem:s13+$0xFFFFFFD0] =	vst v7  }
0x1d1: {  	[tilespmem:s13+$0xFFFFFFE0] =	vst v7  }
0x1d2: {  	v8 =	vmov s14;
	s14 =	sadd.s32 $0x1, s14;
	[tilespmem:s13+$0xFFFFFFF0] =	vst v7  }
0x1d3: {  	[tilespmem:s13+$0x0] =	vst v7  }
0x1d4: {  	[tilespmem:s13+$0x10] =	vst v7  }
0x1d5: {  	[tilespmem:s13+$0x20] =	vst v7  }
0x1d6: {  	[tilespmem:s13+$0x30] =	vst v7  }
0x1d7: {  	v7 =	vld.idx.msk [tilespmem:v8+s10+$0x0], $0xffff;
	_ =	sdelay $0x3  }
0x1d8: {  	s17 =	sadd.s32 $0x80, s13  }
0x1d9: {  	[tilespmem:s17+$0xFFFFFFC0] =	vst v7  }
0x1da: {  	[tilespmem:s17+$0xFFFFFFD0] =	vst v7  }
0x1db: {  	[tilespmem:s17+$0xFFFFFFE0] =	vst v7  }
0x1dc: {  	[tilespmem:s17+$0xFFFFFFF0] =	vst v7  }
0x1dd: {  	[tilespmem:s17+$0x0] =	vst v7  }
0x1de: {  	[tilespmem:s17+$0x10] =	vst v7  }
0x1df: {  	s14 =	simm.s32 $0x40;
	[tilespmem:s17+$0x20] =	vst v7  }
0x1e0: {  	s18 =	rddreg [dreg:$0x14];
	[tilespmem:s17+$0x30] =	vst v7;
	v7 =	vmov s14  }
0x1e1: {  	[hbm4b:s18+s5] =	stream.linear.scatter [tilespmem:s11], [sflag:$0x5], $0x1000, $0x38;
	[tilespmem:$0x1CF00] =	vst v63  }
0x1e2: {  	_ =	swait.ge [sflag:s24], $0x1000  }
0x1e3: {  	[sflag:s24] =	ssyncset.done $0x0  }
0x1e4: {  	[sflag:s24] =	ssyncadd.s32 $0xFFFFF000  }
0x1e5: {  	v7 =	vld.idx.msk [tilespmem:v7+s10+$0x0], $0xffff;
	_ =	sdelay $0x3  }
0x1e6: {  	s13 =	simm.s32 $0x1BAC0  }
0x1e7: {  	[tilespmem:s13+$0xFFFFFFC0] =	vst v7  }
0x1e8: {  	[tilespmem:s13+$0xFFFFFFD0] =	vst v7  }
0x1e9: {  	s19 =	simm.s32 $0x41;
	[tilespmem:s13+$0xFFFFFFE0] =	vst v7  }
0x1ea: {  	v8 =	vmov s19;
	s14 =	simm.s32 $0x42;
	[tilespmem:s13+$0xFFFFFFF0] =	vst v7  }
.LBB2_12:
0x1eb: {  	p1 =	sne.s32 s14, $0x5F;
	[tilespmem:s13+$0x0] =	vst v7  }
0x1ec: {  	[tilespmem:s13+$0x10] =	vst v7  }
0x1ed: {  	[tilespmem:s13+$0x20] =	vst v7  }
0x1ee: {  	[tilespmem:s13+$0x30] =	vst v7  }
0x1ef: {  	v7 =	vld.idx.msk [tilespmem:v8+s10+$0x0], $0xffff;
	_ =	sdelay $0x4  }
.Ltmp5:
0x1f0: {  	s13 =	sadd.s32 $0x80, s13;
	(pc) =	sbr.rel @p1 .LBB2_12-.Ltmp5, $4  }
0x1f1: {  	[tilespmem:s13+$0xFFFFFFC0] =	vst v7  }
0x1f2: {  	[tilespmem:s13+$0xFFFFFFD0] =	vst v7  }
0x1f3: {  	[tilespmem:s13+$0xFFFFFFE0] =	vst v7  }
0x1f4: {  	v8 =	vmov s14;
	s14 =	sadd.s32 $0x1, s14;
	[tilespmem:s13+$0xFFFFFFF0] =	vst v7  }
0x1f5: {  	[tilespmem:s13+$0x0] =	vst v7  }
0x1f6: {  	[tilespmem:s13+$0x10] =	vst v7  }
0x1f7: {  	[tilespmem:s13+$0x20] =	vst v7  }
0x1f8: {  	[tilespmem:s13+$0x30] =	vst v7  }
0x1f9: {  	v7 =	vld.idx.msk [tilespmem:v8+s10+$0x0], $0xffff;
	_ =	sdelay $0x3  }
0x1fa: {  	s17 =	sadd.s32 $0x80, s13  }
0x1fb: {  	[tilespmem:s17+$0xFFFFFFC0] =	vst v7  }
0x1fc: {  	[tilespmem:s17+$0xFFFFFFD0] =	vst v7  }
0x1fd: {  	[tilespmem:s17+$0xFFFFFFE0] =	vst v7  }
0x1fe: {  	[tilespmem:s17+$0xFFFFFFF0] =	vst v7  }
0x1ff: {  	[tilespmem:s17+$0x0] =	vst v7  }
0x200: {  	[tilespmem:s17+$0x10] =	vst v7  }
0x201: {  	s14 =	simm.s32 $0x60;
	[tilespmem:s17+$0x20] =	vst v7  }
0x202: {  	s18 =	rddreg [dreg:$0x15];
	[tilespmem:s17+$0x30] =	vst v7;
	v7 =	vmov s14  }
0x203: {  	[hbm4b:s18+s5] =	stream.linear.scatter [tilespmem:s11], [sflag:$0x5], $0x1000, $0x38;
	[tilespmem:$0x1CF00] =	vst v63  }
0x204: {  	_ =	swait.ge [sflag:s24], $0x1000  }
0x205: {  	[sflag:s24] =	ssyncset.done $0x0  }
0x206: {  	[sflag:s24] =	ssyncadd.s32 $0xFFFFF000  }
0x207: {  	v7 =	vld.idx.msk [tilespmem:v7+s10+$0x0], $0xffff;
	_ =	sdelay $0x3  }
0x208: {  	s13 =	simm.s32 $0x1BAC0  }
0x209: {  	[tilespmem:s13+$0xFFFFFFC0] =	vst v7  }
0x20a: {  	[tilespmem:s13+$0xFFFFFFD0] =	vst v7  }
0x20b: {  	s19 =	simm.s32 $0x61;
	[tilespmem:s13+$0xFFFFFFE0] =	vst v7  }
0x20c: {  	v8 =	vmov s19;
	s14 =	simm.s32 $0x62;
	[tilespmem:s13+$0xFFFFFFF0] =	vst v7  }
.LBB2_14:
0x20d: {  	p1 =	sne.s32 s14, $0x7F;
	[tilespmem:s13+$0x0] =	vst v7  }
0x20e: {  	[tilespmem:s13+$0x10] =	vst v7  }
0x20f: {  	[tilespmem:s13+$0x20] =	vst v7  }
0x210: {  	[tilespmem:s13+$0x30] =	vst v7  }
0x211: {  	v7 =	vld.idx.msk [tilespmem:v8+s10+$0x0], $0xffff;
	_ =	sdelay $0x4  }
.Ltmp6:
0x212: {  	s13 =	sadd.s32 $0x80, s13;
	(pc) =	sbr.rel @p1 .LBB2_14-.Ltmp6, $4  }
0x213: {  	[tilespmem:s13+$0xFFFFFFC0] =	vst v7  }
0x214: {  	[tilespmem:s13+$0xFFFFFFD0] =	vst v7  }
0x215: {  	[tilespmem:s13+$0xFFFFFFE0] =	vst v7  }
0x216: {  	v8 =	vmov s14;
	s14 =	sadd.s32 $0x1, s14;
	[tilespmem:s13+$0xFFFFFFF0] =	vst v7  }
0x217: {  	[tilespmem:s13+$0x0] =	vst v7  }
0x218: {  	[tilespmem:s13+$0x10] =	vst v7  }
0x219: {  	[tilespmem:s13+$0x20] =	vst v7  }
0x21a: {  	[tilespmem:s13+$0x30] =	vst v7  }
0x21b: {  	v7 =	vld.idx.msk [tilespmem:v8+s10+$0x0], $0xffff;
	_ =	sdelay $0x3  }
0x21c: {  	s17 =	sadd.s32 $0x80, s13  }
0x21d: {  	[tilespmem:s17+$0xFFFFFFC0] =	vst v7  }
0x21e: {  	[tilespmem:s17+$0xFFFFFFD0] =	vst v7  }
0x21f: {  	[tilespmem:s17+$0xFFFFFFE0] =	vst v7  }
0x220: {  	s14 =	simm.s32 $0x0;
	[tilespmem:s17+$0xFFFFFFF0] =	vst v7  }
0x221: {  	v8 =	vmov s14;
	[tilespmem:s17+$0x0] =	vst v7  }
0x222: {  	v8 =	vadd.s32 $0x80, v8;
	[tilespmem:s17+$0x10] =	vst v7  }
0x223: {  	v8 =	vbroadcast v8, $0x0;
	[tilespmem:s17+$0x20] =	vst v7  }
0x224: {  	s18 =	rddreg [dreg:$0x16];
	[tilespmem:s17+$0x30] =	vst v7  }
0x225: {  	[hbm4b:s18+s14] =	stream.linear.scatter [tilespmem:s11], [sflag:$0x5], $0x1000, $0x38;
	[tilespmem:$0x1CF00] =	vst v63  }
0x226: {  	_ =	swait.ge [sflag:s24], $0x1000  }
0x227: {  	[sflag:s24] =	ssyncset.done $0x0  }
0x228: {  	[sflag:s24] =	ssyncadd.s32 $0xFFFFF000  }
0x229: {  	v7 =	vld.idx.msk [tilespmem:v8+s10+$0x0], $0xffff;
	_ =	sdelay $0x3  }
0x22a: {  	s13 =	simm.s32 $0x1BAC0;
	s19 =	simm.s32 $0x1  }
0x22b: {  	s14 =	simm.s32 $0x2;
	v8 =	vmov s19;
	[tilespmem:s13+$0xFFFFFFC0] =	vst v7  }
.LBB2_16:
0x22c: {  	p1 =	sne.s32 s14, $0x1F;
	v8 =	vadd.s32 $0x80, v8;
	[tilespmem:s13+$0xFFFFFFD0] =	vst v7  }
0x22d: {  	v8 =	vbroadcast v8, $0x0;
	[tilespmem:s13+$0xFFFFFFE0] =	vst v7  }
0x22e: {  	[tilespmem:s13+$0xFFFFFFF0] =	vst v7  }
0x22f: {  	[tilespmem:s13+$0x0] =	vst v7  }
0x230: {  	[tilespmem:s13+$0x10] =	vst v7  }
0x231: {  	[tilespmem:s13+$0x20] =	vst v7  }
0x232: {  	[tilespmem:s13+$0x30] =	vst v7  }
0x233: {  	v7 =	vld.idx.msk [tilespmem:v8+s10+$0x0], $0xffff;
	_ =	sdelay $0x1  }
.Ltmp7:
0x234: {  	(pc) =	sbr.rel @p1 .LBB2_16-.Ltmp7, $3  }
0x235: {  	_ =	sdelay $0x1  }
0x236: {  	s13 =	sadd.s32 $0x80, s13  }
0x237: {  	v8 =	vmov s14;
	s14 =	sadd.s32 $0x1, s14;
	[tilespmem:s13+$0xFFFFFFC0] =	vst v7  }
0x238: {  	v8 =	vadd.s32 $0x80, v8;
	[tilespmem:s13+$0xFFFFFFD0] =	vst v7  }
0x239: {  	[tilespmem:s13+$0xFFFFFFE0] =	vst v7;
	v8 =	vbroadcast v8, $0x0  }
0x23a: {  	[tilespmem:s13+$0xFFFFFFF0] =	vst v7  }
0x23b: {  	[tilespmem:s13+$0x0] =	vst v7  }
0x23c: {  	[tilespmem:s13+$0x10] =	vst v7  }
0x23d: {  	[tilespmem:s13+$0x20] =	vst v7  }
0x23e: {  	[tilespmem:s13+$0x30] =	vst v7  }
0x23f: {  	v7 =	vld.idx.msk [tilespmem:v8+s10+$0x0], $0xffff;
	_ =	sdelay $0x3  }
0x240: {  	s17 =	sadd.s32 $0x80, s13  }
0x241: {  	[tilespmem:s17+$0xFFFFFFC0] =	vst v7  }
0x242: {  	[tilespmem:s17+$0xFFFFFFD0] =	vst v7  }
0x243: {  	[tilespmem:s17+$0xFFFFFFE0] =	vst v7  }
0x244: {  	s14 =	simm.s32 $0x20;
	[tilespmem:s17+$0xFFFFFFF0] =	vst v7  }
0x245: {  	v8 =	vmov s14;
	[tilespmem:s17+$0x0] =	vst v7  }
0x246: {  	v8 =	vadd.s32 $0x80, v8;
	[tilespmem:s17+$0x10] =	vst v7  }
0x247: {  	v8 =	vbroadcast v8, $0x0;
	[tilespmem:s17+$0x20] =	vst v7  }
0x248: {  	s18 =	rddreg [dreg:$0xc];
	[tilespmem:s17+$0x30] =	vst v7  }
0x249: {  	[hbm4b:s18+s5] =	stream.linear.scatter [tilespmem:s11], [sflag:$0x5], $0x1000, $0x38;
	[tilespmem:$0x1CF00] =	vst v63  }
0x24a: {  	_ =	swait.ge [sflag:s24], $0x1000  }
0x24b: {  	[sflag:s24] =	ssyncset.done $0x0  }
0x24c: {  	[sflag:s24] =	ssyncadd.s32 $0xFFFFF000  }
0x24d: {  	v7 =	vld.idx.msk [tilespmem:v8+s10+$0x0], $0xffff;
	_ =	sdelay $0x3  }
0x24e: {  	s13 =	simm.s32 $0x1BAC0;
	s19 =	simm.s32 $0x21  }
0x24f: {  	s14 =	simm.s32 $0x22;
	v8 =	vmov s19;
	[tilespmem:s13+$0xFFFFFFC0] =	vst v7  }
.LBB2_18:
0x250: {  	p1 =	sne.s32 s14, $0x3F;
	v8 =	vadd.s32 $0x80, v8;
	[tilespmem:s13+$0xFFFFFFD0] =	vst v7  }
0x251: {  	v8 =	vbroadcast v8, $0x0;
	[tilespmem:s13+$0xFFFFFFE0] =	vst v7  }
0x252: {  	[tilespmem:s13+$0xFFFFFFF0] =	vst v7  }
0x253: {  	[tilespmem:s13+$0x0] =	vst v7  }
0x254: {  	[tilespmem:s13+$0x10] =	vst v7  }
0x255: {  	[tilespmem:s13+$0x20] =	vst v7  }
0x256: {  	[tilespmem:s13+$0x30] =	vst v7  }
0x257: {  	v7 =	vld.idx.msk [tilespmem:v8+s10+$0x0], $0xffff;
	_ =	sdelay $0x1  }
.Ltmp8:
0x258: {  	(pc) =	sbr.rel @p1 .LBB2_18-.Ltmp8, $3  }
0x259: {  	_ =	sdelay $0x1  }
0x25a: {  	s13 =	sadd.s32 $0x80, s13  }
0x25b: {  	v8 =	vmov s14;
	s14 =	sadd.s32 $0x1, s14;
	[tilespmem:s13+$0xFFFFFFC0] =	vst v7  }
0x25c: {  	v8 =	vadd.s32 $0x80, v8;
	[tilespmem:s13+$0xFFFFFFD0] =	vst v7  }
0x25d: {  	[tilespmem:s13+$0xFFFFFFE0] =	vst v7;
	v8 =	vbroadcast v8, $0x0  }
0x25e: {  	[tilespmem:s13+$0xFFFFFFF0] =	vst v7  }
0x25f: {  	[tilespmem:s13+$0x0] =	vst v7  }
0x260: {  	[tilespmem:s13+$0x10] =	vst v7  }
0x261: {  	[tilespmem:s13+$0x20] =	vst v7  }
0x262: {  	[tilespmem:s13+$0x30] =	vst v7  }
0x263: {  	v7 =	vld.idx.msk [tilespmem:v8+s10+$0x0], $0xffff;
	_ =	sdelay $0x3  }
0x264: {  	s17 =	sadd.s32 $0x80, s13  }
0x265: {  	[tilespmem:s17+$0xFFFFFFC0] =	vst v7  }
0x266: {  	[tilespmem:s17+$0xFFFFFFD0] =	vst v7  }
0x267: {  	[tilespmem:s17+$0xFFFFFFE0] =	vst v7  }
0x268: {  	s14 =	simm.s32 $0x40;
	[tilespmem:s17+$0xFFFFFFF0] =	vst v7  }
0x269: {  	v8 =	vmov s14;
	[tilespmem:s17+$0x0] =	vst v7  }
0x26a: {  	v8 =	vadd.s32 $0x80, v8;
	[tilespmem:s17+$0x10] =	vst v7  }
0x26b: {  	v8 =	vbroadcast v8, $0x0;
	[tilespmem:s17+$0x20] =	vst v7  }
0x26c: {  	s18 =	rddreg [dreg:$0x17];
	[tilespmem:s17+$0x30] =	vst v7  }
0x26d: {  	[hbm4b:s18+s5] =	stream.linear.scatter [tilespmem:s11], [sflag:$0x5], $0x1000, $0x38;
	[tilespmem:$0x1CF00] =	vst v63  }
0x26e: {  	_ =	swait.ge [sflag:s24], $0x1000  }
0x26f: {  	[sflag:s24] =	ssyncset.done $0x0  }
0x270: {  	[sflag:s24] =	ssyncadd.s32 $0xFFFFF000  }
0x271: {  	v7 =	vld.idx.msk [tilespmem:v8+s10+$0x0], $0xffff;
	_ =	sdelay $0x3  }
0x272: {  	s13 =	simm.s32 $0x1BAC0;
	s19 =	simm.s32 $0x41  }
0x273: {  	s14 =	simm.s32 $0x42;
	v8 =	vmov s19;
	[tilespmem:s13+$0xFFFFFFC0] =	vst v7  }
.LBB2_20:
0x274: {  	p1 =	sne.s32 s14, $0x5F;
	v8 =	vadd.s32 $0x80, v8;
	[tilespmem:s13+$0xFFFFFFD0] =	vst v7  }
0x275: {  	v8 =	vbroadcast v8, $0x0;
	[tilespmem:s13+$0xFFFFFFE0] =	vst v7  }
0x276: {  	[tilespmem:s13+$0xFFFFFFF0] =	vst v7  }
0x277: {  	[tilespmem:s13+$0x0] =	vst v7  }
0x278: {  	[tilespmem:s13+$0x10] =	vst v7  }
0x279: {  	[tilespmem:s13+$0x20] =	vst v7  }
0x27a: {  	[tilespmem:s13+$0x30] =	vst v7  }
0x27b: {  	v7 =	vld.idx.msk [tilespmem:v8+s10+$0x0], $0xffff;
	_ =	sdelay $0x1  }
.Ltmp9:
0x27c: {  	(pc) =	sbr.rel @p1 .LBB2_20-.Ltmp9, $3  }
0x27d: {  	_ =	sdelay $0x1  }
0x27e: {  	s13 =	sadd.s32 $0x80, s13  }
0x27f: {  	v8 =	vmov s14;
	s14 =	sadd.s32 $0x1, s14;
	[tilespmem:s13+$0xFFFFFFC0] =	vst v7  }
0x280: {  	v8 =	vadd.s32 $0x80, v8;
	[tilespmem:s13+$0xFFFFFFD0] =	vst v7  }
0x281: {  	[tilespmem:s13+$0xFFFFFFE0] =	vst v7;
	v8 =	vbroadcast v8, $0x0  }
0x282: {  	[tilespmem:s13+$0xFFFFFFF0] =	vst v7  }
0x283: {  	[tilespmem:s13+$0x0] =	vst v7  }
0x284: {  	[tilespmem:s13+$0x10] =	vst v7  }
0x285: {  	[tilespmem:s13+$0x20] =	vst v7  }
0x286: {  	[tilespmem:s13+$0x30] =	vst v7  }
0x287: {  	v7 =	vld.idx.msk [tilespmem:v8+s10+$0x0], $0xffff;
	_ =	sdelay $0x3  }
0x288: {  	s17 =	sadd.s32 $0x80, s13  }
0x289: {  	[tilespmem:s17+$0xFFFFFFC0] =	vst v7  }
0x28a: {  	[tilespmem:s17+$0xFFFFFFD0] =	vst v7  }
0x28b: {  	[tilespmem:s17+$0xFFFFFFE0] =	vst v7  }
0x28c: {  	s14 =	simm.s32 $0x60;
	[tilespmem:s17+$0xFFFFFFF0] =	vst v7  }
0x28d: {  	v8 =	vmov s14;
	[tilespmem:s17+$0x0] =	vst v7  }
0x28e: {  	v8 =	vadd.s32 $0x80, v8;
	[tilespmem:s17+$0x10] =	vst v7  }
0x28f: {  	v8 =	vbroadcast v8, $0x0;
	[tilespmem:s17+$0x20] =	vst v7  }
0x290: {  	s18 =	rddreg [dreg:$0x18];
	[tilespmem:s17+$0x30] =	vst v7  }
0x291: {  	[hbm4b:s18+s5] =	stream.linear.scatter [tilespmem:s11], [sflag:$0x5], $0x1000, $0x38;
	[tilespmem:$0x1CF00] =	vst v63  }
0x292: {  	_ =	swait.ge [sflag:s24], $0x1000  }
0x293: {  	[sflag:s24] =	ssyncset.done $0x0  }
0x294: {  	[sflag:s24] =	ssyncadd.s32 $0xFFFFF000  }
0x295: {  	v7 =	vld.idx.msk [tilespmem:v8+s10+$0x0], $0xffff;
	_ =	sdelay $0x3  }
0x296: {  	s13 =	simm.s32 $0x1BAC0;
	s19 =	simm.s32 $0x61  }
0x297: {  	s14 =	simm.s32 $0x62;
	v8 =	vmov s19;
	[tilespmem:s13+$0xFFFFFFC0] =	vst v7  }
.LBB2_22:
0x298: {  	p1 =	sne.s32 s14, $0x7F;
	v8 =	vadd.s32 $0x80, v8;
	[tilespmem:s13+$0xFFFFFFD0] =	vst v7  }
0x299: {  	v8 =	vbroadcast v8, $0x0;
	[tilespmem:s13+$0xFFFFFFE0] =	vst v7  }
0x29a: {  	[tilespmem:s13+$0xFFFFFFF0] =	vst v7  }
0x29b: {  	[tilespmem:s13+$0x0] =	vst v7  }
0x29c: {  	[tilespmem:s13+$0x10] =	vst v7  }
0x29d: {  	[tilespmem:s13+$0x20] =	vst v7  }
0x29e: {  	[tilespmem:s13+$0x30] =	vst v7  }
0x29f: {  	v7 =	vld.idx.msk [tilespmem:v8+s10+$0x0], $0xffff;
	_ =	sdelay $0x1  }
.Ltmp10:
0x2a0: {  	(pc) =	sbr.rel @p1 .LBB2_22-.Ltmp10, $3  }
0x2a1: {  	_ =	sdelay $0x1  }
0x2a2: {  	s13 =	sadd.s32 $0x80, s13  }
0x2a3: {  	v8 =	vmov s14;
	s14 =	sadd.s32 $0x1, s14;
	[tilespmem:s13+$0xFFFFFFC0] =	vst v7  }
0x2a4: {  	v8 =	vadd.s32 $0x80, v8;
	[tilespmem:s13+$0xFFFFFFD0] =	vst v7  }
0x2a5: {  	[tilespmem:s13+$0xFFFFFFE0] =	vst v7;
	v8 =	vbroadcast v8, $0x0  }
0x2a6: {  	[tilespmem:s13+$0xFFFFFFF0] =	vst v7  }
0x2a7: {  	[tilespmem:s13+$0x0] =	vst v7  }
0x2a8: {  	[tilespmem:s13+$0x10] =	vst v7  }
0x2a9: {  	[tilespmem:s13+$0x20] =	vst v7  }
0x2aa: {  	[tilespmem:s13+$0x30] =	vst v7  }
0x2ab: {  	v7 =	vld.idx.msk [tilespmem:v8+s10+$0x0], $0xffff;
	_ =	sdelay $0x3  }
0x2ac: {  	s17 =	sadd.s32 $0x80, s13  }
0x2ad: {  	[tilespmem:s17+$0xFFFFFFC0] =	vst v7  }
0x2ae: {  	[tilespmem:s17+$0xFFFFFFD0] =	vst v7  }
0x2af: {  	[tilespmem:s17+$0xFFFFFFE0] =	vst v7  }
0x2b0: {  	s14 =	simm.s32 $0x0;
	[tilespmem:s17+$0xFFFFFFF0] =	vst v7  }
0x2b1: {  	v8 =	vmov s14;
	[tilespmem:s17+$0x0] =	vst v7  }
0x2b2: {  	v8 =	vadd.s32 $0x100, v8;
	[tilespmem:s17+$0x10] =	vst v7  }
0x2b3: {  	v8 =	vbroadcast v8, $0x0;
	[tilespmem:s17+$0x20] =	vst v7  }
0x2b4: {  	s18 =	rddreg [dreg:$0x19];
	[tilespmem:s17+$0x30] =	vst v7  }
0x2b5: {  	[hbm4b:s18+s14] =	stream.linear.scatter [tilespmem:s11], [sflag:$0x5], $0x1000, $0x38;
	[tilespmem:$0x1CF00] =	vst v63  }
0x2b6: {  	_ =	swait.ge [sflag:s24], $0x1000  }
0x2b7: {  	[sflag:s24] =	ssyncset.done $0x0  }
0x2b8: {  	[sflag:s24] =	ssyncadd.s32 $0xFFFFF000  }
0x2b9: {  	v7 =	vld.idx.msk [tilespmem:v8+s10+$0x0], $0xffff;
	_ =	sdelay $0x3  }
0x2ba: {  	s13 =	simm.s32 $0x1BAC0;
	s19 =	simm.s32 $0x1  }
0x2bb: {  	s14 =	simm.s32 $0x2;
	v8 =	vmov s19;
	[tilespmem:s13+$0xFFFFFFC0] =	vst v7  }
.LBB2_24:
0x2bc: {  	p1 =	sne.s32 s14, $0x1F;
	v8 =	vadd.s32 $0x100, v8;
	[tilespmem:s13+$0xFFFFFFD0] =	vst v7  }
0x2bd: {  	v8 =	vbroadcast v8, $0x0;
	[tilespmem:s13+$0xFFFFFFE0] =	vst v7  }
0x2be: {  	[tilespmem:s13+$0xFFFFFFF0] =	vst v7  }
0x2bf: {  	[tilespmem:s13+$0x0] =	vst v7  }
0x2c0: {  	[tilespmem:s13+$0x10] =	vst v7  }
0x2c1: {  	[tilespmem:s13+$0x20] =	vst v7  }
0x2c2: {  	[tilespmem:s13+$0x30] =	vst v7  }
0x2c3: {  	v7 =	vld.idx.msk [tilespmem:v8+s10+$0x0], $0xffff;
	_ =	sdelay $0x1  }
.Ltmp11:
0x2c4: {  	(pc) =	sbr.rel @p1 .LBB2_24-.Ltmp11, $3  }
0x2c5: {  	_ =	sdelay $0x1  }
0x2c6: {  	s13 =	sadd.s32 $0x80, s13  }
0x2c7: {  	v8 =	vmov s14;
	s14 =	sadd.s32 $0x1, s14;
	[tilespmem:s13+$0xFFFFFFC0] =	vst v7  }
0x2c8: {  	v8 =	vadd.s32 $0x100, v8;
	[tilespmem:s13+$0xFFFFFFD0] =	vst v7  }
0x2c9: {  	[tilespmem:s13+$0xFFFFFFE0] =	vst v7;
	v8 =	vbroadcast v8, $0x0  }
0x2ca: {  	[tilespmem:s13+$0xFFFFFFF0] =	vst v7  }
0x2cb: {  	[tilespmem:s13+$0x0] =	vst v7  }
0x2cc: {  	[tilespmem:s13+$0x10] =	vst v7  }
0x2cd: {  	[tilespmem:s13+$0x20] =	vst v7  }
0x2ce: {  	[tilespmem:s13+$0x30] =	vst v7  }
0x2cf: {  	v7 =	vld.idx.msk [tilespmem:v8+s10+$0x0], $0xffff;
	_ =	sdelay $0x3  }
0x2d0: {  	s17 =	sadd.s32 $0x80, s13  }
0x2d1: {  	[tilespmem:s17+$0xFFFFFFC0] =	vst v7  }
0x2d2: {  	[tilespmem:s17+$0xFFFFFFD0] =	vst v7  }
0x2d3: {  	[tilespmem:s17+$0xFFFFFFE0] =	vst v7  }
0x2d4: {  	s14 =	simm.s32 $0x20;
	[tilespmem:s17+$0xFFFFFFF0] =	vst v7  }
0x2d5: {  	v8 =	vmov s14;
	[tilespmem:s17+$0x0] =	vst v7  }
0x2d6: {  	v8 =	vadd.s32 $0x100, v8;
	[tilespmem:s17+$0x10] =	vst v7  }
0x2d7: {  	v8 =	vbroadcast v8, $0x0;
	[tilespmem:s17+$0x20] =	vst v7  }
0x2d8: {  	s18 =	rddreg [dreg:$0xd];
	[tilespmem:s17+$0x30] =	vst v7  }
0x2d9: {  	[hbm4b:s18+s5] =	stream.linear.scatter [tilespmem:s11], [sflag:$0x5], $0x1000, $0x38;
	[tilespmem:$0x1CF00] =	vst v63  }
0x2da: {  	_ =	swait.ge [sflag:s24], $0x1000  }
0x2db: {  	[sflag:s24] =	ssyncset.done $0x0  }
0x2dc: {  	[sflag:s24] =	ssyncadd.s32 $0xFFFFF000  }
0x2dd: {  	v7 =	vld.idx.msk [tilespmem:v8+s10+$0x0], $0xffff;
	_ =	sdelay $0x3  }
0x2de: {  	s13 =	simm.s32 $0x1BAC0;
	s19 =	simm.s32 $0x21  }
0x2df: {  	s14 =	simm.s32 $0x22;
	v8 =	vmov s19;
	[tilespmem:s13+$0xFFFFFFC0] =	vst v7  }
.LBB2_26:
0x2e0: {  	p1 =	sne.s32 s14, $0x3F;
	v8 =	vadd.s32 $0x100, v8;
	[tilespmem:s13+$0xFFFFFFD0] =	vst v7  }
0x2e1: {  	v8 =	vbroadcast v8, $0x0;
	[tilespmem:s13+$0xFFFFFFE0] =	vst v7  }
0x2e2: {  	[tilespmem:s13+$0xFFFFFFF0] =	vst v7  }
0x2e3: {  	[tilespmem:s13+$0x0] =	vst v7  }
0x2e4: {  	[tilespmem:s13+$0x10] =	vst v7  }
0x2e5: {  	[tilespmem:s13+$0x20] =	vst v7  }
0x2e6: {  	[tilespmem:s13+$0x30] =	vst v7  }
0x2e7: {  	v7 =	vld.idx.msk [tilespmem:v8+s10+$0x0], $0xffff;
	_ =	sdelay $0x1  }
.Ltmp12:
0x2e8: {  	(pc) =	sbr.rel @p1 .LBB2_26-.Ltmp12, $3  }
0x2e9: {  	_ =	sdelay $0x1  }
0x2ea: {  	s13 =	sadd.s32 $0x80, s13  }
0x2eb: {  	v8 =	vmov s14;
	s14 =	sadd.s32 $0x1, s14;
	[tilespmem:s13+$0xFFFFFFC0] =	vst v7  }
0x2ec: {  	v8 =	vadd.s32 $0x100, v8;
	[tilespmem:s13+$0xFFFFFFD0] =	vst v7  }
0x2ed: {  	[tilespmem:s13+$0xFFFFFFE0] =	vst v7;
	v8 =	vbroadcast v8, $0x0  }
0x2ee: {  	[tilespmem:s13+$0xFFFFFFF0] =	vst v7  }
0x2ef: {  	[tilespmem:s13+$0x0] =	vst v7  }
0x2f0: {  	[tilespmem:s13+$0x10] =	vst v7  }
0x2f1: {  	[tilespmem:s13+$0x20] =	vst v7  }
0x2f2: {  	[tilespmem:s13+$0x30] =	vst v7  }
0x2f3: {  	v7 =	vld.idx.msk [tilespmem:v8+s10+$0x0], $0xffff;
	_ =	sdelay $0x3  }
0x2f4: {  	s17 =	sadd.s32 $0x80, s13  }
0x2f5: {  	[tilespmem:s17+$0xFFFFFFC0] =	vst v7  }
0x2f6: {  	[tilespmem:s17+$0xFFFFFFD0] =	vst v7  }
0x2f7: {  	[tilespmem:s17+$0xFFFFFFE0] =	vst v7  }
0x2f8: {  	s14 =	simm.s32 $0x40;
	[tilespmem:s17+$0xFFFFFFF0] =	vst v7  }
0x2f9: {  	v8 =	vmov s14;
	[tilespmem:s17+$0x0] =	vst v7  }
0x2fa: {  	v8 =	vadd.s32 $0x100, v8;
	[tilespmem:s17+$0x10] =	vst v7  }
0x2fb: {  	v8 =	vbroadcast v8, $0x0;
	[tilespmem:s17+$0x20] =	vst v7  }
0x2fc: {  	s18 =	rddreg [dreg:$0x1a];
	[tilespmem:s17+$0x30] =	vst v7  }
0x2fd: {  	[hbm4b:s18+s5] =	stream.linear.scatter [tilespmem:s11], [sflag:$0x5], $0x1000, $0x38;
	[tilespmem:$0x1CF00] =	vst v63  }
0x2fe: {  	_ =	swait.ge [sflag:s24], $0x1000  }
0x2ff: {  	[sflag:s24] =	ssyncset.done $0x0  }
0x300: {  	[sflag:s24] =	ssyncadd.s32 $0xFFFFF000  }
0x301: {  	v7 =	vld.idx.msk [tilespmem:v8+s10+$0x0], $0xffff;
	_ =	sdelay $0x3  }
0x302: {  	s13 =	simm.s32 $0x1BAC0;
	s19 =	simm.s32 $0x41  }
0x303: {  	s14 =	simm.s32 $0x42;
	v8 =	vmov s19;
	[tilespmem:s13+$0xFFFFFFC0] =	vst v7  }
.LBB2_28:
0x304: {  	p1 =	sne.s32 s14, $0x5F;
	v8 =	vadd.s32 $0x100, v8;
	[tilespmem:s13+$0xFFFFFFD0] =	vst v7  }
0x305: {  	v8 =	vbroadcast v8, $0x0;
	[tilespmem:s13+$0xFFFFFFE0] =	vst v7  }
0x306: {  	[tilespmem:s13+$0xFFFFFFF0] =	vst v7  }
0x307: {  	[tilespmem:s13+$0x0] =	vst v7  }
0x308: {  	[tilespmem:s13+$0x10] =	vst v7  }
0x309: {  	[tilespmem:s13+$0x20] =	vst v7  }
0x30a: {  	[tilespmem:s13+$0x30] =	vst v7  }
0x30b: {  	v7 =	vld.idx.msk [tilespmem:v8+s10+$0x0], $0xffff;
	_ =	sdelay $0x1  }
.Ltmp13:
0x30c: {  	(pc) =	sbr.rel @p1 .LBB2_28-.Ltmp13, $3  }
0x30d: {  	_ =	sdelay $0x1  }
0x30e: {  	s13 =	sadd.s32 $0x80, s13  }
0x30f: {  	v8 =	vmov s14;
	s14 =	sadd.s32 $0x1, s14;
	[tilespmem:s13+$0xFFFFFFC0] =	vst v7  }
0x310: {  	v8 =	vadd.s32 $0x100, v8;
	[tilespmem:s13+$0xFFFFFFD0] =	vst v7  }
0x311: {  	[tilespmem:s13+$0xFFFFFFE0] =	vst v7;
	v8 =	vbroadcast v8, $0x0  }
0x312: {  	[tilespmem:s13+$0xFFFFFFF0] =	vst v7  }
0x313: {  	[tilespmem:s13+$0x0] =	vst v7  }
0x314: {  	[tilespmem:s13+$0x10] =	vst v7  }
0x315: {  	[tilespmem:s13+$0x20] =	vst v7  }
0x316: {  	[tilespmem:s13+$0x30] =	vst v7  }
0x317: {  	v7 =	vld.idx.msk [tilespmem:v8+s10+$0x0], $0xffff;
	_ =	sdelay $0x3  }
0x318: {  	s17 =	sadd.s32 $0x80, s13  }
0x319: {  	[tilespmem:s17+$0xFFFFFFC0] =	vst v7  }
0x31a: {  	[tilespmem:s17+$0xFFFFFFD0] =	vst v7  }
0x31b: {  	[tilespmem:s17+$0xFFFFFFE0] =	vst v7  }
0x31c: {  	s14 =	simm.s32 $0x60;
	[tilespmem:s17+$0xFFFFFFF0] =	vst v7  }
0x31d: {  	v8 =	vmov s14;
	[tilespmem:s17+$0x0] =	vst v7  }
0x31e: {  	v8 =	vadd.s32 $0x100, v8;
	[tilespmem:s17+$0x10] =	vst v7  }
0x31f: {  	v8 =	vbroadcast v8, $0x0;
	[tilespmem:s17+$0x20] =	vst v7  }
0x320: {  	s18 =	rddreg [dreg:$0x1b];
	[tilespmem:s17+$0x30] =	vst v7  }
0x321: {  	[hbm4b:s18+s5] =	stream.linear.scatter [tilespmem:s11], [sflag:$0x5], $0x1000, $0x38;
	[tilespmem:$0x1CF00] =	vst v63  }
0x322: {  	_ =	swait.ge [sflag:s24], $0x1000  }
0x323: {  	[sflag:s24] =	ssyncset.done $0x0  }
0x324: {  	[sflag:s24] =	ssyncadd.s32 $0xFFFFF000  }
0x325: {  	v7 =	vld.idx.msk [tilespmem:v8+s10+$0x0], $0xffff;
	_ =	sdelay $0x3  }
0x326: {  	s13 =	simm.s32 $0x1BAC0;
	s19 =	simm.s32 $0x61  }
0x327: {  	s14 =	simm.s32 $0x62;
	v8 =	vmov s19;
	[tilespmem:s13+$0xFFFFFFC0] =	vst v7  }
.LBB2_30:
0x328: {  	p1 =	sne.s32 s14, $0x7F;
	v8 =	vadd.s32 $0x100, v8;
	[tilespmem:s13+$0xFFFFFFD0] =	vst v7  }
0x329: {  	v8 =	vbroadcast v8, $0x0;
	[tilespmem:s13+$0xFFFFFFE0] =	vst v7  }
0x32a: {  	[tilespmem:s13+$0xFFFFFFF0] =	vst v7  }
0x32b: {  	[tilespmem:s13+$0x0] =	vst v7  }
0x32c: {  	[tilespmem:s13+$0x10] =	vst v7  }
0x32d: {  	[tilespmem:s13+$0x20] =	vst v7  }
0x32e: {  	[tilespmem:s13+$0x30] =	vst v7  }
0x32f: {  	v7 =	vld.idx.msk [tilespmem:v8+s10+$0x0], $0xffff;
	_ =	sdelay $0x1  }
.Ltmp14:
0x330: {  	(pc) =	sbr.rel @p1 .LBB2_30-.Ltmp14, $3  }
0x331: {  	_ =	sdelay $0x1  }
0x332: {  	s13 =	sadd.s32 $0x80, s13  }
0x333: {  	v8 =	vmov s14;
	s14 =	sadd.s32 $0x1, s14;
	[tilespmem:s13+$0xFFFFFFC0] =	vst v7  }
0x334: {  	v8 =	vadd.s32 $0x100, v8;
	[tilespmem:s13+$0xFFFFFFD0] =	vst v7  }
0x335: {  	[tilespmem:s13+$0xFFFFFFE0] =	vst v7;
	v8 =	vbroadcast v8, $0x0  }
0x336: {  	[tilespmem:s13+$0xFFFFFFF0] =	vst v7  }
0x337: {  	[tilespmem:s13+$0x0] =	vst v7  }
0x338: {  	[tilespmem:s13+$0x10] =	vst v7  }
0x339: {  	[tilespmem:s13+$0x20] =	vst v7  }
0x33a: {  	[tilespmem:s13+$0x30] =	vst v7  }
0x33b: {  	v7 =	vld.idx.msk [tilespmem:v8+s10+$0x0], $0xffff;
	_ =	sdelay $0x3  }
0x33c: {  	s17 =	sadd.s32 $0x80, s13  }
0x33d: {  	[tilespmem:s17+$0xFFFFFFC0] =	vst v7  }
0x33e: {  	[tilespmem:s17+$0xFFFFFFD0] =	vst v7  }
0x33f: {  	[tilespmem:s17+$0xFFFFFFE0] =	vst v7  }
0x340: {  	s14 =	simm.s32 $0x0;
	[tilespmem:s17+$0xFFFFFFF0] =	vst v7  }
0x341: {  	v8 =	vmov s14;
	[tilespmem:s17+$0x0] =	vst v7  }
0x342: {  	v8 =	vadd.s32 $0x180, v8;
	[tilespmem:s17+$0x10] =	vst v7  }
0x343: {  	v8 =	vbroadcast v8, $0x0;
	[tilespmem:s17+$0x20] =	vst v7  }
0x344: {  	s18 =	rddreg [dreg:$0x1c];
	[tilespmem:s17+$0x30] =	vst v7  }
0x345: {  	[hbm4b:s18+s14] =	stream.linear.scatter [tilespmem:s11], [sflag:$0x5], $0x1000, $0x38;
	[tilespmem:$0x1CF00] =	vst v63  }
0x346: {  	_ =	swait.ge [sflag:s24], $0x1000  }
0x347: {  	[sflag:s24] =	ssyncset.done $0x0  }
0x348: {  	[sflag:s24] =	ssyncadd.s32 $0xFFFFF000  }
0x349: {  	v7 =	vld.idx.msk [tilespmem:v8+s10+$0x0], $0xffff;
	_ =	sdelay $0x3  }
0x34a: {  	s13 =	simm.s32 $0x1BAC0;
	s19 =	simm.s32 $0x1  }
0x34b: {  	s14 =	simm.s32 $0x2;
	v8 =	vmov s19;
	[tilespmem:s13+$0xFFFFFFC0] =	vst v7  }
.LBB2_32:
0x34c: {  	p1 =	sne.s32 s14, $0x1F;
	v8 =	vadd.s32 $0x180, v8;
	[tilespmem:s13+$0xFFFFFFD0] =	vst v7  }
0x34d: {  	v8 =	vbroadcast v8, $0x0;
	[tilespmem:s13+$0xFFFFFFE0] =	vst v7  }
0x34e: {  	[tilespmem:s13+$0xFFFFFFF0] =	vst v7  }
0x34f: {  	[tilespmem:s13+$0x0] =	vst v7  }
0x350: {  	[tilespmem:s13+$0x10] =	vst v7  }
0x351: {  	[tilespmem:s13+$0x20] =	vst v7  }
0x352: {  	[tilespmem:s13+$0x30] =	vst v7  }
0x353: {  	v7 =	vld.idx.msk [tilespmem:v8+s10+$0x0], $0xffff;
	_ =	sdelay $0x1  }
.Ltmp15:
0x354: {  	(pc) =	sbr.rel @p1 .LBB2_32-.Ltmp15, $3  }
0x355: {  	_ =	sdelay $0x1  }
0x356: {  	s13 =	sadd.s32 $0x80, s13  }
0x357: {  	v8 =	vmov s14;
	s14 =	sadd.s32 $0x1, s14;
	[tilespmem:s13+$0xFFFFFFC0] =	vst v7  }
0x358: {  	v8 =	vadd.s32 $0x180, v8;
	[tilespmem:s13+$0xFFFFFFD0] =	vst v7  }
0x359: {  	[tilespmem:s13+$0xFFFFFFE0] =	vst v7;
	v8 =	vbroadcast v8, $0x0  }
0x35a: {  	[tilespmem:s13+$0xFFFFFFF0] =	vst v7  }
0x35b: {  	[tilespmem:s13+$0x0] =	vst v7  }
0x35c: {  	[tilespmem:s13+$0x10] =	vst v7  }
0x35d: {  	[tilespmem:s13+$0x20] =	vst v7  }
0x35e: {  	[tilespmem:s13+$0x30] =	vst v7  }
0x35f: {  	v7 =	vld.idx.msk [tilespmem:v8+s10+$0x0], $0xffff;
	_ =	sdelay $0x3  }
0x360: {  	s17 =	sadd.s32 $0x80, s13  }
0x361: {  	[tilespmem:s17+$0xFFFFFFC0] =	vst v7  }
0x362: {  	[tilespmem:s17+$0xFFFFFFD0] =	vst v7  }
0x363: {  	[tilespmem:s17+$0xFFFFFFE0] =	vst v7  }
0x364: {  	s14 =	simm.s32 $0x20;
	[tilespmem:s17+$0xFFFFFFF0] =	vst v7  }
0x365: {  	v8 =	vmov s14;
	[tilespmem:s17+$0x0] =	vst v7  }
0x366: {  	v8 =	vadd.s32 $0x180, v8;
	[tilespmem:s17+$0x10] =	vst v7  }
0x367: {  	v8 =	vbroadcast v8, $0x0;
	[tilespmem:s17+$0x20] =	vst v7  }
0x368: {  	s18 =	rddreg [dreg:$0xe];
	[tilespmem:s17+$0x30] =	vst v7  }
0x369: {  	[hbm4b:s18+s5] =	stream.linear.scatter [tilespmem:s11], [sflag:$0x5], $0x1000, $0x38;
	[tilespmem:$0x1CF00] =	vst v63  }
0x36a: {  	_ =	swait.ge [sflag:s24], $0x1000  }
0x36b: {  	[sflag:s24] =	ssyncset.done $0x0  }
0x36c: {  	[sflag:s24] =	ssyncadd.s32 $0xFFFFF000  }
0x36d: {  	v7 =	vld.idx.msk [tilespmem:v8+s10+$0x0], $0xffff;
	_ =	sdelay $0x3  }
0x36e: {  	s13 =	simm.s32 $0x1BAC0;
	s19 =	simm.s32 $0x21  }
0x36f: {  	s14 =	simm.s32 $0x22;
	v8 =	vmov s19;
	[tilespmem:s13+$0xFFFFFFC0] =	vst v7  }
.LBB2_34:
0x370: {  	p1 =	sne.s32 s14, $0x3F;
	v8 =	vadd.s32 $0x180, v8;
	[tilespmem:s13+$0xFFFFFFD0] =	vst v7  }
0x371: {  	v8 =	vbroadcast v8, $0x0;
	[tilespmem:s13+$0xFFFFFFE0] =	vst v7  }
0x372: {  	[tilespmem:s13+$0xFFFFFFF0] =	vst v7  }
0x373: {  	[tilespmem:s13+$0x0] =	vst v7  }
0x374: {  	[tilespmem:s13+$0x10] =	vst v7  }
0x375: {  	[tilespmem:s13+$0x20] =	vst v7  }
0x376: {  	[tilespmem:s13+$0x30] =	vst v7  }
0x377: {  	v7 =	vld.idx.msk [tilespmem:v8+s10+$0x0], $0xffff;
	_ =	sdelay $0x1  }
.Ltmp16:
0x378: {  	(pc) =	sbr.rel @p1 .LBB2_34-.Ltmp16, $3  }
0x379: {  	_ =	sdelay $0x1  }
0x37a: {  	s13 =	sadd.s32 $0x80, s13  }
0x37b: {  	v8 =	vmov s14;
	s14 =	sadd.s32 $0x1, s14;
	[tilespmem:s13+$0xFFFFFFC0] =	vst v7  }
0x37c: {  	v8 =	vadd.s32 $0x180, v8;
	[tilespmem:s13+$0xFFFFFFD0] =	vst v7  }
0x37d: {  	[tilespmem:s13+$0xFFFFFFE0] =	vst v7;
	v8 =	vbroadcast v8, $0x0  }
0x37e: {  	[tilespmem:s13+$0xFFFFFFF0] =	vst v7  }
0x37f: {  	[tilespmem:s13+$0x0] =	vst v7  }
0x380: {  	[tilespmem:s13+$0x10] =	vst v7  }
0x381: {  	[tilespmem:s13+$0x20] =	vst v7  }
0x382: {  	[tilespmem:s13+$0x30] =	vst v7  }
0x383: {  	v7 =	vld.idx.msk [tilespmem:v8+s10+$0x0], $0xffff;
	_ =	sdelay $0x3  }
0x384: {  	s17 =	sadd.s32 $0x80, s13  }
0x385: {  	[tilespmem:s17+$0xFFFFFFC0] =	vst v7  }
0x386: {  	[tilespmem:s17+$0xFFFFFFD0] =	vst v7  }
0x387: {  	[tilespmem:s17+$0xFFFFFFE0] =	vst v7  }
0x388: {  	s14 =	simm.s32 $0x40;
	[tilespmem:s17+$0xFFFFFFF0] =	vst v7  }
0x389: {  	v8 =	vmov s14;
	[tilespmem:s17+$0x0] =	vst v7  }
0x38a: {  	v8 =	vadd.s32 $0x180, v8;
	[tilespmem:s17+$0x10] =	vst v7  }
0x38b: {  	v8 =	vbroadcast v8, $0x0;
	[tilespmem:s17+$0x20] =	vst v7  }
0x38c: {  	s18 =	rddreg [dreg:$0x1d];
	[tilespmem:s17+$0x30] =	vst v7  }
0x38d: {  	[hbm4b:s18+s5] =	stream.linear.scatter [tilespmem:s11], [sflag:$0x5], $0x1000, $0x38;
	[tilespmem:$0x1CF00] =	vst v63  }
0x38e: {  	_ =	swait.ge [sflag:s24], $0x1000  }
0x38f: {  	[sflag:s24] =	ssyncset.done $0x0  }
0x390: {  	[sflag:s24] =	ssyncadd.s32 $0xFFFFF000  }
0x391: {  	v7 =	vld.idx.msk [tilespmem:v8+s10+$0x0], $0xffff;
	_ =	sdelay $0x3  }
0x392: {  	s13 =	simm.s32 $0x1BAC0;
	s19 =	simm.s32 $0x41  }
0x393: {  	s14 =	simm.s32 $0x42;
	v8 =	vmov s19;
	[tilespmem:s13+$0xFFFFFFC0] =	vst v7  }
.LBB2_36:
0x394: {  	p1 =	sne.s32 s14, $0x5F;
	v8 =	vadd.s32 $0x180, v8;
	[tilespmem:s13+$0xFFFFFFD0] =	vst v7  }
0x395: {  	v8 =	vbroadcast v8, $0x0;
	[tilespmem:s13+$0xFFFFFFE0] =	vst v7  }
0x396: {  	[tilespmem:s13+$0xFFFFFFF0] =	vst v7  }
0x397: {  	[tilespmem:s13+$0x0] =	vst v7  }
0x398: {  	[tilespmem:s13+$0x10] =	vst v7  }
0x399: {  	[tilespmem:s13+$0x20] =	vst v7  }
0x39a: {  	[tilespmem:s13+$0x30] =	vst v7  }
0x39b: {  	v7 =	vld.idx.msk [tilespmem:v8+s10+$0x0], $0xffff;
	_ =	sdelay $0x1  }
.Ltmp17:
0x39c: {  	(pc) =	sbr.rel @p1 .LBB2_36-.Ltmp17, $3  }
0x39d: {  	_ =	sdelay $0x1  }
0x39e: {  	s13 =	sadd.s32 $0x80, s13  }
0x39f: {  	v8 =	vmov s14;
	s14 =	sadd.s32 $0x1, s14;
	[tilespmem:s13+$0xFFFFFFC0] =	vst v7  }
0x3a0: {  	v8 =	vadd.s32 $0x180, v8;
	[tilespmem:s13+$0xFFFFFFD0] =	vst v7  }
0x3a1: {  	[tilespmem:s13+$0xFFFFFFE0] =	vst v7;
	v8 =	vbroadcast v8, $0x0  }
0x3a2: {  	[tilespmem:s13+$0xFFFFFFF0] =	vst v7  }
0x3a3: {  	[tilespmem:s13+$0x0] =	vst v7  }
0x3a4: {  	[tilespmem:s13+$0x10] =	vst v7  }
0x3a5: {  	[tilespmem:s13+$0x20] =	vst v7  }
0x3a6: {  	[tilespmem:s13+$0x30] =	vst v7  }
0x3a7: {  	v7 =	vld.idx.msk [tilespmem:v8+s10+$0x0], $0xffff;
	_ =	sdelay $0x3  }
0x3a8: {  	s17 =	sadd.s32 $0x80, s13  }
0x3a9: {  	[tilespmem:s17+$0xFFFFFFC0] =	vst v7  }
0x3aa: {  	[tilespmem:s17+$0xFFFFFFD0] =	vst v7  }
0x3ab: {  	[tilespmem:s17+$0xFFFFFFE0] =	vst v7  }
0x3ac: {  	s14 =	simm.s32 $0x60;
	[tilespmem:s17+$0xFFFFFFF0] =	vst v7  }
0x3ad: {  	v8 =	vmov s14;
	[tilespmem:s17+$0x0] =	vst v7  }
0x3ae: {  	v8 =	vadd.s32 $0x180, v8;
	[tilespmem:s17+$0x10] =	vst v7  }
0x3af: {  	v8 =	vbroadcast v8, $0x0;
	[tilespmem:s17+$0x20] =	vst v7  }
0x3b0: {  	s18 =	rddreg [dreg:$0x1e];
	[tilespmem:s17+$0x30] =	vst v7  }
0x3b1: {  	[hbm4b:s18+s5] =	stream.linear.scatter [tilespmem:s11], [sflag:$0x5], $0x1000, $0x38;
	[tilespmem:$0x1CF00] =	vst v63  }
0x3b2: {  	_ =	swait.ge [sflag:s24], $0x1000  }
0x3b3: {  	[sflag:s24] =	ssyncset.done $0x0  }
0x3b4: {  	[sflag:s24] =	ssyncadd.s32 $0xFFFFF000  }
0x3b5: {  	v7 =	vld.idx.msk [tilespmem:v8+s10+$0x0], $0xffff;
	_ =	sdelay $0x3  }
0x3b6: {  	s13 =	simm.s32 $0x1BAC0;
	s19 =	simm.s32 $0x61  }
0x3b7: {  	s14 =	simm.s32 $0x62;
	v8 =	vmov s19;
	[tilespmem:s13+$0xFFFFFFC0] =	vst v7  }
.LBB2_38:
0x3b8: {  	p1 =	sne.s32 s14, $0x7F;
	v8 =	vadd.s32 $0x180, v8;
	[tilespmem:s13+$0xFFFFFFD0] =	vst v7  }
0x3b9: {  	v8 =	vbroadcast v8, $0x0;
	[tilespmem:s13+$0xFFFFFFE0] =	vst v7  }
0x3ba: {  	[tilespmem:s13+$0xFFFFFFF0] =	vst v7  }
0x3bb: {  	[tilespmem:s13+$0x0] =	vst v7  }
0x3bc: {  	[tilespmem:s13+$0x10] =	vst v7  }
0x3bd: {  	[tilespmem:s13+$0x20] =	vst v7  }
0x3be: {  	[tilespmem:s13+$0x30] =	vst v7  }
0x3bf: {  	v7 =	vld.idx.msk [tilespmem:v8+s10+$0x0], $0xffff;
	_ =	sdelay $0x1  }
.Ltmp18:
0x3c0: {  	(pc) =	sbr.rel @p1 .LBB2_38-.Ltmp18, $3  }
0x3c1: {  	_ =	sdelay $0x1  }
0x3c2: {  	s13 =	sadd.s32 $0x80, s13  }
0x3c3: {  	v8 =	vmov s14;
	s14 =	sadd.s32 $0x1, s14;
	[tilespmem:s13+$0xFFFFFFC0] =	vst v7  }
0x3c4: {  	v8 =	vadd.s32 $0x180, v8;
	[tilespmem:s13+$0xFFFFFFD0] =	vst v7  }
0x3c5: {  	[tilespmem:s13+$0xFFFFFFE0] =	vst v7;
	v8 =	vbroadcast v8, $0x0  }
0x3c6: {  	[tilespmem:s13+$0xFFFFFFF0] =	vst v7  }
0x3c7: {  	[tilespmem:s13+$0x0] =	vst v7  }
0x3c8: {  	[tilespmem:s13+$0x10] =	vst v7  }
0x3c9: {  	[tilespmem:s13+$0x20] =	vst v7  }
0x3ca: {  	[tilespmem:s13+$0x30] =	vst v7  }
0x3cb: {  	v7 =	vld.idx.msk [tilespmem:v8+s10+$0x0], $0xffff;
	_ =	sdelay $0x3  }
0x3cc: {  	s17 =	sadd.s32 $0x80, s13  }
0x3cd: {  	[tilespmem:s17+$0xFFFFFFC0] =	vst v7  }
0x3ce: {  	[tilespmem:s17+$0xFFFFFFD0] =	vst v7  }
0x3cf: {  	[tilespmem:s17+$0xFFFFFFE0] =	vst v7  }
0x3d0: {  	s14 =	simm.s32 $0x0;
	[tilespmem:s17+$0xFFFFFFF0] =	vst v7  }
0x3d1: {  	v8 =	vmov s14;
	[tilespmem:s17+$0x0] =	vst v7  }
0x3d2: {  	v8 =	vadd.s32 $0x200, v8;
	[tilespmem:s17+$0x10] =	vst v7  }
0x3d3: {  	v8 =	vbroadcast v8, $0x0;
	[tilespmem:s17+$0x20] =	vst v7  }
0x3d4: {  	s18 =	rddreg [dreg:$0x1f];
	[tilespmem:s17+$0x30] =	vst v7  }
0x3d5: {  	[hbm4b:s18+s14] =	stream.linear.scatter [tilespmem:s11], [sflag:$0x5], $0x1000, $0x38;
	[tilespmem:$0x1CF00] =	vst v63  }
0x3d6: {  	_ =	swait.ge [sflag:s24], $0x1000  }
0x3d7: {  	[sflag:s24] =	ssyncset.done $0x0  }
0x3d8: {  	[sflag:s24] =	ssyncadd.s32 $0xFFFFF000  }
0x3d9: {  	v7 =	vld.idx.msk [tilespmem:v8+s10+$0x0], $0xffff;
	_ =	sdelay $0x3  }
0x3da: {  	s13 =	simm.s32 $0x1BAC0;
	s19 =	simm.s32 $0x1  }
0x3db: {  	s14 =	simm.s32 $0x2;
	v8 =	vmov s19;
	[tilespmem:s13+$0xFFFFFFC0] =	vst v7  }
.LBB2_40:
0x3dc: {  	p1 =	sne.s32 s14, $0x1F;
	v8 =	vadd.s32 $0x200, v8;
	[tilespmem:s13+$0xFFFFFFD0] =	vst v7  }
0x3dd: {  	v8 =	vbroadcast v8, $0x0;
	[tilespmem:s13+$0xFFFFFFE0] =	vst v7  }
0x3de: {  	[tilespmem:s13+$0xFFFFFFF0] =	vst v7  }
0x3df: {  	[tilespmem:s13+$0x0] =	vst v7  }
0x3e0: {  	[tilespmem:s13+$0x10] =	vst v7  }
0x3e1: {  	[tilespmem:s13+$0x20] =	vst v7  }
0x3e2: {  	[tilespmem:s13+$0x30] =	vst v7  }
0x3e3: {  	v7 =	vld.idx.msk [tilespmem:v8+s10+$0x0], $0xffff;
	_ =	sdelay $0x1  }
.Ltmp19:
0x3e4: {  	(pc) =	sbr.rel @p1 .LBB2_40-.Ltmp19, $3  }
0x3e5: {  	_ =	sdelay $0x1  }
0x3e6: {  	s13 =	sadd.s32 $0x80, s13  }
0x3e7: {  	v8 =	vmov s14;
	s14 =	sadd.s32 $0x1, s14;
	[tilespmem:s13+$0xFFFFFFC0] =	vst v7  }
0x3e8: {  	v8 =	vadd.s32 $0x200, v8;
	[tilespmem:s13+$0xFFFFFFD0] =	vst v7  }
0x3e9: {  	[tilespmem:s13+$0xFFFFFFE0] =	vst v7;
	v8 =	vbroadcast v8, $0x0  }
0x3ea: {  	[tilespmem:s13+$0xFFFFFFF0] =	vst v7  }
0x3eb: {  	[tilespmem:s13+$0x0] =	vst v7  }
0x3ec: {  	[tilespmem:s13+$0x10] =	vst v7  }
0x3ed: {  	[tilespmem:s13+$0x20] =	vst v7  }
0x3ee: {  	[tilespmem:s13+$0x30] =	vst v7  }
0x3ef: {  	v7 =	vld.idx.msk [tilespmem:v8+s10+$0x0], $0xffff;
	_ =	sdelay $0x3  }
0x3f0: {  	s17 =	sadd.s32 $0x80, s13  }
0x3f1: {  	[tilespmem:s17+$0xFFFFFFC0] =	vst v7  }
0x3f2: {  	[tilespmem:s17+$0xFFFFFFD0] =	vst v7  }
0x3f3: {  	[tilespmem:s17+$0xFFFFFFE0] =	vst v7  }
0x3f4: {  	s14 =	simm.s32 $0x20;
	[tilespmem:s17+$0xFFFFFFF0] =	vst v7  }
0x3f5: {  	v8 =	vmov s14;
	[tilespmem:s17+$0x0] =	vst v7  }
0x3f6: {  	v8 =	vadd.s32 $0x200, v8;
	[tilespmem:s17+$0x10] =	vst v7  }
0x3f7: {  	v8 =	vbroadcast v8, $0x0;
	[tilespmem:s17+$0x20] =	vst v7  }
0x3f8: {  	s18 =	rddreg [dreg:$0xf];
	[tilespmem:s17+$0x30] =	vst v7  }
0x3f9: {  	[hbm4b:s18+s5] =	stream.linear.scatter [tilespmem:s11], [sflag:$0x5], $0x1000, $0x38;
	[tilespmem:$0x1CF00] =	vst v63  }
0x3fa: {  	_ =	swait.ge [sflag:s24], $0x1000  }
0x3fb: {  	[sflag:s24] =	ssyncset.done $0x0  }
0x3fc: {  	[sflag:s24] =	ssyncadd.s32 $0xFFFFF000  }
0x3fd: {  	v7 =	vld.idx.msk [tilespmem:v8+s10+$0x0], $0xffff;
	_ =	sdelay $0x3  }
0x3fe: {  	s13 =	simm.s32 $0x1BAC0;
	s19 =	simm.s32 $0x21  }
0x3ff: {  	s14 =	simm.s32 $0x22;
	v8 =	vmov s19;
	[tilespmem:s13+$0xFFFFFFC0] =	vst v7  }
.LBB2_42:
0x400: {  	p1 =	sne.s32 s14, $0x3F;
	v8 =	vadd.s32 $0x200, v8;
	[tilespmem:s13+$0xFFFFFFD0] =	vst v7  }
0x401: {  	v8 =	vbroadcast v8, $0x0;
	[tilespmem:s13+$0xFFFFFFE0] =	vst v7  }
0x402: {  	[tilespmem:s13+$0xFFFFFFF0] =	vst v7  }
0x403: {  	[tilespmem:s13+$0x0] =	vst v7  }
0x404: {  	[tilespmem:s13+$0x10] =	vst v7  }
0x405: {  	[tilespmem:s13+$0x20] =	vst v7  }
0x406: {  	[tilespmem:s13+$0x30] =	vst v7  }
0x407: {  	v7 =	vld.idx.msk [tilespmem:v8+s10+$0x0], $0xffff;
	_ =	sdelay $0x1  }
.Ltmp20:
0x408: {  	(pc) =	sbr.rel @p1 .LBB2_42-.Ltmp20, $3  }
0x409: {  	_ =	sdelay $0x1  }
0x40a: {  	s13 =	sadd.s32 $0x80, s13  }
0x40b: {  	v8 =	vmov s14;
	s14 =	sadd.s32 $0x1, s14;
	[tilespmem:s13+$0xFFFFFFC0] =	vst v7  }
0x40c: {  	v8 =	vadd.s32 $0x200, v8;
	[tilespmem:s13+$0xFFFFFFD0] =	vst v7  }
0x40d: {  	[tilespmem:s13+$0xFFFFFFE0] =	vst v7;
	v8 =	vbroadcast v8, $0x0  }
0x40e: {  	[tilespmem:s13+$0xFFFFFFF0] =	vst v7  }
0x40f: {  	[tilespmem:s13+$0x0] =	vst v7  }
0x410: {  	[tilespmem:s13+$0x10] =	vst v7  }
0x411: {  	[tilespmem:s13+$0x20] =	vst v7  }
0x412: {  	[tilespmem:s13+$0x30] =	vst v7  }
0x413: {  	v7 =	vld.idx.msk [tilespmem:v8+s10+$0x0], $0xffff;
	_ =	sdelay $0x3  }
0x414: {  	s17 =	sadd.s32 $0x80, s13  }
0x415: {  	[tilespmem:s17+$0xFFFFFFC0] =	vst v7  }
0x416: {  	[tilespmem:s17+$0xFFFFFFD0] =	vst v7  }
0x417: {  	[tilespmem:s17+$0xFFFFFFE0] =	vst v7  }
0x418: {  	s14 =	simm.s32 $0x40;
	[tilespmem:s17+$0xFFFFFFF0] =	vst v7  }
0x419: {  	v8 =	vmov s14;
	[tilespmem:s17+$0x0] =	vst v7  }
0x41a: {  	s18 =	sld [smem:$0x7FB];
	v8 =	vadd.s32 $0x200, v8;
	[tilespmem:s17+$0x10] =	vst v7  }
0x41b: {  	v8 =	vbroadcast v8, $0x0;
	[tilespmem:s17+$0x20] =	vst v7  }
0x41c: {  	[tilespmem:s17+$0x30] =	vst v7  }
0x41d: {  	[hbm4b:s18+s5] =	stream.linear.scatter [tilespmem:s11], [sflag:$0x5], $0x1000, $0x38;
	[tilespmem:$0x1CF00] =	vst v63  }
0x41e: {  	_ =	swait.ge [sflag:s24], $0x1000  }
0x41f: {  	[sflag:s24] =	ssyncset.done $0x0  }
0x420: {  	[sflag:s24] =	ssyncadd.s32 $0xFFFFF000  }
0x421: {  	v7 =	vld.idx.msk [tilespmem:v8+s10+$0x0], $0xffff;
	_ =	sdelay $0x3  }
0x422: {  	s13 =	simm.s32 $0x1BAC0;
	s19 =	simm.s32 $0x41  }
0x423: {  	s14 =	simm.s32 $0x42;
	v8 =	vmov s19;
	[tilespmem:s13+$0xFFFFFFC0] =	vst v7  }
.LBB2_44:
0x424: {  	p1 =	sne.s32 s14, $0x5F;
	v8 =	vadd.s32 $0x200, v8;
	[tilespmem:s13+$0xFFFFFFD0] =	vst v7  }
0x425: {  	v8 =	vbroadcast v8, $0x0;
	[tilespmem:s13+$0xFFFFFFE0] =	vst v7  }
0x426: {  	[tilespmem:s13+$0xFFFFFFF0] =	vst v7  }
0x427: {  	[tilespmem:s13+$0x0] =	vst v7  }
0x428: {  	[tilespmem:s13+$0x10] =	vst v7  }
0x429: {  	[tilespmem:s13+$0x20] =	vst v7  }
0x42a: {  	[tilespmem:s13+$0x30] =	vst v7  }
0x42b: {  	v7 =	vld.idx.msk [tilespmem:v8+s10+$0x0], $0xffff;
	_ =	sdelay $0x1  }
.Ltmp21:
0x42c: {  	(pc) =	sbr.rel @p1 .LBB2_44-.Ltmp21, $3  }
0x42d: {  	_ =	sdelay $0x1  }
0x42e: {  	s13 =	sadd.s32 $0x80, s13  }
0x42f: {  	v8 =	vmov s14;
	s14 =	sadd.s32 $0x1, s14;
	[tilespmem:s13+$0xFFFFFFC0] =	vst v7  }
0x430: {  	v8 =	vadd.s32 $0x200, v8;
	[tilespmem:s13+$0xFFFFFFD0] =	vst v7  }
0x431: {  	[tilespmem:s13+$0xFFFFFFE0] =	vst v7;
	v8 =	vbroadcast v8, $0x0  }
0x432: {  	[tilespmem:s13+$0xFFFFFFF0] =	vst v7  }
0x433: {  	[tilespmem:s13+$0x0] =	vst v7  }
0x434: {  	[tilespmem:s13+$0x10] =	vst v7  }
0x435: {  	[tilespmem:s13+$0x20] =	vst v7  }
0x436: {  	[tilespmem:s13+$0x30] =	vst v7  }
0x437: {  	v7 =	vld.idx.msk [tilespmem:v8+s10+$0x0], $0xffff;
	_ =	sdelay $0x3  }
0x438: {  	s17 =	sadd.s32 $0x80, s13  }
0x439: {  	[tilespmem:s17+$0xFFFFFFC0] =	vst v7  }
0x43a: {  	[tilespmem:s17+$0xFFFFFFD0] =	vst v7  }
0x43b: {  	[tilespmem:s17+$0xFFFFFFE0] =	vst v7  }
0x43c: {  	s14 =	simm.s32 $0x60;
	[tilespmem:s17+$0xFFFFFFF0] =	vst v7  }
0x43d: {  	v8 =	vmov s14;
	[tilespmem:s17+$0x0] =	vst v7  }
0x43e: {  	s18 =	sld [smem:$0x7FC];
	v8 =	vadd.s32 $0x200, v8;
	[tilespmem:s17+$0x10] =	vst v7  }
0x43f: {  	v8 =	vbroadcast v8, $0x0;
	[tilespmem:s17+$0x20] =	vst v7  }
0x440: {  	[tilespmem:s17+$0x30] =	vst v7  }
0x441: {  	[hbm4b:s18+s5] =	stream.linear.scatter [tilespmem:s11], [sflag:$0x5], $0x1000, $0x38;
	[tilespmem:$0x1CF00] =	vst v63  }
0x442: {  	_ =	swait.ge [sflag:s24], $0x1000  }
0x443: {  	[sflag:s24] =	ssyncset.done $0x0  }
0x444: {  	[sflag:s24] =	ssyncadd.s32 $0xFFFFF000  }
0x445: {  	v7 =	vld.idx.msk [tilespmem:v8+s10+$0x0], $0xffff;
	_ =	sdelay $0x3  }
0x446: {  	s13 =	simm.s32 $0x1BAC0;
	s19 =	simm.s32 $0x61  }
0x447: {  	s14 =	simm.s32 $0x62;
	v8 =	vmov s19;
	[tilespmem:s13+$0xFFFFFFC0] =	vst v7  }
.LBB2_46:
0x448: {  	p1 =	sne.s32 s14, $0x7F;
	v8 =	vadd.s32 $0x200, v8;
	[tilespmem:s13+$0xFFFFFFD0] =	vst v7  }
0x449: {  	v8 =	vbroadcast v8, $0x0;
	[tilespmem:s13+$0xFFFFFFE0] =	vst v7  }
0x44a: {  	[tilespmem:s13+$0xFFFFFFF0] =	vst v7  }
0x44b: {  	[tilespmem:s13+$0x0] =	vst v7  }
0x44c: {  	[tilespmem:s13+$0x10] =	vst v7  }
0x44d: {  	[tilespmem:s13+$0x20] =	vst v7  }
0x44e: {  	[tilespmem:s13+$0x30] =	vst v7  }
0x44f: {  	v7 =	vld.idx.msk [tilespmem:v8+s10+$0x0], $0xffff;
	_ =	sdelay $0x1  }
.Ltmp22:
0x450: {  	(pc) =	sbr.rel @p1 .LBB2_46-.Ltmp22, $3  }
0x451: {  	_ =	sdelay $0x1  }
0x452: {  	s13 =	sadd.s32 $0x80, s13  }
0x453: {  	v8 =	vmov s14;
	s14 =	sadd.s32 $0x1, s14;
	[tilespmem:s13+$0xFFFFFFC0] =	vst v7  }
0x454: {  	v8 =	vadd.s32 $0x200, v8;
	[tilespmem:s13+$0xFFFFFFD0] =	vst v7  }
0x455: {  	[tilespmem:s13+$0xFFFFFFE0] =	vst v7;
	v8 =	vbroadcast v8, $0x0  }
0x456: {  	[tilespmem:s13+$0xFFFFFFF0] =	vst v7  }
0x457: {  	[tilespmem:s13+$0x0] =	vst v7  }
0x458: {  	[tilespmem:s13+$0x10] =	vst v7  }
0x459: {  	[tilespmem:s13+$0x20] =	vst v7  }
0x45a: {  	[tilespmem:s13+$0x30] =	vst v7  }
0x45b: {  	v7 =	vld.idx.msk [tilespmem:v8+s10+$0x0], $0xffff;
	_ =	sdelay $0x3  }
0x45c: {  	s17 =	sadd.s32 $0x80, s13  }
0x45d: {  	[tilespmem:s17+$0xFFFFFFC0] =	vst v7  }
0x45e: {  	[tilespmem:s17+$0xFFFFFFD0] =	vst v7  }
0x45f: {  	[tilespmem:s17+$0xFFFFFFE0] =	vst v7  }
0x460: {  	[tilespmem:s17+$0xFFFFFFF0] =	vst v7  }
0x461: {  	[tilespmem:s17+$0x0] =	vst v7  }
0x462: {  	s18 =	sld [smem:$0x7FD];
	[tilespmem:s17+$0x10] =	vst v7  }
0x463: {  	[tilespmem:s17+$0x20] =	vst v7  }
0x464: {  	[tilespmem:s17+$0x30] =	vst v7  }
0x465: {  	[hbm4b:s18+s5] =	stream.linear.scatter [tilespmem:s11], [sflag:$0x5], $0x1000, $0x38;
	[tilespmem:$0x1CF00] =	vst v63  }
0x466: {  	_ =	swait.ge [sflag:s24], $0x1000  }
0x467: {  	s12 =	sadd.s32 $0x1, s12;
	s19 =	rddreg [dreg:$0x13]  }
0x468: {  	p1 =	sne.s32 s12, s19  }
.Ltmp23:
0x469: {  	_ = 	snop;
	(pc) =	sbr.rel @p1 .LBB2_1-.Ltmp23, $3  }
0x46a: {  	_ =	sdelay $0x1  }
0x46b: {  	[sflag:s24] =	ssyncset.done $0x0  }
0x46c: {  	[sflag:s24] =	ssyncadd.s32 $0xFFFFF000  }
0x46d: {  	_ =	sfence.sel $0x180000  }
0x46e: {  	[bflag:$0x0] =	sbarrier.arrive $0xFFFF  }
0x46f: {  	_ =	strace $0x90000047  }
0x470: {  	[bflag:$0x2] =	sbarrier.arrive $0xFFFF  }
0x471: {  	s0 =	rddreg [dreg:$0x5]  }
0x472: {  	s0 =	sadd.s32 @!p0 $0x100000, s0  }
0x473: {  	[sflag:s0] =	ssyncadd.tile.s32 @!p0 $0x1;
	_ =	shalt  }
.Lfunc_end2:
_tile_overlayer_lowered:
.L_overlay_start_2:
0x474: {  	(tag) =	ssettag $0x2  }
0x475: {  	s0 =	rddreg [dreg:$0x0];
	s2 =	stileid.u32  }
0x476: {  	s1 =	rddreg [dreg:$0x1];
	p0 =	sne.s32 s2, $0x0  }
0x477: {  	s3 =	rddreg [dreg:$0x2];
	[bflag:$0x3] =	sbarrier.arrive $0xFFFF;
	s2 =	simm.s32 @!p0 $0x1C05  }
0x478: {  	[timem:s3], [sflag:s2] =	dma.local @!p0 [hbm:s0], s1  }
0x479: {  	s0 =	simm.s32 @!p0 $0x5  }
0x47a: {  	_ =	swait.ge @!p0 [sflag:s0], s1  }
0x47b: {  	s1 =	ssub.s32 @!p0 $0x0, s1;
	[sflag:s0] =	ssyncset.done @!p0 $0x0  }
0x47c: {  	[sflag:s0] =	ssyncadd.s32 @!p0 s1  }
0x47d: {  	[bflag:$0x3] =	sbarrier.arrive $0xFFFF  }
0x47e: {  	_ =	shalt  }

</sc_bundles>
